<compile_context>
chip_gen: v7x
topology: tpu7x:2x2x1
jax: 0.10.2.dev20260603
libtpu: 0.0.44.dev20260713+nightly
codegen_flags: <defaults>
</compile_context>

<pallas_src>
import functools

import jax
import jax.numpy as jnp
from jax import lax
from jax.experimental import pallas as pl
from jax.experimental.pallas import tpu as pltpu
from jax.experimental.pallas import tpu_sc as plsc

_NC = 2
_NS = 16
_NW = _NC * _NS
_NBUF = 8


@functools.lru_cache(maxsize=None)
def _build(nbags, L, D):
    BPW = nbags // _NW
    BPS = 2
    IPS = BPS * L
    IPW = BPW * L
    STEPS = BPW // BPS
    MD = D // 16

    mesh = plsc.VectorSubcoreMesh(core_axis_name="c", subcore_axis_name="s")

    @functools.partial(
        pl.kernel,
        mesh=mesh,
        compiler_params=pltpu.CompilerParams(
            use_tc_tiling_on_sc=False, needs_layout_passes=False),
        out_type=jax.ShapeDtypeStruct((nbags, D), jnp.float32),
        scratch_types=[
            pltpu.VMEM((IPW,), jnp.int32),
            pltpu.VMEM((IPW,), jnp.float32),
            pltpu.VMEM((STEPS, IPS), jnp.int32),
            pltpu.VMEM((STEPS, IPS), jnp.int32),
            pltpu.VMEM((_NBUF, IPS), jnp.float32),
            pltpu.VMEM((_NBUF, IPS, D), jnp.float32),
            pltpu.VMEM((BPW, D), jnp.float32),
            pltpu.SemaphoreType.DMA((_NBUF,)),
            pltpu.SemaphoreType.DMA((_NBUF,)),
        ],
    )
    def k(idx_hbm, data_hbm, vw_hbm, ivec_hbm, out_hbm,
          idx_f, data_f, idx2a, idx2b, vw_v, rows_v, out_v, sem_r, sem_w):
        wid = lax.axis_index("s") * _NC + lax.axis_index("c")
        base = wid * IPW
        pltpu.sync_copy(idx_hbm.at[pl.ds(base, IPW)], idx_f)
        pltpu.sync_copy(data_hbm.at[pl.ds(base, IPW)], data_f)

        roffs = list(range(0, IPS - 15, 16)) + ([IPS - 16] if IPS % 16 else [])

        def repack(j, carry):
            for o in roffs:
                v = idx_f[pl.ds(j * IPS + o, 16)]
                idx2a[j, pl.ds(o, 16)] = v
                idx2b[j, pl.ds(o, 16)] = v << 1
            return carry

        lax.fori_loop(0, STEPS, repack, 0)

        def start(j, b):
            pltpu.async_copy(ivec_hbm.at[idx2b.at[j]], rows_v.at[b], sem_r.at[b])
            pltpu.async_copy(vw_hbm.at[idx2a.at[j]], vw_v.at[b], sem_w.at[b])

        PD = _NBUF - 1
        for i in range(PD):
            start(i, i)

        def step(j, carry):
            b = lax.rem(j, _NBUF)

            @pl.when(j + PD < STEPS)
            def _():
                start(j + PD, lax.rem(j + PD, _NBUF))

            pltpu.make_async_copy(
                ivec_hbm.at[idx2b.at[j]], rows_v.at[b], sem_r.at[b]).wait()
            pltpu.make_async_copy(
                vw_hbm.at[idx2a.at[j]], vw_v.at[b], sem_w.at[b]).wait()
            NF = L // 16
            TAIL = L - NF * 16
            offs = [16 * c for c in range(NF)] + ([L - 16] if TAIL else [])
            lane = lax.iota(jnp.int32, 16)
            _dn = lax.GatherDimensionNumbers(
                offset_dims=(), collapsed_slice_dims=(0,), start_index_map=(0,))

            def perm(v, idx):
                return lax.gather(v, idx[:, None], _dn, slice_sizes=(1,),
                                  mode=lax.GatherScatterMode.PROMISE_IN_BOUNDS)

            def bcast(v, t):
                return perm(v, jnp.full((16,), t, jnp.int32))

            for b2 in range(BPS):
                bb = b2 * L
                ch = [data_f[pl.ds(j * IPS + bb + o, 16)]
                      * vw_v[b, pl.ds(bb + o, 16)]
                      for o in offs]
                wsum = sum(ch[1:NF], ch[0])
                if TAIL:
                    wsum = wsum + jnp.where(lane >= 16 - TAIL, ch[-1],
                                            jnp.float32(0.0))
                for s in (8, 4, 2, 1):
                    wsum = wsum + perm(wsum, lane ^ s)
                accs = [jnp.zeros((16,), jnp.float32) for _ in range(MD)]
                for t in range(L):
                    w = (bcast(ch[t // 16], t % 16) if t < NF * 16
                         else bcast(ch[-1], t - (L - 16)))
                    for m in range(MD):
                        accs[m] = accs[m] + w * rows_v[b, bb + t, pl.ds(m * 16, 16)]
                inv = 1.0 / jnp.maximum(jnp.float32(1e-15), wsum)
                for m in range(MD):
                    out_v[j * BPS + b2, pl.ds(m * 16, 16)] = accs[m] * inv
            return carry

        lax.fori_loop(0, STEPS, step, 0)
        pltpu.sync_copy(out_v, out_hbm.at[pl.ds(wid * BPW, BPW), :])

    return k


def kernel(indices, offsets, data, vocab_weights, ivectors):
    nnz = indices.shape[0]
    nbags = offsets.shape[0] - 1
    L = nnz // nbags
    V, D = ivectors.shape
    ivp = jnp.pad(ivectors, ((0, 0), (0, 128 - D))).reshape(2 * V, D)
    return _build(nbags, L, D)(indices, data, vocab_weights, ivp)

# --- scband reference (transcript-rebuilt; emitter-appended) ---
"""Pipeline reference for scband-bag2-vec-38903813767396 (READ-ONLY COPY).

The authoritative reference and input builder live on the scoring server;
editing this copy changes nothing except your own understanding.
"""

import jax, jax.numpy as jnp
import numpy as np

VOCAB = 100000
DIM = 64
B = 4096
L = 50
NNZ = B * L


def setup_inputs(seed: int = 0) -> dict:
    key = jax.random.key(seed)
    k1, k2, k3 = jax.random.split(key, 3)
    # CSR components of the (row-bag) adjacency matrix built by utils.to_adjacency_matrix(data)
    indices = jax.random.randint(k1, (NNZ,), 0, VOCAB, dtype=jnp.int32)
    # nonzero values A.data (positive counts/weights)
    data = jax.random.uniform(k2, (NNZ,), dtype=jnp.float32) + 0.1
    # include_last_offset=True style offsets: fixed-length bags of size L
    offsets = jnp.arange(B + 1, dtype=jnp.int32) * L
    # self.weights defaults to np.ones(vocab_size)
    vocab_weights = jnp.ones((VOCAB,), dtype=jnp.float32)
    # ivectors = EmbeddingBag(vocab_size, dim) weight (center layer, default path)
    ivectors = jax.random.normal(k3, (VOCAB, DIM), dtype=jnp.float32) * 0.02
    return {
        'indices': indices,
        'offsets': offsets,
        'data': data,
        'vocab_weights': vocab_weights,
        'ivectors': ivectors,
    }


def reference(indices, offsets, data, vocab_weights, ivectors):
    nnz = indices.shape[0]
    nrows = offsets.shape[0] - 1
    # segment id for each nonzero: row r where offsets[r] <= p < offsets[r+1]
    seg = jnp.searchsorted(offsets, jnp.arange(nnz, dtype=offsets.dtype), side='right') - 1
    seg = jnp.clip(seg, 0, nrows - 1)
    # A.data *= self.weights[A.indices]
    w = data * jnp.take(vocab_weights, indices, axis=0)
    # rowsum = A.sum(axis=1); A = diag(1/max(1e-15, rowsum)) @ A
    rowsum = jax.ops.segment_sum(w, seg, num_segments=nrows)
    inv = 1.0 / jnp.maximum(1e-15, rowsum)
    w_norm = w * inv[seg]
    # EmbeddingBag(mode='sum', per_sample_weights=weight)
    emb = jnp.take(ivectors, indices, axis=0)
    out = jax.ops.segment_sum(w_norm[:, None] * emb, seg, num_segments=nrows)
    return out

if __name__ == "__main__":
    import jax
    _d = setup_inputs()
    print(jax.jit(kernel)(*tuple(_d.values())))

</pallas_src>

<mosaic_0001>
#map = affine_map<(d0, d1) -> (0)>
#map1 = affine_map<(d0, d1) -> (0, 0)>
module attributes {stable_mosaic.version = 14 : i64} {
  func.func @k(%arg0: i32, %arg1: i32, %arg2: memref<204800xi32, #tpu.memory_space<hbm>>, %arg3: memref<204800xf32, #tpu.memory_space<hbm>>, %arg4: memref<100000xf32, #tpu.memory_space<hbm>>, %arg5: memref<200000x64xf32, #tpu.memory_space<hbm>>, %arg6: memref<4096x64xf32, #tpu.memory_space<hbm>>, %arg7: memref<6400xi32, #tpu.memory_space<vmem>>, %arg8: memref<6400xf32, #tpu.memory_space<vmem>>, %arg9: memref<64x100xi32, #tpu.memory_space<vmem>>, %arg10: memref<64x100xi32, #tpu.memory_space<vmem>>, %arg11: memref<8x100xf32, #tpu.memory_space<vmem>>, %arg12: memref<8x100x64xf32, #tpu.memory_space<vmem>>, %arg13: memref<128x64xf32, #tpu.memory_space<vmem>>, %arg14: memref<8x!tpu.dma_semaphore, #tpu.memory_space<semaphore_mem>>, %arg15: memref<8x!tpu.dma_semaphore, #tpu.memory_space<semaphore_mem>>) attributes {dimension_semantics = [#tpu.dimension_semantics<core_parallel>, #tpu.dimension_semantics<subcore_parallel>], iteration_bounds = array<i64: 2, 16>, scalar_prefetch = 0 : i64, scratch_operands = 9 : i64, tpu.core_type = #tpu.core_type<sc_vector_subcore>, window_params = [{transform_indices = #map}, {transform_indices = #map}, {transform_indices = #map}, {transform_indices = #map1}, {transform_indices = #map1}]} {
    %mul3A = arith.constant 2 : i32
    %mul3A_0 = arith.muli %arg1, %mul3A : i32
    %add3A = arith.addi %mul3A_0, %arg0 : i32
    %mul3A_1 = arith.constant 6400 : i32
    %mul3A_2 = arith.muli %add3A, %mul3A_1 : i32
    "tpu.region"() ({
      %run_scoped3A = tpu.sem_alloc : memref<!tpu.dma_semaphore, #tpu.memory_space<semaphore_mem>>
      %dma_start3A_211 = tpu.memref_slice %arg2[%mul3A_2] : memref<204800xi32, #tpu.memory_space<hbm>> -> memref<6400xi32, #tpu.memory_space<hbm>>
      %dma_start3A_212 = tpu.memref_slice %arg2[%mul3A_2] : memref<204800xi32, #tpu.memory_space<hbm>> -> memref<6400xi32, #tpu.memory_space<hbm>>
      tpu.enqueue_dma source(%dma_start3A_212 : memref<6400xi32, #tpu.memory_space<hbm>>) target(%arg7 : memref<6400xi32, #tpu.memory_space<vmem>>) target_semaphore(%run_scoped3A : memref<!tpu.dma_semaphore, #tpu.memory_space<semaphore_mem>>)
      %dma_wait3A = tpu.memref_slice %arg2[%mul3A_2] : memref<204800xi32, #tpu.memory_space<hbm>> -> memref<6400xi32, #tpu.memory_space<hbm>>
      %dma_wait3A_213 = tpu.memref_slice %arg2[%mul3A_2] : memref<204800xi32, #tpu.memory_space<hbm>> -> memref<6400xi32, #tpu.memory_space<hbm>>
      tpu.wait_dma2 semaphore(%run_scoped3A : memref<!tpu.dma_semaphore, #tpu.memory_space<semaphore_mem>>) src(%dma_wait3A_213 : memref<6400xi32, #tpu.memory_space<hbm>>) dst(%arg7 : memref<6400xi32, #tpu.memory_space<vmem>>)
      tpu.yield
    }) : () -> ()
    "tpu.region"() ({
      %run_scoped3A = tpu.sem_alloc : memref<!tpu.dma_semaphore, #tpu.memory_space<semaphore_mem>>
      %dma_start3A_211 = tpu.memref_slice %arg3[%mul3A_2] : memref<204800xf32, #tpu.memory_space<hbm>> -> memref<6400xf32, #tpu.memory_space<hbm>>
      %dma_start3A_212 = tpu.memref_slice %arg3[%mul3A_2] : memref<204800xf32, #tpu.memory_space<hbm>> -> memref<6400xf32, #tpu.memory_space<hbm>>
      tpu.enqueue_dma source(%dma_start3A_212 : memref<6400xf32, #tpu.memory_space<hbm>>) target(%arg8 : memref<6400xf32, #tpu.memory_space<vmem>>) target_semaphore(%run_scoped3A : memref<!tpu.dma_semaphore, #tpu.memory_space<semaphore_mem>>)
      %dma_wait3A = tpu.memref_slice %arg3[%mul3A_2] : memref<204800xf32, #tpu.memory_space<hbm>> -> memref<6400xf32, #tpu.memory_space<hbm>>
      %dma_wait3A_213 = tpu.memref_slice %arg3[%mul3A_2] : memref<204800xf32, #tpu.memory_space<hbm>> -> memref<6400xf32, #tpu.memory_space<hbm>>
      tpu.wait_dma2 semaphore(%run_scoped3A : memref<!tpu.dma_semaphore, #tpu.memory_space<semaphore_mem>>) src(%dma_wait3A_213 : memref<6400xf32, #tpu.memory_space<hbm>>) dst(%arg8 : memref<6400xf32, #tpu.memory_space<vmem>>)
      tpu.yield
    }) : () -> ()
    %scan3A = arith.constant 0 : i32
    %scan3A_3 = arith.constant 0 : i32
    %scan3A_4 = arith.constant 64 : i32
    %scan3A_5 = arith.addi %scan3A_3, %scan3A_4 : i32
    %scan3A_6 = arith.constant 1 : i32
    scf.for %scan3A_211 = %scan3A_3 to %scan3A_5 step %scan3A_6  : i32 {
      %mul3A_212 = arith.constant 100 : i32
      %mul3A_213 = arith.muli %scan3A_211, %mul3A_212 : i32
      %add3A_214 = arith.constant 0 : i32
      %add3A_215 = arith.addi %mul3A_213, %add3A_214 : i32
      %get3A = arith.index_cast %add3A_215 : i32 to index
      %get3A_216 = tpu.vector_load %arg7[%get3A] {strides = array<i32>} : memref<6400xi32, #tpu.memory_space<vmem>>, vector<16xi32>,
      %swap3A = arith.index_cast %scan3A_211 : i32 to index
      %swap3A_217 = arith.constant 0 : index
      %swap3A_218 = tpu.vector_load %arg9[%swap3A, %swap3A_217] {strides = array<i32>} : memref<64x100xi32, #tpu.memory_space<vmem>>, vector<16xi32>,
      tpu.vector_store %arg9[%swap3A, %swap3A_217], %get3A_216 {strides = array<i32>} : memref<64x100xi32, #tpu.memory_space<vmem>>, vector<16xi32>,
      %shift_left3A = arith.constant 1 : i32
      %shift_left3A_219 = vector.broadcast %shift_left3A : i32 to vector<16xi32>
      %shift_left3A_220 = arith.shli %get3A_216, %shift_left3A_219 : vector<16xi32>
      %swap3A_221 = arith.index_cast %scan3A_211 : i32 to index
      %swap3A_222 = arith.constant 0 : index
      %swap3A_223 = tpu.vector_load %arg10[%swap3A_221, %swap3A_222] {strides = array<i32>} : memref<64x100xi32, #tpu.memory_space<vmem>>, vector<16xi32>,
      tpu.vector_store %arg10[%swap3A_221, %swap3A_222], %shift_left3A_220 {strides = array<i32>} : memref<64x100xi32, #tpu.memory_space<vmem>>, vector<16xi32>,
      %mul3A_224 = arith.constant 100 : i32
      %mul3A_225 = arith.muli %scan3A_211, %mul3A_224 : i32
      %add3A_226 = arith.constant 16 : i32
      %add3A_227 = arith.addi %mul3A_225, %add3A_226 : i32
      %get3A_228 = arith.index_cast %add3A_227 : i32 to index
      %get3A_229 = tpu.vector_load %arg7[%get3A_228] {strides = array<i32>} : memref<6400xi32, #tpu.memory_space<vmem>>, vector<16xi32>,
      %swap3A_230 = arith.index_cast %scan3A_211 : i32 to index
      %swap3A_231 = arith.constant 16 : index
      %swap3A_232 = tpu.vector_load %arg9[%swap3A_230, %swap3A_231] {strides = array<i32>} : memref<64x100xi32, #tpu.memory_space<vmem>>, vector<16xi32>,
      tpu.vector_store %arg9[%swap3A_230, %swap3A_231], %get3A_229 {strides = array<i32>} : memref<64x100xi32, #tpu.memory_space<vmem>>, vector<16xi32>,
      %shift_left3A_233 = arith.constant 1 : i32
      %shift_left3A_234 = vector.broadcast %shift_left3A_233 : i32 to vector<16xi32>
      %shift_left3A_235 = arith.shli %get3A_229, %shift_left3A_234 : vector<16xi32>
      %swap3A_236 = arith.index_cast %scan3A_211 : i32 to index
      %swap3A_237 = arith.constant 16 : index
      %swap3A_238 = tpu.vector_load %arg10[%swap3A_236, %swap3A_237] {strides = array<i32>} : memref<64x100xi32, #tpu.memory_space<vmem>>, vector<16xi32>,
      tpu.vector_store %arg10[%swap3A_236, %swap3A_237], %shift_left3A_235 {strides = array<i32>} : memref<64x100xi32, #tpu.memory_space<vmem>>, vector<16xi32>,
      %mul3A_239 = arith.constant 100 : i32
      %mul3A_240 = arith.muli %scan3A_211, %mul3A_239 : i32
      %add3A_241 = arith.constant 32 : i32
      %add3A_242 = arith.addi %mul3A_240, %add3A_241 : i32
      %get3A_243 = arith.index_cast %add3A_242 : i32 to index
      %get3A_244 = tpu.vector_load %arg7[%get3A_243] {strides = array<i32>} : memref<6400xi32, #tpu.memory_space<vmem>>, vector<16xi32>,
      %swap3A_245 = arith.index_cast %scan3A_211 : i32 to index
      %swap3A_246 = arith.constant 32 : index
      %swap3A_247 = tpu.vector_load %arg9[%swap3A_245, %swap3A_246] {strides = array<i32>} : memref<64x100xi32, #tpu.memory_space<vmem>>, vector<16xi32>,
      tpu.vector_store %arg9[%swap3A_245, %swap3A_246], %get3A_244 {strides = array<i32>} : memref<64x100xi32, #tpu.memory_space<vmem>>, vector<16xi32>,
      %shift_left3A_248 = arith.constant 1 : i32
      %shift_left3A_249 = vector.broadcast %shift_left3A_248 : i32 to vector<16xi32>
      %shift_left3A_250 = arith.shli %get3A_244, %shift_left3A_249 : vector<16xi32>
      %swap3A_251 = arith.index_cast %scan3A_211 : i32 to index
      %swap3A_252 = arith.constant 32 : index
      %swap3A_253 = tpu.vector_load %arg10[%swap3A_251, %swap3A_252] {strides = array<i32>} : memref<64x100xi32, #tpu.memory_space<vmem>>, vector<16xi32>,
      tpu.vector_store %arg10[%swap3A_251, %swap3A_252], %shift_left3A_250 {strides = array<i32>} : memref<64x100xi32, #tpu.memory_space<vmem>>, vector<16xi32>,
      %mul3A_254 = arith.constant 100 : i32
      %mul3A_255 = arith.muli %scan3A_211, %mul3A_254 : i32
      %add3A_256 = arith.constant 48 : i32
      %add3A_257 = arith.addi %mul3A_255, %add3A_256 : i32
      %get3A_258 = arith.index_cast %add3A_257 : i32 to index
      %get3A_259 = tpu.vector_load %arg7[%get3A_258] {strides = array<i32>} : memref<6400xi32, #tpu.memory_space<vmem>>, vector<16xi32>,
      %swap3A_260 = arith.index_cast %scan3A_211 : i32 to index
      %swap3A_261 = arith.constant 48 : index
      %swap3A_262 = tpu.vector_load %arg9[%swap3A_260, %swap3A_261] {strides = array<i32>} : memref<64x100xi32, #tpu.memory_space<vmem>>, vector<16xi32>,
      tpu.vector_store %arg9[%swap3A_260, %swap3A_261], %get3A_259 {strides = array<i32>} : memref<64x100xi32, #tpu.memory_space<vmem>>, vector<16xi32>,
      %shift_left3A_263 = arith.constant 1 : i32
      %shift_left3A_264 = vector.broadcast %shift_left3A_263 : i32 to vector<16xi32>
      %shift_left3A_265 = arith.shli %get3A_259, %shift_left3A_264 : vector<16xi32>
      %swap3A_266 = arith.index_cast %scan3A_211 : i32 to index
      %swap3A_267 = arith.constant 48 : index
      %swap3A_268 = tpu.vector_load %arg10[%swap3A_266, %swap3A_267] {strides = array<i32>} : memref<64x100xi32, #tpu.memory_space<vmem>>, vector<16xi32>,
      tpu.vector_store %arg10[%swap3A_266, %swap3A_267], %shift_left3A_265 {strides = array<i32>} : memref<64x100xi32, #tpu.memory_space<vmem>>, vector<16xi32>,
      %mul3A_269 = arith.constant 100 : i32
      %mul3A_270 = arith.muli %scan3A_211, %mul3A_269 : i32
      %add3A_271 = arith.constant 64 : i32
      %add3A_272 = arith.addi %mul3A_270, %add3A_271 : i32
      %get3A_273 = arith.index_cast %add3A_272 : i32 to index
      %get3A_274 = tpu.vector_load %arg7[%get3A_273] {strides = array<i32>} : memref<6400xi32, #tpu.memory_space<vmem>>, vector<16xi32>,
      %swap3A_275 = arith.index_cast %scan3A_211 : i32 to index
      %swap3A_276 = arith.constant 64 : index
      %swap3A_277 = tpu.vector_load %arg9[%swap3A_275, %swap3A_276] {strides = array<i32>} : memref<64x100xi32, #tpu.memory_space<vmem>>, vector<16xi32>,
      tpu.vector_store %arg9[%swap3A_275, %swap3A_276], %get3A_274 {strides = array<i32>} : memref<64x100xi32, #tpu.memory_space<vmem>>, vector<16xi32>,
      %shift_left3A_278 = arith.constant 1 : i32
      %shift_left3A_279 = vector.broadcast %shift_left3A_278 : i32 to vector<16xi32>
      %shift_left3A_280 = arith.shli %get3A_274, %shift_left3A_279 : vector<16xi32>
      %swap3A_281 = arith.index_cast %scan3A_211 : i32 to index
      %swap3A_282 = arith.constant 64 : index
      %swap3A_283 = tpu.vector_load %arg10[%swap3A_281, %swap3A_282] {strides = array<i32>} : memref<64x100xi32, #tpu.memory_space<vmem>>, vector<16xi32>,
      tpu.vector_store %arg10[%swap3A_281, %swap3A_282], %shift_left3A_280 {strides = array<i32>} : memref<64x100xi32, #tpu.memory_space<vmem>>, vector<16xi32>,
      %mul3A_284 = arith.constant 100 : i32
      %mul3A_285 = arith.muli %scan3A_211, %mul3A_284 : i32
      %add3A_286 = arith.constant 80 : i32
      %add3A_287 = arith.addi %mul3A_285, %add3A_286 : i32
      %get3A_288 = arith.index_cast %add3A_287 : i32 to index
      %get3A_289 = tpu.vector_load %arg7[%get3A_288] {strides = array<i32>} : memref<6400xi32, #tpu.memory_space<vmem>>, vector<16xi32>,
      %swap3A_290 = arith.index_cast %scan3A_211 : i32 to index
      %swap3A_291 = arith.constant 80 : index
      %swap3A_292 = tpu.vector_load %arg9[%swap3A_290, %swap3A_291] {strides = array<i32>} : memref<64x100xi32, #tpu.memory_space<vmem>>, vector<16xi32>,
      tpu.vector_store %arg9[%swap3A_290, %swap3A_291], %get3A_289 {strides = array<i32>} : memref<64x100xi32, #tpu.memory_space<vmem>>, vector<16xi32>,
      %shift_left3A_293 = arith.constant 1 : i32
      %shift_left3A_294 = vector.broadcast %shift_left3A_293 : i32 to vector<16xi32>
      %shift_left3A_295 = arith.shli %get3A_289, %shift_left3A_294 : vector<16xi32>
      %swap3A_296 = arith.index_cast %scan3A_211 : i32 to index
      %swap3A_297 = arith.constant 80 : index
      %swap3A_298 = tpu.vector_load %arg10[%swap3A_296, %swap3A_297] {strides = array<i32>} : memref<64x100xi32, #tpu.memory_space<vmem>>, vector<16xi32>,
      tpu.vector_store %arg10[%swap3A_296, %swap3A_297], %shift_left3A_295 {strides = array<i32>} : memref<64x100xi32, #tpu.memory_space<vmem>>, vector<16xi32>,
      %mul3A_299 = arith.constant 100 : i32
      %mul3A_300 = arith.muli %scan3A_211, %mul3A_299 : i32
      %add3A_301 = arith.constant 84 : i32
      %add3A_302 = arith.addi %mul3A_300, %add3A_301 : i32
      %get3A_303 = arith.index_cast %add3A_302 : i32 to index
      %get3A_304 = tpu.vector_load %arg7[%get3A_303] {strides = array<i32>} : memref<6400xi32, #tpu.memory_space<vmem>>, vector<16xi32>,
      %swap3A_305 = arith.index_cast %scan3A_211 : i32 to index
      %swap3A_306 = arith.constant 84 : index
      %swap3A_307 = tpu.vector_load %arg9[%swap3A_305, %swap3A_306] {strides = array<i32>} : memref<64x100xi32, #tpu.memory_space<vmem>>, vector<16xi32>,
      tpu.vector_store %arg9[%swap3A_305, %swap3A_306], %get3A_304 {strides = array<i32>} : memref<64x100xi32, #tpu.memory_space<vmem>>, vector<16xi32>,
      %shift_left3A_308 = arith.constant 1 : i32
      %shift_left3A_309 = vector.broadcast %shift_left3A_308 : i32 to vector<16xi32>
      %shift_left3A_310 = arith.shli %get3A_304, %shift_left3A_309 : vector<16xi32>
      %swap3A_311 = arith.index_cast %scan3A_211 : i32 to index
      %swap3A_312 = arith.constant 84 : index
      %swap3A_313 = tpu.vector_load %arg10[%swap3A_311, %swap3A_312] {strides = array<i32>} : memref<64x100xi32, #tpu.memory_space<vmem>>, vector<16xi32>,
      tpu.vector_store %arg10[%swap3A_311, %swap3A_312], %shift_left3A_310 {strides = array<i32>} : memref<64x100xi32, #tpu.memory_space<vmem>>, vector<16xi32>,
    }
    %scan3A_7 = arith.constant 64 : i32
    %dma_start3A = arith.constant 0 : i32
    %dma_start3A_8 = arith.constant 0 : i32
    %dma_start3A_9 = arith.constant 0 : i32
    %dma_start3A_10 = arith.constant 0 : i32
    %dma_start3A_11 = arith.constant 0 : i32
    %dma_start3A_12 = tpu.memref_slice %arg12[%dma_start3A_8, %dma_start3A_10, %dma_start3A_11] : memref<8x100x64xf32, #tpu.memory_space<vmem>> -> memref<1x100x64xf32, #tpu.memory_space<vmem>>
    %dma_start3A_13 = tpu.memref_squeeze %dma_start3A_12 : memref<1x100x64xf32, #tpu.memory_space<vmem>> -> memref<100x64xf32, #tpu.memory_space<vmem>>
    %dma_start3A_14 = arith.constant 0 : i32
    %dma_start3A_15 = tpu.memref_slice %arg10[%dma_start3A, %dma_start3A_14] : memref<64x100xi32, #tpu.memory_space<vmem>> -> memref<1x100xi32, #tpu.memory_space<vmem>>
    %dma_start3A_16 = tpu.memref_squeeze %dma_start3A_15 : memref<1x100xi32, #tpu.memory_space<vmem>> -> memref<100xi32, #tpu.memory_space<vmem>>
    %dma_start3A_17 = arith.constant 0 : i32
    %dma_start3A_18 = arith.constant 0 : i32
    %dma_start3A_19 = tpu.memref_slice %arg5[%dma_start3A_17, %dma_start3A_18] : memref<200000x64xf32, #tpu.memory_space<hbm>> -> memref<200000x64xf32, #tpu.memory_space<hbm>>
    %dma_start3A_20 = tpu.memref_slice %arg14[%dma_start3A_9] : memref<8x!tpu.dma_semaphore, #tpu.memory_space<semaphore_mem>> -> memref<1x!tpu.dma_semaphore, #tpu.memory_space<semaphore_mem>>
    %dma_start3A_21 = tpu.memref_squeeze %dma_start3A_20 : memref<1x!tpu.dma_semaphore, #tpu.memory_space<semaphore_mem>> -> memref<!tpu.dma_semaphore, #tpu.memory_space<semaphore_mem>>
    tpu.enqueue_indirect_dma source(%dma_start3A_19 : memref<200000x64xf32, #tpu.memory_space<hbm>>) target(%dma_start3A_13 : memref<100x64xf32, #tpu.memory_space<vmem>>) offsets(%dma_start3A_16 : memref<100xi32, #tpu.memory_space<vmem>>) semaphore(%dma_start3A_21 : memref<!tpu.dma_semaphore, #tpu.memory_space<semaphore_mem>>)
    %dma_start3A_22 = arith.constant 0 : i32
    %dma_start3A_23 = arith.constant 0 : i32
    %dma_start3A_24 = arith.constant 0 : i32
    %dma_start3A_25 = arith.constant 0 : i32
    %dma_start3A_26 = tpu.memref_slice %arg11[%dma_start3A_23, %dma_start3A_25] : memref<8x100xf32, #tpu.memory_space<vmem>> -> memref<1x100xf32, #tpu.memory_space<vmem>>
    %dma_start3A_27 = tpu.memref_squeeze %dma_start3A_26 : memref<1x100xf32, #tpu.memory_space<vmem>> -> memref<100xf32, #tpu.memory_space<vmem>>
    %dma_start3A_28 = arith.constant 0 : i32
    %dma_start3A_29 = tpu.memref_slice %arg9[%dma_start3A_22, %dma_start3A_28] : memref<64x100xi32, #tpu.memory_space<vmem>> -> memref<1x100xi32, #tpu.memory_space<vmem>>
    %dma_start3A_30 = tpu.memref_squeeze %dma_start3A_29 : memref<1x100xi32, #tpu.memory_space<vmem>> -> memref<100xi32, #tpu.memory_space<vmem>>
    %dma_start3A_31 = arith.constant 0 : i32
    %dma_start3A_32 = tpu.memref_slice %arg4[%dma_start3A_31] : memref<100000xf32, #tpu.memory_space<hbm>> -> memref<100000xf32, #tpu.memory_space<hbm>>
    %dma_start3A_33 = tpu.memref_slice %arg15[%dma_start3A_24] : memref<8x!tpu.dma_semaphore, #tpu.memory_space<semaphore_mem>> -> memref<1x!tpu.dma_semaphore, #tpu.memory_space<semaphore_mem>>
    %dma_start3A_34 = tpu.memref_squeeze %dma_start3A_33 : memref<1x!tpu.dma_semaphore, #tpu.memory_space<semaphore_mem>> -> memref<!tpu.dma_semaphore, #tpu.memory_space<semaphore_mem>>
    tpu.enqueue_indirect_dma source(%dma_start3A_32 : memref<100000xf32, #tpu.memory_space<hbm>>) target(%dma_start3A_27 : memref<100xf32, #tpu.memory_space<vmem>>) offsets(%dma_start3A_30 : memref<100xi32, #tpu.memory_space<vmem>>) semaphore(%dma_start3A_34 : memref<!tpu.dma_semaphore, #tpu.memory_space<semaphore_mem>>)
    %dma_start3A_35 = arith.constant 1 : i32
    %dma_start3A_36 = arith.constant 1 : i32
    %dma_start3A_37 = arith.constant 1 : i32
    %dma_start3A_38 = arith.constant 0 : i32
    %dma_start3A_39 = arith.constant 0 : i32
    %dma_start3A_40 = tpu.memref_slice %arg12[%dma_start3A_36, %dma_start3A_38, %dma_start3A_39] : memref<8x100x64xf32, #tpu.memory_space<vmem>> -> memref<1x100x64xf32, #tpu.memory_space<vmem>>
    %dma_start3A_41 = tpu.memref_squeeze %dma_start3A_40 : memref<1x100x64xf32, #tpu.memory_space<vmem>> -> memref<100x64xf32, #tpu.memory_space<vmem>>
    %dma_start3A_42 = arith.constant 0 : i32
    %dma_start3A_43 = tpu.memref_slice %arg10[%dma_start3A_35, %dma_start3A_42] : memref<64x100xi32, #tpu.memory_space<vmem>> -> memref<1x100xi32, #tpu.memory_space<vmem>>
    %dma_start3A_44 = tpu.memref_squeeze %dma_start3A_43 : memref<1x100xi32, #tpu.memory_space<vmem>> -> memref<100xi32, #tpu.memory_space<vmem>>
    %dma_start3A_45 = arith.constant 0 : i32
    %dma_start3A_46 = arith.constant 0 : i32
    %dma_start3A_47 = tpu.memref_slice %arg5[%dma_start3A_45, %dma_start3A_46] : memref<200000x64xf32, #tpu.memory_space<hbm>> -> memref<200000x64xf32, #tpu.memory_space<hbm>>
    %dma_start3A_48 = tpu.memref_slice %arg14[%dma_start3A_37] : memref<8x!tpu.dma_semaphore, #tpu.memory_space<semaphore_mem>> -> memref<1x!tpu.dma_semaphore, #tpu.memory_space<semaphore_mem>>
    %dma_start3A_49 = tpu.memref_squeeze %dma_start3A_48 : memref<1x!tpu.dma_semaphore, #tpu.memory_space<semaphore_mem>> -> memref<!tpu.dma_semaphore, #tpu.memory_space<semaphore_mem>>
    tpu.enqueue_indirect_dma source(%dma_start3A_47 : memref<200000x64xf32, #tpu.memory_space<hbm>>) target(%dma_start3A_41 : memref<100x64xf32, #tpu.memory_space<vmem>>) offsets(%dma_start3A_44 : memref<100xi32, #tpu.memory_space<vmem>>) semaphore(%dma_start3A_49 : memref<!tpu.dma_semaphore, #tpu.memory_space<semaphore_mem>>)
    %dma_start3A_50 = arith.constant 1 : i32
    %dma_start3A_51 = arith.constant 1 : i32
    %dma_start3A_52 = arith.constant 1 : i32
    %dma_start3A_53 = arith.constant 0 : i32
    %dma_start3A_54 = tpu.memref_slice %arg11[%dma_start3A_51, %dma_start3A_53] : memref<8x100xf32, #tpu.memory_space<vmem>> -> memref<1x100xf32, #tpu.memory_space<vmem>>
    %dma_start3A_55 = tpu.memref_squeeze %dma_start3A_54 : memref<1x100xf32, #tpu.memory_space<vmem>> -> memref<100xf32, #tpu.memory_space<vmem>>
    %dma_start3A_56 = arith.constant 0 : i32
    %dma_start3A_57 = tpu.memref_slice %arg9[%dma_start3A_50, %dma_start3A_56] : memref<64x100xi32, #tpu.memory_space<vmem>> -> memref<1x100xi32, #tpu.memory_space<vmem>>
    %dma_start3A_58 = tpu.memref_squeeze %dma_start3A_57 : memref<1x100xi32, #tpu.memory_space<vmem>> -> memref<100xi32, #tpu.memory_space<vmem>>
    %dma_start3A_59 = arith.constant 0 : i32
    %dma_start3A_60 = tpu.memref_slice %arg4[%dma_start3A_59] : memref<100000xf32, #tpu.memory_space<hbm>> -> memref<100000xf32, #tpu.memory_space<hbm>>
    %dma_start3A_61 = tpu.memref_slice %arg15[%dma_start3A_52] : memref<8x!tpu.dma_semaphore, #tpu.memory_space<semaphore_mem>> -> memref<1x!tpu.dma_semaphore, #tpu.memory_space<semaphore_mem>>
    %dma_start3A_62 = tpu.memref_squeeze %dma_start3A_61 : memref<1x!tpu.dma_semaphore, #tpu.memory_space<semaphore_mem>> -> memref<!tpu.dma_semaphore, #tpu.memory_space<semaphore_mem>>
    tpu.enqueue_indirect_dma source(%dma_start3A_60 : memref<100000xf32, #tpu.memory_space<hbm>>) target(%dma_start3A_55 : memref<100xf32, #tpu.memory_space<vmem>>) offsets(%dma_start3A_58 : memref<100xi32, #tpu.memory_space<vmem>>) semaphore(%dma_start3A_62 : memref<!tpu.dma_semaphore, #tpu.memory_space<semaphore_mem>>)
    %dma_start3A_63 = arith.constant 2 : i32
    %dma_start3A_64 = arith.constant 2 : i32
    %dma_start3A_65 = arith.constant 2 : i32
    %dma_start3A_66 = arith.constant 0 : i32
    %dma_start3A_67 = arith.constant 0 : i32
    %dma_start3A_68 = tpu.memref_slice %arg12[%dma_start3A_64, %dma_start3A_66, %dma_start3A_67] : memref<8x100x64xf32, #tpu.memory_space<vmem>> -> memref<1x100x64xf32, #tpu.memory_space<vmem>>
    %dma_start3A_69 = tpu.memref_squeeze %dma_start3A_68 : memref<1x100x64xf32, #tpu.memory_space<vmem>> -> memref<100x64xf32, #tpu.memory_space<vmem>>
    %dma_start3A_70 = arith.constant 0 : i32
    %dma_start3A_71 = tpu.memref_slice %arg10[%dma_start3A_63, %dma_start3A_70] : memref<64x100xi32, #tpu.memory_space<vmem>> -> memref<1x100xi32, #tpu.memory_space<vmem>>
    %dma_start3A_72 = tpu.memref_squeeze %dma_start3A_71 : memref<1x100xi32, #tpu.memory_space<vmem>> -> memref<100xi32, #tpu.memory_space<vmem>>
    %dma_start3A_73 = arith.constant 0 : i32
    %dma_start3A_74 = arith.constant 0 : i32
    %dma_start3A_75 = tpu.memref_slice %arg5[%dma_start3A_73, %dma_start3A_74] : memref<200000x64xf32, #tpu.memory_space<hbm>> -> memref<200000x64xf32, #tpu.memory_space<hbm>>
    %dma_start3A_76 = tpu.memref_slice %arg14[%dma_start3A_65] : memref<8x!tpu.dma_semaphore, #tpu.memory_space<semaphore_mem>> -> memref<1x!tpu.dma_semaphore, #tpu.memory_space<semaphore_mem>>
    %dma_start3A_77 = tpu.memref_squeeze %dma_start3A_76 : memref<1x!tpu.dma_semaphore, #tpu.memory_space<semaphore_mem>> -> memref<!tpu.dma_semaphore, #tpu.memory_space<semaphore_mem>>
    tpu.enqueue_indirect_dma source(%dma_start3A_75 : memref<200000x64xf32, #tpu.memory_space<hbm>>) target(%dma_start3A_69 : memref<100x64xf32, #tpu.memory_space<vmem>>) offsets(%dma_start3A_72 : memref<100xi32, #tpu.memory_space<vmem>>) semaphore(%dma_start3A_77 : memref<!tpu.dma_semaphore, #tpu.memory_space<semaphore_mem>>)
    %dma_start3A_78 = arith.constant 2 : i32
    %dma_start3A_79 = arith.constant 2 : i32
    %dma_start3A_80 = arith.constant 2 : i32
    %dma_start3A_81 = arith.constant 0 : i32
    %dma_start3A_82 = tpu.memref_slice %arg11[%dma_start3A_79, %dma_start3A_81] : memref<8x100xf32, #tpu.memory_space<vmem>> -> memref<1x100xf32, #tpu.memory_space<vmem>>
    %dma_start3A_83 = tpu.memref_squeeze %dma_start3A_82 : memref<1x100xf32, #tpu.memory_space<vmem>> -> memref<100xf32, #tpu.memory_space<vmem>>
    %dma_start3A_84 = arith.constant 0 : i32
    %dma_start3A_85 = tpu.memref_slice %arg9[%dma_start3A_78, %dma_start3A_84] : memref<64x100xi32, #tpu.memory_space<vmem>> -> memref<1x100xi32, #tpu.memory_space<vmem>>
    %dma_start3A_86 = tpu.memref_squeeze %dma_start3A_85 : memref<1x100xi32, #tpu.memory_space<vmem>> -> memref<100xi32, #tpu.memory_space<vmem>>
    %dma_start3A_87 = arith.constant 0 : i32
    %dma_start3A_88 = tpu.memref_slice %arg4[%dma_start3A_87] : memref<100000xf32, #tpu.memory_space<hbm>> -> memref<100000xf32, #tpu.memory_space<hbm>>
    %dma_start3A_89 = tpu.memref_slice %arg15[%dma_start3A_80] : memref<8x!tpu.dma_semaphore, #tpu.memory_space<semaphore_mem>> -> memref<1x!tpu.dma_semaphore, #tpu.memory_space<semaphore_mem>>
    %dma_start3A_90 = tpu.memref_squeeze %dma_start3A_89 : memref<1x!tpu.dma_semaphore, #tpu.memory_space<semaphore_mem>> -> memref<!tpu.dma_semaphore, #tpu.memory_space<semaphore_mem>>
    tpu.enqueue_indirect_dma source(%dma_start3A_88 : memref<100000xf32, #tpu.memory_space<hbm>>) target(%dma_start3A_83 : memref<100xf32, #tpu.memory_space<vmem>>) offsets(%dma_start3A_86 : memref<100xi32, #tpu.memory_space<vmem>>) semaphore(%dma_start3A_90 : memref<!tpu.dma_semaphore, #tpu.memory_space<semaphore_mem>>)
    %dma_start3A_91 = arith.constant 3 : i32
    %dma_start3A_92 = arith.constant 3 : i32
    %dma_start3A_93 = arith.constant 3 : i32
    %dma_start3A_94 = arith.constant 0 : i32
    %dma_start3A_95 = arith.constant 0 : i32
    %dma_start3A_96 = tpu.memref_slice %arg12[%dma_start3A_92, %dma_start3A_94, %dma_start3A_95] : memref<8x100x64xf32, #tpu.memory_space<vmem>> -> memref<1x100x64xf32, #tpu.memory_space<vmem>>
    %dma_start3A_97 = tpu.memref_squeeze %dma_start3A_96 : memref<1x100x64xf32, #tpu.memory_space<vmem>> -> memref<100x64xf32, #tpu.memory_space<vmem>>
    %dma_start3A_98 = arith.constant 0 : i32
    %dma_start3A_99 = tpu.memref_slice %arg10[%dma_start3A_91, %dma_start3A_98] : memref<64x100xi32, #tpu.memory_space<vmem>> -> memref<1x100xi32, #tpu.memory_space<vmem>>
    %dma_start3A_100 = tpu.memref_squeeze %dma_start3A_99 : memref<1x100xi32, #tpu.memory_space<vmem>> -> memref<100xi32, #tpu.memory_space<vmem>>
    %dma_start3A_101 = arith.constant 0 : i32
    %dma_start3A_102 = arith.constant 0 : i32
    %dma_start3A_103 = tpu.memref_slice %arg5[%dma_start3A_101, %dma_start3A_102] : memref<200000x64xf32, #tpu.memory_space<hbm>> -> memref<200000x64xf32, #tpu.memory_space<hbm>>
    %dma_start3A_104 = tpu.memref_slice %arg14[%dma_start3A_93] : memref<8x!tpu.dma_semaphore, #tpu.memory_space<semaphore_mem>> -> memref<1x!tpu.dma_semaphore, #tpu.memory_space<semaphore_mem>>
    %dma_start3A_105 = tpu.memref_squeeze %dma_start3A_104 : memref<1x!tpu.dma_semaphore, #tpu.memory_space<semaphore_mem>> -> memref<!tpu.dma_semaphore, #tpu.memory_space<semaphore_mem>>
    tpu.enqueue_indirect_dma source(%dma_start3A_103 : memref<200000x64xf32, #tpu.memory_space<hbm>>) target(%dma_start3A_97 : memref<100x64xf32, #tpu.memory_space<vmem>>) offsets(%dma_start3A_100 : memref<100xi32, #tpu.memory_space<vmem>>) semaphore(%dma_start3A_105 : memref<!tpu.dma_semaphore, #tpu.memory_space<semaphore_mem>>)
    %dma_start3A_106 = arith.constant 3 : i32
    %dma_start3A_107 = arith.constant 3 : i32
    %dma_start3A_108 = arith.constant 3 : i32
    %dma_start3A_109 = arith.constant 0 : i32
    %dma_start3A_110 = tpu.memref_slice %arg11[%dma_start3A_107, %dma_start3A_109] : memref<8x100xf32, #tpu.memory_space<vmem>> -> memref<1x100xf32, #tpu.memory_space<vmem>>
    %dma_start3A_111 = tpu.memref_squeeze %dma_start3A_110 : memref<1x100xf32, #tpu.memory_space<vmem>> -> memref<100xf32, #tpu.memory_space<vmem>>
    %dma_start3A_112 = arith.constant 0 : i32
    %dma_start3A_113 = tpu.memref_slice %arg9[%dma_start3A_106, %dma_start3A_112] : memref<64x100xi32, #tpu.memory_space<vmem>> -> memref<1x100xi32, #tpu.memory_space<vmem>>
    %dma_start3A_114 = tpu.memref_squeeze %dma_start3A_113 : memref<1x100xi32, #tpu.memory_space<vmem>> -> memref<100xi32, #tpu.memory_space<vmem>>
    %dma_start3A_115 = arith.constant 0 : i32
    %dma_start3A_116 = tpu.memref_slice %arg4[%dma_start3A_115] : memref<100000xf32, #tpu.memory_space<hbm>> -> memref<100000xf32, #tpu.memory_space<hbm>>
    %dma_start3A_117 = tpu.memref_slice %arg15[%dma_start3A_108] : memref<8x!tpu.dma_semaphore, #tpu.memory_space<semaphore_mem>> -> memref<1x!tpu.dma_semaphore, #tpu.memory_space<semaphore_mem>>
    %dma_start3A_118 = tpu.memref_squeeze %dma_start3A_117 : memref<1x!tpu.dma_semaphore, #tpu.memory_space<semaphore_mem>> -> memref<!tpu.dma_semaphore, #tpu.memory_space<semaphore_mem>>
    tpu.enqueue_indirect_dma source(%dma_start3A_116 : memref<100000xf32, #tpu.memory_space<hbm>>) target(%dma_start3A_111 : memref<100xf32, #tpu.memory_space<vmem>>) offsets(%dma_start3A_114 : memref<100xi32, #tpu.memory_space<vmem>>) semaphore(%dma_start3A_118 : memref<!tpu.dma_semaphore, #tpu.memory_space<semaphore_mem>>)
    %dma_start3A_119 = arith.constant 4 : i32
    %dma_start3A_120 = arith.constant 4 : i32
    %dma_start3A_121 = arith.constant 4 : i32
    %dma_start3A_122 = arith.constant 0 : i32
    %dma_start3A_123 = arith.constant 0 : i32
    %dma_start3A_124 = tpu.memref_slice %arg12[%dma_start3A_120, %dma_start3A_122, %dma_start3A_123] : memref<8x100x64xf32, #tpu.memory_space<vmem>> -> memref<1x100x64xf32, #tpu.memory_space<vmem>>
    %dma_start3A_125 = tpu.memref_squeeze %dma_start3A_124 : memref<1x100x64xf32, #tpu.memory_space<vmem>> -> memref<100x64xf32, #tpu.memory_space<vmem>>
    %dma_start3A_126 = arith.constant 0 : i32
    %dma_start3A_127 = tpu.memref_slice %arg10[%dma_start3A_119, %dma_start3A_126] : memref<64x100xi32, #tpu.memory_space<vmem>> -> memref<1x100xi32, #tpu.memory_space<vmem>>
    %dma_start3A_128 = tpu.memref_squeeze %dma_start3A_127 : memref<1x100xi32, #tpu.memory_space<vmem>> -> memref<100xi32, #tpu.memory_space<vmem>>
    %dma_start3A_129 = arith.constant 0 : i32
    %dma_start3A_130 = arith.constant 0 : i32
    %dma_start3A_131 = tpu.memref_slice %arg5[%dma_start3A_129, %dma_start3A_130] : memref<200000x64xf32, #tpu.memory_space<hbm>> -> memref<200000x64xf32, #tpu.memory_space<hbm>>
    %dma_start3A_132 = tpu.memref_slice %arg14[%dma_start3A_121] : memref<8x!tpu.dma_semaphore, #tpu.memory_space<semaphore_mem>> -> memref<1x!tpu.dma_semaphore, #tpu.memory_space<semaphore_mem>>
    %dma_start3A_133 = tpu.memref_squeeze %dma_start3A_132 : memref<1x!tpu.dma_semaphore, #tpu.memory_space<semaphore_mem>> -> memref<!tpu.dma_semaphore, #tpu.memory_space<semaphore_mem>>
    tpu.enqueue_indirect_dma source(%dma_start3A_131 : memref<200000x64xf32, #tpu.memory_space<hbm>>) target(%dma_start3A_125 : memref<100x64xf32, #tpu.memory_space<vmem>>) offsets(%dma_start3A_128 : memref<100xi32, #tpu.memory_space<vmem>>) semaphore(%dma_start3A_133 : memref<!tpu.dma_semaphore, #tpu.memory_space<semaphore_mem>>)
    %dma_start3A_134 = arith.constant 4 : i32
    %dma_start3A_135 = arith.constant 4 : i32
    %dma_start3A_136 = arith.constant 4 : i32
    %dma_start3A_137 = arith.constant 0 : i32
    %dma_start3A_138 = tpu.memref_slice %arg11[%dma_start3A_135, %dma_start3A_137] : memref<8x100xf32, #tpu.memory_space<vmem>> -> memref<1x100xf32, #tpu.memory_space<vmem>>
    %dma_start3A_139 = tpu.memref_squeeze %dma_start3A_138 : memref<1x100xf32, #tpu.memory_space<vmem>> -> memref<100xf32, #tpu.memory_space<vmem>>
    %dma_start3A_140 = arith.constant 0 : i32
    %dma_start3A_141 = tpu.memref_slice %arg9[%dma_start3A_134, %dma_start3A_140] : memref<64x100xi32, #tpu.memory_space<vmem>> -> memref<1x100xi32, #tpu.memory_space<vmem>>
    %dma_start3A_142 = tpu.memref_squeeze %dma_start3A_141 : memref<1x100xi32, #tpu.memory_space<vmem>> -> memref<100xi32, #tpu.memory_space<vmem>>
    %dma_start3A_143 = arith.constant 0 : i32
    %dma_start3A_144 = tpu.memref_slice %arg4[%dma_start3A_143] : memref<100000xf32, #tpu.memory_space<hbm>> -> memref<100000xf32, #tpu.memory_space<hbm>>
    %dma_start3A_145 = tpu.memref_slice %arg15[%dma_start3A_136] : memref<8x!tpu.dma_semaphore, #tpu.memory_space<semaphore_mem>> -> memref<1x!tpu.dma_semaphore, #tpu.memory_space<semaphore_mem>>
    %dma_start3A_146 = tpu.memref_squeeze %dma_start3A_145 : memref<1x!tpu.dma_semaphore, #tpu.memory_space<semaphore_mem>> -> memref<!tpu.dma_semaphore, #tpu.memory_space<semaphore_mem>>
    tpu.enqueue_indirect_dma source(%dma_start3A_144 : memref<100000xf32, #tpu.memory_space<hbm>>) target(%dma_start3A_139 : memref<100xf32, #tpu.memory_space<vmem>>) offsets(%dma_start3A_142 : memref<100xi32, #tpu.memory_space<vmem>>) semaphore(%dma_start3A_146 : memref<!tpu.dma_semaphore, #tpu.memory_space<semaphore_mem>>)
    %dma_start3A_147 = arith.constant 5 : i32
    %dma_start3A_148 = arith.constant 5 : i32
    %dma_start3A_149 = arith.constant 5 : i32
    %dma_start3A_150 = arith.constant 0 : i32
    %dma_start3A_151 = arith.constant 0 : i32
    %dma_start3A_152 = tpu.memref_slice %arg12[%dma_start3A_148, %dma_start3A_150, %dma_start3A_151] : memref<8x100x64xf32, #tpu.memory_space<vmem>> -> memref<1x100x64xf32, #tpu.memory_space<vmem>>
    %dma_start3A_153 = tpu.memref_squeeze %dma_start3A_152 : memref<1x100x64xf32, #tpu.memory_space<vmem>> -> memref<100x64xf32, #tpu.memory_space<vmem>>
    %dma_start3A_154 = arith.constant 0 : i32
    %dma_start3A_155 = tpu.memref_slice %arg10[%dma_start3A_147, %dma_start3A_154] : memref<64x100xi32, #tpu.memory_space<vmem>> -> memref<1x100xi32, #tpu.memory_space<vmem>>
    %dma_start3A_156 = tpu.memref_squeeze %dma_start3A_155 : memref<1x100xi32, #tpu.memory_space<vmem>> -> memref<100xi32, #tpu.memory_space<vmem>>
    %dma_start3A_157 = arith.constant 0 : i32
    %dma_start3A_158 = arith.constant 0 : i32
    %dma_start3A_159 = tpu.memref_slice %arg5[%dma_start3A_157, %dma_start3A_158] : memref<200000x64xf32, #tpu.memory_space<hbm>> -> memref<200000x64xf32, #tpu.memory_space<hbm>>
    %dma_start3A_160 = tpu.memref_slice %arg14[%dma_start3A_149] : memref<8x!tpu.dma_semaphore, #tpu.memory_space<semaphore_mem>> -> memref<1x!tpu.dma_semaphore, #tpu.memory_space<semaphore_mem>>
    %dma_start3A_161 = tpu.memref_squeeze %dma_start3A_160 : memref<1x!tpu.dma_semaphore, #tpu.memory_space<semaphore_mem>> -> memref<!tpu.dma_semaphore, #tpu.memory_space<semaphore_mem>>
    tpu.enqueue_indirect_dma source(%dma_start3A_159 : memref<200000x64xf32, #tpu.memory_space<hbm>>) target(%dma_start3A_153 : memref<100x64xf32, #tpu.memory_space<vmem>>) offsets(%dma_start3A_156 : memref<100xi32, #tpu.memory_space<vmem>>) semaphore(%dma_start3A_161 : memref<!tpu.dma_semaphore, #tpu.memory_space<semaphore_mem>>)
    %dma_start3A_162 = arith.constant 5 : i32
    %dma_start3A_163 = arith.constant 5 : i32
    %dma_start3A_164 = arith.constant 5 : i32
    %dma_start3A_165 = arith.constant 0 : i32
    %dma_start3A_166 = tpu.memref_slice %arg11[%dma_start3A_163, %dma_start3A_165] : memref<8x100xf32, #tpu.memory_space<vmem>> -> memref<1x100xf32, #tpu.memory_space<vmem>>
    %dma_start3A_167 = tpu.memref_squeeze %dma_start3A_166 : memref<1x100xf32, #tpu.memory_space<vmem>> -> memref<100xf32, #tpu.memory_space<vmem>>
    %dma_start3A_168 = arith.constant 0 : i32
    %dma_start3A_169 = tpu.memref_slice %arg9[%dma_start3A_162, %dma_start3A_168] : memref<64x100xi32, #tpu.memory_space<vmem>> -> memref<1x100xi32, #tpu.memory_space<vmem>>
    %dma_start3A_170 = tpu.memref_squeeze %dma_start3A_169 : memref<1x100xi32, #tpu.memory_space<vmem>> -> memref<100xi32, #tpu.memory_space<vmem>>
    %dma_start3A_171 = arith.constant 0 : i32
    %dma_start3A_172 = tpu.memref_slice %arg4[%dma_start3A_171] : memref<100000xf32, #tpu.memory_space<hbm>> -> memref<100000xf32, #tpu.memory_space<hbm>>
    %dma_start3A_173 = tpu.memref_slice %arg15[%dma_start3A_164] : memref<8x!tpu.dma_semaphore, #tpu.memory_space<semaphore_mem>> -> memref<1x!tpu.dma_semaphore, #tpu.memory_space<semaphore_mem>>
    %dma_start3A_174 = tpu.memref_squeeze %dma_start3A_173 : memref<1x!tpu.dma_semaphore, #tpu.memory_space<semaphore_mem>> -> memref<!tpu.dma_semaphore, #tpu.memory_space<semaphore_mem>>
    tpu.enqueue_indirect_dma source(%dma_start3A_172 : memref<100000xf32, #tpu.memory_space<hbm>>) target(%dma_start3A_167 : memref<100xf32, #tpu.memory_space<vmem>>) offsets(%dma_start3A_170 : memref<100xi32, #tpu.memory_space<vmem>>) semaphore(%dma_start3A_174 : memref<!tpu.dma_semaphore, #tpu.memory_space<semaphore_mem>>)
    %dma_start3A_175 = arith.constant 6 : i32
    %dma_start3A_176 = arith.constant 6 : i32
    %dma_start3A_177 = arith.constant 6 : i32
    %dma_start3A_178 = arith.constant 0 : i32
    %dma_start3A_179 = arith.constant 0 : i32
    %dma_start3A_180 = tpu.memref_slice %arg12[%dma_start3A_176, %dma_start3A_178, %dma_start3A_179] : memref<8x100x64xf32, #tpu.memory_space<vmem>> -> memref<1x100x64xf32, #tpu.memory_space<vmem>>
    %dma_start3A_181 = tpu.memref_squeeze %dma_start3A_180 : memref<1x100x64xf32, #tpu.memory_space<vmem>> -> memref<100x64xf32, #tpu.memory_space<vmem>>
    %dma_start3A_182 = arith.constant 0 : i32
    %dma_start3A_183 = tpu.memref_slice %arg10[%dma_start3A_175, %dma_start3A_182] : memref<64x100xi32, #tpu.memory_space<vmem>> -> memref<1x100xi32, #tpu.memory_space<vmem>>
    %dma_start3A_184 = tpu.memref_squeeze %dma_start3A_183 : memref<1x100xi32, #tpu.memory_space<vmem>> -> memref<100xi32, #tpu.memory_space<vmem>>
    %dma_start3A_185 = arith.constant 0 : i32
    %dma_start3A_186 = arith.constant 0 : i32
    %dma_start3A_187 = tpu.memref_slice %arg5[%dma_start3A_185, %dma_start3A_186] : memref<200000x64xf32, #tpu.memory_space<hbm>> -> memref<200000x64xf32, #tpu.memory_space<hbm>>
    %dma_start3A_188 = tpu.memref_slice %arg14[%dma_start3A_177] : memref<8x!tpu.dma_semaphore, #tpu.memory_space<semaphore_mem>> -> memref<1x!tpu.dma_semaphore, #tpu.memory_space<semaphore_mem>>
    %dma_start3A_189 = tpu.memref_squeeze %dma_start3A_188 : memref<1x!tpu.dma_semaphore, #tpu.memory_space<semaphore_mem>> -> memref<!tpu.dma_semaphore, #tpu.memory_space<semaphore_mem>>
    tpu.enqueue_indirect_dma source(%dma_start3A_187 : memref<200000x64xf32, #tpu.memory_space<hbm>>) target(%dma_start3A_181 : memref<100x64xf32, #tpu.memory_space<vmem>>) offsets(%dma_start3A_184 : memref<100xi32, #tpu.memory_space<vmem>>) semaphore(%dma_start3A_189 : memref<!tpu.dma_semaphore, #tpu.memory_space<semaphore_mem>>)
    %dma_start3A_190 = arith.constant 6 : i32
    %dma_start3A_191 = arith.constant 6 : i32
    %dma_start3A_192 = arith.constant 6 : i32
    %dma_start3A_193 = arith.constant 0 : i32
    %dma_start3A_194 = tpu.memref_slice %arg11[%dma_start3A_191, %dma_start3A_193] : memref<8x100xf32, #tpu.memory_space<vmem>> -> memref<1x100xf32, #tpu.memory_space<vmem>>
    %dma_start3A_195 = tpu.memref_squeeze %dma_start3A_194 : memref<1x100xf32, #tpu.memory_space<vmem>> -> memref<100xf32, #tpu.memory_space<vmem>>
    %dma_start3A_196 = arith.constant 0 : i32
    %dma_start3A_197 = tpu.memref_slice %arg9[%dma_start3A_190, %dma_start3A_196] : memref<64x100xi32, #tpu.memory_space<vmem>> -> memref<1x100xi32, #tpu.memory_space<vmem>>
    %dma_start3A_198 = tpu.memref_squeeze %dma_start3A_197 : memref<1x100xi32, #tpu.memory_space<vmem>> -> memref<100xi32, #tpu.memory_space<vmem>>
    %dma_start3A_199 = arith.constant 0 : i32
    %dma_start3A_200 = tpu.memref_slice %arg4[%dma_start3A_199] : memref<100000xf32, #tpu.memory_space<hbm>> -> memref<100000xf32, #tpu.memory_space<hbm>>
    %dma_start3A_201 = tpu.memref_slice %arg15[%dma_start3A_192] : memref<8x!tpu.dma_semaphore, #tpu.memory_space<semaphore_mem>> -> memref<1x!tpu.dma_semaphore, #tpu.memory_space<semaphore_mem>>
    %dma_start3A_202 = tpu.memref_squeeze %dma_start3A_201 : memref<1x!tpu.dma_semaphore, #tpu.memory_space<semaphore_mem>> -> memref<!tpu.dma_semaphore, #tpu.memory_space<semaphore_mem>>
    tpu.enqueue_indirect_dma source(%dma_start3A_200 : memref<100000xf32, #tpu.memory_space<hbm>>) target(%dma_start3A_195 : memref<100xf32, #tpu.memory_space<vmem>>) offsets(%dma_start3A_198 : memref<100xi32, #tpu.memory_space<vmem>>) semaphore(%dma_start3A_202 : memref<!tpu.dma_semaphore, #tpu.memory_space<semaphore_mem>>)
    %scan3A_203 = arith.constant 0 : i32
    %scan3A_204 = arith.constant 0 : i32
    %scan3A_205 = arith.constant 64 : i32
    %scan3A_206 = arith.addi %scan3A_204, %scan3A_205 : i32
    %scan3A_207 = arith.constant 1 : i32
    scf.for %scan3A_211 = %scan3A_204 to %scan3A_206 step %scan3A_207  : i32 {
      %rem3A = arith.constant 8 : i32
      %rem3A_212 = arith.remsi %scan3A_211, %rem3A : i32
      %add3A_213 = arith.constant 7 : i32
      %add3A_214 = arith.addi %scan3A_211, %add3A_213 : i32
      %lt3A = arith.constant 64 : i32
      %lt3A_215 = arith.cmpi slt, %add3A_214, %lt3A : i32
      %convert_element_type3A = arith.extui %lt3A_215 : i1 to i32
      %cond3A = arith.constant 0 : i32
      %cond3A_216 = arith.cmpi ne, %convert_element_type3A, %cond3A : i32
      scf.if %cond3A_216 {
        %add3A_3790 = arith.constant 7 : i32
        %add3A_3791 = arith.addi %scan3A_211, %add3A_3790 : i32
        %add3A_3792 = arith.constant 7 : i32
        %add3A_3793 = arith.addi %scan3A_211, %add3A_3792 : i32
        %rem3A_3794 = arith.constant 8 : i32
        %rem3A_3795 = arith.remsi %add3A_3793, %rem3A_3794 : i32
        %dma_start3A_3796 = arith.constant 0 : i32
        %dma_start3A_3797 = arith.constant 0 : i32
        %dma_start3A_3798 = tpu.memref_slice %arg12[%rem3A_3795, %dma_start3A_3796, %dma_start3A_3797] : memref<8x100x64xf32, #tpu.memory_space<vmem>> -> memref<1x100x64xf32, #tpu.memory_space<vmem>>
        %dma_start3A_3799 = tpu.memref_squeeze %dma_start3A_3798 : memref<1x100x64xf32, #tpu.memory_space<vmem>> -> memref<100x64xf32, #tpu.memory_space<vmem>>
        %dma_start3A_3800 = arith.constant 0 : i32
        %dma_start3A_3801 = tpu.memref_slice %arg10[%add3A_3791, %dma_start3A_3800] : memref<64x100xi32, #tpu.memory_space<vmem>> -> memref<1x100xi32, #tpu.memory_space<vmem>>
        %dma_start3A_3802 = tpu.memref_squeeze %dma_start3A_3801 : memref<1x100xi32, #tpu.memory_space<vmem>> -> memref<100xi32, #tpu.memory_space<vmem>>
        %dma_start3A_3803 = arith.constant 0 : i32
        %dma_start3A_3804 = arith.constant 0 : i32
        %dma_start3A_3805 = tpu.memref_slice %arg5[%dma_start3A_3803, %dma_start3A_3804] : memref<200000x64xf32, #tpu.memory_space<hbm>> -> memref<200000x64xf32, #tpu.memory_space<hbm>>
        %dma_start3A_3806 = tpu.memref_slice %arg14[%rem3A_3795] : memref<8x!tpu.dma_semaphore, #tpu.memory_space<semaphore_mem>> -> memref<1x!tpu.dma_semaphore, #tpu.memory_space<semaphore_mem>>
        %dma_start3A_3807 = tpu.memref_squeeze %dma_start3A_3806 : memref<1x!tpu.dma_semaphore, #tpu.memory_space<semaphore_mem>> -> memref<!tpu.dma_semaphore, #tpu.memory_space<semaphore_mem>>
        tpu.enqueue_indirect_dma source(%dma_start3A_3805 : memref<200000x64xf32, #tpu.memory_space<hbm>>) target(%dma_start3A_3799 : memref<100x64xf32, #tpu.memory_space<vmem>>) offsets(%dma_start3A_3802 : memref<100xi32, #tpu.memory_space<vmem>>) semaphore(%dma_start3A_3807 : memref<!tpu.dma_semaphore, #tpu.memory_space<semaphore_mem>>)
        %dma_start3A_3808 = arith.constant 0 : i32
        %dma_start3A_3809 = tpu.memref_slice %arg11[%rem3A_3795, %dma_start3A_3808] : memref<8x100xf32, #tpu.memory_space<vmem>> -> memref<1x100xf32, #tpu.memory_space<vmem>>
        %dma_start3A_3810 = tpu.memref_squeeze %dma_start3A_3809 : memref<1x100xf32, #tpu.memory_space<vmem>> -> memref<100xf32, #tpu.memory_space<vmem>>
        %dma_start3A_3811 = arith.constant 0 : i32
        %dma_start3A_3812 = tpu.memref_slice %arg9[%add3A_3791, %dma_start3A_3811] : memref<64x100xi32, #tpu.memory_space<vmem>> -> memref<1x100xi32, #tpu.memory_space<vmem>>
        %dma_start3A_3813 = tpu.memref_squeeze %dma_start3A_3812 : memref<1x100xi32, #tpu.memory_space<vmem>> -> memref<100xi32, #tpu.memory_space<vmem>>
        %dma_start3A_3814 = arith.constant 0 : i32
        %dma_start3A_3815 = tpu.memref_slice %arg4[%dma_start3A_3814] : memref<100000xf32, #tpu.memory_space<hbm>> -> memref<100000xf32, #tpu.memory_space<hbm>>
        %dma_start3A_3816 = tpu.memref_slice %arg15[%rem3A_3795] : memref<8x!tpu.dma_semaphore, #tpu.memory_space<semaphore_mem>> -> memref<1x!tpu.dma_semaphore, #tpu.memory_space<semaphore_mem>>
        %dma_start3A_3817 = tpu.memref_squeeze %dma_start3A_3816 : memref<1x!tpu.dma_semaphore, #tpu.memory_space<semaphore_mem>> -> memref<!tpu.dma_semaphore, #tpu.memory_space<semaphore_mem>>
        tpu.enqueue_indirect_dma source(%dma_start3A_3815 : memref<100000xf32, #tpu.memory_space<hbm>>) target(%dma_start3A_3810 : memref<100xf32, #tpu.memory_space<vmem>>) offsets(%dma_start3A_3813 : memref<100xi32, #tpu.memory_space<vmem>>) semaphore(%dma_start3A_3817 : memref<!tpu.dma_semaphore, #tpu.memory_space<semaphore_mem>>)
      } else {
      }
      %dma_wait3A = arith.constant 0 : i32
      %dma_wait3A_217 = arith.constant 0 : i32
      %dma_wait3A_218 = tpu.memref_slice %arg12[%rem3A_212, %dma_wait3A, %dma_wait3A_217] : memref<8x100x64xf32, #tpu.memory_space<vmem>> -> memref<1x100x64xf32, #tpu.memory_space<vmem>>
      %dma_wait3A_219 = tpu.memref_squeeze %dma_wait3A_218 : memref<1x100x64xf32, #tpu.memory_space<vmem>> -> memref<100x64xf32, #tpu.memory_space<vmem>>
      %dma_wait3A_220 = arith.constant 0 : i32
      %dma_wait3A_221 = tpu.memref_slice %arg10[%scan3A_211, %dma_wait3A_220] : memref<64x100xi32, #tpu.memory_space<vmem>> -> memref<1x100xi32, #tpu.memory_space<vmem>>
      %dma_wait3A_222 = tpu.memref_squeeze %dma_wait3A_221 : memref<1x100xi32, #tpu.memory_space<vmem>> -> memref<100xi32, #tpu.memory_space<vmem>>
      %dma_wait3A_223 = arith.constant 0 : i32
      %dma_wait3A_224 = arith.constant 0 : i32
      %dma_wait3A_225 = tpu.memref_slice %arg5[%dma_wait3A_223, %dma_wait3A_224] : memref<200000x64xf32, #tpu.memory_space<hbm>> -> memref<200000x64xf32, #tpu.memory_space<hbm>>
      %dma_wait3A_226 = tpu.memref_slice %arg14[%rem3A_212] : memref<8x!tpu.dma_semaphore, #tpu.memory_space<semaphore_mem>> -> memref<1x!tpu.dma_semaphore, #tpu.memory_space<semaphore_mem>>
      %dma_wait3A_227 = tpu.memref_squeeze %dma_wait3A_226 : memref<1x!tpu.dma_semaphore, #tpu.memory_space<semaphore_mem>> -> memref<!tpu.dma_semaphore, #tpu.memory_space<semaphore_mem>>
      tpu.wait_indirect_dma semaphore(%dma_wait3A_227 : memref<!tpu.dma_semaphore, #tpu.memory_space<semaphore_mem>>) src(%dma_wait3A_225 : memref<200000x64xf32, #tpu.memory_space<hbm>>) dst(%dma_wait3A_219 : memref<100x64xf32, #tpu.memory_space<vmem>>)
      %dma_wait3A_228 = arith.constant 0 : i32
      %dma_wait3A_229 = tpu.memref_slice %arg11[%rem3A_212, %dma_wait3A_228] : memref<8x100xf32, #tpu.memory_space<vmem>> -> memref<1x100xf32, #tpu.memory_space<vmem>>
      %dma_wait3A_230 = tpu.memref_squeeze %dma_wait3A_229 : memref<1x100xf32, #tpu.memory_space<vmem>> -> memref<100xf32, #tpu.memory_space<vmem>>
      %dma_wait3A_231 = arith.constant 0 : i32
      %dma_wait3A_232 = tpu.memref_slice %arg9[%scan3A_211, %dma_wait3A_231] : memref<64x100xi32, #tpu.memory_space<vmem>> -> memref<1x100xi32, #tpu.memory_space<vmem>>
      %dma_wait3A_233 = tpu.memref_squeeze %dma_wait3A_232 : memref<1x100xi32, #tpu.memory_space<vmem>> -> memref<100xi32, #tpu.memory_space<vmem>>
      %dma_wait3A_234 = arith.constant 0 : i32
      %dma_wait3A_235 = tpu.memref_slice %arg4[%dma_wait3A_234] : memref<100000xf32, #tpu.memory_space<hbm>> -> memref<100000xf32, #tpu.memory_space<hbm>>
      %dma_wait3A_236 = tpu.memref_slice %arg15[%rem3A_212] : memref<8x!tpu.dma_semaphore, #tpu.memory_space<semaphore_mem>> -> memref<1x!tpu.dma_semaphore, #tpu.memory_space<semaphore_mem>>
      %dma_wait3A_237 = tpu.memref_squeeze %dma_wait3A_236 : memref<1x!tpu.dma_semaphore, #tpu.memory_space<semaphore_mem>> -> memref<!tpu.dma_semaphore, #tpu.memory_space<semaphore_mem>>
      tpu.wait_indirect_dma semaphore(%dma_wait3A_237 : memref<!tpu.dma_semaphore, #tpu.memory_space<semaphore_mem>>) src(%dma_wait3A_235 : memref<100000xf32, #tpu.memory_space<hbm>>) dst(%dma_wait3A_230 : memref<100xf32, #tpu.memory_space<vmem>>)
      %iota3A = tpu.iota {dimensions = array<i32: 0>} : vector<16xi32>
      %mul3A_238 = arith.constant 100 : i32
      %mul3A_239 = arith.muli %scan3A_211, %mul3A_238 : i32
      %add3A_240 = arith.constant 0 : i32
      %add3A_241 = arith.addi %mul3A_239, %add3A_240 : i32
      %add3A_242 = arith.constant 0 : i32
      %add3A_243 = arith.addi %add3A_241, %add3A_242 : i32
      %get3A = arith.index_cast %add3A_243 : i32 to index
      %get3A_244 = tpu.vector_load %arg8[%get3A] {strides = array<i32>} : memref<6400xf32, #tpu.memory_space<vmem>>, vector<16xf32>,
      %get3A_245 = arith.index_cast %rem3A_212 : i32 to index
      %get3A_246 = arith.constant 0 : index
      %get3A_247 = tpu.vector_load %arg11[%get3A_245, %get3A_246] {strides = array<i32>} : memref<8x100xf32, #tpu.memory_space<vmem>>, vector<16xf32>,
      %mul3A_248 = arith.mulf %get3A_244, %get3A_247 : vector<16xf32>
      %mul3A_249 = arith.constant 100 : i32
      %mul3A_250 = arith.muli %scan3A_211, %mul3A_249 : i32
      %add3A_251 = arith.constant 0 : i32
      %add3A_252 = arith.addi %mul3A_250, %add3A_251 : i32
      %add3A_253 = arith.constant 16 : i32
      %add3A_254 = arith.addi %add3A_252, %add3A_253 : i32
      %get3A_255 = arith.index_cast %add3A_254 : i32 to index
      %get3A_256 = tpu.vector_load %arg8[%get3A_255] {strides = array<i32>} : memref<6400xf32, #tpu.memory_space<vmem>>, vector<16xf32>,
      %get3A_257 = arith.index_cast %rem3A_212 : i32 to index
      %get3A_258 = arith.constant 16 : index
      %get3A_259 = tpu.vector_load %arg11[%get3A_257, %get3A_258] {strides = array<i32>} : memref<8x100xf32, #tpu.memory_space<vmem>>, vector<16xf32>,
      %mul3A_260 = arith.mulf %get3A_256, %get3A_259 : vector<16xf32>
      %mul3A_261 = arith.constant 100 : i32
      %mul3A_262 = arith.muli %scan3A_211, %mul3A_261 : i32
      %add3A_263 = arith.constant 0 : i32
      %add3A_264 = arith.addi %mul3A_262, %add3A_263 : i32
      %add3A_265 = arith.constant 32 : i32
      %add3A_266 = arith.addi %add3A_264, %add3A_265 : i32
      %get3A_267 = arith.index_cast %add3A_266 : i32 to index
      %get3A_268 = tpu.vector_load %arg8[%get3A_267] {strides = array<i32>} : memref<6400xf32, #tpu.memory_space<vmem>>, vector<16xf32>,
      %get3A_269 = arith.index_cast %rem3A_212 : i32 to index
      %get3A_270 = arith.constant 32 : index
      %get3A_271 = tpu.vector_load %arg11[%get3A_269, %get3A_270] {strides = array<i32>} : memref<8x100xf32, #tpu.memory_space<vmem>>, vector<16xf32>,
      %mul3A_272 = arith.mulf %get3A_268, %get3A_271 : vector<16xf32>
      %mul3A_273 = arith.constant 100 : i32
      %mul3A_274 = arith.muli %scan3A_211, %mul3A_273 : i32
      %add3A_275 = arith.constant 0 : i32
      %add3A_276 = arith.addi %mul3A_274, %add3A_275 : i32
      %add3A_277 = arith.constant 34 : i32
      %add3A_278 = arith.addi %add3A_276, %add3A_277 : i32
      %get3A_279 = arith.index_cast %add3A_278 : i32 to index
      %get3A_280 = tpu.vector_load %arg8[%get3A_279] {strides = array<i32>} : memref<6400xf32, #tpu.memory_space<vmem>>, vector<16xf32>,
      %get3A_281 = arith.index_cast %rem3A_212 : i32 to index
      %get3A_282 = arith.constant 34 : index
      %get3A_283 = tpu.vector_load %arg11[%get3A_281, %get3A_282] {strides = array<i32>} : memref<8x100xf32, #tpu.memory_space<vmem>>, vector<16xf32>,
      %mul3A_284 = arith.mulf %get3A_280, %get3A_283 : vector<16xf32>
      %add3A_285 = arith.addf %mul3A_248, %mul3A_260 : vector<16xf32>
      %add3A_286 = arith.addf %add3A_285, %mul3A_272 : vector<16xf32>
      %ge3A = arith.constant 14 : i32
      %ge3A_287 = vector.broadcast %ge3A : i32 to vector<16xi32>
      %ge3A_288 = arith.cmpi sge, %iota3A, %ge3A_287 : vector<16xi32>
      %jit3A = arith.constant 0.000000e+00 : f32
      %broadcast_in_dim3A = vector.broadcast %jit3A : f32 to vector<16xf32>
      %select_n3A = arith.select %ge3A_288, %mul3A_284, %broadcast_in_dim3A : vector<16xi1>, vector<16xf32>
      %add3A_289 = arith.addf %add3A_286, %select_n3A : vector<16xf32>
      %xor3A = arith.constant 8 : i32
      %xor3A_290 = vector.broadcast %xor3A : i32 to vector<16xi32>
      %xor3A_291 = arith.xori %iota3A, %xor3A_290 : vector<16xi32>
      %broadcast_in_dim3A_292 = vector.shape_cast %xor3A_291 : vector<16xi32> to vector<16x1xi32>
      %gather3A = vector.shape_cast %broadcast_in_dim3A_292 : vector<16x1xi32> to vector<16xi32>
      %gather3A_293 = tpu.dynamic_gather %add3A_289[%gather3A] in [0] : vector<16xf32>, vector<16xi32> -> vector<16xf32>
      %add3A_294 = arith.addf %add3A_289, %gather3A_293 : vector<16xf32>
      %xor3A_295 = arith.constant 4 : i32
      %xor3A_296 = vector.broadcast %xor3A_295 : i32 to vector<16xi32>
      %xor3A_297 = arith.xori %iota3A, %xor3A_296 : vector<16xi32>
      %broadcast_in_dim3A_298 = vector.shape_cast %xor3A_297 : vector<16xi32> to vector<16x1xi32>
      %gather3A_299 = vector.shape_cast %broadcast_in_dim3A_298 : vector<16x1xi32> to vector<16xi32>
      %gather3A_300 = tpu.dynamic_gather %add3A_294[%gather3A_299] in [0] : vector<16xf32>, vector<16xi32> -> vector<16xf32>
      %add3A_301 = arith.addf %add3A_294, %gather3A_300 : vector<16xf32>
      %xor3A_302 = arith.constant 2 : i32
      %xor3A_303 = vector.broadcast %xor3A_302 : i32 to vector<16xi32>
      %xor3A_304 = arith.xori %iota3A, %xor3A_303 : vector<16xi32>
      %broadcast_in_dim3A_305 = vector.shape_cast %xor3A_304 : vector<16xi32> to vector<16x1xi32>
      %gather3A_306 = vector.shape_cast %broadcast_in_dim3A_305 : vector<16x1xi32> to vector<16xi32>
      %gather3A_307 = tpu.dynamic_gather %add3A_301[%gather3A_306] in [0] : vector<16xf32>, vector<16xi32> -> vector<16xf32>
      %add3A_308 = arith.addf %add3A_301, %gather3A_307 : vector<16xf32>
      %xor3A_309 = arith.constant 1 : i32
      %xor3A_310 = vector.broadcast %xor3A_309 : i32 to vector<16xi32>
      %xor3A_311 = arith.xori %iota3A, %xor3A_310 : vector<16xi32>
      %broadcast_in_dim3A_312 = vector.shape_cast %xor3A_311 : vector<16xi32> to vector<16x1xi32>
      %gather3A_313 = vector.shape_cast %broadcast_in_dim3A_312 : vector<16x1xi32> to vector<16xi32>
      %gather3A_314 = tpu.dynamic_gather %add3A_308[%gather3A_313] in [0] : vector<16xf32>, vector<16xi32> -> vector<16xf32>
      %add3A_315 = arith.addf %add3A_308, %gather3A_314 : vector<16xf32>
      %broadcast_in_dim3A_316 = arith.constant 0.000000e+00 : f32
      %broadcast_in_dim3A_317 = vector.broadcast %broadcast_in_dim3A_316 : f32 to vector<16xf32>
      %broadcast_in_dim3A_318 = arith.constant 0.000000e+00 : f32
      %broadcast_in_dim3A_319 = vector.broadcast %broadcast_in_dim3A_318 : f32 to vector<16xf32>
      %broadcast_in_dim3A_320 = arith.constant 0.000000e+00 : f32
      %broadcast_in_dim3A_321 = vector.broadcast %broadcast_in_dim3A_320 : f32 to vector<16xf32>
      %broadcast_in_dim3A_322 = arith.constant 0.000000e+00 : f32
      %broadcast_in_dim3A_323 = vector.broadcast %broadcast_in_dim3A_322 : f32 to vector<16xf32>
      %broadcast_in_dim3A_324 = arith.constant 0 : i32
      %broadcast_in_dim3A_325 = vector.broadcast %broadcast_in_dim3A_324 : i32 to vector<16xi32>
      %broadcast_in_dim3A_326 = vector.shape_cast %broadcast_in_dim3A_325 : vector<16xi32> to vector<16x1xi32>
      %gather3A_327 = vector.shape_cast %broadcast_in_dim3A_326 : vector<16x1xi32> to vector<16xi32>
      %gather3A_328 = tpu.dynamic_gather %mul3A_248[%gather3A_327] in [0] : vector<16xf32>, vector<16xi32> -> vector<16xf32>
      %get3A_329 = arith.constant 0 : i32
      %get3A_330 = arith.index_cast %rem3A_212 : i32 to index
      %get3A_331 = arith.index_cast %get3A_329 : i32 to index
      %get3A_332 = arith.constant 0 : index
      %get3A_333 = tpu.vector_load %arg12[%get3A_330, %get3A_331, %get3A_332] {strides = array<i32>} : memref<8x100x64xf32, #tpu.memory_space<vmem>>, vector<16xf32>,
      %mul3A_334 = arith.mulf %gather3A_328, %get3A_333 : vector<16xf32>
      %add3A_335 = arith.addf %broadcast_in_dim3A_317, %mul3A_334 : vector<16xf32>
      %get3A_336 = arith.constant 0 : i32
      %get3A_337 = arith.index_cast %rem3A_212 : i32 to index
      %get3A_338 = arith.index_cast %get3A_336 : i32 to index
      %get3A_339 = arith.constant 16 : index
      %get3A_340 = tpu.vector_load %arg12[%get3A_337, %get3A_338, %get3A_339] {strides = array<i32>} : memref<8x100x64xf32, #tpu.memory_space<vmem>>, vector<16xf32>,
      %mul3A_341 = arith.mulf %gather3A_328, %get3A_340 : vector<16xf32>
      %add3A_342 = arith.addf %broadcast_in_dim3A_319, %mul3A_341 : vector<16xf32>
      %get3A_343 = arith.constant 0 : i32
      %get3A_344 = arith.index_cast %rem3A_212 : i32 to index
      %get3A_345 = arith.index_cast %get3A_343 : i32 to index
      %get3A_346 = arith.constant 32 : index
      %get3A_347 = tpu.vector_load %arg12[%get3A_344, %get3A_345, %get3A_346] {strides = array<i32>} : memref<8x100x64xf32, #tpu.memory_space<vmem>>, vector<16xf32>,
      %mul3A_348 = arith.mulf %gather3A_328, %get3A_347 : vector<16xf32>
      %add3A_349 = arith.addf %broadcast_in_dim3A_321, %mul3A_348 : vector<16xf32>
      %get3A_350 = arith.constant 0 : i32
      %get3A_351 = arith.index_cast %rem3A_212 : i32 to index
      %get3A_352 = arith.index_cast %get3A_350 : i32 to index
      %get3A_353 = arith.constant 48 : index
      %get3A_354 = tpu.vector_load %arg12[%get3A_351, %get3A_352, %get3A_353] {strides = array<i32>} : memref<8x100x64xf32, #tpu.memory_space<vmem>>, vector<16xf32>,
      %mul3A_355 = arith.mulf %gather3A_328, %get3A_354 : vector<16xf32>
      %add3A_356 = arith.addf %broadcast_in_dim3A_323, %mul3A_355 : vector<16xf32>
      %broadcast_in_dim3A_357 = arith.constant 1 : i32
      %broadcast_in_dim3A_358 = vector.broadcast %broadcast_in_dim3A_357 : i32 to vector<16xi32>
      %broadcast_in_dim3A_359 = vector.shape_cast %broadcast_in_dim3A_358 : vector<16xi32> to vector<16x1xi32>
      %gather3A_360 = vector.shape_cast %broadcast_in_dim3A_359 : vector<16x1xi32> to vector<16xi32>
      %gather3A_361 = tpu.dynamic_gather %mul3A_248[%gather3A_360] in [0] : vector<16xf32>, vector<16xi32> -> vector<16xf32>
      %get3A_362 = arith.constant 1 : i32
      %get3A_363 = arith.index_cast %rem3A_212 : i32 to index
      %get3A_364 = arith.index_cast %get3A_362 : i32 to index
      %get3A_365 = arith.constant 0 : index
      %get3A_366 = tpu.vector_load %arg12[%get3A_363, %get3A_364, %get3A_365] {strides = array<i32>} : memref<8x100x64xf32, #tpu.memory_space<vmem>>, vector<16xf32>,
      %mul3A_367 = arith.mulf %gather3A_361, %get3A_366 : vector<16xf32>
      %add3A_368 = arith.addf %add3A_335, %mul3A_367 : vector<16xf32>
      %get3A_369 = arith.constant 1 : i32
      %get3A_370 = arith.index_cast %rem3A_212 : i32 to index
      %get3A_371 = arith.index_cast %get3A_369 : i32 to index
      %get3A_372 = arith.constant 16 : index
      %get3A_373 = tpu.vector_load %arg12[%get3A_370, %get3A_371, %get3A_372] {strides = array<i32>} : memref<8x100x64xf32, #tpu.memory_space<vmem>>, vector<16xf32>,
      %mul3A_374 = arith.mulf %gather3A_361, %get3A_373 : vector<16xf32>
      %add3A_375 = arith.addf %add3A_342, %mul3A_374 : vector<16xf32>
      %get3A_376 = arith.constant 1 : i32
      %get3A_377 = arith.index_cast %rem3A_212 : i32 to index
      %get3A_378 = arith.index_cast %get3A_376 : i32 to index
      %get3A_379 = arith.constant 32 : index
      %get3A_380 = tpu.vector_load %arg12[%get3A_377, %get3A_378, %get3A_379] {strides = array<i32>} : memref<8x100x64xf32, #tpu.memory_space<vmem>>, vector<16xf32>,
      %mul3A_381 = arith.mulf %gather3A_361, %get3A_380 : vector<16xf32>
      %add3A_382 = arith.addf %add3A_349, %mul3A_381 : vector<16xf32>
      %get3A_383 = arith.constant 1 : i32
      %get3A_384 = arith.index_cast %rem3A_212 : i32 to index
      %get3A_385 = arith.index_cast %get3A_383 : i32 to index
      %get3A_386 = arith.constant 48 : index
      %get3A_387 = tpu.vector_load %arg12[%get3A_384, %get3A_385, %get3A_386] {strides = array<i32>} : memref<8x100x64xf32, #tpu.memory_space<vmem>>, vector<16xf32>,
      %mul3A_388 = arith.mulf %gather3A_361, %get3A_387 : vector<16xf32>
      %add3A_389 = arith.addf %add3A_356, %mul3A_388 : vector<16xf32>
      %broadcast_in_dim3A_390 = arith.constant 2 : i32
      %broadcast_in_dim3A_391 = vector.broadcast %broadcast_in_dim3A_390 : i32 to vector<16xi32>
      %broadcast_in_dim3A_392 = vector.shape_cast %broadcast_in_dim3A_391 : vector<16xi32> to vector<16x1xi32>
      %gather3A_393 = vector.shape_cast %broadcast_in_dim3A_392 : vector<16x1xi32> to vector<16xi32>
      %gather3A_394 = tpu.dynamic_gather %mul3A_248[%gather3A_393] in [0] : vector<16xf32>, vector<16xi32> -> vector<16xf32>
      %get3A_395 = arith.constant 2 : i32
      %get3A_396 = arith.index_cast %rem3A_212 : i32 to index
      %get3A_397 = arith.index_cast %get3A_395 : i32 to index
      %get3A_398 = arith.constant 0 : index
      %get3A_399 = tpu.vector_load %arg12[%get3A_396, %get3A_397, %get3A_398] {strides = array<i32>} : memref<8x100x64xf32, #tpu.memory_space<vmem>>, vector<16xf32>,
      %mul3A_400 = arith.mulf %gather3A_394, %get3A_399 : vector<16xf32>
      %add3A_401 = arith.addf %add3A_368, %mul3A_400 : vector<16xf32>
      %get3A_402 = arith.constant 2 : i32
      %get3A_403 = arith.index_cast %rem3A_212 : i32 to index
      %get3A_404 = arith.index_cast %get3A_402 : i32 to index
      %get3A_405 = arith.constant 16 : index
      %get3A_406 = tpu.vector_load %arg12[%get3A_403, %get3A_404, %get3A_405] {strides = array<i32>} : memref<8x100x64xf32, #tpu.memory_space<vmem>>, vector<16xf32>,
      %mul3A_407 = arith.mulf %gather3A_394, %get3A_406 : vector<16xf32>
      %add3A_408 = arith.addf %add3A_375, %mul3A_407 : vector<16xf32>
      %get3A_409 = arith.constant 2 : i32
      %get3A_410 = arith.index_cast %rem3A_212 : i32 to index
      %get3A_411 = arith.index_cast %get3A_409 : i32 to index
      %get3A_412 = arith.constant 32 : index
      %get3A_413 = tpu.vector_load %arg12[%get3A_410, %get3A_411, %get3A_412] {strides = array<i32>} : memref<8x100x64xf32, #tpu.memory_space<vmem>>, vector<16xf32>,
      %mul3A_414 = arith.mulf %gather3A_394, %get3A_413 : vector<16xf32>
      %add3A_415 = arith.addf %add3A_382, %mul3A_414 : vector<16xf32>
      %get3A_416 = arith.constant 2 : i32
      %get3A_417 = arith.index_cast %rem3A_212 : i32 to index
      %get3A_418 = arith.index_cast %get3A_416 : i32 to index
      %get3A_419 = arith.constant 48 : index
      %get3A_420 = tpu.vector_load %arg12[%get3A_417, %get3A_418, %get3A_419] {strides = array<i32>} : memref<8x100x64xf32, #tpu.memory_space<vmem>>, vector<16xf32>,
      %mul3A_421 = arith.mulf %gather3A_394, %get3A_420 : vector<16xf32>
      %add3A_422 = arith.addf %add3A_389, %mul3A_421 : vector<16xf32>
      %broadcast_in_dim3A_423 = arith.constant 3 : i32
      %broadcast_in_dim3A_424 = vector.broadcast %broadcast_in_dim3A_423 : i32 to vector<16xi32>
      %broadcast_in_dim3A_425 = vector.shape_cast %broadcast_in_dim3A_424 : vector<16xi32> to vector<16x1xi32>
      %gather3A_426 = vector.shape_cast %broadcast_in_dim3A_425 : vector<16x1xi32> to vector<16xi32>
      %gather3A_427 = tpu.dynamic_gather %mul3A_248[%gather3A_426] in [0] : vector<16xf32>, vector<16xi32> -> vector<16xf32>
      %get3A_428 = arith.constant 3 : i32
      %get3A_429 = arith.index_cast %rem3A_212 : i32 to index
      %get3A_430 = arith.index_cast %get3A_428 : i32 to index
      %get3A_431 = arith.constant 0 : index
      %get3A_432 = tpu.vector_load %arg12[%get3A_429, %get3A_430, %get3A_431] {strides = array<i32>} : memref<8x100x64xf32, #tpu.memory_space<vmem>>, vector<16xf32>,
      %mul3A_433 = arith.mulf %gather3A_427, %get3A_432 : vector<16xf32>
      %add3A_434 = arith.addf %add3A_401, %mul3A_433 : vector<16xf32>
      %get3A_435 = arith.constant 3 : i32
      %get3A_436 = arith.index_cast %rem3A_212 : i32 to index
      %get3A_437 = arith.index_cast %get3A_435 : i32 to index
      %get3A_438 = arith.constant 16 : index
      %get3A_439 = tpu.vector_load %arg12[%get3A_436, %get3A_437, %get3A_438] {strides = array<i32>} : memref<8x100x64xf32, #tpu.memory_space<vmem>>, vector<16xf32>,
      %mul3A_440 = arith.mulf %gather3A_427, %get3A_439 : vector<16xf32>
      %add3A_441 = arith.addf %add3A_408, %mul3A_440 : vector<16xf32>
      %get3A_442 = arith.constant 3 : i32
      %get3A_443 = arith.index_cast %rem3A_212 : i32 to index
      %get3A_444 = arith.index_cast %get3A_442 : i32 to index
      %get3A_445 = arith.constant 32 : index
      %get3A_446 = tpu.vector_load %arg12[%get3A_443, %get3A_444, %get3A_445] {strides = array<i32>} : memref<8x100x64xf32, #tpu.memory_space<vmem>>, vector<16xf32>,
      %mul3A_447 = arith.mulf %gather3A_427, %get3A_446 : vector<16xf32>
      %add3A_448 = arith.addf %add3A_415, %mul3A_447 : vector<16xf32>
      %get3A_449 = arith.constant 3 : i32
      %get3A_450 = arith.index_cast %rem3A_212 : i32 to index
      %get3A_451 = arith.index_cast %get3A_449 : i32 to index
      %get3A_452 = arith.constant 48 : index
      %get3A_453 = tpu.vector_load %arg12[%get3A_450, %get3A_451, %get3A_452] {strides = array<i32>} : memref<8x100x64xf32, #tpu.memory_space<vmem>>, vector<16xf32>,
      %mul3A_454 = arith.mulf %gather3A_427, %get3A_453 : vector<16xf32>
      %add3A_455 = arith.addf %add3A_422, %mul3A_454 : vector<16xf32>
      %broadcast_in_dim3A_456 = arith.constant 4 : i32
      %broadcast_in_dim3A_457 = vector.broadcast %broadcast_in_dim3A_456 : i32 to vector<16xi32>
      %broadcast_in_dim3A_458 = vector.shape_cast %broadcast_in_dim3A_457 : vector<16xi32> to vector<16x1xi32>
      %gather3A_459 = vector.shape_cast %broadcast_in_dim3A_458 : vector<16x1xi32> to vector<16xi32>
      %gather3A_460 = tpu.dynamic_gather %mul3A_248[%gather3A_459] in [0] : vector<16xf32>, vector<16xi32> -> vector<16xf32>
      %get3A_461 = arith.constant 4 : i32
      %get3A_462 = arith.index_cast %rem3A_212 : i32 to index
      %get3A_463 = arith.index_cast %get3A_461 : i32 to index
      %get3A_464 = arith.constant 0 : index
      %get3A_465 = tpu.vector_load %arg12[%get3A_462, %get3A_463, %get3A_464] {strides = array<i32>} : memref<8x100x64xf32, #tpu.memory_space<vmem>>, vector<16xf32>,
      %mul3A_466 = arith.mulf %gather3A_460, %get3A_465 : vector<16xf32>
      %add3A_467 = arith.addf %add3A_434, %mul3A_466 : vector<16xf32>
      %get3A_468 = arith.constant 4 : i32
      %get3A_469 = arith.index_cast %rem3A_212 : i32 to index
      %get3A_470 = arith.index_cast %get3A_468 : i32 to index
      %get3A_471 = arith.constant 16 : index
      %get3A_472 = tpu.vector_load %arg12[%get3A_469, %get3A_470, %get3A_471] {strides = array<i32>} : memref<8x100x64xf32, #tpu.memory_space<vmem>>, vector<16xf32>,
      %mul3A_473 = arith.mulf %gather3A_460, %get3A_472 : vector<16xf32>
      %add3A_474 = arith.addf %add3A_441, %mul3A_473 : vector<16xf32>
      %get3A_475 = arith.constant 4 : i32
      %get3A_476 = arith.index_cast %rem3A_212 : i32 to index
      %get3A_477 = arith.index_cast %get3A_475 : i32 to index
      %get3A_478 = arith.constant 32 : index
      %get3A_479 = tpu.vector_load %arg12[%get3A_476, %get3A_477, %get3A_478] {strides = array<i32>} : memref<8x100x64xf32, #tpu.memory_space<vmem>>, vector<16xf32>,
      %mul3A_480 = arith.mulf %gather3A_460, %get3A_479 : vector<16xf32>
      %add3A_481 = arith.addf %add3A_448, %mul3A_480 : vector<16xf32>
      %get3A_482 = arith.constant 4 : i32
      %get3A_483 = arith.index_cast %rem3A_212 : i32 to index
      %get3A_484 = arith.index_cast %get3A_482 : i32 to index
      %get3A_485 = arith.constant 48 : index
      %get3A_486 = tpu.vector_load %arg12[%get3A_483, %get3A_484, %get3A_485] {strides = array<i32>} : memref<8x100x64xf32, #tpu.memory_space<vmem>>, vector<16xf32>,
      %mul3A_487 = arith.mulf %gather3A_460, %get3A_486 : vector<16xf32>
      %add3A_488 = arith.addf %add3A_455, %mul3A_487 : vector<16xf32>
      %broadcast_in_dim3A_489 = arith.constant 5 : i32
      %broadcast_in_dim3A_490 = vector.broadcast %broadcast_in_dim3A_489 : i32 to vector<16xi32>
      %broadcast_in_dim3A_491 = vector.shape_cast %broadcast_in_dim3A_490 : vector<16xi32> to vector<16x1xi32>
      %gather3A_492 = vector.shape_cast %broadcast_in_dim3A_491 : vector<16x1xi32> to vector<16xi32>
      %gather3A_493 = tpu.dynamic_gather %mul3A_248[%gather3A_492] in [0] : vector<16xf32>, vector<16xi32> -> vector<16xf32>
      %get3A_494 = arith.constant 5 : i32
      %get3A_495 = arith.index_cast %rem3A_212 : i32 to index
      %get3A_496 = arith.index_cast %get3A_494 : i32 to index
      %get3A_497 = arith.constant 0 : index
      %get3A_498 = tpu.vector_load %arg12[%get3A_495, %get3A_496, %get3A_497] {strides = array<i32>} : memref<8x100x64xf32, #tpu.memory_space<vmem>>, vector<16xf32>,
      %mul3A_499 = arith.mulf %gather3A_493, %get3A_498 : vector<16xf32>
      %add3A_500 = arith.addf %add3A_467, %mul3A_499 : vector<16xf32>
      %get3A_501 = arith.constant 5 : i32
      %get3A_502 = arith.index_cast %rem3A_212 : i32 to index
      %get3A_503 = arith.index_cast %get3A_501 : i32 to index
      %get3A_504 = arith.constant 16 : index
      %get3A_505 = tpu.vector_load %arg12[%get3A_502, %get3A_503, %get3A_504] {strides = array<i32>} : memref<8x100x64xf32, #tpu.memory_space<vmem>>, vector<16xf32>,
      %mul3A_506 = arith.mulf %gather3A_493, %get3A_505 : vector<16xf32>
      %add3A_507 = arith.addf %add3A_474, %mul3A_506 : vector<16xf32>
      %get3A_508 = arith.constant 5 : i32
      %get3A_509 = arith.index_cast %rem3A_212 : i32 to index
      %get3A_510 = arith.index_cast %get3A_508 : i32 to index
      %get3A_511 = arith.constant 32 : index
      %get3A_512 = tpu.vector_load %arg12[%get3A_509, %get3A_510, %get3A_511] {strides = array<i32>} : memref<8x100x64xf32, #tpu.memory_space<vmem>>, vector<16xf32>,
      %mul3A_513 = arith.mulf %gather3A_493, %get3A_512 : vector<16xf32>
      %add3A_514 = arith.addf %add3A_481, %mul3A_513 : vector<16xf32>
      %get3A_515 = arith.constant 5 : i32
      %get3A_516 = arith.index_cast %rem3A_212 : i32 to index
      %get3A_517 = arith.index_cast %get3A_515 : i32 to index
      %get3A_518 = arith.constant 48 : index
      %get3A_519 = tpu.vector_load %arg12[%get3A_516, %get3A_517, %get3A_518] {strides = array<i32>} : memref<8x100x64xf32, #tpu.memory_space<vmem>>, vector<16xf32>,
      %mul3A_520 = arith.mulf %gather3A_493, %get3A_519 : vector<16xf32>
      %add3A_521 = arith.addf %add3A_488, %mul3A_520 : vector<16xf32>
      %broadcast_in_dim3A_522 = arith.constant 6 : i32
      %broadcast_in_dim3A_523 = vector.broadcast %broadcast_in_dim3A_522 : i32 to vector<16xi32>
      %broadcast_in_dim3A_524 = vector.shape_cast %broadcast_in_dim3A_523 : vector<16xi32> to vector<16x1xi32>
      %gather3A_525 = vector.shape_cast %broadcast_in_dim3A_524 : vector<16x1xi32> to vector<16xi32>
      %gather3A_526 = tpu.dynamic_gather %mul3A_248[%gather3A_525] in [0] : vector<16xf32>, vector<16xi32> -> vector<16xf32>
      %get3A_527 = arith.constant 6 : i32
      %get3A_528 = arith.index_cast %rem3A_212 : i32 to index
      %get3A_529 = arith.index_cast %get3A_527 : i32 to index
      %get3A_530 = arith.constant 0 : index
      %get3A_531 = tpu.vector_load %arg12[%get3A_528, %get3A_529, %get3A_530] {strides = array<i32>} : memref<8x100x64xf32, #tpu.memory_space<vmem>>, vector<16xf32>,
      %mul3A_532 = arith.mulf %gather3A_526, %get3A_531 : vector<16xf32>
      %add3A_533 = arith.addf %add3A_500, %mul3A_532 : vector<16xf32>
      %get3A_534 = arith.constant 6 : i32
      %get3A_535 = arith.index_cast %rem3A_212 : i32 to index
      %get3A_536 = arith.index_cast %get3A_534 : i32 to index
      %get3A_537 = arith.constant 16 : index
      %get3A_538 = tpu.vector_load %arg12[%get3A_535, %get3A_536, %get3A_537] {strides = array<i32>} : memref<8x100x64xf32, #tpu.memory_space<vmem>>, vector<16xf32>,
      %mul3A_539 = arith.mulf %gather3A_526, %get3A_538 : vector<16xf32>
      %add3A_540 = arith.addf %add3A_507, %mul3A_539 : vector<16xf32>
      %get3A_541 = arith.constant 6 : i32
      %get3A_542 = arith.index_cast %rem3A_212 : i32 to index
      %get3A_543 = arith.index_cast %get3A_541 : i32 to index
      %get3A_544 = arith.constant 32 : index
      %get3A_545 = tpu.vector_load %arg12[%get3A_542, %get3A_543, %get3A_544] {strides = array<i32>} : memref<8x100x64xf32, #tpu.memory_space<vmem>>, vector<16xf32>,
      %mul3A_546 = arith.mulf %gather3A_526, %get3A_545 : vector<16xf32>
      %add3A_547 = arith.addf %add3A_514, %mul3A_546 : vector<16xf32>
      %get3A_548 = arith.constant 6 : i32
      %get3A_549 = arith.index_cast %rem3A_212 : i32 to index
      %get3A_550 = arith.index_cast %get3A_548 : i32 to index
      %get3A_551 = arith.constant 48 : index
      %get3A_552 = tpu.vector_load %arg12[%get3A_549, %get3A_550, %get3A_551] {strides = array<i32>} : memref<8x100x64xf32, #tpu.memory_space<vmem>>, vector<16xf32>,
      %mul3A_553 = arith.mulf %gather3A_526, %get3A_552 : vector<16xf32>
      %add3A_554 = arith.addf %add3A_521, %mul3A_553 : vector<16xf32>
      %broadcast_in_dim3A_555 = arith.constant 7 : i32
      %broadcast_in_dim3A_556 = vector.broadcast %broadcast_in_dim3A_555 : i32 to vector<16xi32>
      %broadcast_in_dim3A_557 = vector.shape_cast %broadcast_in_dim3A_556 : vector<16xi32> to vector<16x1xi32>
      %gather3A_558 = vector.shape_cast %broadcast_in_dim3A_557 : vector<16x1xi32> to vector<16xi32>
      %gather3A_559 = tpu.dynamic_gather %mul3A_248[%gather3A_558] in [0] : vector<16xf32>, vector<16xi32> -> vector<16xf32>
      %get3A_560 = arith.constant 7 : i32
      %get3A_561 = arith.index_cast %rem3A_212 : i32 to index
      %get3A_562 = arith.index_cast %get3A_560 : i32 to index
      %get3A_563 = arith.constant 0 : index
      %get3A_564 = tpu.vector_load %arg12[%get3A_561, %get3A_562, %get3A_563] {strides = array<i32>} : memref<8x100x64xf32, #tpu.memory_space<vmem>>, vector<16xf32>,
      %mul3A_565 = arith.mulf %gather3A_559, %get3A_564 : vector<16xf32>
      %add3A_566 = arith.addf %add3A_533, %mul3A_565 : vector<16xf32>
      %get3A_567 = arith.constant 7 : i32
      %get3A_568 = arith.index_cast %rem3A_212 : i32 to index
      %get3A_569 = arith.index_cast %get3A_567 : i32 to index
      %get3A_570 = arith.constant 16 : index
      %get3A_571 = tpu.vector_load %arg12[%get3A_568, %get3A_569, %get3A_570] {strides = array<i32>} : memref<8x100x64xf32, #tpu.memory_space<vmem>>, vector<16xf32>,
      %mul3A_572 = arith.mulf %gather3A_559, %get3A_571 : vector<16xf32>
      %add3A_573 = arith.addf %add3A_540, %mul3A_572 : vector<16xf32>
      %get3A_574 = arith.constant 7 : i32
      %get3A_575 = arith.index_cast %rem3A_212 : i32 to index
      %get3A_576 = arith.index_cast %get3A_574 : i32 to index
      %get3A_577 = arith.constant 32 : index
      %get3A_578 = tpu.vector_load %arg12[%get3A_575, %get3A_576, %get3A_577] {strides = array<i32>} : memref<8x100x64xf32, #tpu.memory_space<vmem>>, vector<16xf32>,
      %mul3A_579 = arith.mulf %gather3A_559, %get3A_578 : vector<16xf32>
      %add3A_580 = arith.addf %add3A_547, %mul3A_579 : vector<16xf32>
      %get3A_581 = arith.constant 7 : i32
      %get3A_582 = arith.index_cast %rem3A_212 : i32 to index
      %get3A_583 = arith.index_cast %get3A_581 : i32 to index
      %get3A_584 = arith.constant 48 : index
      %get3A_585 = tpu.vector_load %arg12[%get3A_582, %get3A_583, %get3A_584] {strides = array<i32>} : memref<8x100x64xf32, #tpu.memory_space<vmem>>, vector<16xf32>,
      %mul3A_586 = arith.mulf %gather3A_559, %get3A_585 : vector<16xf32>
      %add3A_587 = arith.addf %add3A_554, %mul3A_586 : vector<16xf32>
      %broadcast_in_dim3A_588 = arith.constant 8 : i32
      %broadcast_in_dim3A_589 = vector.broadcast %broadcast_in_dim3A_588 : i32 to vector<16xi32>
      %broadcast_in_dim3A_590 = vector.shape_cast %broadcast_in_dim3A_589 : vector<16xi32> to vector<16x1xi32>
      %gather3A_591 = vector.shape_cast %broadcast_in_dim3A_590 : vector<16x1xi32> to vector<16xi32>
      %gather3A_592 = tpu.dynamic_gather %mul3A_248[%gather3A_591] in [0] : vector<16xf32>, vector<16xi32> -> vector<16xf32>
      %get3A_593 = arith.constant 8 : i32
      %get3A_594 = arith.index_cast %rem3A_212 : i32 to index
      %get3A_595 = arith.index_cast %get3A_593 : i32 to index
      %get3A_596 = arith.constant 0 : index
      %get3A_597 = tpu.vector_load %arg12[%get3A_594, %get3A_595, %get3A_596] {strides = array<i32>} : memref<8x100x64xf32, #tpu.memory_space<vmem>>, vector<16xf32>,
      %mul3A_598 = arith.mulf %gather3A_592, %get3A_597 : vector<16xf32>
      %add3A_599 = arith.addf %add3A_566, %mul3A_598 : vector<16xf32>
      %get3A_600 = arith.constant 8 : i32
      %get3A_601 = arith.index_cast %rem3A_212 : i32 to index
      %get3A_602 = arith.index_cast %get3A_600 : i32 to index
      %get3A_603 = arith.constant 16 : index
      %get3A_604 = tpu.vector_load %arg12[%get3A_601, %get3A_602, %get3A_603] {strides = array<i32>} : memref<8x100x64xf32, #tpu.memory_space<vmem>>, vector<16xf32>,
      %mul3A_605 = arith.mulf %gather3A_592, %get3A_604 : vector<16xf32>
      %add3A_606 = arith.addf %add3A_573, %mul3A_605 : vector<16xf32>
      %get3A_607 = arith.constant 8 : i32
      %get3A_608 = arith.index_cast %rem3A_212 : i32 to index
      %get3A_609 = arith.index_cast %get3A_607 : i32 to index
      %get3A_610 = arith.constant 32 : index
      %get3A_611 = tpu.vector_load %arg12[%get3A_608, %get3A_609, %get3A_610] {strides = array<i32>} : memref<8x100x64xf32, #tpu.memory_space<vmem>>, vector<16xf32>,
      %mul3A_612 = arith.mulf %gather3A_592, %get3A_611 : vector<16xf32>
      %add3A_613 = arith.addf %add3A_580, %mul3A_612 : vector<16xf32>
      %get3A_614 = arith.constant 8 : i32
      %get3A_615 = arith.index_cast %rem3A_212 : i32 to index
      %get3A_616 = arith.index_cast %get3A_614 : i32 to index
      %get3A_617 = arith.constant 48 : index
      %get3A_618 = tpu.vector_load %arg12[%get3A_615, %get3A_616, %get3A_617] {strides = array<i32>} : memref<8x100x64xf32, #tpu.memory_space<vmem>>, vector<16xf32>,
      %mul3A_619 = arith.mulf %gather3A_592, %get3A_618 : vector<16xf32>
      %add3A_620 = arith.addf %add3A_587, %mul3A_619 : vector<16xf32>
      %broadcast_in_dim3A_621 = arith.constant 9 : i32
      %broadcast_in_dim3A_622 = vector.broadcast %broadcast_in_dim3A_621 : i32 to vector<16xi32>
      %broadcast_in_dim3A_623 = vector.shape_cast %broadcast_in_dim3A_622 : vector<16xi32> to vector<16x1xi32>
      %gather3A_624 = vector.shape_cast %broadcast_in_dim3A_623 : vector<16x1xi32> to vector<16xi32>
      %gather3A_625 = tpu.dynamic_gather %mul3A_248[%gather3A_624] in [0] : vector<16xf32>, vector<16xi32> -> vector<16xf32>
      %get3A_626 = arith.constant 9 : i32
      %get3A_627 = arith.index_cast %rem3A_212 : i32 to index
      %get3A_628 = arith.index_cast %get3A_626 : i32 to index
      %get3A_629 = arith.constant 0 : index
      %get3A_630 = tpu.vector_load %arg12[%get3A_627, %get3A_628, %get3A_629] {strides = array<i32>} : memref<8x100x64xf32, #tpu.memory_space<vmem>>, vector<16xf32>,
      %mul3A_631 = arith.mulf %gather3A_625, %get3A_630 : vector<16xf32>
      %add3A_632 = arith.addf %add3A_599, %mul3A_631 : vector<16xf32>
      %get3A_633 = arith.constant 9 : i32
      %get3A_634 = arith.index_cast %rem3A_212 : i32 to index
      %get3A_635 = arith.index_cast %get3A_633 : i32 to index
      %get3A_636 = arith.constant 16 : index
      %get3A_637 = tpu.vector_load %arg12[%get3A_634, %get3A_635, %get3A_636] {strides = array<i32>} : memref<8x100x64xf32, #tpu.memory_space<vmem>>, vector<16xf32>,
      %mul3A_638 = arith.mulf %gather3A_625, %get3A_637 : vector<16xf32>
      %add3A_639 = arith.addf %add3A_606, %mul3A_638 : vector<16xf32>
      %get3A_640 = arith.constant 9 : i32
      %get3A_641 = arith.index_cast %rem3A_212 : i32 to index
      %get3A_642 = arith.index_cast %get3A_640 : i32 to index
      %get3A_643 = arith.constant 32 : index
      %get3A_644 = tpu.vector_load %arg12[%get3A_641, %get3A_642, %get3A_643] {strides = array<i32>} : memref<8x100x64xf32, #tpu.memory_space<vmem>>, vector<16xf32>,
      %mul3A_645 = arith.mulf %gather3A_625, %get3A_644 : vector<16xf32>
      %add3A_646 = arith.addf %add3A_613, %mul3A_645 : vector<16xf32>
      %get3A_647 = arith.constant 9 : i32
      %get3A_648 = arith.index_cast %rem3A_212 : i32 to index
      %get3A_649 = arith.index_cast %get3A_647 : i32 to index
      %get3A_650 = arith.constant 48 : index
      %get3A_651 = tpu.vector_load %arg12[%get3A_648, %get3A_649, %get3A_650] {strides = array<i32>} : memref<8x100x64xf32, #tpu.memory_space<vmem>>, vector<16xf32>,
      %mul3A_652 = arith.mulf %gather3A_625, %get3A_651 : vector<16xf32>
      %add3A_653 = arith.addf %add3A_620, %mul3A_652 : vector<16xf32>
      %broadcast_in_dim3A_654 = arith.constant 10 : i32
      %broadcast_in_dim3A_655 = vector.broadcast %broadcast_in_dim3A_654 : i32 to vector<16xi32>
      %broadcast_in_dim3A_656 = vector.shape_cast %broadcast_in_dim3A_655 : vector<16xi32> to vector<16x1xi32>
      %gather3A_657 = vector.shape_cast %broadcast_in_dim3A_656 : vector<16x1xi32> to vector<16xi32>
      %gather3A_658 = tpu.dynamic_gather %mul3A_248[%gather3A_657] in [0] : vector<16xf32>, vector<16xi32> -> vector<16xf32>
      %get3A_659 = arith.constant 10 : i32
      %get3A_660 = arith.index_cast %rem3A_212 : i32 to index
      %get3A_661 = arith.index_cast %get3A_659 : i32 to index
      %get3A_662 = arith.constant 0 : index
      %get3A_663 = tpu.vector_load %arg12[%get3A_660, %get3A_661, %get3A_662] {strides = array<i32>} : memref<8x100x64xf32, #tpu.memory_space<vmem>>, vector<16xf32>,
      %mul3A_664 = arith.mulf %gather3A_658, %get3A_663 : vector<16xf32>
      %add3A_665 = arith.addf %add3A_632, %mul3A_664 : vector<16xf32>
      %get3A_666 = arith.constant 10 : i32
      %get3A_667 = arith.index_cast %rem3A_212 : i32 to index
      %get3A_668 = arith.index_cast %get3A_666 : i32 to index
      %get3A_669 = arith.constant 16 : index
      %get3A_670 = tpu.vector_load %arg12[%get3A_667, %get3A_668, %get3A_669] {strides = array<i32>} : memref<8x100x64xf32, #tpu.memory_space<vmem>>, vector<16xf32>,
      %mul3A_671 = arith.mulf %gather3A_658, %get3A_670 : vector<16xf32>
      %add3A_672 = arith.addf %add3A_639, %mul3A_671 : vector<16xf32>
      %get3A_673 = arith.constant 10 : i32
      %get3A_674 = arith.index_cast %rem3A_212 : i32 to index
      %get3A_675 = arith.index_cast %get3A_673 : i32 to index
      %get3A_676 = arith.constant 32 : index
      %get3A_677 = tpu.vector_load %arg12[%get3A_674, %get3A_675, %get3A_676] {strides = array<i32>} : memref<8x100x64xf32, #tpu.memory_space<vmem>>, vector<16xf32>,
      %mul3A_678 = arith.mulf %gather3A_658, %get3A_677 : vector<16xf32>
      %add3A_679 = arith.addf %add3A_646, %mul3A_678 : vector<16xf32>
      %get3A_680 = arith.constant 10 : i32
      %get3A_681 = arith.index_cast %rem3A_212 : i32 to index
      %get3A_682 = arith.index_cast %get3A_680 : i32 to index
      %get3A_683 = arith.constant 48 : index
      %get3A_684 = tpu.vector_load %arg12[%get3A_681, %get3A_682, %get3A_683] {strides = array<i32>} : memref<8x100x64xf32, #tpu.memory_space<vmem>>, vector<16xf32>,
      %mul3A_685 = arith.mulf %gather3A_658, %get3A_684 : vector<16xf32>
      %add3A_686 = arith.addf %add3A_653, %mul3A_685 : vector<16xf32>
      %broadcast_in_dim3A_687 = arith.constant 11 : i32
      %broadcast_in_dim3A_688 = vector.broadcast %broadcast_in_dim3A_687 : i32 to vector<16xi32>
      %broadcast_in_dim3A_689 = vector.shape_cast %broadcast_in_dim3A_688 : vector<16xi32> to vector<16x1xi32>
      %gather3A_690 = vector.shape_cast %broadcast_in_dim3A_689 : vector<16x1xi32> to vector<16xi32>
      %gather3A_691 = tpu.dynamic_gather %mul3A_248[%gather3A_690] in [0] : vector<16xf32>, vector<16xi32> -> vector<16xf32>
      %get3A_692 = arith.constant 11 : i32
      %get3A_693 = arith.index_cast %rem3A_212 : i32 to index
      %get3A_694 = arith.index_cast %get3A_692 : i32 to index
      %get3A_695 = arith.constant 0 : index
      %get3A_696 = tpu.vector_load %arg12[%get3A_693, %get3A_694, %get3A_695] {strides = array<i32>} : memref<8x100x64xf32, #tpu.memory_space<vmem>>, vector<16xf32>,
      %mul3A_697 = arith.mulf %gather3A_691, %get3A_696 : vector<16xf32>
      %add3A_698 = arith.addf %add3A_665, %mul3A_697 : vector<16xf32>
      %get3A_699 = arith.constant 11 : i32
      %get3A_700 = arith.index_cast %rem3A_212 : i32 to index
      %get3A_701 = arith.index_cast %get3A_699 : i32 to index
      %get3A_702 = arith.constant 16 : index
      %get3A_703 = tpu.vector_load %arg12[%get3A_700, %get3A_701, %get3A_702] {strides = array<i32>} : memref<8x100x64xf32, #tpu.memory_space<vmem>>, vector<16xf32>,
      %mul3A_704 = arith.mulf %gather3A_691, %get3A_703 : vector<16xf32>
      %add3A_705 = arith.addf %add3A_672, %mul3A_704 : vector<16xf32>
      %get3A_706 = arith.constant 11 : i32
      %get3A_707 = arith.index_cast %rem3A_212 : i32 to index
      %get3A_708 = arith.index_cast %get3A_706 : i32 to index
      %get3A_709 = arith.constant 32 : index
      %get3A_710 = tpu.vector_load %arg12[%get3A_707, %get3A_708, %get3A_709] {strides = array<i32>} : memref<8x100x64xf32, #tpu.memory_space<vmem>>, vector<16xf32>,
      %mul3A_711 = arith.mulf %gather3A_691, %get3A_710 : vector<16xf32>
      %add3A_712 = arith.addf %add3A_679, %mul3A_711 : vector<16xf32>
      %get3A_713 = arith.constant 11 : i32
      %get3A_714 = arith.index_cast %rem3A_212 : i32 to index
      %get3A_715 = arith.index_cast %get3A_713 : i32 to index
      %get3A_716 = arith.constant 48 : index
      %get3A_717 = tpu.vector_load %arg12[%get3A_714, %get3A_715, %get3A_716] {strides = array<i32>} : memref<8x100x64xf32, #tpu.memory_space<vmem>>, vector<16xf32>,
      %mul3A_718 = arith.mulf %gather3A_691, %get3A_717 : vector<16xf32>
      %add3A_719 = arith.addf %add3A_686, %mul3A_718 : vector<16xf32>
      %broadcast_in_dim3A_720 = arith.constant 12 : i32
      %broadcast_in_dim3A_721 = vector.broadcast %broadcast_in_dim3A_720 : i32 to vector<16xi32>
      %broadcast_in_dim3A_722 = vector.shape_cast %broadcast_in_dim3A_721 : vector<16xi32> to vector<16x1xi32>
      %gather3A_723 = vector.shape_cast %broadcast_in_dim3A_722 : vector<16x1xi32> to vector<16xi32>
      %gather3A_724 = tpu.dynamic_gather %mul3A_248[%gather3A_723] in [0] : vector<16xf32>, vector<16xi32> -> vector<16xf32>
      %get3A_725 = arith.constant 12 : i32
      %get3A_726 = arith.index_cast %rem3A_212 : i32 to index
      %get3A_727 = arith.index_cast %get3A_725 : i32 to index
      %get3A_728 = arith.constant 0 : index
      %get3A_729 = tpu.vector_load %arg12[%get3A_726, %get3A_727, %get3A_728] {strides = array<i32>} : memref<8x100x64xf32, #tpu.memory_space<vmem>>, vector<16xf32>,
      %mul3A_730 = arith.mulf %gather3A_724, %get3A_729 : vector<16xf32>
      %add3A_731 = arith.addf %add3A_698, %mul3A_730 : vector<16xf32>
      %get3A_732 = arith.constant 12 : i32
      %get3A_733 = arith.index_cast %rem3A_212 : i32 to index
      %get3A_734 = arith.index_cast %get3A_732 : i32 to index
      %get3A_735 = arith.constant 16 : index
      %get3A_736 = tpu.vector_load %arg12[%get3A_733, %get3A_734, %get3A_735] {strides = array<i32>} : memref<8x100x64xf32, #tpu.memory_space<vmem>>, vector<16xf32>,
      %mul3A_737 = arith.mulf %gather3A_724, %get3A_736 : vector<16xf32>
      %add3A_738 = arith.addf %add3A_705, %mul3A_737 : vector<16xf32>
      %get3A_739 = arith.constant 12 : i32
      %get3A_740 = arith.index_cast %rem3A_212 : i32 to index
      %get3A_741 = arith.index_cast %get3A_739 : i32 to index
      %get3A_742 = arith.constant 32 : index
      %get3A_743 = tpu.vector_load %arg12[%get3A_740, %get3A_741, %get3A_742] {strides = array<i32>} : memref<8x100x64xf32, #tpu.memory_space<vmem>>, vector<16xf32>,
      %mul3A_744 = arith.mulf %gather3A_724, %get3A_743 : vector<16xf32>
      %add3A_745 = arith.addf %add3A_712, %mul3A_744 : vector<16xf32>
      %get3A_746 = arith.constant 12 : i32
      %get3A_747 = arith.index_cast %rem3A_212 : i32 to index
      %get3A_748 = arith.index_cast %get3A_746 : i32 to index
      %get3A_749 = arith.constant 48 : index
      %get3A_750 = tpu.vector_load %arg12[%get3A_747, %get3A_748, %get3A_749] {strides = array<i32>} : memref<8x100x64xf32, #tpu.memory_space<vmem>>, vector<16xf32>,
      %mul3A_751 = arith.mulf %gather3A_724, %get3A_750 : vector<16xf32>
      %add3A_752 = arith.addf %add3A_719, %mul3A_751 : vector<16xf32>
      %broadcast_in_dim3A_753 = arith.constant 13 : i32
      %broadcast_in_dim3A_754 = vector.broadcast %broadcast_in_dim3A_753 : i32 to vector<16xi32>
      %broadcast_in_dim3A_755 = vector.shape_cast %broadcast_in_dim3A_754 : vector<16xi32> to vector<16x1xi32>
      %gather3A_756 = vector.shape_cast %broadcast_in_dim3A_755 : vector<16x1xi32> to vector<16xi32>
      %gather3A_757 = tpu.dynamic_gather %mul3A_248[%gather3A_756] in [0] : vector<16xf32>, vector<16xi32> -> vector<16xf32>
      %get3A_758 = arith.constant 13 : i32
      %get3A_759 = arith.index_cast %rem3A_212 : i32 to index
      %get3A_760 = arith.index_cast %get3A_758 : i32 to index
      %get3A_761 = arith.constant 0 : index
      %get3A_762 = tpu.vector_load %arg12[%get3A_759, %get3A_760, %get3A_761] {strides = array<i32>} : memref<8x100x64xf32, #tpu.memory_space<vmem>>, vector<16xf32>,
      %mul3A_763 = arith.mulf %gather3A_757, %get3A_762 : vector<16xf32>
      %add3A_764 = arith.addf %add3A_731, %mul3A_763 : vector<16xf32>
      %get3A_765 = arith.constant 13 : i32
      %get3A_766 = arith.index_cast %rem3A_212 : i32 to index
      %get3A_767 = arith.index_cast %get3A_765 : i32 to index
      %get3A_768 = arith.constant 16 : index
      %get3A_769 = tpu.vector_load %arg12[%get3A_766, %get3A_767, %get3A_768] {strides = array<i32>} : memref<8x100x64xf32, #tpu.memory_space<vmem>>, vector<16xf32>,
      %mul3A_770 = arith.mulf %gather3A_757, %get3A_769 : vector<16xf32>
      %add3A_771 = arith.addf %add3A_738, %mul3A_770 : vector<16xf32>
      %get3A_772 = arith.constant 13 : i32
      %get3A_773 = arith.index_cast %rem3A_212 : i32 to index
      %get3A_774 = arith.index_cast %get3A_772 : i32 to index
      %get3A_775 = arith.constant 32 : index
      %get3A_776 = tpu.vector_load %arg12[%get3A_773, %get3A_774, %get3A_775] {strides = array<i32>} : memref<8x100x64xf32, #tpu.memory_space<vmem>>, vector<16xf32>,
      %mul3A_777 = arith.mulf %gather3A_757, %get3A_776 : vector<16xf32>
      %add3A_778 = arith.addf %add3A_745, %mul3A_777 : vector<16xf32>
      %get3A_779 = arith.constant 13 : i32
      %get3A_780 = arith.index_cast %rem3A_212 : i32 to index
      %get3A_781 = arith.index_cast %get3A_779 : i32 to index
      %get3A_782 = arith.constant 48 : index
      %get3A_783 = tpu.vector_load %arg12[%get3A_780, %get3A_781, %get3A_782] {strides = array<i32>} : memref<8x100x64xf32, #tpu.memory_space<vmem>>, vector<16xf32>,
      %mul3A_784 = arith.mulf %gather3A_757, %get3A_783 : vector<16xf32>
      %add3A_785 = arith.addf %add3A_752, %mul3A_784 : vector<16xf32>
      %broadcast_in_dim3A_786 = arith.constant 14 : i32
      %broadcast_in_dim3A_787 = vector.broadcast %broadcast_in_dim3A_786 : i32 to vector<16xi32>
      %broadcast_in_dim3A_788 = vector.shape_cast %broadcast_in_dim3A_787 : vector<16xi32> to vector<16x1xi32>
      %gather3A_789 = vector.shape_cast %broadcast_in_dim3A_788 : vector<16x1xi32> to vector<16xi32>
      %gather3A_790 = tpu.dynamic_gather %mul3A_248[%gather3A_789] in [0] : vector<16xf32>, vector<16xi32> -> vector<16xf32>
      %get3A_791 = arith.constant 14 : i32
      %get3A_792 = arith.index_cast %rem3A_212 : i32 to index
      %get3A_793 = arith.index_cast %get3A_791 : i32 to index
      %get3A_794 = arith.constant 0 : index
      %get3A_795 = tpu.vector_load %arg12[%get3A_792, %get3A_793, %get3A_794] {strides = array<i32>} : memref<8x100x64xf32, #tpu.memory_space<vmem>>, vector<16xf32>,
      %mul3A_796 = arith.mulf %gather3A_790, %get3A_795 : vector<16xf32>
      %add3A_797 = arith.addf %add3A_764, %mul3A_796 : vector<16xf32>
      %get3A_798 = arith.constant 14 : i32
      %get3A_799 = arith.index_cast %rem3A_212 : i32 to index
      %get3A_800 = arith.index_cast %get3A_798 : i32 to index
      %get3A_801 = arith.constant 16 : index
      %get3A_802 = tpu.vector_load %arg12[%get3A_799, %get3A_800, %get3A_801] {strides = array<i32>} : memref<8x100x64xf32, #tpu.memory_space<vmem>>, vector<16xf32>,
      %mul3A_803 = arith.mulf %gather3A_790, %get3A_802 : vector<16xf32>
      %add3A_804 = arith.addf %add3A_771, %mul3A_803 : vector<16xf32>
      %get3A_805 = arith.constant 14 : i32
      %get3A_806 = arith.index_cast %rem3A_212 : i32 to index
      %get3A_807 = arith.index_cast %get3A_805 : i32 to index
      %get3A_808 = arith.constant 32 : index
      %get3A_809 = tpu.vector_load %arg12[%get3A_806, %get3A_807, %get3A_808] {strides = array<i32>} : memref<8x100x64xf32, #tpu.memory_space<vmem>>, vector<16xf32>,
      %mul3A_810 = arith.mulf %gather3A_790, %get3A_809 : vector<16xf32>
      %add3A_811 = arith.addf %add3A_778, %mul3A_810 : vector<16xf32>
      %get3A_812 = arith.constant 14 : i32
      %get3A_813 = arith.index_cast %rem3A_212 : i32 to index
      %get3A_814 = arith.index_cast %get3A_812 : i32 to index
      %get3A_815 = arith.constant 48 : index
      %get3A_816 = tpu.vector_load %arg12[%get3A_813, %get3A_814, %get3A_815] {strides = array<i32>} : memref<8x100x64xf32, #tpu.memory_space<vmem>>, vector<16xf32>,
      %mul3A_817 = arith.mulf %gather3A_790, %get3A_816 : vector<16xf32>
      %add3A_818 = arith.addf %add3A_785, %mul3A_817 : vector<16xf32>
      %broadcast_in_dim3A_819 = arith.constant 15 : i32
      %broadcast_in_dim3A_820 = vector.broadcast %broadcast_in_dim3A_819 : i32 to vector<16xi32>
      %broadcast_in_dim3A_821 = vector.shape_cast %broadcast_in_dim3A_820 : vector<16xi32> to vector<16x1xi32>
      %gather3A_822 = vector.shape_cast %broadcast_in_dim3A_821 : vector<16x1xi32> to vector<16xi32>
      %gather3A_823 = tpu.dynamic_gather %mul3A_248[%gather3A_822] in [0] : vector<16xf32>, vector<16xi32> -> vector<16xf32>
      %get3A_824 = arith.constant 15 : i32
      %get3A_825 = arith.index_cast %rem3A_212 : i32 to index
      %get3A_826 = arith.index_cast %get3A_824 : i32 to index
      %get3A_827 = arith.constant 0 : index
      %get3A_828 = tpu.vector_load %arg12[%get3A_825, %get3A_826, %get3A_827] {strides = array<i32>} : memref<8x100x64xf32, #tpu.memory_space<vmem>>, vector<16xf32>,
      %mul3A_829 = arith.mulf %gather3A_823, %get3A_828 : vector<16xf32>
      %add3A_830 = arith.addf %add3A_797, %mul3A_829 : vector<16xf32>
      %get3A_831 = arith.constant 15 : i32
      %get3A_832 = arith.index_cast %rem3A_212 : i32 to index
      %get3A_833 = arith.index_cast %get3A_831 : i32 to index
      %get3A_834 = arith.constant 16 : index
      %get3A_835 = tpu.vector_load %arg12[%get3A_832, %get3A_833, %get3A_834] {strides = array<i32>} : memref<8x100x64xf32, #tpu.memory_space<vmem>>, vector<16xf32>,
      %mul3A_836 = arith.mulf %gather3A_823, %get3A_835 : vector<16xf32>
      %add3A_837 = arith.addf %add3A_804, %mul3A_836 : vector<16xf32>
      %get3A_838 = arith.constant 15 : i32
      %get3A_839 = arith.index_cast %rem3A_212 : i32 to index
      %get3A_840 = arith.index_cast %get3A_838 : i32 to index
      %get3A_841 = arith.constant 32 : index
      %get3A_842 = tpu.vector_load %arg12[%get3A_839, %get3A_840, %get3A_841] {strides = array<i32>} : memref<8x100x64xf32, #tpu.memory_space<vmem>>, vector<16xf32>,
      %mul3A_843 = arith.mulf %gather3A_823, %get3A_842 : vector<16xf32>
      %add3A_844 = arith.addf %add3A_811, %mul3A_843 : vector<16xf32>
      %get3A_845 = arith.constant 15 : i32
      %get3A_846 = arith.index_cast %rem3A_212 : i32 to index
      %get3A_847 = arith.index_cast %get3A_845 : i32 to index
      %get3A_848 = arith.constant 48 : index
      %get3A_849 = tpu.vector_load %arg12[%get3A_846, %get3A_847, %get3A_848] {strides = array<i32>} : memref<8x100x64xf32, #tpu.memory_space<vmem>>, vector<16xf32>,
      %mul3A_850 = arith.mulf %gather3A_823, %get3A_849 : vector<16xf32>
      %add3A_851 = arith.addf %add3A_818, %mul3A_850 : vector<16xf32>
      %broadcast_in_dim3A_852 = arith.constant 0 : i32
      %broadcast_in_dim3A_853 = vector.broadcast %broadcast_in_dim3A_852 : i32 to vector<16xi32>
      %broadcast_in_dim3A_854 = vector.shape_cast %broadcast_in_dim3A_853 : vector<16xi32> to vector<16x1xi32>
      %gather3A_855 = vector.shape_cast %broadcast_in_dim3A_854 : vector<16x1xi32> to vector<16xi32>
      %gather3A_856 = tpu.dynamic_gather %mul3A_260[%gather3A_855] in [0] : vector<16xf32>, vector<16xi32> -> vector<16xf32>
      %get3A_857 = arith.constant 16 : i32
      %get3A_858 = arith.index_cast %rem3A_212 : i32 to index
      %get3A_859 = arith.index_cast %get3A_857 : i32 to index
      %get3A_860 = arith.constant 0 : index
      %get3A_861 = tpu.vector_load %arg12[%get3A_858, %get3A_859, %get3A_860] {strides = array<i32>} : memref<8x100x64xf32, #tpu.memory_space<vmem>>, vector<16xf32>,
      %mul3A_862 = arith.mulf %gather3A_856, %get3A_861 : vector<16xf32>
      %add3A_863 = arith.addf %add3A_830, %mul3A_862 : vector<16xf32>
      %get3A_864 = arith.constant 16 : i32
      %get3A_865 = arith.index_cast %rem3A_212 : i32 to index
      %get3A_866 = arith.index_cast %get3A_864 : i32 to index
      %get3A_867 = arith.constant 16 : index
      %get3A_868 = tpu.vector_load %arg12[%get3A_865, %get3A_866, %get3A_867] {strides = array<i32>} : memref<8x100x64xf32, #tpu.memory_space<vmem>>, vector<16xf32>,
      %mul3A_869 = arith.mulf %gather3A_856, %get3A_868 : vector<16xf32>
      %add3A_870 = arith.addf %add3A_837, %mul3A_869 : vector<16xf32>
      %get3A_871 = arith.constant 16 : i32
      %get3A_872 = arith.index_cast %rem3A_212 : i32 to index
      %get3A_873 = arith.index_cast %get3A_871 : i32 to index
      %get3A_874 = arith.constant 32 : index
      %get3A_875 = tpu.vector_load %arg12[%get3A_872, %get3A_873, %get3A_874] {strides = array<i32>} : memref<8x100x64xf32, #tpu.memory_space<vmem>>, vector<16xf32>,
      %mul3A_876 = arith.mulf %gather3A_856, %get3A_875 : vector<16xf32>
      %add3A_877 = arith.addf %add3A_844, %mul3A_876 : vector<16xf32>
      %get3A_878 = arith.constant 16 : i32
      %get3A_879 = arith.index_cast %rem3A_212 : i32 to index
      %get3A_880 = arith.index_cast %get3A_878 : i32 to index
      %get3A_881 = arith.constant 48 : index
      %get3A_882 = tpu.vector_load %arg12[%get3A_879, %get3A_880, %get3A_881] {strides = array<i32>} : memref<8x100x64xf32, #tpu.memory_space<vmem>>, vector<16xf32>,
      %mul3A_883 = arith.mulf %gather3A_856, %get3A_882 : vector<16xf32>
      %add3A_884 = arith.addf %add3A_851, %mul3A_883 : vector<16xf32>
      %broadcast_in_dim3A_885 = arith.constant 1 : i32
      %broadcast_in_dim3A_886 = vector.broadcast %broadcast_in_dim3A_885 : i32 to vector<16xi32>
      %broadcast_in_dim3A_887 = vector.shape_cast %broadcast_in_dim3A_886 : vector<16xi32> to vector<16x1xi32>
      %gather3A_888 = vector.shape_cast %broadcast_in_dim3A_887 : vector<16x1xi32> to vector<16xi32>
      %gather3A_889 = tpu.dynamic_gather %mul3A_260[%gather3A_888] in [0] : vector<16xf32>, vector<16xi32> -> vector<16xf32>
      %get3A_890 = arith.constant 17 : i32
      %get3A_891 = arith.index_cast %rem3A_212 : i32 to index
      %get3A_892 = arith.index_cast %get3A_890 : i32 to index
      %get3A_893 = arith.constant 0 : index
      %get3A_894 = tpu.vector_load %arg12[%get3A_891, %get3A_892, %get3A_893] {strides = array<i32>} : memref<8x100x64xf32, #tpu.memory_space<vmem>>, vector<16xf32>,
      %mul3A_895 = arith.mulf %gather3A_889, %get3A_894 : vector<16xf32>
      %add3A_896 = arith.addf %add3A_863, %mul3A_895 : vector<16xf32>
      %get3A_897 = arith.constant 17 : i32
      %get3A_898 = arith.index_cast %rem3A_212 : i32 to index
      %get3A_899 = arith.index_cast %get3A_897 : i32 to index
      %get3A_900 = arith.constant 16 : index
      %get3A_901 = tpu.vector_load %arg12[%get3A_898, %get3A_899, %get3A_900] {strides = array<i32>} : memref<8x100x64xf32, #tpu.memory_space<vmem>>, vector<16xf32>,
      %mul3A_902 = arith.mulf %gather3A_889, %get3A_901 : vector<16xf32>
      %add3A_903 = arith.addf %add3A_870, %mul3A_902 : vector<16xf32>
      %get3A_904 = arith.constant 17 : i32
      %get3A_905 = arith.index_cast %rem3A_212 : i32 to index
      %get3A_906 = arith.index_cast %get3A_904 : i32 to index
      %get3A_907 = arith.constant 32 : index
      %get3A_908 = tpu.vector_load %arg12[%get3A_905, %get3A_906, %get3A_907] {strides = array<i32>} : memref<8x100x64xf32, #tpu.memory_space<vmem>>, vector<16xf32>,
      %mul3A_909 = arith.mulf %gather3A_889, %get3A_908 : vector<16xf32>
      %add3A_910 = arith.addf %add3A_877, %mul3A_909 : vector<16xf32>
      %get3A_911 = arith.constant 17 : i32
      %get3A_912 = arith.index_cast %rem3A_212 : i32 to index
      %get3A_913 = arith.index_cast %get3A_911 : i32 to index
      %get3A_914 = arith.constant 48 : index
      %get3A_915 = tpu.vector_load %arg12[%get3A_912, %get3A_913, %get3A_914] {strides = array<i32>} : memref<8x100x64xf32, #tpu.memory_space<vmem>>, vector<16xf32>,
      %mul3A_916 = arith.mulf %gather3A_889, %get3A_915 : vector<16xf32>
      %add3A_917 = arith.addf %add3A_884, %mul3A_916 : vector<16xf32>
      %broadcast_in_dim3A_918 = arith.constant 2 : i32
      %broadcast_in_dim3A_919 = vector.broadcast %broadcast_in_dim3A_918 : i32 to vector<16xi32>
      %broadcast_in_dim3A_920 = vector.shape_cast %broadcast_in_dim3A_919 : vector<16xi32> to vector<16x1xi32>
      %gather3A_921 = vector.shape_cast %broadcast_in_dim3A_920 : vector<16x1xi32> to vector<16xi32>
      %gather3A_922 = tpu.dynamic_gather %mul3A_260[%gather3A_921] in [0] : vector<16xf32>, vector<16xi32> -> vector<16xf32>
      %get3A_923 = arith.constant 18 : i32
      %get3A_924 = arith.index_cast %rem3A_212 : i32 to index
      %get3A_925 = arith.index_cast %get3A_923 : i32 to index
      %get3A_926 = arith.constant 0 : index
      %get3A_927 = tpu.vector_load %arg12[%get3A_924, %get3A_925, %get3A_926] {strides = array<i32>} : memref<8x100x64xf32, #tpu.memory_space<vmem>>, vector<16xf32>,
      %mul3A_928 = arith.mulf %gather3A_922, %get3A_927 : vector<16xf32>
      %add3A_929 = arith.addf %add3A_896, %mul3A_928 : vector<16xf32>
      %get3A_930 = arith.constant 18 : i32
      %get3A_931 = arith.index_cast %rem3A_212 : i32 to index
      %get3A_932 = arith.index_cast %get3A_930 : i32 to index
      %get3A_933 = arith.constant 16 : index
      %get3A_934 = tpu.vector_load %arg12[%get3A_931, %get3A_932, %get3A_933] {strides = array<i32>} : memref<8x100x64xf32, #tpu.memory_space<vmem>>, vector<16xf32>,
      %mul3A_935 = arith.mulf %gather3A_922, %get3A_934 : vector<16xf32>
      %add3A_936 = arith.addf %add3A_903, %mul3A_935 : vector<16xf32>
      %get3A_937 = arith.constant 18 : i32
      %get3A_938 = arith.index_cast %rem3A_212 : i32 to index
      %get3A_939 = arith.index_cast %get3A_937 : i32 to index
      %get3A_940 = arith.constant 32 : index
      %get3A_941 = tpu.vector_load %arg12[%get3A_938, %get3A_939, %get3A_940] {strides = array<i32>} : memref<8x100x64xf32, #tpu.memory_space<vmem>>, vector<16xf32>,
      %mul3A_942 = arith.mulf %gather3A_922, %get3A_941 : vector<16xf32>
      %add3A_943 = arith.addf %add3A_910, %mul3A_942 : vector<16xf32>
      %get3A_944 = arith.constant 18 : i32
      %get3A_945 = arith.index_cast %rem3A_212 : i32 to index
      %get3A_946 = arith.index_cast %get3A_944 : i32 to index
      %get3A_947 = arith.constant 48 : index
      %get3A_948 = tpu.vector_load %arg12[%get3A_945, %get3A_946, %get3A_947] {strides = array<i32>} : memref<8x100x64xf32, #tpu.memory_space<vmem>>, vector<16xf32>,
      %mul3A_949 = arith.mulf %gather3A_922, %get3A_948 : vector<16xf32>
      %add3A_950 = arith.addf %add3A_917, %mul3A_949 : vector<16xf32>
      %broadcast_in_dim3A_951 = arith.constant 3 : i32
      %broadcast_in_dim3A_952 = vector.broadcast %broadcast_in_dim3A_951 : i32 to vector<16xi32>
      %broadcast_in_dim3A_953 = vector.shape_cast %broadcast_in_dim3A_952 : vector<16xi32> to vector<16x1xi32>
      %gather3A_954 = vector.shape_cast %broadcast_in_dim3A_953 : vector<16x1xi32> to vector<16xi32>
      %gather3A_955 = tpu.dynamic_gather %mul3A_260[%gather3A_954] in [0] : vector<16xf32>, vector<16xi32> -> vector<16xf32>
      %get3A_956 = arith.constant 19 : i32
      %get3A_957 = arith.index_cast %rem3A_212 : i32 to index
      %get3A_958 = arith.index_cast %get3A_956 : i32 to index
      %get3A_959 = arith.constant 0 : index
      %get3A_960 = tpu.vector_load %arg12[%get3A_957, %get3A_958, %get3A_959] {strides = array<i32>} : memref<8x100x64xf32, #tpu.memory_space<vmem>>, vector<16xf32>,
      %mul3A_961 = arith.mulf %gather3A_955, %get3A_960 : vector<16xf32>
      %add3A_962 = arith.addf %add3A_929, %mul3A_961 : vector<16xf32>
      %get3A_963 = arith.constant 19 : i32
      %get3A_964 = arith.index_cast %rem3A_212 : i32 to index
      %get3A_965 = arith.index_cast %get3A_963 : i32 to index
      %get3A_966 = arith.constant 16 : index
      %get3A_967 = tpu.vector_load %arg12[%get3A_964, %get3A_965, %get3A_966] {strides = array<i32>} : memref<8x100x64xf32, #tpu.memory_space<vmem>>, vector<16xf32>,
      %mul3A_968 = arith.mulf %gather3A_955, %get3A_967 : vector<16xf32>
      %add3A_969 = arith.addf %add3A_936, %mul3A_968 : vector<16xf32>
      %get3A_970 = arith.constant 19 : i32
      %get3A_971 = arith.index_cast %rem3A_212 : i32 to index
      %get3A_972 = arith.index_cast %get3A_970 : i32 to index
      %get3A_973 = arith.constant 32 : index
      %get3A_974 = tpu.vector_load %arg12[%get3A_971, %get3A_972, %get3A_973] {strides = array<i32>} : memref<8x100x64xf32, #tpu.memory_space<vmem>>, vector<16xf32>,
      %mul3A_975 = arith.mulf %gather3A_955, %get3A_974 : vector<16xf32>
      %add3A_976 = arith.addf %add3A_943, %mul3A_975 : vector<16xf32>
      %get3A_977 = arith.constant 19 : i32
      %get3A_978 = arith.index_cast %rem3A_212 : i32 to index
      %get3A_979 = arith.index_cast %get3A_977 : i32 to index
      %get3A_980 = arith.constant 48 : index
      %get3A_981 = tpu.vector_load %arg12[%get3A_978, %get3A_979, %get3A_980] {strides = array<i32>} : memref<8x100x64xf32, #tpu.memory_space<vmem>>, vector<16xf32>,
      %mul3A_982 = arith.mulf %gather3A_955, %get3A_981 : vector<16xf32>
      %add3A_983 = arith.addf %add3A_950, %mul3A_982 : vector<16xf32>
      %broadcast_in_dim3A_984 = arith.constant 4 : i32
      %broadcast_in_dim3A_985 = vector.broadcast %broadcast_in_dim3A_984 : i32 to vector<16xi32>
      %broadcast_in_dim3A_986 = vector.shape_cast %broadcast_in_dim3A_985 : vector<16xi32> to vector<16x1xi32>
      %gather3A_987 = vector.shape_cast %broadcast_in_dim3A_986 : vector<16x1xi32> to vector<16xi32>
      %gather3A_988 = tpu.dynamic_gather %mul3A_260[%gather3A_987] in [0] : vector<16xf32>, vector<16xi32> -> vector<16xf32>
      %get3A_989 = arith.constant 20 : i32
      %get3A_990 = arith.index_cast %rem3A_212 : i32 to index
      %get3A_991 = arith.index_cast %get3A_989 : i32 to index
      %get3A_992 = arith.constant 0 : index
      %get3A_993 = tpu.vector_load %arg12[%get3A_990, %get3A_991, %get3A_992] {strides = array<i32>} : memref<8x100x64xf32, #tpu.memory_space<vmem>>, vector<16xf32>,
      %mul3A_994 = arith.mulf %gather3A_988, %get3A_993 : vector<16xf32>
      %add3A_995 = arith.addf %add3A_962, %mul3A_994 : vector<16xf32>
      %get3A_996 = arith.constant 20 : i32
      %get3A_997 = arith.index_cast %rem3A_212 : i32 to index
      %get3A_998 = arith.index_cast %get3A_996 : i32 to index
      %get3A_999 = arith.constant 16 : index
      %get3A_1000 = tpu.vector_load %arg12[%get3A_997, %get3A_998, %get3A_999] {strides = array<i32>} : memref<8x100x64xf32, #tpu.memory_space<vmem>>, vector<16xf32>,
      %mul3A_1001 = arith.mulf %gather3A_988, %get3A_1000 : vector<16xf32>
      %add3A_1002 = arith.addf %add3A_969, %mul3A_1001 : vector<16xf32>
      %get3A_1003 = arith.constant 20 : i32
      %get3A_1004 = arith.index_cast %rem3A_212 : i32 to index
      %get3A_1005 = arith.index_cast %get3A_1003 : i32 to index
      %get3A_1006 = arith.constant 32 : index
      %get3A_1007 = tpu.vector_load %arg12[%get3A_1004, %get3A_1005, %get3A_1006] {strides = array<i32>} : memref<8x100x64xf32, #tpu.memory_space<vmem>>, vector<16xf32>,
      %mul3A_1008 = arith.mulf %gather3A_988, %get3A_1007 : vector<16xf32>
      %add3A_1009 = arith.addf %add3A_976, %mul3A_1008 : vector<16xf32>
      %get3A_1010 = arith.constant 20 : i32
      %get3A_1011 = arith.index_cast %rem3A_212 : i32 to index
      %get3A_1012 = arith.index_cast %get3A_1010 : i32 to index
      %get3A_1013 = arith.constant 48 : index
      %get3A_1014 = tpu.vector_load %arg12[%get3A_1011, %get3A_1012, %get3A_1013] {strides = array<i32>} : memref<8x100x64xf32, #tpu.memory_space<vmem>>, vector<16xf32>,
      %mul3A_1015 = arith.mulf %gather3A_988, %get3A_1014 : vector<16xf32>
      %add3A_1016 = arith.addf %add3A_983, %mul3A_1015 : vector<16xf32>
      %broadcast_in_dim3A_1017 = arith.constant 5 : i32
      %broadcast_in_dim3A_1018 = vector.broadcast %broadcast_in_dim3A_1017 : i32 to vector<16xi32>
      %broadcast_in_dim3A_1019 = vector.shape_cast %broadcast_in_dim3A_1018 : vector<16xi32> to vector<16x1xi32>
      %gather3A_1020 = vector.shape_cast %broadcast_in_dim3A_1019 : vector<16x1xi32> to vector<16xi32>
      %gather3A_1021 = tpu.dynamic_gather %mul3A_260[%gather3A_1020] in [0] : vector<16xf32>, vector<16xi32> -> vector<16xf32>
      %get3A_1022 = arith.constant 21 : i32
      %get3A_1023 = arith.index_cast %rem3A_212 : i32 to index
      %get3A_1024 = arith.index_cast %get3A_1022 : i32 to index
      %get3A_1025 = arith.constant 0 : index
      %get3A_1026 = tpu.vector_load %arg12[%get3A_1023, %get3A_1024, %get3A_1025] {strides = array<i32>} : memref<8x100x64xf32, #tpu.memory_space<vmem>>, vector<16xf32>,
      %mul3A_1027 = arith.mulf %gather3A_1021, %get3A_1026 : vector<16xf32>
      %add3A_1028 = arith.addf %add3A_995, %mul3A_1027 : vector<16xf32>
      %get3A_1029 = arith.constant 21 : i32
      %get3A_1030 = arith.index_cast %rem3A_212 : i32 to index
      %get3A_1031 = arith.index_cast %get3A_1029 : i32 to index
      %get3A_1032 = arith.constant 16 : index
      %get3A_1033 = tpu.vector_load %arg12[%get3A_1030, %get3A_1031, %get3A_1032] {strides = array<i32>} : memref<8x100x64xf32, #tpu.memory_space<vmem>>, vector<16xf32>,
      %mul3A_1034 = arith.mulf %gather3A_1021, %get3A_1033 : vector<16xf32>
      %add3A_1035 = arith.addf %add3A_1002, %mul3A_1034 : vector<16xf32>
      %get3A_1036 = arith.constant 21 : i32
      %get3A_1037 = arith.index_cast %rem3A_212 : i32 to index
      %get3A_1038 = arith.index_cast %get3A_1036 : i32 to index
      %get3A_1039 = arith.constant 32 : index
      %get3A_1040 = tpu.vector_load %arg12[%get3A_1037, %get3A_1038, %get3A_1039] {strides = array<i32>} : memref<8x100x64xf32, #tpu.memory_space<vmem>>, vector<16xf32>,
      %mul3A_1041 = arith.mulf %gather3A_1021, %get3A_1040 : vector<16xf32>
      %add3A_1042 = arith.addf %add3A_1009, %mul3A_1041 : vector<16xf32>
      %get3A_1043 = arith.constant 21 : i32
      %get3A_1044 = arith.index_cast %rem3A_212 : i32 to index
      %get3A_1045 = arith.index_cast %get3A_1043 : i32 to index
      %get3A_1046 = arith.constant 48 : index
      %get3A_1047 = tpu.vector_load %arg12[%get3A_1044, %get3A_1045, %get3A_1046] {strides = array<i32>} : memref<8x100x64xf32, #tpu.memory_space<vmem>>, vector<16xf32>,
      %mul3A_1048 = arith.mulf %gather3A_1021, %get3A_1047 : vector<16xf32>
      %add3A_1049 = arith.addf %add3A_1016, %mul3A_1048 : vector<16xf32>
      %broadcast_in_dim3A_1050 = arith.constant 6 : i32
      %broadcast_in_dim3A_1051 = vector.broadcast %broadcast_in_dim3A_1050 : i32 to vector<16xi32>
      %broadcast_in_dim3A_1052 = vector.shape_cast %broadcast_in_dim3A_1051 : vector<16xi32> to vector<16x1xi32>
      %gather3A_1053 = vector.shape_cast %broadcast_in_dim3A_1052 : vector<16x1xi32> to vector<16xi32>
      %gather3A_1054 = tpu.dynamic_gather %mul3A_260[%gather3A_1053] in [0] : vector<16xf32>, vector<16xi32> -> vector<16xf32>
      %get3A_1055 = arith.constant 22 : i32
      %get3A_1056 = arith.index_cast %rem3A_212 : i32 to index
      %get3A_1057 = arith.index_cast %get3A_1055 : i32 to index
      %get3A_1058 = arith.constant 0 : index
      %get3A_1059 = tpu.vector_load %arg12[%get3A_1056, %get3A_1057, %get3A_1058] {strides = array<i32>} : memref<8x100x64xf32, #tpu.memory_space<vmem>>, vector<16xf32>,
      %mul3A_1060 = arith.mulf %gather3A_1054, %get3A_1059 : vector<16xf32>
      %add3A_1061 = arith.addf %add3A_1028, %mul3A_1060 : vector<16xf32>
      %get3A_1062 = arith.constant 22 : i32
      %get3A_1063 = arith.index_cast %rem3A_212 : i32 to index
      %get3A_1064 = arith.index_cast %get3A_1062 : i32 to index
      %get3A_1065 = arith.constant 16 : index
      %get3A_1066 = tpu.vector_load %arg12[%get3A_1063, %get3A_1064, %get3A_1065] {strides = array<i32>} : memref<8x100x64xf32, #tpu.memory_space<vmem>>, vector<16xf32>,
      %mul3A_1067 = arith.mulf %gather3A_1054, %get3A_1066 : vector<16xf32>
      %add3A_1068 = arith.addf %add3A_1035, %mul3A_1067 : vector<16xf32>
      %get3A_1069 = arith.constant 22 : i32
      %get3A_1070 = arith.index_cast %rem3A_212 : i32 to index
      %get3A_1071 = arith.index_cast %get3A_1069 : i32 to index
      %get3A_1072 = arith.constant 32 : index
      %get3A_1073 = tpu.vector_load %arg12[%get3A_1070, %get3A_1071, %get3A_1072] {strides = array<i32>} : memref<8x100x64xf32, #tpu.memory_space<vmem>>, vector<16xf32>,
      %mul3A_1074 = arith.mulf %gather3A_1054, %get3A_1073 : vector<16xf32>
      %add3A_1075 = arith.addf %add3A_1042, %mul3A_1074 : vector<16xf32>
      %get3A_1076 = arith.constant 22 : i32
      %get3A_1077 = arith.index_cast %rem3A_212 : i32 to index
      %get3A_1078 = arith.index_cast %get3A_1076 : i32 to index
      %get3A_1079 = arith.constant 48 : index
      %get3A_1080 = tpu.vector_load %arg12[%get3A_1077, %get3A_1078, %get3A_1079] {strides = array<i32>} : memref<8x100x64xf32, #tpu.memory_space<vmem>>, vector<16xf32>,
      %mul3A_1081 = arith.mulf %gather3A_1054, %get3A_1080 : vector<16xf32>
      %add3A_1082 = arith.addf %add3A_1049, %mul3A_1081 : vector<16xf32>
      %broadcast_in_dim3A_1083 = arith.constant 7 : i32
      %broadcast_in_dim3A_1084 = vector.broadcast %broadcast_in_dim3A_1083 : i32 to vector<16xi32>
      %broadcast_in_dim3A_1085 = vector.shape_cast %broadcast_in_dim3A_1084 : vector<16xi32> to vector<16x1xi32>
      %gather3A_1086 = vector.shape_cast %broadcast_in_dim3A_1085 : vector<16x1xi32> to vector<16xi32>
      %gather3A_1087 = tpu.dynamic_gather %mul3A_260[%gather3A_1086] in [0] : vector<16xf32>, vector<16xi32> -> vector<16xf32>
      %get3A_1088 = arith.constant 23 : i32
      %get3A_1089 = arith.index_cast %rem3A_212 : i32 to index
      %get3A_1090 = arith.index_cast %get3A_1088 : i32 to index
      %get3A_1091 = arith.constant 0 : index
      %get3A_1092 = tpu.vector_load %arg12[%get3A_1089, %get3A_1090, %get3A_1091] {strides = array<i32>} : memref<8x100x64xf32, #tpu.memory_space<vmem>>, vector<16xf32>,
      %mul3A_1093 = arith.mulf %gather3A_1087, %get3A_1092 : vector<16xf32>
      %add3A_1094 = arith.addf %add3A_1061, %mul3A_1093 : vector<16xf32>
      %get3A_1095 = arith.constant 23 : i32
      %get3A_1096 = arith.index_cast %rem3A_212 : i32 to index
      %get3A_1097 = arith.index_cast %get3A_1095 : i32 to index
      %get3A_1098 = arith.constant 16 : index
      %get3A_1099 = tpu.vector_load %arg12[%get3A_1096, %get3A_1097, %get3A_1098] {strides = array<i32>} : memref<8x100x64xf32, #tpu.memory_space<vmem>>, vector<16xf32>,
      %mul3A_1100 = arith.mulf %gather3A_1087, %get3A_1099 : vector<16xf32>
      %add3A_1101 = arith.addf %add3A_1068, %mul3A_1100 : vector<16xf32>
      %get3A_1102 = arith.constant 23 : i32
      %get3A_1103 = arith.index_cast %rem3A_212 : i32 to index
      %get3A_1104 = arith.index_cast %get3A_1102 : i32 to index
      %get3A_1105 = arith.constant 32 : index
      %get3A_1106 = tpu.vector_load %arg12[%get3A_1103, %get3A_1104, %get3A_1105] {strides = array<i32>} : memref<8x100x64xf32, #tpu.memory_space<vmem>>, vector<16xf32>,
      %mul3A_1107 = arith.mulf %gather3A_1087, %get3A_1106 : vector<16xf32>
      %add3A_1108 = arith.addf %add3A_1075, %mul3A_1107 : vector<16xf32>
      %get3A_1109 = arith.constant 23 : i32
      %get3A_1110 = arith.index_cast %rem3A_212 : i32 to index
      %get3A_1111 = arith.index_cast %get3A_1109 : i32 to index
      %get3A_1112 = arith.constant 48 : index
      %get3A_1113 = tpu.vector_load %arg12[%get3A_1110, %get3A_1111, %get3A_1112] {strides = array<i32>} : memref<8x100x64xf32, #tpu.memory_space<vmem>>, vector<16xf32>,
      %mul3A_1114 = arith.mulf %gather3A_1087, %get3A_1113 : vector<16xf32>
      %add3A_1115 = arith.addf %add3A_1082, %mul3A_1114 : vector<16xf32>
      %broadcast_in_dim3A_1116 = arith.constant 8 : i32
      %broadcast_in_dim3A_1117 = vector.broadcast %broadcast_in_dim3A_1116 : i32 to vector<16xi32>
      %broadcast_in_dim3A_1118 = vector.shape_cast %broadcast_in_dim3A_1117 : vector<16xi32> to vector<16x1xi32>
      %gather3A_1119 = vector.shape_cast %broadcast_in_dim3A_1118 : vector<16x1xi32> to vector<16xi32>
      %gather3A_1120 = tpu.dynamic_gather %mul3A_260[%gather3A_1119] in [0] : vector<16xf32>, vector<16xi32> -> vector<16xf32>
      %get3A_1121 = arith.constant 24 : i32
      %get3A_1122 = arith.index_cast %rem3A_212 : i32 to index
      %get3A_1123 = arith.index_cast %get3A_1121 : i32 to index
      %get3A_1124 = arith.constant 0 : index
      %get3A_1125 = tpu.vector_load %arg12[%get3A_1122, %get3A_1123, %get3A_1124] {strides = array<i32>} : memref<8x100x64xf32, #tpu.memory_space<vmem>>, vector<16xf32>,
      %mul3A_1126 = arith.mulf %gather3A_1120, %get3A_1125 : vector<16xf32>
      %add3A_1127 = arith.addf %add3A_1094, %mul3A_1126 : vector<16xf32>
      %get3A_1128 = arith.constant 24 : i32
      %get3A_1129 = arith.index_cast %rem3A_212 : i32 to index
      %get3A_1130 = arith.index_cast %get3A_1128 : i32 to index
      %get3A_1131 = arith.constant 16 : index
      %get3A_1132 = tpu.vector_load %arg12[%get3A_1129, %get3A_1130, %get3A_1131] {strides = array<i32>} : memref<8x100x64xf32, #tpu.memory_space<vmem>>, vector<16xf32>,
      %mul3A_1133 = arith.mulf %gather3A_1120, %get3A_1132 : vector<16xf32>
      %add3A_1134 = arith.addf %add3A_1101, %mul3A_1133 : vector<16xf32>
      %get3A_1135 = arith.constant 24 : i32
      %get3A_1136 = arith.index_cast %rem3A_212 : i32 to index
      %get3A_1137 = arith.index_cast %get3A_1135 : i32 to index
      %get3A_1138 = arith.constant 32 : index
      %get3A_1139 = tpu.vector_load %arg12[%get3A_1136, %get3A_1137, %get3A_1138] {strides = array<i32>} : memref<8x100x64xf32, #tpu.memory_space<vmem>>, vector<16xf32>,
      %mul3A_1140 = arith.mulf %gather3A_1120, %get3A_1139 : vector<16xf32>
      %add3A_1141 = arith.addf %add3A_1108, %mul3A_1140 : vector<16xf32>
      %get3A_1142 = arith.constant 24 : i32
      %get3A_1143 = arith.index_cast %rem3A_212 : i32 to index
      %get3A_1144 = arith.index_cast %get3A_1142 : i32 to index
      %get3A_1145 = arith.constant 48 : index
      %get3A_1146 = tpu.vector_load %arg12[%get3A_1143, %get3A_1144, %get3A_1145] {strides = array<i32>} : memref<8x100x64xf32, #tpu.memory_space<vmem>>, vector<16xf32>,
      %mul3A_1147 = arith.mulf %gather3A_1120, %get3A_1146 : vector<16xf32>
      %add3A_1148 = arith.addf %add3A_1115, %mul3A_1147 : vector<16xf32>
      %broadcast_in_dim3A_1149 = arith.constant 9 : i32
      %broadcast_in_dim3A_1150 = vector.broadcast %broadcast_in_dim3A_1149 : i32 to vector<16xi32>
      %broadcast_in_dim3A_1151 = vector.shape_cast %broadcast_in_dim3A_1150 : vector<16xi32> to vector<16x1xi32>
      %gather3A_1152 = vector.shape_cast %broadcast_in_dim3A_1151 : vector<16x1xi32> to vector<16xi32>
      %gather3A_1153 = tpu.dynamic_gather %mul3A_260[%gather3A_1152] in [0] : vector<16xf32>, vector<16xi32> -> vector<16xf32>
      %get3A_1154 = arith.constant 25 : i32
      %get3A_1155 = arith.index_cast %rem3A_212 : i32 to index
      %get3A_1156 = arith.index_cast %get3A_1154 : i32 to index
      %get3A_1157 = arith.constant 0 : index
      %get3A_1158 = tpu.vector_load %arg12[%get3A_1155, %get3A_1156, %get3A_1157] {strides = array<i32>} : memref<8x100x64xf32, #tpu.memory_space<vmem>>, vector<16xf32>,
      %mul3A_1159 = arith.mulf %gather3A_1153, %get3A_1158 : vector<16xf32>
      %add3A_1160 = arith.addf %add3A_1127, %mul3A_1159 : vector<16xf32>
      %get3A_1161 = arith.constant 25 : i32
      %get3A_1162 = arith.index_cast %rem3A_212 : i32 to index
      %get3A_1163 = arith.index_cast %get3A_1161 : i32 to index
      %get3A_1164 = arith.constant 16 : index
      %get3A_1165 = tpu.vector_load %arg12[%get3A_1162, %get3A_1163, %get3A_1164] {strides = array<i32>} : memref<8x100x64xf32, #tpu.memory_space<vmem>>, vector<16xf32>,
      %mul3A_1166 = arith.mulf %gather3A_1153, %get3A_1165 : vector<16xf32>
      %add3A_1167 = arith.addf %add3A_1134, %mul3A_1166 : vector<16xf32>
      %get3A_1168 = arith.constant 25 : i32
      %get3A_1169 = arith.index_cast %rem3A_212 : i32 to index
      %get3A_1170 = arith.index_cast %get3A_1168 : i32 to index
      %get3A_1171 = arith.constant 32 : index
      %get3A_1172 = tpu.vector_load %arg12[%get3A_1169, %get3A_1170, %get3A_1171] {strides = array<i32>} : memref<8x100x64xf32, #tpu.memory_space<vmem>>, vector<16xf32>,
      %mul3A_1173 = arith.mulf %gather3A_1153, %get3A_1172 : vector<16xf32>
      %add3A_1174 = arith.addf %add3A_1141, %mul3A_1173 : vector<16xf32>
      %get3A_1175 = arith.constant 25 : i32
      %get3A_1176 = arith.index_cast %rem3A_212 : i32 to index
      %get3A_1177 = arith.index_cast %get3A_1175 : i32 to index
      %get3A_1178 = arith.constant 48 : index
      %get3A_1179 = tpu.vector_load %arg12[%get3A_1176, %get3A_1177, %get3A_1178] {strides = array<i32>} : memref<8x100x64xf32, #tpu.memory_space<vmem>>, vector<16xf32>,
      %mul3A_1180 = arith.mulf %gather3A_1153, %get3A_1179 : vector<16xf32>
      %add3A_1181 = arith.addf %add3A_1148, %mul3A_1180 : vector<16xf32>
      %broadcast_in_dim3A_1182 = arith.constant 10 : i32
      %broadcast_in_dim3A_1183 = vector.broadcast %broadcast_in_dim3A_1182 : i32 to vector<16xi32>
      %broadcast_in_dim3A_1184 = vector.shape_cast %broadcast_in_dim3A_1183 : vector<16xi32> to vector<16x1xi32>
      %gather3A_1185 = vector.shape_cast %broadcast_in_dim3A_1184 : vector<16x1xi32> to vector<16xi32>
      %gather3A_1186 = tpu.dynamic_gather %mul3A_260[%gather3A_1185] in [0] : vector<16xf32>, vector<16xi32> -> vector<16xf32>
      %get3A_1187 = arith.constant 26 : i32
      %get3A_1188 = arith.index_cast %rem3A_212 : i32 to index
      %get3A_1189 = arith.index_cast %get3A_1187 : i32 to index
      %get3A_1190 = arith.constant 0 : index
      %get3A_1191 = tpu.vector_load %arg12[%get3A_1188, %get3A_1189, %get3A_1190] {strides = array<i32>} : memref<8x100x64xf32, #tpu.memory_space<vmem>>, vector<16xf32>,
      %mul3A_1192 = arith.mulf %gather3A_1186, %get3A_1191 : vector<16xf32>
      %add3A_1193 = arith.addf %add3A_1160, %mul3A_1192 : vector<16xf32>
      %get3A_1194 = arith.constant 26 : i32
      %get3A_1195 = arith.index_cast %rem3A_212 : i32 to index
      %get3A_1196 = arith.index_cast %get3A_1194 : i32 to index
      %get3A_1197 = arith.constant 16 : index
      %get3A_1198 = tpu.vector_load %arg12[%get3A_1195, %get3A_1196, %get3A_1197] {strides = array<i32>} : memref<8x100x64xf32, #tpu.memory_space<vmem>>, vector<16xf32>,
      %mul3A_1199 = arith.mulf %gather3A_1186, %get3A_1198 : vector<16xf32>
      %add3A_1200 = arith.addf %add3A_1167, %mul3A_1199 : vector<16xf32>
      %get3A_1201 = arith.constant 26 : i32
      %get3A_1202 = arith.index_cast %rem3A_212 : i32 to index
      %get3A_1203 = arith.index_cast %get3A_1201 : i32 to index
      %get3A_1204 = arith.constant 32 : index
      %get3A_1205 = tpu.vector_load %arg12[%get3A_1202, %get3A_1203, %get3A_1204] {strides = array<i32>} : memref<8x100x64xf32, #tpu.memory_space<vmem>>, vector<16xf32>,
      %mul3A_1206 = arith.mulf %gather3A_1186, %get3A_1205 : vector<16xf32>
      %add3A_1207 = arith.addf %add3A_1174, %mul3A_1206 : vector<16xf32>
      %get3A_1208 = arith.constant 26 : i32
      %get3A_1209 = arith.index_cast %rem3A_212 : i32 to index
      %get3A_1210 = arith.index_cast %get3A_1208 : i32 to index
      %get3A_1211 = arith.constant 48 : index
      %get3A_1212 = tpu.vector_load %arg12[%get3A_1209, %get3A_1210, %get3A_1211] {strides = array<i32>} : memref<8x100x64xf32, #tpu.memory_space<vmem>>, vector<16xf32>,
      %mul3A_1213 = arith.mulf %gather3A_1186, %get3A_1212 : vector<16xf32>
      %add3A_1214 = arith.addf %add3A_1181, %mul3A_1213 : vector<16xf32>
      %broadcast_in_dim3A_1215 = arith.constant 11 : i32
      %broadcast_in_dim3A_1216 = vector.broadcast %broadcast_in_dim3A_1215 : i32 to vector<16xi32>
      %broadcast_in_dim3A_1217 = vector.shape_cast %broadcast_in_dim3A_1216 : vector<16xi32> to vector<16x1xi32>
      %gather3A_1218 = vector.shape_cast %broadcast_in_dim3A_1217 : vector<16x1xi32> to vector<16xi32>
      %gather3A_1219 = tpu.dynamic_gather %mul3A_260[%gather3A_1218] in [0] : vector<16xf32>, vector<16xi32> -> vector<16xf32>
      %get3A_1220 = arith.constant 27 : i32
      %get3A_1221 = arith.index_cast %rem3A_212 : i32 to index
      %get3A_1222 = arith.index_cast %get3A_1220 : i32 to index
      %get3A_1223 = arith.constant 0 : index
      %get3A_1224 = tpu.vector_load %arg12[%get3A_1221, %get3A_1222, %get3A_1223] {strides = array<i32>} : memref<8x100x64xf32, #tpu.memory_space<vmem>>, vector<16xf32>,
      %mul3A_1225 = arith.mulf %gather3A_1219, %get3A_1224 : vector<16xf32>
      %add3A_1226 = arith.addf %add3A_1193, %mul3A_1225 : vector<16xf32>
      %get3A_1227 = arith.constant 27 : i32
      %get3A_1228 = arith.index_cast %rem3A_212 : i32 to index
      %get3A_1229 = arith.index_cast %get3A_1227 : i32 to index
      %get3A_1230 = arith.constant 16 : index
      %get3A_1231 = tpu.vector_load %arg12[%get3A_1228, %get3A_1229, %get3A_1230] {strides = array<i32>} : memref<8x100x64xf32, #tpu.memory_space<vmem>>, vector<16xf32>,
      %mul3A_1232 = arith.mulf %gather3A_1219, %get3A_1231 : vector<16xf32>
      %add3A_1233 = arith.addf %add3A_1200, %mul3A_1232 : vector<16xf32>
      %get3A_1234 = arith.constant 27 : i32
      %get3A_1235 = arith.index_cast %rem3A_212 : i32 to index
      %get3A_1236 = arith.index_cast %get3A_1234 : i32 to index
      %get3A_1237 = arith.constant 32 : index
      %get3A_1238 = tpu.vector_load %arg12[%get3A_1235, %get3A_1236, %get3A_1237] {strides = array<i32>} : memref<8x100x64xf32, #tpu.memory_space<vmem>>, vector<16xf32>,
      %mul3A_1239 = arith.mulf %gather3A_1219, %get3A_1238 : vector<16xf32>
      %add3A_1240 = arith.addf %add3A_1207, %mul3A_1239 : vector<16xf32>
      %get3A_1241 = arith.constant 27 : i32
      %get3A_1242 = arith.index_cast %rem3A_212 : i32 to index
      %get3A_1243 = arith.index_cast %get3A_1241 : i32 to index
      %get3A_1244 = arith.constant 48 : index
      %get3A_1245 = tpu.vector_load %arg12[%get3A_1242, %get3A_1243, %get3A_1244] {strides = array<i32>} : memref<8x100x64xf32, #tpu.memory_space<vmem>>, vector<16xf32>,
      %mul3A_1246 = arith.mulf %gather3A_1219, %get3A_1245 : vector<16xf32>
      %add3A_1247 = arith.addf %add3A_1214, %mul3A_1246 : vector<16xf32>
      %broadcast_in_dim3A_1248 = arith.constant 12 : i32
      %broadcast_in_dim3A_1249 = vector.broadcast %broadcast_in_dim3A_1248 : i32 to vector<16xi32>
      %broadcast_in_dim3A_1250 = vector.shape_cast %broadcast_in_dim3A_1249 : vector<16xi32> to vector<16x1xi32>
      %gather3A_1251 = vector.shape_cast %broadcast_in_dim3A_1250 : vector<16x1xi32> to vector<16xi32>
      %gather3A_1252 = tpu.dynamic_gather %mul3A_260[%gather3A_1251] in [0] : vector<16xf32>, vector<16xi32> -> vector<16xf32>
      %get3A_1253 = arith.constant 28 : i32
      %get3A_1254 = arith.index_cast %rem3A_212 : i32 to index
      %get3A_1255 = arith.index_cast %get3A_1253 : i32 to index
      %get3A_1256 = arith.constant 0 : index
      %get3A_1257 = tpu.vector_load %arg12[%get3A_1254, %get3A_1255, %get3A_1256] {strides = array<i32>} : memref<8x100x64xf32, #tpu.memory_space<vmem>>, vector<16xf32>,
      %mul3A_1258 = arith.mulf %gather3A_1252, %get3A_1257 : vector<16xf32>
      %add3A_1259 = arith.addf %add3A_1226, %mul3A_1258 : vector<16xf32>
      %get3A_1260 = arith.constant 28 : i32
      %get3A_1261 = arith.index_cast %rem3A_212 : i32 to index
      %get3A_1262 = arith.index_cast %get3A_1260 : i32 to index
      %get3A_1263 = arith.constant 16 : index
      %get3A_1264 = tpu.vector_load %arg12[%get3A_1261, %get3A_1262, %get3A_1263] {strides = array<i32>} : memref<8x100x64xf32, #tpu.memory_space<vmem>>, vector<16xf32>,
      %mul3A_1265 = arith.mulf %gather3A_1252, %get3A_1264 : vector<16xf32>
      %add3A_1266 = arith.addf %add3A_1233, %mul3A_1265 : vector<16xf32>
      %get3A_1267 = arith.constant 28 : i32
      %get3A_1268 = arith.index_cast %rem3A_212 : i32 to index
      %get3A_1269 = arith.index_cast %get3A_1267 : i32 to index
      %get3A_1270 = arith.constant 32 : index
      %get3A_1271 = tpu.vector_load %arg12[%get3A_1268, %get3A_1269, %get3A_1270] {strides = array<i32>} : memref<8x100x64xf32, #tpu.memory_space<vmem>>, vector<16xf32>,
      %mul3A_1272 = arith.mulf %gather3A_1252, %get3A_1271 : vector<16xf32>
      %add3A_1273 = arith.addf %add3A_1240, %mul3A_1272 : vector<16xf32>
      %get3A_1274 = arith.constant 28 : i32
      %get3A_1275 = arith.index_cast %rem3A_212 : i32 to index
      %get3A_1276 = arith.index_cast %get3A_1274 : i32 to index
      %get3A_1277 = arith.constant 48 : index
      %get3A_1278 = tpu.vector_load %arg12[%get3A_1275, %get3A_1276, %get3A_1277] {strides = array<i32>} : memref<8x100x64xf32, #tpu.memory_space<vmem>>, vector<16xf32>,
      %mul3A_1279 = arith.mulf %gather3A_1252, %get3A_1278 : vector<16xf32>
      %add3A_1280 = arith.addf %add3A_1247, %mul3A_1279 : vector<16xf32>
      %broadcast_in_dim3A_1281 = arith.constant 13 : i32
      %broadcast_in_dim3A_1282 = vector.broadcast %broadcast_in_dim3A_1281 : i32 to vector<16xi32>
      %broadcast_in_dim3A_1283 = vector.shape_cast %broadcast_in_dim3A_1282 : vector<16xi32> to vector<16x1xi32>
      %gather3A_1284 = vector.shape_cast %broadcast_in_dim3A_1283 : vector<16x1xi32> to vector<16xi32>
      %gather3A_1285 = tpu.dynamic_gather %mul3A_260[%gather3A_1284] in [0] : vector<16xf32>, vector<16xi32> -> vector<16xf32>
      %get3A_1286 = arith.constant 29 : i32
      %get3A_1287 = arith.index_cast %rem3A_212 : i32 to index
      %get3A_1288 = arith.index_cast %get3A_1286 : i32 to index
      %get3A_1289 = arith.constant 0 : index
      %get3A_1290 = tpu.vector_load %arg12[%get3A_1287, %get3A_1288, %get3A_1289] {strides = array<i32>} : memref<8x100x64xf32, #tpu.memory_space<vmem>>, vector<16xf32>,
      %mul3A_1291 = arith.mulf %gather3A_1285, %get3A_1290 : vector<16xf32>
      %add3A_1292 = arith.addf %add3A_1259, %mul3A_1291 : vector<16xf32>
      %get3A_1293 = arith.constant 29 : i32
      %get3A_1294 = arith.index_cast %rem3A_212 : i32 to index
      %get3A_1295 = arith.index_cast %get3A_1293 : i32 to index
      %get3A_1296 = arith.constant 16 : index
      %get3A_1297 = tpu.vector_load %arg12[%get3A_1294, %get3A_1295, %get3A_1296] {strides = array<i32>} : memref<8x100x64xf32, #tpu.memory_space<vmem>>, vector<16xf32>,
      %mul3A_1298 = arith.mulf %gather3A_1285, %get3A_1297 : vector<16xf32>
      %add3A_1299 = arith.addf %add3A_1266, %mul3A_1298 : vector<16xf32>
      %get3A_1300 = arith.constant 29 : i32
      %get3A_1301 = arith.index_cast %rem3A_212 : i32 to index
      %get3A_1302 = arith.index_cast %get3A_1300 : i32 to index
      %get3A_1303 = arith.constant 32 : index
      %get3A_1304 = tpu.vector_load %arg12[%get3A_1301, %get3A_1302, %get3A_1303] {strides = array<i32>} : memref<8x100x64xf32, #tpu.memory_space<vmem>>, vector<16xf32>,
      %mul3A_1305 = arith.mulf %gather3A_1285, %get3A_1304 : vector<16xf32>
      %add3A_1306 = arith.addf %add3A_1273, %mul3A_1305 : vector<16xf32>
      %get3A_1307 = arith.constant 29 : i32
      %get3A_1308 = arith.index_cast %rem3A_212 : i32 to index
      %get3A_1309 = arith.index_cast %get3A_1307 : i32 to index
      %get3A_1310 = arith.constant 48 : index
      %get3A_1311 = tpu.vector_load %arg12[%get3A_1308, %get3A_1309, %get3A_1310] {strides = array<i32>} : memref<8x100x64xf32, #tpu.memory_space<vmem>>, vector<16xf32>,
      %mul3A_1312 = arith.mulf %gather3A_1285, %get3A_1311 : vector<16xf32>
      %add3A_1313 = arith.addf %add3A_1280, %mul3A_1312 : vector<16xf32>
      %broadcast_in_dim3A_1314 = arith.constant 14 : i32
      %broadcast_in_dim3A_1315 = vector.broadcast %broadcast_in_dim3A_1314 : i32 to vector<16xi32>
      %broadcast_in_dim3A_1316 = vector.shape_cast %broadcast_in_dim3A_1315 : vector<16xi32> to vector<16x1xi32>
      %gather3A_1317 = vector.shape_cast %broadcast_in_dim3A_1316 : vector<16x1xi32> to vector<16xi32>
      %gather3A_1318 = tpu.dynamic_gather %mul3A_260[%gather3A_1317] in [0] : vector<16xf32>, vector<16xi32> -> vector<16xf32>
      %get3A_1319 = arith.constant 30 : i32
      %get3A_1320 = arith.index_cast %rem3A_212 : i32 to index
      %get3A_1321 = arith.index_cast %get3A_1319 : i32 to index
      %get3A_1322 = arith.constant 0 : index
      %get3A_1323 = tpu.vector_load %arg12[%get3A_1320, %get3A_1321, %get3A_1322] {strides = array<i32>} : memref<8x100x64xf32, #tpu.memory_space<vmem>>, vector<16xf32>,
      %mul3A_1324 = arith.mulf %gather3A_1318, %get3A_1323 : vector<16xf32>
      %add3A_1325 = arith.addf %add3A_1292, %mul3A_1324 : vector<16xf32>
      %get3A_1326 = arith.constant 30 : i32
      %get3A_1327 = arith.index_cast %rem3A_212 : i32 to index
      %get3A_1328 = arith.index_cast %get3A_1326 : i32 to index
      %get3A_1329 = arith.constant 16 : index
      %get3A_1330 = tpu.vector_load %arg12[%get3A_1327, %get3A_1328, %get3A_1329] {strides = array<i32>} : memref<8x100x64xf32, #tpu.memory_space<vmem>>, vector<16xf32>,
      %mul3A_1331 = arith.mulf %gather3A_1318, %get3A_1330 : vector<16xf32>
      %add3A_1332 = arith.addf %add3A_1299, %mul3A_1331 : vector<16xf32>
      %get3A_1333 = arith.constant 30 : i32
      %get3A_1334 = arith.index_cast %rem3A_212 : i32 to index
      %get3A_1335 = arith.index_cast %get3A_1333 : i32 to index
      %get3A_1336 = arith.constant 32 : index
      %get3A_1337 = tpu.vector_load %arg12[%get3A_1334, %get3A_1335, %get3A_1336] {strides = array<i32>} : memref<8x100x64xf32, #tpu.memory_space<vmem>>, vector<16xf32>,
      %mul3A_1338 = arith.mulf %gather3A_1318, %get3A_1337 : vector<16xf32>
      %add3A_1339 = arith.addf %add3A_1306, %mul3A_1338 : vector<16xf32>
      %get3A_1340 = arith.constant 30 : i32
      %get3A_1341 = arith.index_cast %rem3A_212 : i32 to index
      %get3A_1342 = arith.index_cast %get3A_1340 : i32 to index
      %get3A_1343 = arith.constant 48 : index
      %get3A_1344 = tpu.vector_load %arg12[%get3A_1341, %get3A_1342, %get3A_1343] {strides = array<i32>} : memref<8x100x64xf32, #tpu.memory_space<vmem>>, vector<16xf32>,
      %mul3A_1345 = arith.mulf %gather3A_1318, %get3A_1344 : vector<16xf32>
      %add3A_1346 = arith.addf %add3A_1313, %mul3A_1345 : vector<16xf32>
      %broadcast_in_dim3A_1347 = arith.constant 15 : i32
      %broadcast_in_dim3A_1348 = vector.broadcast %broadcast_in_dim3A_1347 : i32 to vector<16xi32>
      %broadcast_in_dim3A_1349 = vector.shape_cast %broadcast_in_dim3A_1348 : vector<16xi32> to vector<16x1xi32>
      %gather3A_1350 = vector.shape_cast %broadcast_in_dim3A_1349 : vector<16x1xi32> to vector<16xi32>
      %gather3A_1351 = tpu.dynamic_gather %mul3A_260[%gather3A_1350] in [0] : vector<16xf32>, vector<16xi32> -> vector<16xf32>
      %get3A_1352 = arith.constant 31 : i32
      %get3A_1353 = arith.index_cast %rem3A_212 : i32 to index
      %get3A_1354 = arith.index_cast %get3A_1352 : i32 to index
      %get3A_1355 = arith.constant 0 : index
      %get3A_1356 = tpu.vector_load %arg12[%get3A_1353, %get3A_1354, %get3A_1355] {strides = array<i32>} : memref<8x100x64xf32, #tpu.memory_space<vmem>>, vector<16xf32>,
      %mul3A_1357 = arith.mulf %gather3A_1351, %get3A_1356 : vector<16xf32>
      %add3A_1358 = arith.addf %add3A_1325, %mul3A_1357 : vector<16xf32>
      %get3A_1359 = arith.constant 31 : i32
      %get3A_1360 = arith.index_cast %rem3A_212 : i32 to index
      %get3A_1361 = arith.index_cast %get3A_1359 : i32 to index
      %get3A_1362 = arith.constant 16 : index
      %get3A_1363 = tpu.vector_load %arg12[%get3A_1360, %get3A_1361, %get3A_1362] {strides = array<i32>} : memref<8x100x64xf32, #tpu.memory_space<vmem>>, vector<16xf32>,
      %mul3A_1364 = arith.mulf %gather3A_1351, %get3A_1363 : vector<16xf32>
      %add3A_1365 = arith.addf %add3A_1332, %mul3A_1364 : vector<16xf32>
      %get3A_1366 = arith.constant 31 : i32
      %get3A_1367 = arith.index_cast %rem3A_212 : i32 to index
      %get3A_1368 = arith.index_cast %get3A_1366 : i32 to index
      %get3A_1369 = arith.constant 32 : index
      %get3A_1370 = tpu.vector_load %arg12[%get3A_1367, %get3A_1368, %get3A_1369] {strides = array<i32>} : memref<8x100x64xf32, #tpu.memory_space<vmem>>, vector<16xf32>,
      %mul3A_1371 = arith.mulf %gather3A_1351, %get3A_1370 : vector<16xf32>
      %add3A_1372 = arith.addf %add3A_1339, %mul3A_1371 : vector<16xf32>
      %get3A_1373 = arith.constant 31 : i32
      %get3A_1374 = arith.index_cast %rem3A_212 : i32 to index
      %get3A_1375 = arith.index_cast %get3A_1373 : i32 to index
      %get3A_1376 = arith.constant 48 : index
      %get3A_1377 = tpu.vector_load %arg12[%get3A_1374, %get3A_1375, %get3A_1376] {strides = array<i32>} : memref<8x100x64xf32, #tpu.memory_space<vmem>>, vector<16xf32>,
      %mul3A_1378 = arith.mulf %gather3A_1351, %get3A_1377 : vector<16xf32>
      %add3A_1379 = arith.addf %add3A_1346, %mul3A_1378 : vector<16xf32>
      %broadcast_in_dim3A_1380 = arith.constant 0 : i32
      %broadcast_in_dim3A_1381 = vector.broadcast %broadcast_in_dim3A_1380 : i32 to vector<16xi32>
      %broadcast_in_dim3A_1382 = vector.shape_cast %broadcast_in_dim3A_1381 : vector<16xi32> to vector<16x1xi32>
      %gather3A_1383 = vector.shape_cast %broadcast_in_dim3A_1382 : vector<16x1xi32> to vector<16xi32>
      %gather3A_1384 = tpu.dynamic_gather %mul3A_272[%gather3A_1383] in [0] : vector<16xf32>, vector<16xi32> -> vector<16xf32>
      %get3A_1385 = arith.constant 32 : i32
      %get3A_1386 = arith.index_cast %rem3A_212 : i32 to index
      %get3A_1387 = arith.index_cast %get3A_1385 : i32 to index
      %get3A_1388 = arith.constant 0 : index
      %get3A_1389 = tpu.vector_load %arg12[%get3A_1386, %get3A_1387, %get3A_1388] {strides = array<i32>} : memref<8x100x64xf32, #tpu.memory_space<vmem>>, vector<16xf32>,
      %mul3A_1390 = arith.mulf %gather3A_1384, %get3A_1389 : vector<16xf32>
      %add3A_1391 = arith.addf %add3A_1358, %mul3A_1390 : vector<16xf32>
      %get3A_1392 = arith.constant 32 : i32
      %get3A_1393 = arith.index_cast %rem3A_212 : i32 to index
      %get3A_1394 = arith.index_cast %get3A_1392 : i32 to index
      %get3A_1395 = arith.constant 16 : index
      %get3A_1396 = tpu.vector_load %arg12[%get3A_1393, %get3A_1394, %get3A_1395] {strides = array<i32>} : memref<8x100x64xf32, #tpu.memory_space<vmem>>, vector<16xf32>,
      %mul3A_1397 = arith.mulf %gather3A_1384, %get3A_1396 : vector<16xf32>
      %add3A_1398 = arith.addf %add3A_1365, %mul3A_1397 : vector<16xf32>
      %get3A_1399 = arith.constant 32 : i32
      %get3A_1400 = arith.index_cast %rem3A_212 : i32 to index
      %get3A_1401 = arith.index_cast %get3A_1399 : i32 to index
      %get3A_1402 = arith.constant 32 : index
      %get3A_1403 = tpu.vector_load %arg12[%get3A_1400, %get3A_1401, %get3A_1402] {strides = array<i32>} : memref<8x100x64xf32, #tpu.memory_space<vmem>>, vector<16xf32>,
      %mul3A_1404 = arith.mulf %gather3A_1384, %get3A_1403 : vector<16xf32>
      %add3A_1405 = arith.addf %add3A_1372, %mul3A_1404 : vector<16xf32>
      %get3A_1406 = arith.constant 32 : i32
      %get3A_1407 = arith.index_cast %rem3A_212 : i32 to index
      %get3A_1408 = arith.index_cast %get3A_1406 : i32 to index
      %get3A_1409 = arith.constant 48 : index
      %get3A_1410 = tpu.vector_load %arg12[%get3A_1407, %get3A_1408, %get3A_1409] {strides = array<i32>} : memref<8x100x64xf32, #tpu.memory_space<vmem>>, vector<16xf32>,
      %mul3A_1411 = arith.mulf %gather3A_1384, %get3A_1410 : vector<16xf32>
      %add3A_1412 = arith.addf %add3A_1379, %mul3A_1411 : vector<16xf32>
      %broadcast_in_dim3A_1413 = arith.constant 1 : i32
      %broadcast_in_dim3A_1414 = vector.broadcast %broadcast_in_dim3A_1413 : i32 to vector<16xi32>
      %broadcast_in_dim3A_1415 = vector.shape_cast %broadcast_in_dim3A_1414 : vector<16xi32> to vector<16x1xi32>
      %gather3A_1416 = vector.shape_cast %broadcast_in_dim3A_1415 : vector<16x1xi32> to vector<16xi32>
      %gather3A_1417 = tpu.dynamic_gather %mul3A_272[%gather3A_1416] in [0] : vector<16xf32>, vector<16xi32> -> vector<16xf32>
      %get3A_1418 = arith.constant 33 : i32
      %get3A_1419 = arith.index_cast %rem3A_212 : i32 to index
      %get3A_1420 = arith.index_cast %get3A_1418 : i32 to index
      %get3A_1421 = arith.constant 0 : index
      %get3A_1422 = tpu.vector_load %arg12[%get3A_1419, %get3A_1420, %get3A_1421] {strides = array<i32>} : memref<8x100x64xf32, #tpu.memory_space<vmem>>, vector<16xf32>,
      %mul3A_1423 = arith.mulf %gather3A_1417, %get3A_1422 : vector<16xf32>
      %add3A_1424 = arith.addf %add3A_1391, %mul3A_1423 : vector<16xf32>
      %get3A_1425 = arith.constant 33 : i32
      %get3A_1426 = arith.index_cast %rem3A_212 : i32 to index
      %get3A_1427 = arith.index_cast %get3A_1425 : i32 to index
      %get3A_1428 = arith.constant 16 : index
      %get3A_1429 = tpu.vector_load %arg12[%get3A_1426, %get3A_1427, %get3A_1428] {strides = array<i32>} : memref<8x100x64xf32, #tpu.memory_space<vmem>>, vector<16xf32>,
      %mul3A_1430 = arith.mulf %gather3A_1417, %get3A_1429 : vector<16xf32>
      %add3A_1431 = arith.addf %add3A_1398, %mul3A_1430 : vector<16xf32>
      %get3A_1432 = arith.constant 33 : i32
      %get3A_1433 = arith.index_cast %rem3A_212 : i32 to index
      %get3A_1434 = arith.index_cast %get3A_1432 : i32 to index
      %get3A_1435 = arith.constant 32 : index
      %get3A_1436 = tpu.vector_load %arg12[%get3A_1433, %get3A_1434, %get3A_1435] {strides = array<i32>} : memref<8x100x64xf32, #tpu.memory_space<vmem>>, vector<16xf32>,
      %mul3A_1437 = arith.mulf %gather3A_1417, %get3A_1436 : vector<16xf32>
      %add3A_1438 = arith.addf %add3A_1405, %mul3A_1437 : vector<16xf32>
      %get3A_1439 = arith.constant 33 : i32
      %get3A_1440 = arith.index_cast %rem3A_212 : i32 to index
      %get3A_1441 = arith.index_cast %get3A_1439 : i32 to index
      %get3A_1442 = arith.constant 48 : index
      %get3A_1443 = tpu.vector_load %arg12[%get3A_1440, %get3A_1441, %get3A_1442] {strides = array<i32>} : memref<8x100x64xf32, #tpu.memory_space<vmem>>, vector<16xf32>,
      %mul3A_1444 = arith.mulf %gather3A_1417, %get3A_1443 : vector<16xf32>
      %add3A_1445 = arith.addf %add3A_1412, %mul3A_1444 : vector<16xf32>
      %broadcast_in_dim3A_1446 = arith.constant 2 : i32
      %broadcast_in_dim3A_1447 = vector.broadcast %broadcast_in_dim3A_1446 : i32 to vector<16xi32>
      %broadcast_in_dim3A_1448 = vector.shape_cast %broadcast_in_dim3A_1447 : vector<16xi32> to vector<16x1xi32>
      %gather3A_1449 = vector.shape_cast %broadcast_in_dim3A_1448 : vector<16x1xi32> to vector<16xi32>
      %gather3A_1450 = tpu.dynamic_gather %mul3A_272[%gather3A_1449] in [0] : vector<16xf32>, vector<16xi32> -> vector<16xf32>
      %get3A_1451 = arith.constant 34 : i32
      %get3A_1452 = arith.index_cast %rem3A_212 : i32 to index
      %get3A_1453 = arith.index_cast %get3A_1451 : i32 to index
      %get3A_1454 = arith.constant 0 : index
      %get3A_1455 = tpu.vector_load %arg12[%get3A_1452, %get3A_1453, %get3A_1454] {strides = array<i32>} : memref<8x100x64xf32, #tpu.memory_space<vmem>>, vector<16xf32>,
      %mul3A_1456 = arith.mulf %gather3A_1450, %get3A_1455 : vector<16xf32>
      %add3A_1457 = arith.addf %add3A_1424, %mul3A_1456 : vector<16xf32>
      %get3A_1458 = arith.constant 34 : i32
      %get3A_1459 = arith.index_cast %rem3A_212 : i32 to index
      %get3A_1460 = arith.index_cast %get3A_1458 : i32 to index
      %get3A_1461 = arith.constant 16 : index
      %get3A_1462 = tpu.vector_load %arg12[%get3A_1459, %get3A_1460, %get3A_1461] {strides = array<i32>} : memref<8x100x64xf32, #tpu.memory_space<vmem>>, vector<16xf32>,
      %mul3A_1463 = arith.mulf %gather3A_1450, %get3A_1462 : vector<16xf32>
      %add3A_1464 = arith.addf %add3A_1431, %mul3A_1463 : vector<16xf32>
      %get3A_1465 = arith.constant 34 : i32
      %get3A_1466 = arith.index_cast %rem3A_212 : i32 to index
      %get3A_1467 = arith.index_cast %get3A_1465 : i32 to index
      %get3A_1468 = arith.constant 32 : index
      %get3A_1469 = tpu.vector_load %arg12[%get3A_1466, %get3A_1467, %get3A_1468] {strides = array<i32>} : memref<8x100x64xf32, #tpu.memory_space<vmem>>, vector<16xf32>,
      %mul3A_1470 = arith.mulf %gather3A_1450, %get3A_1469 : vector<16xf32>
      %add3A_1471 = arith.addf %add3A_1438, %mul3A_1470 : vector<16xf32>
      %get3A_1472 = arith.constant 34 : i32
      %get3A_1473 = arith.index_cast %rem3A_212 : i32 to index
      %get3A_1474 = arith.index_cast %get3A_1472 : i32 to index
      %get3A_1475 = arith.constant 48 : index
      %get3A_1476 = tpu.vector_load %arg12[%get3A_1473, %get3A_1474, %get3A_1475] {strides = array<i32>} : memref<8x100x64xf32, #tpu.memory_space<vmem>>, vector<16xf32>,
      %mul3A_1477 = arith.mulf %gather3A_1450, %get3A_1476 : vector<16xf32>
      %add3A_1478 = arith.addf %add3A_1445, %mul3A_1477 : vector<16xf32>
      %broadcast_in_dim3A_1479 = arith.constant 3 : i32
      %broadcast_in_dim3A_1480 = vector.broadcast %broadcast_in_dim3A_1479 : i32 to vector<16xi32>
      %broadcast_in_dim3A_1481 = vector.shape_cast %broadcast_in_dim3A_1480 : vector<16xi32> to vector<16x1xi32>
      %gather3A_1482 = vector.shape_cast %broadcast_in_dim3A_1481 : vector<16x1xi32> to vector<16xi32>
      %gather3A_1483 = tpu.dynamic_gather %mul3A_272[%gather3A_1482] in [0] : vector<16xf32>, vector<16xi32> -> vector<16xf32>
      %get3A_1484 = arith.constant 35 : i32
      %get3A_1485 = arith.index_cast %rem3A_212 : i32 to index
      %get3A_1486 = arith.index_cast %get3A_1484 : i32 to index
      %get3A_1487 = arith.constant 0 : index
      %get3A_1488 = tpu.vector_load %arg12[%get3A_1485, %get3A_1486, %get3A_1487] {strides = array<i32>} : memref<8x100x64xf32, #tpu.memory_space<vmem>>, vector<16xf32>,
      %mul3A_1489 = arith.mulf %gather3A_1483, %get3A_1488 : vector<16xf32>
      %add3A_1490 = arith.addf %add3A_1457, %mul3A_1489 : vector<16xf32>
      %get3A_1491 = arith.constant 35 : i32
      %get3A_1492 = arith.index_cast %rem3A_212 : i32 to index
      %get3A_1493 = arith.index_cast %get3A_1491 : i32 to index
      %get3A_1494 = arith.constant 16 : index
      %get3A_1495 = tpu.vector_load %arg12[%get3A_1492, %get3A_1493, %get3A_1494] {strides = array<i32>} : memref<8x100x64xf32, #tpu.memory_space<vmem>>, vector<16xf32>,
      %mul3A_1496 = arith.mulf %gather3A_1483, %get3A_1495 : vector<16xf32>
      %add3A_1497 = arith.addf %add3A_1464, %mul3A_1496 : vector<16xf32>
      %get3A_1498 = arith.constant 35 : i32
      %get3A_1499 = arith.index_cast %rem3A_212 : i32 to index
      %get3A_1500 = arith.index_cast %get3A_1498 : i32 to index
      %get3A_1501 = arith.constant 32 : index
      %get3A_1502 = tpu.vector_load %arg12[%get3A_1499, %get3A_1500, %get3A_1501] {strides = array<i32>} : memref<8x100x64xf32, #tpu.memory_space<vmem>>, vector<16xf32>,
      %mul3A_1503 = arith.mulf %gather3A_1483, %get3A_1502 : vector<16xf32>
      %add3A_1504 = arith.addf %add3A_1471, %mul3A_1503 : vector<16xf32>
      %get3A_1505 = arith.constant 35 : i32
      %get3A_1506 = arith.index_cast %rem3A_212 : i32 to index
      %get3A_1507 = arith.index_cast %get3A_1505 : i32 to index
      %get3A_1508 = arith.constant 48 : index
      %get3A_1509 = tpu.vector_load %arg12[%get3A_1506, %get3A_1507, %get3A_1508] {strides = array<i32>} : memref<8x100x64xf32, #tpu.memory_space<vmem>>, vector<16xf32>,
      %mul3A_1510 = arith.mulf %gather3A_1483, %get3A_1509 : vector<16xf32>
      %add3A_1511 = arith.addf %add3A_1478, %mul3A_1510 : vector<16xf32>
      %broadcast_in_dim3A_1512 = arith.constant 4 : i32
      %broadcast_in_dim3A_1513 = vector.broadcast %broadcast_in_dim3A_1512 : i32 to vector<16xi32>
      %broadcast_in_dim3A_1514 = vector.shape_cast %broadcast_in_dim3A_1513 : vector<16xi32> to vector<16x1xi32>
      %gather3A_1515 = vector.shape_cast %broadcast_in_dim3A_1514 : vector<16x1xi32> to vector<16xi32>
      %gather3A_1516 = tpu.dynamic_gather %mul3A_272[%gather3A_1515] in [0] : vector<16xf32>, vector<16xi32> -> vector<16xf32>
      %get3A_1517 = arith.constant 36 : i32
      %get3A_1518 = arith.index_cast %rem3A_212 : i32 to index
      %get3A_1519 = arith.index_cast %get3A_1517 : i32 to index
      %get3A_1520 = arith.constant 0 : index
      %get3A_1521 = tpu.vector_load %arg12[%get3A_1518, %get3A_1519, %get3A_1520] {strides = array<i32>} : memref<8x100x64xf32, #tpu.memory_space<vmem>>, vector<16xf32>,
      %mul3A_1522 = arith.mulf %gather3A_1516, %get3A_1521 : vector<16xf32>
      %add3A_1523 = arith.addf %add3A_1490, %mul3A_1522 : vector<16xf32>
      %get3A_1524 = arith.constant 36 : i32
      %get3A_1525 = arith.index_cast %rem3A_212 : i32 to index
      %get3A_1526 = arith.index_cast %get3A_1524 : i32 to index
      %get3A_1527 = arith.constant 16 : index
      %get3A_1528 = tpu.vector_load %arg12[%get3A_1525, %get3A_1526, %get3A_1527] {strides = array<i32>} : memref<8x100x64xf32, #tpu.memory_space<vmem>>, vector<16xf32>,
      %mul3A_1529 = arith.mulf %gather3A_1516, %get3A_1528 : vector<16xf32>
      %add3A_1530 = arith.addf %add3A_1497, %mul3A_1529 : vector<16xf32>
      %get3A_1531 = arith.constant 36 : i32
      %get3A_1532 = arith.index_cast %rem3A_212 : i32 to index
      %get3A_1533 = arith.index_cast %get3A_1531 : i32 to index
      %get3A_1534 = arith.constant 32 : index
      %get3A_1535 = tpu.vector_load %arg12[%get3A_1532, %get3A_1533, %get3A_1534] {strides = array<i32>} : memref<8x100x64xf32, #tpu.memory_space<vmem>>, vector<16xf32>,
      %mul3A_1536 = arith.mulf %gather3A_1516, %get3A_1535 : vector<16xf32>
      %add3A_1537 = arith.addf %add3A_1504, %mul3A_1536 : vector<16xf32>
      %get3A_1538 = arith.constant 36 : i32
      %get3A_1539 = arith.index_cast %rem3A_212 : i32 to index
      %get3A_1540 = arith.index_cast %get3A_1538 : i32 to index
      %get3A_1541 = arith.constant 48 : index
      %get3A_1542 = tpu.vector_load %arg12[%get3A_1539, %get3A_1540, %get3A_1541] {strides = array<i32>} : memref<8x100x64xf32, #tpu.memory_space<vmem>>, vector<16xf32>,
      %mul3A_1543 = arith.mulf %gather3A_1516, %get3A_1542 : vector<16xf32>
      %add3A_1544 = arith.addf %add3A_1511, %mul3A_1543 : vector<16xf32>
      %broadcast_in_dim3A_1545 = arith.constant 5 : i32
      %broadcast_in_dim3A_1546 = vector.broadcast %broadcast_in_dim3A_1545 : i32 to vector<16xi32>
      %broadcast_in_dim3A_1547 = vector.shape_cast %broadcast_in_dim3A_1546 : vector<16xi32> to vector<16x1xi32>
      %gather3A_1548 = vector.shape_cast %broadcast_in_dim3A_1547 : vector<16x1xi32> to vector<16xi32>
      %gather3A_1549 = tpu.dynamic_gather %mul3A_272[%gather3A_1548] in [0] : vector<16xf32>, vector<16xi32> -> vector<16xf32>
      %get3A_1550 = arith.constant 37 : i32
      %get3A_1551 = arith.index_cast %rem3A_212 : i32 to index
      %get3A_1552 = arith.index_cast %get3A_1550 : i32 to index
      %get3A_1553 = arith.constant 0 : index
      %get3A_1554 = tpu.vector_load %arg12[%get3A_1551, %get3A_1552, %get3A_1553] {strides = array<i32>} : memref<8x100x64xf32, #tpu.memory_space<vmem>>, vector<16xf32>,
      %mul3A_1555 = arith.mulf %gather3A_1549, %get3A_1554 : vector<16xf32>
      %add3A_1556 = arith.addf %add3A_1523, %mul3A_1555 : vector<16xf32>
      %get3A_1557 = arith.constant 37 : i32
      %get3A_1558 = arith.index_cast %rem3A_212 : i32 to index
      %get3A_1559 = arith.index_cast %get3A_1557 : i32 to index
      %get3A_1560 = arith.constant 16 : index
      %get3A_1561 = tpu.vector_load %arg12[%get3A_1558, %get3A_1559, %get3A_1560] {strides = array<i32>} : memref<8x100x64xf32, #tpu.memory_space<vmem>>, vector<16xf32>,
      %mul3A_1562 = arith.mulf %gather3A_1549, %get3A_1561 : vector<16xf32>
      %add3A_1563 = arith.addf %add3A_1530, %mul3A_1562 : vector<16xf32>
      %get3A_1564 = arith.constant 37 : i32
      %get3A_1565 = arith.index_cast %rem3A_212 : i32 to index
      %get3A_1566 = arith.index_cast %get3A_1564 : i32 to index
      %get3A_1567 = arith.constant 32 : index
      %get3A_1568 = tpu.vector_load %arg12[%get3A_1565, %get3A_1566, %get3A_1567] {strides = array<i32>} : memref<8x100x64xf32, #tpu.memory_space<vmem>>, vector<16xf32>,
      %mul3A_1569 = arith.mulf %gather3A_1549, %get3A_1568 : vector<16xf32>
      %add3A_1570 = arith.addf %add3A_1537, %mul3A_1569 : vector<16xf32>
      %get3A_1571 = arith.constant 37 : i32
      %get3A_1572 = arith.index_cast %rem3A_212 : i32 to index
      %get3A_1573 = arith.index_cast %get3A_1571 : i32 to index
      %get3A_1574 = arith.constant 48 : index
      %get3A_1575 = tpu.vector_load %arg12[%get3A_1572, %get3A_1573, %get3A_1574] {strides = array<i32>} : memref<8x100x64xf32, #tpu.memory_space<vmem>>, vector<16xf32>,
      %mul3A_1576 = arith.mulf %gather3A_1549, %get3A_1575 : vector<16xf32>
      %add3A_1577 = arith.addf %add3A_1544, %mul3A_1576 : vector<16xf32>
      %broadcast_in_dim3A_1578 = arith.constant 6 : i32
      %broadcast_in_dim3A_1579 = vector.broadcast %broadcast_in_dim3A_1578 : i32 to vector<16xi32>
      %broadcast_in_dim3A_1580 = vector.shape_cast %broadcast_in_dim3A_1579 : vector<16xi32> to vector<16x1xi32>
      %gather3A_1581 = vector.shape_cast %broadcast_in_dim3A_1580 : vector<16x1xi32> to vector<16xi32>
      %gather3A_1582 = tpu.dynamic_gather %mul3A_272[%gather3A_1581] in [0] : vector<16xf32>, vector<16xi32> -> vector<16xf32>
      %get3A_1583 = arith.constant 38 : i32
      %get3A_1584 = arith.index_cast %rem3A_212 : i32 to index
      %get3A_1585 = arith.index_cast %get3A_1583 : i32 to index
      %get3A_1586 = arith.constant 0 : index
      %get3A_1587 = tpu.vector_load %arg12[%get3A_1584, %get3A_1585, %get3A_1586] {strides = array<i32>} : memref<8x100x64xf32, #tpu.memory_space<vmem>>, vector<16xf32>,
      %mul3A_1588 = arith.mulf %gather3A_1582, %get3A_1587 : vector<16xf32>
      %add3A_1589 = arith.addf %add3A_1556, %mul3A_1588 : vector<16xf32>
      %get3A_1590 = arith.constant 38 : i32
      %get3A_1591 = arith.index_cast %rem3A_212 : i32 to index
      %get3A_1592 = arith.index_cast %get3A_1590 : i32 to index
      %get3A_1593 = arith.constant 16 : index
      %get3A_1594 = tpu.vector_load %arg12[%get3A_1591, %get3A_1592, %get3A_1593] {strides = array<i32>} : memref<8x100x64xf32, #tpu.memory_space<vmem>>, vector<16xf32>,
      %mul3A_1595 = arith.mulf %gather3A_1582, %get3A_1594 : vector<16xf32>
      %add3A_1596 = arith.addf %add3A_1563, %mul3A_1595 : vector<16xf32>
      %get3A_1597 = arith.constant 38 : i32
      %get3A_1598 = arith.index_cast %rem3A_212 : i32 to index
      %get3A_1599 = arith.index_cast %get3A_1597 : i32 to index
      %get3A_1600 = arith.constant 32 : index
      %get3A_1601 = tpu.vector_load %arg12[%get3A_1598, %get3A_1599, %get3A_1600] {strides = array<i32>} : memref<8x100x64xf32, #tpu.memory_space<vmem>>, vector<16xf32>,
      %mul3A_1602 = arith.mulf %gather3A_1582, %get3A_1601 : vector<16xf32>
      %add3A_1603 = arith.addf %add3A_1570, %mul3A_1602 : vector<16xf32>
      %get3A_1604 = arith.constant 38 : i32
      %get3A_1605 = arith.index_cast %rem3A_212 : i32 to index
      %get3A_1606 = arith.index_cast %get3A_1604 : i32 to index
      %get3A_1607 = arith.constant 48 : index
      %get3A_1608 = tpu.vector_load %arg12[%get3A_1605, %get3A_1606, %get3A_1607] {strides = array<i32>} : memref<8x100x64xf32, #tpu.memory_space<vmem>>, vector<16xf32>,
      %mul3A_1609 = arith.mulf %gather3A_1582, %get3A_1608 : vector<16xf32>
      %add3A_1610 = arith.addf %add3A_1577, %mul3A_1609 : vector<16xf32>
      %broadcast_in_dim3A_1611 = arith.constant 7 : i32
      %broadcast_in_dim3A_1612 = vector.broadcast %broadcast_in_dim3A_1611 : i32 to vector<16xi32>
      %broadcast_in_dim3A_1613 = vector.shape_cast %broadcast_in_dim3A_1612 : vector<16xi32> to vector<16x1xi32>
      %gather3A_1614 = vector.shape_cast %broadcast_in_dim3A_1613 : vector<16x1xi32> to vector<16xi32>
      %gather3A_1615 = tpu.dynamic_gather %mul3A_272[%gather3A_1614] in [0] : vector<16xf32>, vector<16xi32> -> vector<16xf32>
      %get3A_1616 = arith.constant 39 : i32
      %get3A_1617 = arith.index_cast %rem3A_212 : i32 to index
      %get3A_1618 = arith.index_cast %get3A_1616 : i32 to index
      %get3A_1619 = arith.constant 0 : index
      %get3A_1620 = tpu.vector_load %arg12[%get3A_1617, %get3A_1618, %get3A_1619] {strides = array<i32>} : memref<8x100x64xf32, #tpu.memory_space<vmem>>, vector<16xf32>,
      %mul3A_1621 = arith.mulf %gather3A_1615, %get3A_1620 : vector<16xf32>
      %add3A_1622 = arith.addf %add3A_1589, %mul3A_1621 : vector<16xf32>
      %get3A_1623 = arith.constant 39 : i32
      %get3A_1624 = arith.index_cast %rem3A_212 : i32 to index
      %get3A_1625 = arith.index_cast %get3A_1623 : i32 to index
      %get3A_1626 = arith.constant 16 : index
      %get3A_1627 = tpu.vector_load %arg12[%get3A_1624, %get3A_1625, %get3A_1626] {strides = array<i32>} : memref<8x100x64xf32, #tpu.memory_space<vmem>>, vector<16xf32>,
      %mul3A_1628 = arith.mulf %gather3A_1615, %get3A_1627 : vector<16xf32>
      %add3A_1629 = arith.addf %add3A_1596, %mul3A_1628 : vector<16xf32>
      %get3A_1630 = arith.constant 39 : i32
      %get3A_1631 = arith.index_cast %rem3A_212 : i32 to index
      %get3A_1632 = arith.index_cast %get3A_1630 : i32 to index
      %get3A_1633 = arith.constant 32 : index
      %get3A_1634 = tpu.vector_load %arg12[%get3A_1631, %get3A_1632, %get3A_1633] {strides = array<i32>} : memref<8x100x64xf32, #tpu.memory_space<vmem>>, vector<16xf32>,
      %mul3A_1635 = arith.mulf %gather3A_1615, %get3A_1634 : vector<16xf32>
      %add3A_1636 = arith.addf %add3A_1603, %mul3A_1635 : vector<16xf32>
      %get3A_1637 = arith.constant 39 : i32
      %get3A_1638 = arith.index_cast %rem3A_212 : i32 to index
      %get3A_1639 = arith.index_cast %get3A_1637 : i32 to index
      %get3A_1640 = arith.constant 48 : index
      %get3A_1641 = tpu.vector_load %arg12[%get3A_1638, %get3A_1639, %get3A_1640] {strides = array<i32>} : memref<8x100x64xf32, #tpu.memory_space<vmem>>, vector<16xf32>,
      %mul3A_1642 = arith.mulf %gather3A_1615, %get3A_1641 : vector<16xf32>
      %add3A_1643 = arith.addf %add3A_1610, %mul3A_1642 : vector<16xf32>
      %broadcast_in_dim3A_1644 = arith.constant 8 : i32
      %broadcast_in_dim3A_1645 = vector.broadcast %broadcast_in_dim3A_1644 : i32 to vector<16xi32>
      %broadcast_in_dim3A_1646 = vector.shape_cast %broadcast_in_dim3A_1645 : vector<16xi32> to vector<16x1xi32>
      %gather3A_1647 = vector.shape_cast %broadcast_in_dim3A_1646 : vector<16x1xi32> to vector<16xi32>
      %gather3A_1648 = tpu.dynamic_gather %mul3A_272[%gather3A_1647] in [0] : vector<16xf32>, vector<16xi32> -> vector<16xf32>
      %get3A_1649 = arith.constant 40 : i32
      %get3A_1650 = arith.index_cast %rem3A_212 : i32 to index
      %get3A_1651 = arith.index_cast %get3A_1649 : i32 to index
      %get3A_1652 = arith.constant 0 : index
      %get3A_1653 = tpu.vector_load %arg12[%get3A_1650, %get3A_1651, %get3A_1652] {strides = array<i32>} : memref<8x100x64xf32, #tpu.memory_space<vmem>>, vector<16xf32>,
      %mul3A_1654 = arith.mulf %gather3A_1648, %get3A_1653 : vector<16xf32>
      %add3A_1655 = arith.addf %add3A_1622, %mul3A_1654 : vector<16xf32>
      %get3A_1656 = arith.constant 40 : i32
      %get3A_1657 = arith.index_cast %rem3A_212 : i32 to index
      %get3A_1658 = arith.index_cast %get3A_1656 : i32 to index
      %get3A_1659 = arith.constant 16 : index
      %get3A_1660 = tpu.vector_load %arg12[%get3A_1657, %get3A_1658, %get3A_1659] {strides = array<i32>} : memref<8x100x64xf32, #tpu.memory_space<vmem>>, vector<16xf32>,
      %mul3A_1661 = arith.mulf %gather3A_1648, %get3A_1660 : vector<16xf32>
      %add3A_1662 = arith.addf %add3A_1629, %mul3A_1661 : vector<16xf32>
      %get3A_1663 = arith.constant 40 : i32
      %get3A_1664 = arith.index_cast %rem3A_212 : i32 to index
      %get3A_1665 = arith.index_cast %get3A_1663 : i32 to index
      %get3A_1666 = arith.constant 32 : index
      %get3A_1667 = tpu.vector_load %arg12[%get3A_1664, %get3A_1665, %get3A_1666] {strides = array<i32>} : memref<8x100x64xf32, #tpu.memory_space<vmem>>, vector<16xf32>,
      %mul3A_1668 = arith.mulf %gather3A_1648, %get3A_1667 : vector<16xf32>
      %add3A_1669 = arith.addf %add3A_1636, %mul3A_1668 : vector<16xf32>
      %get3A_1670 = arith.constant 40 : i32
      %get3A_1671 = arith.index_cast %rem3A_212 : i32 to index
      %get3A_1672 = arith.index_cast %get3A_1670 : i32 to index
      %get3A_1673 = arith.constant 48 : index
      %get3A_1674 = tpu.vector_load %arg12[%get3A_1671, %get3A_1672, %get3A_1673] {strides = array<i32>} : memref<8x100x64xf32, #tpu.memory_space<vmem>>, vector<16xf32>,
      %mul3A_1675 = arith.mulf %gather3A_1648, %get3A_1674 : vector<16xf32>
      %add3A_1676 = arith.addf %add3A_1643, %mul3A_1675 : vector<16xf32>
      %broadcast_in_dim3A_1677 = arith.constant 9 : i32
      %broadcast_in_dim3A_1678 = vector.broadcast %broadcast_in_dim3A_1677 : i32 to vector<16xi32>
      %broadcast_in_dim3A_1679 = vector.shape_cast %broadcast_in_dim3A_1678 : vector<16xi32> to vector<16x1xi32>
      %gather3A_1680 = vector.shape_cast %broadcast_in_dim3A_1679 : vector<16x1xi32> to vector<16xi32>
      %gather3A_1681 = tpu.dynamic_gather %mul3A_272[%gather3A_1680] in [0] : vector<16xf32>, vector<16xi32> -> vector<16xf32>
      %get3A_1682 = arith.constant 41 : i32
      %get3A_1683 = arith.index_cast %rem3A_212 : i32 to index
      %get3A_1684 = arith.index_cast %get3A_1682 : i32 to index
      %get3A_1685 = arith.constant 0 : index
      %get3A_1686 = tpu.vector_load %arg12[%get3A_1683, %get3A_1684, %get3A_1685] {strides = array<i32>} : memref<8x100x64xf32, #tpu.memory_space<vmem>>, vector<16xf32>,
      %mul3A_1687 = arith.mulf %gather3A_1681, %get3A_1686 : vector<16xf32>
      %add3A_1688 = arith.addf %add3A_1655, %mul3A_1687 : vector<16xf32>
      %get3A_1689 = arith.constant 41 : i32
      %get3A_1690 = arith.index_cast %rem3A_212 : i32 to index
      %get3A_1691 = arith.index_cast %get3A_1689 : i32 to index
      %get3A_1692 = arith.constant 16 : index
      %get3A_1693 = tpu.vector_load %arg12[%get3A_1690, %get3A_1691, %get3A_1692] {strides = array<i32>} : memref<8x100x64xf32, #tpu.memory_space<vmem>>, vector<16xf32>,
      %mul3A_1694 = arith.mulf %gather3A_1681, %get3A_1693 : vector<16xf32>
      %add3A_1695 = arith.addf %add3A_1662, %mul3A_1694 : vector<16xf32>
      %get3A_1696 = arith.constant 41 : i32
      %get3A_1697 = arith.index_cast %rem3A_212 : i32 to index
      %get3A_1698 = arith.index_cast %get3A_1696 : i32 to index
      %get3A_1699 = arith.constant 32 : index
      %get3A_1700 = tpu.vector_load %arg12[%get3A_1697, %get3A_1698, %get3A_1699] {strides = array<i32>} : memref<8x100x64xf32, #tpu.memory_space<vmem>>, vector<16xf32>,
      %mul3A_1701 = arith.mulf %gather3A_1681, %get3A_1700 : vector<16xf32>
      %add3A_1702 = arith.addf %add3A_1669, %mul3A_1701 : vector<16xf32>
      %get3A_1703 = arith.constant 41 : i32
      %get3A_1704 = arith.index_cast %rem3A_212 : i32 to index
      %get3A_1705 = arith.index_cast %get3A_1703 : i32 to index
      %get3A_1706 = arith.constant 48 : index
      %get3A_1707 = tpu.vector_load %arg12[%get3A_1704, %get3A_1705, %get3A_1706] {strides = array<i32>} : memref<8x100x64xf32, #tpu.memory_space<vmem>>, vector<16xf32>,
      %mul3A_1708 = arith.mulf %gather3A_1681, %get3A_1707 : vector<16xf32>
      %add3A_1709 = arith.addf %add3A_1676, %mul3A_1708 : vector<16xf32>
      %broadcast_in_dim3A_1710 = arith.constant 10 : i32
      %broadcast_in_dim3A_1711 = vector.broadcast %broadcast_in_dim3A_1710 : i32 to vector<16xi32>
      %broadcast_in_dim3A_1712 = vector.shape_cast %broadcast_in_dim3A_1711 : vector<16xi32> to vector<16x1xi32>
      %gather3A_1713 = vector.shape_cast %broadcast_in_dim3A_1712 : vector<16x1xi32> to vector<16xi32>
      %gather3A_1714 = tpu.dynamic_gather %mul3A_272[%gather3A_1713] in [0] : vector<16xf32>, vector<16xi32> -> vector<16xf32>
      %get3A_1715 = arith.constant 42 : i32
      %get3A_1716 = arith.index_cast %rem3A_212 : i32 to index
      %get3A_1717 = arith.index_cast %get3A_1715 : i32 to index
      %get3A_1718 = arith.constant 0 : index
      %get3A_1719 = tpu.vector_load %arg12[%get3A_1716, %get3A_1717, %get3A_1718] {strides = array<i32>} : memref<8x100x64xf32, #tpu.memory_space<vmem>>, vector<16xf32>,
      %mul3A_1720 = arith.mulf %gather3A_1714, %get3A_1719 : vector<16xf32>
      %add3A_1721 = arith.addf %add3A_1688, %mul3A_1720 : vector<16xf32>
      %get3A_1722 = arith.constant 42 : i32
      %get3A_1723 = arith.index_cast %rem3A_212 : i32 to index
      %get3A_1724 = arith.index_cast %get3A_1722 : i32 to index
      %get3A_1725 = arith.constant 16 : index
      %get3A_1726 = tpu.vector_load %arg12[%get3A_1723, %get3A_1724, %get3A_1725] {strides = array<i32>} : memref<8x100x64xf32, #tpu.memory_space<vmem>>, vector<16xf32>,
      %mul3A_1727 = arith.mulf %gather3A_1714, %get3A_1726 : vector<16xf32>
      %add3A_1728 = arith.addf %add3A_1695, %mul3A_1727 : vector<16xf32>
      %get3A_1729 = arith.constant 42 : i32
      %get3A_1730 = arith.index_cast %rem3A_212 : i32 to index
      %get3A_1731 = arith.index_cast %get3A_1729 : i32 to index
      %get3A_1732 = arith.constant 32 : index
      %get3A_1733 = tpu.vector_load %arg12[%get3A_1730, %get3A_1731, %get3A_1732] {strides = array<i32>} : memref<8x100x64xf32, #tpu.memory_space<vmem>>, vector<16xf32>,
      %mul3A_1734 = arith.mulf %gather3A_1714, %get3A_1733 : vector<16xf32>
      %add3A_1735 = arith.addf %add3A_1702, %mul3A_1734 : vector<16xf32>
      %get3A_1736 = arith.constant 42 : i32
      %get3A_1737 = arith.index_cast %rem3A_212 : i32 to index
      %get3A_1738 = arith.index_cast %get3A_1736 : i32 to index
      %get3A_1739 = arith.constant 48 : index
      %get3A_1740 = tpu.vector_load %arg12[%get3A_1737, %get3A_1738, %get3A_1739] {strides = array<i32>} : memref<8x100x64xf32, #tpu.memory_space<vmem>>, vector<16xf32>,
      %mul3A_1741 = arith.mulf %gather3A_1714, %get3A_1740 : vector<16xf32>
      %add3A_1742 = arith.addf %add3A_1709, %mul3A_1741 : vector<16xf32>
      %broadcast_in_dim3A_1743 = arith.constant 11 : i32
      %broadcast_in_dim3A_1744 = vector.broadcast %broadcast_in_dim3A_1743 : i32 to vector<16xi32>
      %broadcast_in_dim3A_1745 = vector.shape_cast %broadcast_in_dim3A_1744 : vector<16xi32> to vector<16x1xi32>
      %gather3A_1746 = vector.shape_cast %broadcast_in_dim3A_1745 : vector<16x1xi32> to vector<16xi32>
      %gather3A_1747 = tpu.dynamic_gather %mul3A_272[%gather3A_1746] in [0] : vector<16xf32>, vector<16xi32> -> vector<16xf32>
      %get3A_1748 = arith.constant 43 : i32
      %get3A_1749 = arith.index_cast %rem3A_212 : i32 to index
      %get3A_1750 = arith.index_cast %get3A_1748 : i32 to index
      %get3A_1751 = arith.constant 0 : index
      %get3A_1752 = tpu.vector_load %arg12[%get3A_1749, %get3A_1750, %get3A_1751] {strides = array<i32>} : memref<8x100x64xf32, #tpu.memory_space<vmem>>, vector<16xf32>,
      %mul3A_1753 = arith.mulf %gather3A_1747, %get3A_1752 : vector<16xf32>
      %add3A_1754 = arith.addf %add3A_1721, %mul3A_1753 : vector<16xf32>
      %get3A_1755 = arith.constant 43 : i32
      %get3A_1756 = arith.index_cast %rem3A_212 : i32 to index
      %get3A_1757 = arith.index_cast %get3A_1755 : i32 to index
      %get3A_1758 = arith.constant 16 : index
      %get3A_1759 = tpu.vector_load %arg12[%get3A_1756, %get3A_1757, %get3A_1758] {strides = array<i32>} : memref<8x100x64xf32, #tpu.memory_space<vmem>>, vector<16xf32>,
      %mul3A_1760 = arith.mulf %gather3A_1747, %get3A_1759 : vector<16xf32>
      %add3A_1761 = arith.addf %add3A_1728, %mul3A_1760 : vector<16xf32>
      %get3A_1762 = arith.constant 43 : i32
      %get3A_1763 = arith.index_cast %rem3A_212 : i32 to index
      %get3A_1764 = arith.index_cast %get3A_1762 : i32 to index
      %get3A_1765 = arith.constant 32 : index
      %get3A_1766 = tpu.vector_load %arg12[%get3A_1763, %get3A_1764, %get3A_1765] {strides = array<i32>} : memref<8x100x64xf32, #tpu.memory_space<vmem>>, vector<16xf32>,
      %mul3A_1767 = arith.mulf %gather3A_1747, %get3A_1766 : vector<16xf32>
      %add3A_1768 = arith.addf %add3A_1735, %mul3A_1767 : vector<16xf32>
      %get3A_1769 = arith.constant 43 : i32
      %get3A_1770 = arith.index_cast %rem3A_212 : i32 to index
      %get3A_1771 = arith.index_cast %get3A_1769 : i32 to index
      %get3A_1772 = arith.constant 48 : index
      %get3A_1773 = tpu.vector_load %arg12[%get3A_1770, %get3A_1771, %get3A_1772] {strides = array<i32>} : memref<8x100x64xf32, #tpu.memory_space<vmem>>, vector<16xf32>,
      %mul3A_1774 = arith.mulf %gather3A_1747, %get3A_1773 : vector<16xf32>
      %add3A_1775 = arith.addf %add3A_1742, %mul3A_1774 : vector<16xf32>
      %broadcast_in_dim3A_1776 = arith.constant 12 : i32
      %broadcast_in_dim3A_1777 = vector.broadcast %broadcast_in_dim3A_1776 : i32 to vector<16xi32>
      %broadcast_in_dim3A_1778 = vector.shape_cast %broadcast_in_dim3A_1777 : vector<16xi32> to vector<16x1xi32>
      %gather3A_1779 = vector.shape_cast %broadcast_in_dim3A_1778 : vector<16x1xi32> to vector<16xi32>
      %gather3A_1780 = tpu.dynamic_gather %mul3A_272[%gather3A_1779] in [0] : vector<16xf32>, vector<16xi32> -> vector<16xf32>
      %get3A_1781 = arith.constant 44 : i32
      %get3A_1782 = arith.index_cast %rem3A_212 : i32 to index
      %get3A_1783 = arith.index_cast %get3A_1781 : i32 to index
      %get3A_1784 = arith.constant 0 : index
      %get3A_1785 = tpu.vector_load %arg12[%get3A_1782, %get3A_1783, %get3A_1784] {strides = array<i32>} : memref<8x100x64xf32, #tpu.memory_space<vmem>>, vector<16xf32>,
      %mul3A_1786 = arith.mulf %gather3A_1780, %get3A_1785 : vector<16xf32>
      %add3A_1787 = arith.addf %add3A_1754, %mul3A_1786 : vector<16xf32>
      %get3A_1788 = arith.constant 44 : i32
      %get3A_1789 = arith.index_cast %rem3A_212 : i32 to index
      %get3A_1790 = arith.index_cast %get3A_1788 : i32 to index
      %get3A_1791 = arith.constant 16 : index
      %get3A_1792 = tpu.vector_load %arg12[%get3A_1789, %get3A_1790, %get3A_1791] {strides = array<i32>} : memref<8x100x64xf32, #tpu.memory_space<vmem>>, vector<16xf32>,
      %mul3A_1793 = arith.mulf %gather3A_1780, %get3A_1792 : vector<16xf32>
      %add3A_1794 = arith.addf %add3A_1761, %mul3A_1793 : vector<16xf32>
      %get3A_1795 = arith.constant 44 : i32
      %get3A_1796 = arith.index_cast %rem3A_212 : i32 to index
      %get3A_1797 = arith.index_cast %get3A_1795 : i32 to index
      %get3A_1798 = arith.constant 32 : index
      %get3A_1799 = tpu.vector_load %arg12[%get3A_1796, %get3A_1797, %get3A_1798] {strides = array<i32>} : memref<8x100x64xf32, #tpu.memory_space<vmem>>, vector<16xf32>,
      %mul3A_1800 = arith.mulf %gather3A_1780, %get3A_1799 : vector<16xf32>
      %add3A_1801 = arith.addf %add3A_1768, %mul3A_1800 : vector<16xf32>
      %get3A_1802 = arith.constant 44 : i32
      %get3A_1803 = arith.index_cast %rem3A_212 : i32 to index
      %get3A_1804 = arith.index_cast %get3A_1802 : i32 to index
      %get3A_1805 = arith.constant 48 : index
      %get3A_1806 = tpu.vector_load %arg12[%get3A_1803, %get3A_1804, %get3A_1805] {strides = array<i32>} : memref<8x100x64xf32, #tpu.memory_space<vmem>>, vector<16xf32>,
      %mul3A_1807 = arith.mulf %gather3A_1780, %get3A_1806 : vector<16xf32>
      %add3A_1808 = arith.addf %add3A_1775, %mul3A_1807 : vector<16xf32>
      %broadcast_in_dim3A_1809 = arith.constant 13 : i32
      %broadcast_in_dim3A_1810 = vector.broadcast %broadcast_in_dim3A_1809 : i32 to vector<16xi32>
      %broadcast_in_dim3A_1811 = vector.shape_cast %broadcast_in_dim3A_1810 : vector<16xi32> to vector<16x1xi32>
      %gather3A_1812 = vector.shape_cast %broadcast_in_dim3A_1811 : vector<16x1xi32> to vector<16xi32>
      %gather3A_1813 = tpu.dynamic_gather %mul3A_272[%gather3A_1812] in [0] : vector<16xf32>, vector<16xi32> -> vector<16xf32>
      %get3A_1814 = arith.constant 45 : i32
      %get3A_1815 = arith.index_cast %rem3A_212 : i32 to index
      %get3A_1816 = arith.index_cast %get3A_1814 : i32 to index
      %get3A_1817 = arith.constant 0 : index
      %get3A_1818 = tpu.vector_load %arg12[%get3A_1815, %get3A_1816, %get3A_1817] {strides = array<i32>} : memref<8x100x64xf32, #tpu.memory_space<vmem>>, vector<16xf32>,
      %mul3A_1819 = arith.mulf %gather3A_1813, %get3A_1818 : vector<16xf32>
      %add3A_1820 = arith.addf %add3A_1787, %mul3A_1819 : vector<16xf32>
      %get3A_1821 = arith.constant 45 : i32
      %get3A_1822 = arith.index_cast %rem3A_212 : i32 to index
      %get3A_1823 = arith.index_cast %get3A_1821 : i32 to index
      %get3A_1824 = arith.constant 16 : index
      %get3A_1825 = tpu.vector_load %arg12[%get3A_1822, %get3A_1823, %get3A_1824] {strides = array<i32>} : memref<8x100x64xf32, #tpu.memory_space<vmem>>, vector<16xf32>,
      %mul3A_1826 = arith.mulf %gather3A_1813, %get3A_1825 : vector<16xf32>
      %add3A_1827 = arith.addf %add3A_1794, %mul3A_1826 : vector<16xf32>
      %get3A_1828 = arith.constant 45 : i32
      %get3A_1829 = arith.index_cast %rem3A_212 : i32 to index
      %get3A_1830 = arith.index_cast %get3A_1828 : i32 to index
      %get3A_1831 = arith.constant 32 : index
      %get3A_1832 = tpu.vector_load %arg12[%get3A_1829, %get3A_1830, %get3A_1831] {strides = array<i32>} : memref<8x100x64xf32, #tpu.memory_space<vmem>>, vector<16xf32>,
      %mul3A_1833 = arith.mulf %gather3A_1813, %get3A_1832 : vector<16xf32>
      %add3A_1834 = arith.addf %add3A_1801, %mul3A_1833 : vector<16xf32>
      %get3A_1835 = arith.constant 45 : i32
      %get3A_1836 = arith.index_cast %rem3A_212 : i32 to index
      %get3A_1837 = arith.index_cast %get3A_1835 : i32 to index
      %get3A_1838 = arith.constant 48 : index
      %get3A_1839 = tpu.vector_load %arg12[%get3A_1836, %get3A_1837, %get3A_1838] {strides = array<i32>} : memref<8x100x64xf32, #tpu.memory_space<vmem>>, vector<16xf32>,
      %mul3A_1840 = arith.mulf %gather3A_1813, %get3A_1839 : vector<16xf32>
      %add3A_1841 = arith.addf %add3A_1808, %mul3A_1840 : vector<16xf32>
      %broadcast_in_dim3A_1842 = arith.constant 14 : i32
      %broadcast_in_dim3A_1843 = vector.broadcast %broadcast_in_dim3A_1842 : i32 to vector<16xi32>
      %broadcast_in_dim3A_1844 = vector.shape_cast %broadcast_in_dim3A_1843 : vector<16xi32> to vector<16x1xi32>
      %gather3A_1845 = vector.shape_cast %broadcast_in_dim3A_1844 : vector<16x1xi32> to vector<16xi32>
      %gather3A_1846 = tpu.dynamic_gather %mul3A_272[%gather3A_1845] in [0] : vector<16xf32>, vector<16xi32> -> vector<16xf32>
      %get3A_1847 = arith.constant 46 : i32
      %get3A_1848 = arith.index_cast %rem3A_212 : i32 to index
      %get3A_1849 = arith.index_cast %get3A_1847 : i32 to index
      %get3A_1850 = arith.constant 0 : index
      %get3A_1851 = tpu.vector_load %arg12[%get3A_1848, %get3A_1849, %get3A_1850] {strides = array<i32>} : memref<8x100x64xf32, #tpu.memory_space<vmem>>, vector<16xf32>,
      %mul3A_1852 = arith.mulf %gather3A_1846, %get3A_1851 : vector<16xf32>
      %add3A_1853 = arith.addf %add3A_1820, %mul3A_1852 : vector<16xf32>
      %get3A_1854 = arith.constant 46 : i32
      %get3A_1855 = arith.index_cast %rem3A_212 : i32 to index
      %get3A_1856 = arith.index_cast %get3A_1854 : i32 to index
      %get3A_1857 = arith.constant 16 : index
      %get3A_1858 = tpu.vector_load %arg12[%get3A_1855, %get3A_1856, %get3A_1857] {strides = array<i32>} : memref<8x100x64xf32, #tpu.memory_space<vmem>>, vector<16xf32>,
      %mul3A_1859 = arith.mulf %gather3A_1846, %get3A_1858 : vector<16xf32>
      %add3A_1860 = arith.addf %add3A_1827, %mul3A_1859 : vector<16xf32>
      %get3A_1861 = arith.constant 46 : i32
      %get3A_1862 = arith.index_cast %rem3A_212 : i32 to index
      %get3A_1863 = arith.index_cast %get3A_1861 : i32 to index
      %get3A_1864 = arith.constant 32 : index
      %get3A_1865 = tpu.vector_load %arg12[%get3A_1862, %get3A_1863, %get3A_1864] {strides = array<i32>} : memref<8x100x64xf32, #tpu.memory_space<vmem>>, vector<16xf32>,
      %mul3A_1866 = arith.mulf %gather3A_1846, %get3A_1865 : vector<16xf32>
      %add3A_1867 = arith.addf %add3A_1834, %mul3A_1866 : vector<16xf32>
      %get3A_1868 = arith.constant 46 : i32
      %get3A_1869 = arith.index_cast %rem3A_212 : i32 to index
      %get3A_1870 = arith.index_cast %get3A_1868 : i32 to index
      %get3A_1871 = arith.constant 48 : index
      %get3A_1872 = tpu.vector_load %arg12[%get3A_1869, %get3A_1870, %get3A_1871] {strides = array<i32>} : memref<8x100x64xf32, #tpu.memory_space<vmem>>, vector<16xf32>,
      %mul3A_1873 = arith.mulf %gather3A_1846, %get3A_1872 : vector<16xf32>
      %add3A_1874 = arith.addf %add3A_1841, %mul3A_1873 : vector<16xf32>
      %broadcast_in_dim3A_1875 = arith.constant 15 : i32
      %broadcast_in_dim3A_1876 = vector.broadcast %broadcast_in_dim3A_1875 : i32 to vector<16xi32>
      %broadcast_in_dim3A_1877 = vector.shape_cast %broadcast_in_dim3A_1876 : vector<16xi32> to vector<16x1xi32>
      %gather3A_1878 = vector.shape_cast %broadcast_in_dim3A_1877 : vector<16x1xi32> to vector<16xi32>
      %gather3A_1879 = tpu.dynamic_gather %mul3A_272[%gather3A_1878] in [0] : vector<16xf32>, vector<16xi32> -> vector<16xf32>
      %get3A_1880 = arith.constant 47 : i32
      %get3A_1881 = arith.index_cast %rem3A_212 : i32 to index
      %get3A_1882 = arith.index_cast %get3A_1880 : i32 to index
      %get3A_1883 = arith.constant 0 : index
      %get3A_1884 = tpu.vector_load %arg12[%get3A_1881, %get3A_1882, %get3A_1883] {strides = array<i32>} : memref<8x100x64xf32, #tpu.memory_space<vmem>>, vector<16xf32>,
      %mul3A_1885 = arith.mulf %gather3A_1879, %get3A_1884 : vector<16xf32>
      %add3A_1886 = arith.addf %add3A_1853, %mul3A_1885 : vector<16xf32>
      %get3A_1887 = arith.constant 47 : i32
      %get3A_1888 = arith.index_cast %rem3A_212 : i32 to index
      %get3A_1889 = arith.index_cast %get3A_1887 : i32 to index
      %get3A_1890 = arith.constant 16 : index
      %get3A_1891 = tpu.vector_load %arg12[%get3A_1888, %get3A_1889, %get3A_1890] {strides = array<i32>} : memref<8x100x64xf32, #tpu.memory_space<vmem>>, vector<16xf32>,
      %mul3A_1892 = arith.mulf %gather3A_1879, %get3A_1891 : vector<16xf32>
      %add3A_1893 = arith.addf %add3A_1860, %mul3A_1892 : vector<16xf32>
      %get3A_1894 = arith.constant 47 : i32
      %get3A_1895 = arith.index_cast %rem3A_212 : i32 to index
      %get3A_1896 = arith.index_cast %get3A_1894 : i32 to index
      %get3A_1897 = arith.constant 32 : index
      %get3A_1898 = tpu.vector_load %arg12[%get3A_1895, %get3A_1896, %get3A_1897] {strides = array<i32>} : memref<8x100x64xf32, #tpu.memory_space<vmem>>, vector<16xf32>,
      %mul3A_1899 = arith.mulf %gather3A_1879, %get3A_1898 : vector<16xf32>
      %add3A_1900 = arith.addf %add3A_1867, %mul3A_1899 : vector<16xf32>
      %get3A_1901 = arith.constant 47 : i32
      %get3A_1902 = arith.index_cast %rem3A_212 : i32 to index
      %get3A_1903 = arith.index_cast %get3A_1901 : i32 to index
      %get3A_1904 = arith.constant 48 : index
      %get3A_1905 = tpu.vector_load %arg12[%get3A_1902, %get3A_1903, %get3A_1904] {strides = array<i32>} : memref<8x100x64xf32, #tpu.memory_space<vmem>>, vector<16xf32>,
      %mul3A_1906 = arith.mulf %gather3A_1879, %get3A_1905 : vector<16xf32>
      %add3A_1907 = arith.addf %add3A_1874, %mul3A_1906 : vector<16xf32>
      %broadcast_in_dim3A_1908 = arith.constant 14 : i32
      %broadcast_in_dim3A_1909 = vector.broadcast %broadcast_in_dim3A_1908 : i32 to vector<16xi32>
      %broadcast_in_dim3A_1910 = vector.shape_cast %broadcast_in_dim3A_1909 : vector<16xi32> to vector<16x1xi32>
      %gather3A_1911 = vector.shape_cast %broadcast_in_dim3A_1910 : vector<16x1xi32> to vector<16xi32>
      %gather3A_1912 = tpu.dynamic_gather %mul3A_284[%gather3A_1911] in [0] : vector<16xf32>, vector<16xi32> -> vector<16xf32>
      %get3A_1913 = arith.constant 48 : i32
      %get3A_1914 = arith.index_cast %rem3A_212 : i32 to index
      %get3A_1915 = arith.index_cast %get3A_1913 : i32 to index
      %get3A_1916 = arith.constant 0 : index
      %get3A_1917 = tpu.vector_load %arg12[%get3A_1914, %get3A_1915, %get3A_1916] {strides = array<i32>} : memref<8x100x64xf32, #tpu.memory_space<vmem>>, vector<16xf32>,
      %mul3A_1918 = arith.mulf %gather3A_1912, %get3A_1917 : vector<16xf32>
      %add3A_1919 = arith.addf %add3A_1886, %mul3A_1918 : vector<16xf32>
      %get3A_1920 = arith.constant 48 : i32
      %get3A_1921 = arith.index_cast %rem3A_212 : i32 to index
      %get3A_1922 = arith.index_cast %get3A_1920 : i32 to index
      %get3A_1923 = arith.constant 16 : index
      %get3A_1924 = tpu.vector_load %arg12[%get3A_1921, %get3A_1922, %get3A_1923] {strides = array<i32>} : memref<8x100x64xf32, #tpu.memory_space<vmem>>, vector<16xf32>,
      %mul3A_1925 = arith.mulf %gather3A_1912, %get3A_1924 : vector<16xf32>
      %add3A_1926 = arith.addf %add3A_1893, %mul3A_1925 : vector<16xf32>
      %get3A_1927 = arith.constant 48 : i32
      %get3A_1928 = arith.index_cast %rem3A_212 : i32 to index
      %get3A_1929 = arith.index_cast %get3A_1927 : i32 to index
      %get3A_1930 = arith.constant 32 : index
      %get3A_1931 = tpu.vector_load %arg12[%get3A_1928, %get3A_1929, %get3A_1930] {strides = array<i32>} : memref<8x100x64xf32, #tpu.memory_space<vmem>>, vector<16xf32>,
      %mul3A_1932 = arith.mulf %gather3A_1912, %get3A_1931 : vector<16xf32>
      %add3A_1933 = arith.addf %add3A_1900, %mul3A_1932 : vector<16xf32>
      %get3A_1934 = arith.constant 48 : i32
      %get3A_1935 = arith.index_cast %rem3A_212 : i32 to index
      %get3A_1936 = arith.index_cast %get3A_1934 : i32 to index
      %get3A_1937 = arith.constant 48 : index
      %get3A_1938 = tpu.vector_load %arg12[%get3A_1935, %get3A_1936, %get3A_1937] {strides = array<i32>} : memref<8x100x64xf32, #tpu.memory_space<vmem>>, vector<16xf32>,
      %mul3A_1939 = arith.mulf %gather3A_1912, %get3A_1938 : vector<16xf32>
      %add3A_1940 = arith.addf %add3A_1907, %mul3A_1939 : vector<16xf32>
      %broadcast_in_dim3A_1941 = arith.constant 15 : i32
      %broadcast_in_dim3A_1942 = vector.broadcast %broadcast_in_dim3A_1941 : i32 to vector<16xi32>
      %broadcast_in_dim3A_1943 = vector.shape_cast %broadcast_in_dim3A_1942 : vector<16xi32> to vector<16x1xi32>
      %gather3A_1944 = vector.shape_cast %broadcast_in_dim3A_1943 : vector<16x1xi32> to vector<16xi32>
      %gather3A_1945 = tpu.dynamic_gather %mul3A_284[%gather3A_1944] in [0] : vector<16xf32>, vector<16xi32> -> vector<16xf32>
      %get3A_1946 = arith.constant 49 : i32
      %get3A_1947 = arith.index_cast %rem3A_212 : i32 to index
      %get3A_1948 = arith.index_cast %get3A_1946 : i32 to index
      %get3A_1949 = arith.constant 0 : index
      %get3A_1950 = tpu.vector_load %arg12[%get3A_1947, %get3A_1948, %get3A_1949] {strides = array<i32>} : memref<8x100x64xf32, #tpu.memory_space<vmem>>, vector<16xf32>,
      %mul3A_1951 = arith.mulf %gather3A_1945, %get3A_1950 : vector<16xf32>
      %add3A_1952 = arith.addf %add3A_1919, %mul3A_1951 : vector<16xf32>
      %get3A_1953 = arith.constant 49 : i32
      %get3A_1954 = arith.index_cast %rem3A_212 : i32 to index
      %get3A_1955 = arith.index_cast %get3A_1953 : i32 to index
      %get3A_1956 = arith.constant 16 : index
      %get3A_1957 = tpu.vector_load %arg12[%get3A_1954, %get3A_1955, %get3A_1956] {strides = array<i32>} : memref<8x100x64xf32, #tpu.memory_space<vmem>>, vector<16xf32>,
      %mul3A_1958 = arith.mulf %gather3A_1945, %get3A_1957 : vector<16xf32>
      %add3A_1959 = arith.addf %add3A_1926, %mul3A_1958 : vector<16xf32>
      %get3A_1960 = arith.constant 49 : i32
      %get3A_1961 = arith.index_cast %rem3A_212 : i32 to index
      %get3A_1962 = arith.index_cast %get3A_1960 : i32 to index
      %get3A_1963 = arith.constant 32 : index
      %get3A_1964 = tpu.vector_load %arg12[%get3A_1961, %get3A_1962, %get3A_1963] {strides = array<i32>} : memref<8x100x64xf32, #tpu.memory_space<vmem>>, vector<16xf32>,
      %mul3A_1965 = arith.mulf %gather3A_1945, %get3A_1964 : vector<16xf32>
      %add3A_1966 = arith.addf %add3A_1933, %mul3A_1965 : vector<16xf32>
      %get3A_1967 = arith.constant 49 : i32
      %get3A_1968 = arith.index_cast %rem3A_212 : i32 to index
      %get3A_1969 = arith.index_cast %get3A_1967 : i32 to index
      %get3A_1970 = arith.constant 48 : index
      %get3A_1971 = tpu.vector_load %arg12[%get3A_1968, %get3A_1969, %get3A_1970] {strides = array<i32>} : memref<8x100x64xf32, #tpu.memory_space<vmem>>, vector<16xf32>,
      %mul3A_1972 = arith.mulf %gather3A_1945, %get3A_1971 : vector<16xf32>
      %add3A_1973 = arith.addf %add3A_1940, %mul3A_1972 : vector<16xf32>
      %max3A = arith.constant 1.000000e-15 : f32
      %max3A_1974 = vector.broadcast %max3A : f32 to vector<16xf32>
      %max3A_1975 = arith.maximumf %max3A_1974, %add3A_315 : vector<16xf32>
      %div3A = arith.constant 1.000000e+00 : f32
      %div3A_1976 = vector.broadcast %div3A : f32 to vector<16xf32>
      %div3A_1977 = arith.divf %div3A_1976, %max3A_1975 : vector<16xf32>
      %mul3A_1978 = arith.mulf %add3A_1952, %div3A_1977 : vector<16xf32>
      %mul3A_1979 = arith.constant 2 : i32
      %mul3A_1980 = arith.muli %scan3A_211, %mul3A_1979 : i32
      %add3A_1981 = arith.constant 0 : i32
      %add3A_1982 = arith.addi %mul3A_1980, %add3A_1981 : i32
      %swap3A = arith.index_cast %add3A_1982 : i32 to index
      %swap3A_1983 = arith.constant 0 : index
      %swap3A_1984 = tpu.vector_load %arg13[%swap3A, %swap3A_1983] {strides = array<i32>} : memref<128x64xf32, #tpu.memory_space<vmem>>, vector<16xf32>,
      tpu.vector_store %arg13[%swap3A, %swap3A_1983], %mul3A_1978 {strides = array<i32>} : memref<128x64xf32, #tpu.memory_space<vmem>>, vector<16xf32>,
      %mul3A_1985 = arith.mulf %add3A_1959, %div3A_1977 : vector<16xf32>
      %mul3A_1986 = arith.constant 2 : i32
      %mul3A_1987 = arith.muli %scan3A_211, %mul3A_1986 : i32
      %add3A_1988 = arith.constant 0 : i32
      %add3A_1989 = arith.addi %mul3A_1987, %add3A_1988 : i32
      %swap3A_1990 = arith.index_cast %add3A_1989 : i32 to index
      %swap3A_1991 = arith.constant 16 : index
      %swap3A_1992 = tpu.vector_load %arg13[%swap3A_1990, %swap3A_1991] {strides = array<i32>} : memref<128x64xf32, #tpu.memory_space<vmem>>, vector<16xf32>,
      tpu.vector_store %arg13[%swap3A_1990, %swap3A_1991], %mul3A_1985 {strides = array<i32>} : memref<128x64xf32, #tpu.memory_space<vmem>>, vector<16xf32>,
      %mul3A_1993 = arith.mulf %add3A_1966, %div3A_1977 : vector<16xf32>
      %mul3A_1994 = arith.constant 2 : i32
      %mul3A_1995 = arith.muli %scan3A_211, %mul3A_1994 : i32
      %add3A_1996 = arith.constant 0 : i32
      %add3A_1997 = arith.addi %mul3A_1995, %add3A_1996 : i32
      %swap3A_1998 = arith.index_cast %add3A_1997 : i32 to index
      %swap3A_1999 = arith.constant 32 : index
      %swap3A_2000 = tpu.vector_load %arg13[%swap3A_1998, %swap3A_1999] {strides = array<i32>} : memref<128x64xf32, #tpu.memory_space<vmem>>, vector<16xf32>,
      tpu.vector_store %arg13[%swap3A_1998, %swap3A_1999], %mul3A_1993 {strides = array<i32>} : memref<128x64xf32, #tpu.memory_space<vmem>>, vector<16xf32>,
      %mul3A_2001 = arith.mulf %add3A_1973, %div3A_1977 : vector<16xf32>
      %mul3A_2002 = arith.constant 2 : i32
      %mul3A_2003 = arith.muli %scan3A_211, %mul3A_2002 : i32
      %add3A_2004 = arith.constant 0 : i32
      %add3A_2005 = arith.addi %mul3A_2003, %add3A_2004 : i32
      %swap3A_2006 = arith.index_cast %add3A_2005 : i32 to index
      %swap3A_2007 = arith.constant 48 : index
      %swap3A_2008 = tpu.vector_load %arg13[%swap3A_2006, %swap3A_2007] {strides = array<i32>} : memref<128x64xf32, #tpu.memory_space<vmem>>, vector<16xf32>,
      tpu.vector_store %arg13[%swap3A_2006, %swap3A_2007], %mul3A_2001 {strides = array<i32>} : memref<128x64xf32, #tpu.memory_space<vmem>>, vector<16xf32>,
      %mul3A_2009 = arith.constant 100 : i32
      %mul3A_2010 = arith.muli %scan3A_211, %mul3A_2009 : i32
      %add3A_2011 = arith.constant 50 : i32
      %add3A_2012 = arith.addi %mul3A_2010, %add3A_2011 : i32
      %add3A_2013 = arith.constant 0 : i32
      %add3A_2014 = arith.addi %add3A_2012, %add3A_2013 : i32
      %get3A_2015 = arith.index_cast %add3A_2014 : i32 to index
      %get3A_2016 = tpu.vector_load %arg8[%get3A_2015] {strides = array<i32>} : memref<6400xf32, #tpu.memory_space<vmem>>, vector<16xf32>,
      %get3A_2017 = arith.index_cast %rem3A_212 : i32 to index
      %get3A_2018 = arith.constant 50 : index
      %get3A_2019 = tpu.vector_load %arg11[%get3A_2017, %get3A_2018] {strides = array<i32>} : memref<8x100xf32, #tpu.memory_space<vmem>>, vector<16xf32>,
      %mul3A_2020 = arith.mulf %get3A_2016, %get3A_2019 : vector<16xf32>
      %mul3A_2021 = arith.constant 100 : i32
      %mul3A_2022 = arith.muli %scan3A_211, %mul3A_2021 : i32
      %add3A_2023 = arith.constant 50 : i32
      %add3A_2024 = arith.addi %mul3A_2022, %add3A_2023 : i32
      %add3A_2025 = arith.constant 16 : i32
      %add3A_2026 = arith.addi %add3A_2024, %add3A_2025 : i32
      %get3A_2027 = arith.index_cast %add3A_2026 : i32 to index
      %get3A_2028 = tpu.vector_load %arg8[%get3A_2027] {strides = array<i32>} : memref<6400xf32, #tpu.memory_space<vmem>>, vector<16xf32>,
      %get3A_2029 = arith.index_cast %rem3A_212 : i32 to index
      %get3A_2030 = arith.constant 66 : index
      %get3A_2031 = tpu.vector_load %arg11[%get3A_2029, %get3A_2030] {strides = array<i32>} : memref<8x100xf32, #tpu.memory_space<vmem>>, vector<16xf32>,
      %mul3A_2032 = arith.mulf %get3A_2028, %get3A_2031 : vector<16xf32>
      %mul3A_2033 = arith.constant 100 : i32
      %mul3A_2034 = arith.muli %scan3A_211, %mul3A_2033 : i32
      %add3A_2035 = arith.constant 50 : i32
      %add3A_2036 = arith.addi %mul3A_2034, %add3A_2035 : i32
      %add3A_2037 = arith.constant 32 : i32
      %add3A_2038 = arith.addi %add3A_2036, %add3A_2037 : i32
      %get3A_2039 = arith.index_cast %add3A_2038 : i32 to index
      %get3A_2040 = tpu.vector_load %arg8[%get3A_2039] {strides = array<i32>} : memref<6400xf32, #tpu.memory_space<vmem>>, vector<16xf32>,
      %get3A_2041 = arith.index_cast %rem3A_212 : i32 to index
      %get3A_2042 = arith.constant 82 : index
      %get3A_2043 = tpu.vector_load %arg11[%get3A_2041, %get3A_2042] {strides = array<i32>} : memref<8x100xf32, #tpu.memory_space<vmem>>, vector<16xf32>,
      %mul3A_2044 = arith.mulf %get3A_2040, %get3A_2043 : vector<16xf32>
      %mul3A_2045 = arith.constant 100 : i32
      %mul3A_2046 = arith.muli %scan3A_211, %mul3A_2045 : i32
      %add3A_2047 = arith.constant 50 : i32
      %add3A_2048 = arith.addi %mul3A_2046, %add3A_2047 : i32
      %add3A_2049 = arith.constant 34 : i32
      %add3A_2050 = arith.addi %add3A_2048, %add3A_2049 : i32
      %get3A_2051 = arith.index_cast %add3A_2050 : i32 to index
      %get3A_2052 = tpu.vector_load %arg8[%get3A_2051] {strides = array<i32>} : memref<6400xf32, #tpu.memory_space<vmem>>, vector<16xf32>,
      %get3A_2053 = arith.index_cast %rem3A_212 : i32 to index
      %get3A_2054 = arith.constant 84 : index
      %get3A_2055 = tpu.vector_load %arg11[%get3A_2053, %get3A_2054] {strides = array<i32>} : memref<8x100xf32, #tpu.memory_space<vmem>>, vector<16xf32>,
      %mul3A_2056 = arith.mulf %get3A_2052, %get3A_2055 : vector<16xf32>
      %add3A_2057 = arith.addf %mul3A_2020, %mul3A_2032 : vector<16xf32>
      %add3A_2058 = arith.addf %add3A_2057, %mul3A_2044 : vector<16xf32>
      %ge3A_2059 = arith.constant 14 : i32
      %ge3A_2060 = vector.broadcast %ge3A_2059 : i32 to vector<16xi32>
      %ge3A_2061 = arith.cmpi sge, %iota3A, %ge3A_2060 : vector<16xi32>
      %jit3A_2062 = arith.constant 0.000000e+00 : f32
      %broadcast_in_dim3A_2063 = vector.broadcast %jit3A_2062 : f32 to vector<16xf32>
      %select_n3A_2064 = arith.select %ge3A_2061, %mul3A_2056, %broadcast_in_dim3A_2063 : vector<16xi1>, vector<16xf32>
      %add3A_2065 = arith.addf %add3A_2058, %select_n3A_2064 : vector<16xf32>
      %xor3A_2066 = arith.constant 8 : i32
      %xor3A_2067 = vector.broadcast %xor3A_2066 : i32 to vector<16xi32>
      %xor3A_2068 = arith.xori %iota3A, %xor3A_2067 : vector<16xi32>
      %broadcast_in_dim3A_2069 = vector.shape_cast %xor3A_2068 : vector<16xi32> to vector<16x1xi32>
      %gather3A_2070 = vector.shape_cast %broadcast_in_dim3A_2069 : vector<16x1xi32> to vector<16xi32>
      %gather3A_2071 = tpu.dynamic_gather %add3A_2065[%gather3A_2070] in [0] : vector<16xf32>, vector<16xi32> -> vector<16xf32>
      %add3A_2072 = arith.addf %add3A_2065, %gather3A_2071 : vector<16xf32>
      %xor3A_2073 = arith.constant 4 : i32
      %xor3A_2074 = vector.broadcast %xor3A_2073 : i32 to vector<16xi32>
      %xor3A_2075 = arith.xori %iota3A, %xor3A_2074 : vector<16xi32>
      %broadcast_in_dim3A_2076 = vector.shape_cast %xor3A_2075 : vector<16xi32> to vector<16x1xi32>
      %gather3A_2077 = vector.shape_cast %broadcast_in_dim3A_2076 : vector<16x1xi32> to vector<16xi32>
      %gather3A_2078 = tpu.dynamic_gather %add3A_2072[%gather3A_2077] in [0] : vector<16xf32>, vector<16xi32> -> vector<16xf32>
      %add3A_2079 = arith.addf %add3A_2072, %gather3A_2078 : vector<16xf32>
      %xor3A_2080 = arith.constant 2 : i32
      %xor3A_2081 = vector.broadcast %xor3A_2080 : i32 to vector<16xi32>
      %xor3A_2082 = arith.xori %iota3A, %xor3A_2081 : vector<16xi32>
      %broadcast_in_dim3A_2083 = vector.shape_cast %xor3A_2082 : vector<16xi32> to vector<16x1xi32>
      %gather3A_2084 = vector.shape_cast %broadcast_in_dim3A_2083 : vector<16x1xi32> to vector<16xi32>
      %gather3A_2085 = tpu.dynamic_gather %add3A_2079[%gather3A_2084] in [0] : vector<16xf32>, vector<16xi32> -> vector<16xf32>
      %add3A_2086 = arith.addf %add3A_2079, %gather3A_2085 : vector<16xf32>
      %xor3A_2087 = arith.constant 1 : i32
      %xor3A_2088 = vector.broadcast %xor3A_2087 : i32 to vector<16xi32>
      %xor3A_2089 = arith.xori %iota3A, %xor3A_2088 : vector<16xi32>
      %broadcast_in_dim3A_2090 = vector.shape_cast %xor3A_2089 : vector<16xi32> to vector<16x1xi32>
      %gather3A_2091 = vector.shape_cast %broadcast_in_dim3A_2090 : vector<16x1xi32> to vector<16xi32>
      %gather3A_2092 = tpu.dynamic_gather %add3A_2086[%gather3A_2091] in [0] : vector<16xf32>, vector<16xi32> -> vector<16xf32>
      %add3A_2093 = arith.addf %add3A_2086, %gather3A_2092 : vector<16xf32>
      %broadcast_in_dim3A_2094 = arith.constant 0.000000e+00 : f32
      %broadcast_in_dim3A_2095 = vector.broadcast %broadcast_in_dim3A_2094 : f32 to vector<16xf32>
      %broadcast_in_dim3A_2096 = arith.constant 0.000000e+00 : f32
      %broadcast_in_dim3A_2097 = vector.broadcast %broadcast_in_dim3A_2096 : f32 to vector<16xf32>
      %broadcast_in_dim3A_2098 = arith.constant 0.000000e+00 : f32
      %broadcast_in_dim3A_2099 = vector.broadcast %broadcast_in_dim3A_2098 : f32 to vector<16xf32>
      %broadcast_in_dim3A_2100 = arith.constant 0.000000e+00 : f32
      %broadcast_in_dim3A_2101 = vector.broadcast %broadcast_in_dim3A_2100 : f32 to vector<16xf32>
      %broadcast_in_dim3A_2102 = arith.constant 0 : i32
      %broadcast_in_dim3A_2103 = vector.broadcast %broadcast_in_dim3A_2102 : i32 to vector<16xi32>
      %broadcast_in_dim3A_2104 = vector.shape_cast %broadcast_in_dim3A_2103 : vector<16xi32> to vector<16x1xi32>
      %gather3A_2105 = vector.shape_cast %broadcast_in_dim3A_2104 : vector<16x1xi32> to vector<16xi32>
      %gather3A_2106 = tpu.dynamic_gather %mul3A_2020[%gather3A_2105] in [0] : vector<16xf32>, vector<16xi32> -> vector<16xf32>
      %get3A_2107 = arith.constant 50 : i32
      %get3A_2108 = arith.index_cast %rem3A_212 : i32 to index
      %get3A_2109 = arith.index_cast %get3A_2107 : i32 to index
      %get3A_2110 = arith.constant 0 : index
      %get3A_2111 = tpu.vector_load %arg12[%get3A_2108, %get3A_2109, %get3A_2110] {strides = array<i32>} : memref<8x100x64xf32, #tpu.memory_space<vmem>>, vector<16xf32>,
      %mul3A_2112 = arith.mulf %gather3A_2106, %get3A_2111 : vector<16xf32>
      %add3A_2113 = arith.addf %broadcast_in_dim3A_2095, %mul3A_2112 : vector<16xf32>
      %get3A_2114 = arith.constant 50 : i32
      %get3A_2115 = arith.index_cast %rem3A_212 : i32 to index
      %get3A_2116 = arith.index_cast %get3A_2114 : i32 to index
      %get3A_2117 = arith.constant 16 : index
      %get3A_2118 = tpu.vector_load %arg12[%get3A_2115, %get3A_2116, %get3A_2117] {strides = array<i32>} : memref<8x100x64xf32, #tpu.memory_space<vmem>>, vector<16xf32>,
      %mul3A_2119 = arith.mulf %gather3A_2106, %get3A_2118 : vector<16xf32>
      %add3A_2120 = arith.addf %broadcast_in_dim3A_2097, %mul3A_2119 : vector<16xf32>
      %get3A_2121 = arith.constant 50 : i32
      %get3A_2122 = arith.index_cast %rem3A_212 : i32 to index
      %get3A_2123 = arith.index_cast %get3A_2121 : i32 to index
      %get3A_2124 = arith.constant 32 : index
      %get3A_2125 = tpu.vector_load %arg12[%get3A_2122, %get3A_2123, %get3A_2124] {strides = array<i32>} : memref<8x100x64xf32, #tpu.memory_space<vmem>>, vector<16xf32>,
      %mul3A_2126 = arith.mulf %gather3A_2106, %get3A_2125 : vector<16xf32>
      %add3A_2127 = arith.addf %broadcast_in_dim3A_2099, %mul3A_2126 : vector<16xf32>
      %get3A_2128 = arith.constant 50 : i32
      %get3A_2129 = arith.index_cast %rem3A_212 : i32 to index
      %get3A_2130 = arith.index_cast %get3A_2128 : i32 to index
      %get3A_2131 = arith.constant 48 : index
      %get3A_2132 = tpu.vector_load %arg12[%get3A_2129, %get3A_2130, %get3A_2131] {strides = array<i32>} : memref<8x100x64xf32, #tpu.memory_space<vmem>>, vector<16xf32>,
      %mul3A_2133 = arith.mulf %gather3A_2106, %get3A_2132 : vector<16xf32>
      %add3A_2134 = arith.addf %broadcast_in_dim3A_2101, %mul3A_2133 : vector<16xf32>
      %broadcast_in_dim3A_2135 = arith.constant 1 : i32
      %broadcast_in_dim3A_2136 = vector.broadcast %broadcast_in_dim3A_2135 : i32 to vector<16xi32>
      %broadcast_in_dim3A_2137 = vector.shape_cast %broadcast_in_dim3A_2136 : vector<16xi32> to vector<16x1xi32>
      %gather3A_2138 = vector.shape_cast %broadcast_in_dim3A_2137 : vector<16x1xi32> to vector<16xi32>
      %gather3A_2139 = tpu.dynamic_gather %mul3A_2020[%gather3A_2138] in [0] : vector<16xf32>, vector<16xi32> -> vector<16xf32>
      %get3A_2140 = arith.constant 51 : i32
      %get3A_2141 = arith.index_cast %rem3A_212 : i32 to index
      %get3A_2142 = arith.index_cast %get3A_2140 : i32 to index
      %get3A_2143 = arith.constant 0 : index
      %get3A_2144 = tpu.vector_load %arg12[%get3A_2141, %get3A_2142, %get3A_2143] {strides = array<i32>} : memref<8x100x64xf32, #tpu.memory_space<vmem>>, vector<16xf32>,
      %mul3A_2145 = arith.mulf %gather3A_2139, %get3A_2144 : vector<16xf32>
      %add3A_2146 = arith.addf %add3A_2113, %mul3A_2145 : vector<16xf32>
      %get3A_2147 = arith.constant 51 : i32
      %get3A_2148 = arith.index_cast %rem3A_212 : i32 to index
      %get3A_2149 = arith.index_cast %get3A_2147 : i32 to index
      %get3A_2150 = arith.constant 16 : index
      %get3A_2151 = tpu.vector_load %arg12[%get3A_2148, %get3A_2149, %get3A_2150] {strides = array<i32>} : memref<8x100x64xf32, #tpu.memory_space<vmem>>, vector<16xf32>,
      %mul3A_2152 = arith.mulf %gather3A_2139, %get3A_2151 : vector<16xf32>
      %add3A_2153 = arith.addf %add3A_2120, %mul3A_2152 : vector<16xf32>
      %get3A_2154 = arith.constant 51 : i32
      %get3A_2155 = arith.index_cast %rem3A_212 : i32 to index
      %get3A_2156 = arith.index_cast %get3A_2154 : i32 to index
      %get3A_2157 = arith.constant 32 : index
      %get3A_2158 = tpu.vector_load %arg12[%get3A_2155, %get3A_2156, %get3A_2157] {strides = array<i32>} : memref<8x100x64xf32, #tpu.memory_space<vmem>>, vector<16xf32>,
      %mul3A_2159 = arith.mulf %gather3A_2139, %get3A_2158 : vector<16xf32>
      %add3A_2160 = arith.addf %add3A_2127, %mul3A_2159 : vector<16xf32>
      %get3A_2161 = arith.constant 51 : i32
      %get3A_2162 = arith.index_cast %rem3A_212 : i32 to index
      %get3A_2163 = arith.index_cast %get3A_2161 : i32 to index
      %get3A_2164 = arith.constant 48 : index
      %get3A_2165 = tpu.vector_load %arg12[%get3A_2162, %get3A_2163, %get3A_2164] {strides = array<i32>} : memref<8x100x64xf32, #tpu.memory_space<vmem>>, vector<16xf32>,
      %mul3A_2166 = arith.mulf %gather3A_2139, %get3A_2165 : vector<16xf32>
      %add3A_2167 = arith.addf %add3A_2134, %mul3A_2166 : vector<16xf32>
      %broadcast_in_dim3A_2168 = arith.constant 2 : i32
      %broadcast_in_dim3A_2169 = vector.broadcast %broadcast_in_dim3A_2168 : i32 to vector<16xi32>
      %broadcast_in_dim3A_2170 = vector.shape_cast %broadcast_in_dim3A_2169 : vector<16xi32> to vector<16x1xi32>
      %gather3A_2171 = vector.shape_cast %broadcast_in_dim3A_2170 : vector<16x1xi32> to vector<16xi32>
      %gather3A_2172 = tpu.dynamic_gather %mul3A_2020[%gather3A_2171] in [0] : vector<16xf32>, vector<16xi32> -> vector<16xf32>
      %get3A_2173 = arith.constant 52 : i32
      %get3A_2174 = arith.index_cast %rem3A_212 : i32 to index
      %get3A_2175 = arith.index_cast %get3A_2173 : i32 to index
      %get3A_2176 = arith.constant 0 : index
      %get3A_2177 = tpu.vector_load %arg12[%get3A_2174, %get3A_2175, %get3A_2176] {strides = array<i32>} : memref<8x100x64xf32, #tpu.memory_space<vmem>>, vector<16xf32>,
      %mul3A_2178 = arith.mulf %gather3A_2172, %get3A_2177 : vector<16xf32>
      %add3A_2179 = arith.addf %add3A_2146, %mul3A_2178 : vector<16xf32>
      %get3A_2180 = arith.constant 52 : i32
      %get3A_2181 = arith.index_cast %rem3A_212 : i32 to index
      %get3A_2182 = arith.index_cast %get3A_2180 : i32 to index
      %get3A_2183 = arith.constant 16 : index
      %get3A_2184 = tpu.vector_load %arg12[%get3A_2181, %get3A_2182, %get3A_2183] {strides = array<i32>} : memref<8x100x64xf32, #tpu.memory_space<vmem>>, vector<16xf32>,
      %mul3A_2185 = arith.mulf %gather3A_2172, %get3A_2184 : vector<16xf32>
      %add3A_2186 = arith.addf %add3A_2153, %mul3A_2185 : vector<16xf32>
      %get3A_2187 = arith.constant 52 : i32
      %get3A_2188 = arith.index_cast %rem3A_212 : i32 to index
      %get3A_2189 = arith.index_cast %get3A_2187 : i32 to index
      %get3A_2190 = arith.constant 32 : index
      %get3A_2191 = tpu.vector_load %arg12[%get3A_2188, %get3A_2189, %get3A_2190] {strides = array<i32>} : memref<8x100x64xf32, #tpu.memory_space<vmem>>, vector<16xf32>,
      %mul3A_2192 = arith.mulf %gather3A_2172, %get3A_2191 : vector<16xf32>
      %add3A_2193 = arith.addf %add3A_2160, %mul3A_2192 : vector<16xf32>
      %get3A_2194 = arith.constant 52 : i32
      %get3A_2195 = arith.index_cast %rem3A_212 : i32 to index
      %get3A_2196 = arith.index_cast %get3A_2194 : i32 to index
      %get3A_2197 = arith.constant 48 : index
      %get3A_2198 = tpu.vector_load %arg12[%get3A_2195, %get3A_2196, %get3A_2197] {strides = array<i32>} : memref<8x100x64xf32, #tpu.memory_space<vmem>>, vector<16xf32>,
      %mul3A_2199 = arith.mulf %gather3A_2172, %get3A_2198 : vector<16xf32>
      %add3A_2200 = arith.addf %add3A_2167, %mul3A_2199 : vector<16xf32>
      %broadcast_in_dim3A_2201 = arith.constant 3 : i32
      %broadcast_in_dim3A_2202 = vector.broadcast %broadcast_in_dim3A_2201 : i32 to vector<16xi32>
      %broadcast_in_dim3A_2203 = vector.shape_cast %broadcast_in_dim3A_2202 : vector<16xi32> to vector<16x1xi32>
      %gather3A_2204 = vector.shape_cast %broadcast_in_dim3A_2203 : vector<16x1xi32> to vector<16xi32>
      %gather3A_2205 = tpu.dynamic_gather %mul3A_2020[%gather3A_2204] in [0] : vector<16xf32>, vector<16xi32> -> vector<16xf32>
      %get3A_2206 = arith.constant 53 : i32
      %get3A_2207 = arith.index_cast %rem3A_212 : i32 to index
      %get3A_2208 = arith.index_cast %get3A_2206 : i32 to index
      %get3A_2209 = arith.constant 0 : index
      %get3A_2210 = tpu.vector_load %arg12[%get3A_2207, %get3A_2208, %get3A_2209] {strides = array<i32>} : memref<8x100x64xf32, #tpu.memory_space<vmem>>, vector<16xf32>,
      %mul3A_2211 = arith.mulf %gather3A_2205, %get3A_2210 : vector<16xf32>
      %add3A_2212 = arith.addf %add3A_2179, %mul3A_2211 : vector<16xf32>
      %get3A_2213 = arith.constant 53 : i32
      %get3A_2214 = arith.index_cast %rem3A_212 : i32 to index
      %get3A_2215 = arith.index_cast %get3A_2213 : i32 to index
      %get3A_2216 = arith.constant 16 : index
      %get3A_2217 = tpu.vector_load %arg12[%get3A_2214, %get3A_2215, %get3A_2216] {strides = array<i32>} : memref<8x100x64xf32, #tpu.memory_space<vmem>>, vector<16xf32>,
      %mul3A_2218 = arith.mulf %gather3A_2205, %get3A_2217 : vector<16xf32>
      %add3A_2219 = arith.addf %add3A_2186, %mul3A_2218 : vector<16xf32>
      %get3A_2220 = arith.constant 53 : i32
      %get3A_2221 = arith.index_cast %rem3A_212 : i32 to index
      %get3A_2222 = arith.index_cast %get3A_2220 : i32 to index
      %get3A_2223 = arith.constant 32 : index
      %get3A_2224 = tpu.vector_load %arg12[%get3A_2221, %get3A_2222, %get3A_2223] {strides = array<i32>} : memref<8x100x64xf32, #tpu.memory_space<vmem>>, vector<16xf32>,
      %mul3A_2225 = arith.mulf %gather3A_2205, %get3A_2224 : vector<16xf32>
      %add3A_2226 = arith.addf %add3A_2193, %mul3A_2225 : vector<16xf32>
      %get3A_2227 = arith.constant 53 : i32
      %get3A_2228 = arith.index_cast %rem3A_212 : i32 to index
      %get3A_2229 = arith.index_cast %get3A_2227 : i32 to index
      %get3A_2230 = arith.constant 48 : index
      %get3A_2231 = tpu.vector_load %arg12[%get3A_2228, %get3A_2229, %get3A_2230] {strides = array<i32>} : memref<8x100x64xf32, #tpu.memory_space<vmem>>, vector<16xf32>,
      %mul3A_2232 = arith.mulf %gather3A_2205, %get3A_2231 : vector<16xf32>
      %add3A_2233 = arith.addf %add3A_2200, %mul3A_2232 : vector<16xf32>
      %broadcast_in_dim3A_2234 = arith.constant 4 : i32
      %broadcast_in_dim3A_2235 = vector.broadcast %broadcast_in_dim3A_2234 : i32 to vector<16xi32>
      %broadcast_in_dim3A_2236 = vector.shape_cast %broadcast_in_dim3A_2235 : vector<16xi32> to vector<16x1xi32>
      %gather3A_2237 = vector.shape_cast %broadcast_in_dim3A_2236 : vector<16x1xi32> to vector<16xi32>
      %gather3A_2238 = tpu.dynamic_gather %mul3A_2020[%gather3A_2237] in [0] : vector<16xf32>, vector<16xi32> -> vector<16xf32>
      %get3A_2239 = arith.constant 54 : i32
      %get3A_2240 = arith.index_cast %rem3A_212 : i32 to index
      %get3A_2241 = arith.index_cast %get3A_2239 : i32 to index
      %get3A_2242 = arith.constant 0 : index
      %get3A_2243 = tpu.vector_load %arg12[%get3A_2240, %get3A_2241, %get3A_2242] {strides = array<i32>} : memref<8x100x64xf32, #tpu.memory_space<vmem>>, vector<16xf32>,
      %mul3A_2244 = arith.mulf %gather3A_2238, %get3A_2243 : vector<16xf32>
      %add3A_2245 = arith.addf %add3A_2212, %mul3A_2244 : vector<16xf32>
      %get3A_2246 = arith.constant 54 : i32
      %get3A_2247 = arith.index_cast %rem3A_212 : i32 to index
      %get3A_2248 = arith.index_cast %get3A_2246 : i32 to index
      %get3A_2249 = arith.constant 16 : index
      %get3A_2250 = tpu.vector_load %arg12[%get3A_2247, %get3A_2248, %get3A_2249] {strides = array<i32>} : memref<8x100x64xf32, #tpu.memory_space<vmem>>, vector<16xf32>,
      %mul3A_2251 = arith.mulf %gather3A_2238, %get3A_2250 : vector<16xf32>
      %add3A_2252 = arith.addf %add3A_2219, %mul3A_2251 : vector<16xf32>
      %get3A_2253 = arith.constant 54 : i32
      %get3A_2254 = arith.index_cast %rem3A_212 : i32 to index
      %get3A_2255 = arith.index_cast %get3A_2253 : i32 to index
      %get3A_2256 = arith.constant 32 : index
      %get3A_2257 = tpu.vector_load %arg12[%get3A_2254, %get3A_2255, %get3A_2256] {strides = array<i32>} : memref<8x100x64xf32, #tpu.memory_space<vmem>>, vector<16xf32>,
      %mul3A_2258 = arith.mulf %gather3A_2238, %get3A_2257 : vector<16xf32>
      %add3A_2259 = arith.addf %add3A_2226, %mul3A_2258 : vector<16xf32>
      %get3A_2260 = arith.constant 54 : i32
      %get3A_2261 = arith.index_cast %rem3A_212 : i32 to index
      %get3A_2262 = arith.index_cast %get3A_2260 : i32 to index
      %get3A_2263 = arith.constant 48 : index
      %get3A_2264 = tpu.vector_load %arg12[%get3A_2261, %get3A_2262, %get3A_2263] {strides = array<i32>} : memref<8x100x64xf32, #tpu.memory_space<vmem>>, vector<16xf32>,
      %mul3A_2265 = arith.mulf %gather3A_2238, %get3A_2264 : vector<16xf32>
      %add3A_2266 = arith.addf %add3A_2233, %mul3A_2265 : vector<16xf32>
      %broadcast_in_dim3A_2267 = arith.constant 5 : i32
      %broadcast_in_dim3A_2268 = vector.broadcast %broadcast_in_dim3A_2267 : i32 to vector<16xi32>
      %broadcast_in_dim3A_2269 = vector.shape_cast %broadcast_in_dim3A_2268 : vector<16xi32> to vector<16x1xi32>
      %gather3A_2270 = vector.shape_cast %broadcast_in_dim3A_2269 : vector<16x1xi32> to vector<16xi32>
      %gather3A_2271 = tpu.dynamic_gather %mul3A_2020[%gather3A_2270] in [0] : vector<16xf32>, vector<16xi32> -> vector<16xf32>
      %get3A_2272 = arith.constant 55 : i32
      %get3A_2273 = arith.index_cast %rem3A_212 : i32 to index
      %get3A_2274 = arith.index_cast %get3A_2272 : i32 to index
      %get3A_2275 = arith.constant 0 : index
      %get3A_2276 = tpu.vector_load %arg12[%get3A_2273, %get3A_2274, %get3A_2275] {strides = array<i32>} : memref<8x100x64xf32, #tpu.memory_space<vmem>>, vector<16xf32>,
      %mul3A_2277 = arith.mulf %gather3A_2271, %get3A_2276 : vector<16xf32>
      %add3A_2278 = arith.addf %add3A_2245, %mul3A_2277 : vector<16xf32>
      %get3A_2279 = arith.constant 55 : i32
      %get3A_2280 = arith.index_cast %rem3A_212 : i32 to index
      %get3A_2281 = arith.index_cast %get3A_2279 : i32 to index
      %get3A_2282 = arith.constant 16 : index
      %get3A_2283 = tpu.vector_load %arg12[%get3A_2280, %get3A_2281, %get3A_2282] {strides = array<i32>} : memref<8x100x64xf32, #tpu.memory_space<vmem>>, vector<16xf32>,
      %mul3A_2284 = arith.mulf %gather3A_2271, %get3A_2283 : vector<16xf32>
      %add3A_2285 = arith.addf %add3A_2252, %mul3A_2284 : vector<16xf32>
      %get3A_2286 = arith.constant 55 : i32
      %get3A_2287 = arith.index_cast %rem3A_212 : i32 to index
      %get3A_2288 = arith.index_cast %get3A_2286 : i32 to index
      %get3A_2289 = arith.constant 32 : index
      %get3A_2290 = tpu.vector_load %arg12[%get3A_2287, %get3A_2288, %get3A_2289] {strides = array<i32>} : memref<8x100x64xf32, #tpu.memory_space<vmem>>, vector<16xf32>,
      %mul3A_2291 = arith.mulf %gather3A_2271, %get3A_2290 : vector<16xf32>
      %add3A_2292 = arith.addf %add3A_2259, %mul3A_2291 : vector<16xf32>
      %get3A_2293 = arith.constant 55 : i32
      %get3A_2294 = arith.index_cast %rem3A_212 : i32 to index
      %get3A_2295 = arith.index_cast %get3A_2293 : i32 to index
      %get3A_2296 = arith.constant 48 : index
      %get3A_2297 = tpu.vector_load %arg12[%get3A_2294, %get3A_2295, %get3A_2296] {strides = array<i32>} : memref<8x100x64xf32, #tpu.memory_space<vmem>>, vector<16xf32>,
      %mul3A_2298 = arith.mulf %gather3A_2271, %get3A_2297 : vector<16xf32>
      %add3A_2299 = arith.addf %add3A_2266, %mul3A_2298 : vector<16xf32>
      %broadcast_in_dim3A_2300 = arith.constant 6 : i32
      %broadcast_in_dim3A_2301 = vector.broadcast %broadcast_in_dim3A_2300 : i32 to vector<16xi32>
      %broadcast_in_dim3A_2302 = vector.shape_cast %broadcast_in_dim3A_2301 : vector<16xi32> to vector<16x1xi32>
      %gather3A_2303 = vector.shape_cast %broadcast_in_dim3A_2302 : vector<16x1xi32> to vector<16xi32>
      %gather3A_2304 = tpu.dynamic_gather %mul3A_2020[%gather3A_2303] in [0] : vector<16xf32>, vector<16xi32> -> vector<16xf32>
      %get3A_2305 = arith.constant 56 : i32
      %get3A_2306 = arith.index_cast %rem3A_212 : i32 to index
      %get3A_2307 = arith.index_cast %get3A_2305 : i32 to index
      %get3A_2308 = arith.constant 0 : index
      %get3A_2309 = tpu.vector_load %arg12[%get3A_2306, %get3A_2307, %get3A_2308] {strides = array<i32>} : memref<8x100x64xf32, #tpu.memory_space<vmem>>, vector<16xf32>,
      %mul3A_2310 = arith.mulf %gather3A_2304, %get3A_2309 : vector<16xf32>
      %add3A_2311 = arith.addf %add3A_2278, %mul3A_2310 : vector<16xf32>
      %get3A_2312 = arith.constant 56 : i32
      %get3A_2313 = arith.index_cast %rem3A_212 : i32 to index
      %get3A_2314 = arith.index_cast %get3A_2312 : i32 to index
      %get3A_2315 = arith.constant 16 : index
      %get3A_2316 = tpu.vector_load %arg12[%get3A_2313, %get3A_2314, %get3A_2315] {strides = array<i32>} : memref<8x100x64xf32, #tpu.memory_space<vmem>>, vector<16xf32>,
      %mul3A_2317 = arith.mulf %gather3A_2304, %get3A_2316 : vector<16xf32>
      %add3A_2318 = arith.addf %add3A_2285, %mul3A_2317 : vector<16xf32>
      %get3A_2319 = arith.constant 56 : i32
      %get3A_2320 = arith.index_cast %rem3A_212 : i32 to index
      %get3A_2321 = arith.index_cast %get3A_2319 : i32 to index
      %get3A_2322 = arith.constant 32 : index
      %get3A_2323 = tpu.vector_load %arg12[%get3A_2320, %get3A_2321, %get3A_2322] {strides = array<i32>} : memref<8x100x64xf32, #tpu.memory_space<vmem>>, vector<16xf32>,
      %mul3A_2324 = arith.mulf %gather3A_2304, %get3A_2323 : vector<16xf32>
      %add3A_2325 = arith.addf %add3A_2292, %mul3A_2324 : vector<16xf32>
      %get3A_2326 = arith.constant 56 : i32
      %get3A_2327 = arith.index_cast %rem3A_212 : i32 to index
      %get3A_2328 = arith.index_cast %get3A_2326 : i32 to index
      %get3A_2329 = arith.constant 48 : index
      %get3A_2330 = tpu.vector_load %arg12[%get3A_2327, %get3A_2328, %get3A_2329] {strides = array<i32>} : memref<8x100x64xf32, #tpu.memory_space<vmem>>, vector<16xf32>,
      %mul3A_2331 = arith.mulf %gather3A_2304, %get3A_2330 : vector<16xf32>
      %add3A_2332 = arith.addf %add3A_2299, %mul3A_2331 : vector<16xf32>
      %broadcast_in_dim3A_2333 = arith.constant 7 : i32
      %broadcast_in_dim3A_2334 = vector.broadcast %broadcast_in_dim3A_2333 : i32 to vector<16xi32>
      %broadcast_in_dim3A_2335 = vector.shape_cast %broadcast_in_dim3A_2334 : vector<16xi32> to vector<16x1xi32>
      %gather3A_2336 = vector.shape_cast %broadcast_in_dim3A_2335 : vector<16x1xi32> to vector<16xi32>
      %gather3A_2337 = tpu.dynamic_gather %mul3A_2020[%gather3A_2336] in [0] : vector<16xf32>, vector<16xi32> -> vector<16xf32>
      %get3A_2338 = arith.constant 57 : i32
      %get3A_2339 = arith.index_cast %rem3A_212 : i32 to index
      %get3A_2340 = arith.index_cast %get3A_2338 : i32 to index
      %get3A_2341 = arith.constant 0 : index
      %get3A_2342 = tpu.vector_load %arg12[%get3A_2339, %get3A_2340, %get3A_2341] {strides = array<i32>} : memref<8x100x64xf32, #tpu.memory_space<vmem>>, vector<16xf32>,
      %mul3A_2343 = arith.mulf %gather3A_2337, %get3A_2342 : vector<16xf32>
      %add3A_2344 = arith.addf %add3A_2311, %mul3A_2343 : vector<16xf32>
      %get3A_2345 = arith.constant 57 : i32
      %get3A_2346 = arith.index_cast %rem3A_212 : i32 to index
      %get3A_2347 = arith.index_cast %get3A_2345 : i32 to index
      %get3A_2348 = arith.constant 16 : index
      %get3A_2349 = tpu.vector_load %arg12[%get3A_2346, %get3A_2347, %get3A_2348] {strides = array<i32>} : memref<8x100x64xf32, #tpu.memory_space<vmem>>, vector<16xf32>,
      %mul3A_2350 = arith.mulf %gather3A_2337, %get3A_2349 : vector<16xf32>
      %add3A_2351 = arith.addf %add3A_2318, %mul3A_2350 : vector<16xf32>
      %get3A_2352 = arith.constant 57 : i32
      %get3A_2353 = arith.index_cast %rem3A_212 : i32 to index
      %get3A_2354 = arith.index_cast %get3A_2352 : i32 to index
      %get3A_2355 = arith.constant 32 : index
      %get3A_2356 = tpu.vector_load %arg12[%get3A_2353, %get3A_2354, %get3A_2355] {strides = array<i32>} : memref<8x100x64xf32, #tpu.memory_space<vmem>>, vector<16xf32>,
      %mul3A_2357 = arith.mulf %gather3A_2337, %get3A_2356 : vector<16xf32>
      %add3A_2358 = arith.addf %add3A_2325, %mul3A_2357 : vector<16xf32>
      %get3A_2359 = arith.constant 57 : i32
      %get3A_2360 = arith.index_cast %rem3A_212 : i32 to index
      %get3A_2361 = arith.index_cast %get3A_2359 : i32 to index
      %get3A_2362 = arith.constant 48 : index
      %get3A_2363 = tpu.vector_load %arg12[%get3A_2360, %get3A_2361, %get3A_2362] {strides = array<i32>} : memref<8x100x64xf32, #tpu.memory_space<vmem>>, vector<16xf32>,
      %mul3A_2364 = arith.mulf %gather3A_2337, %get3A_2363 : vector<16xf32>
      %add3A_2365 = arith.addf %add3A_2332, %mul3A_2364 : vector<16xf32>
      %broadcast_in_dim3A_2366 = arith.constant 8 : i32
      %broadcast_in_dim3A_2367 = vector.broadcast %broadcast_in_dim3A_2366 : i32 to vector<16xi32>
      %broadcast_in_dim3A_2368 = vector.shape_cast %broadcast_in_dim3A_2367 : vector<16xi32> to vector<16x1xi32>
      %gather3A_2369 = vector.shape_cast %broadcast_in_dim3A_2368 : vector<16x1xi32> to vector<16xi32>
      %gather3A_2370 = tpu.dynamic_gather %mul3A_2020[%gather3A_2369] in [0] : vector<16xf32>, vector<16xi32> -> vector<16xf32>
      %get3A_2371 = arith.constant 58 : i32
      %get3A_2372 = arith.index_cast %rem3A_212 : i32 to index
      %get3A_2373 = arith.index_cast %get3A_2371 : i32 to index
      %get3A_2374 = arith.constant 0 : index
      %get3A_2375 = tpu.vector_load %arg12[%get3A_2372, %get3A_2373, %get3A_2374] {strides = array<i32>} : memref<8x100x64xf32, #tpu.memory_space<vmem>>, vector<16xf32>,
      %mul3A_2376 = arith.mulf %gather3A_2370, %get3A_2375 : vector<16xf32>
      %add3A_2377 = arith.addf %add3A_2344, %mul3A_2376 : vector<16xf32>
      %get3A_2378 = arith.constant 58 : i32
      %get3A_2379 = arith.index_cast %rem3A_212 : i32 to index
      %get3A_2380 = arith.index_cast %get3A_2378 : i32 to index
      %get3A_2381 = arith.constant 16 : index
      %get3A_2382 = tpu.vector_load %arg12[%get3A_2379, %get3A_2380, %get3A_2381] {strides = array<i32>} : memref<8x100x64xf32, #tpu.memory_space<vmem>>, vector<16xf32>,
      %mul3A_2383 = arith.mulf %gather3A_2370, %get3A_2382 : vector<16xf32>
      %add3A_2384 = arith.addf %add3A_2351, %mul3A_2383 : vector<16xf32>
      %get3A_2385 = arith.constant 58 : i32
      %get3A_2386 = arith.index_cast %rem3A_212 : i32 to index
      %get3A_2387 = arith.index_cast %get3A_2385 : i32 to index
      %get3A_2388 = arith.constant 32 : index
      %get3A_2389 = tpu.vector_load %arg12[%get3A_2386, %get3A_2387, %get3A_2388] {strides = array<i32>} : memref<8x100x64xf32, #tpu.memory_space<vmem>>, vector<16xf32>,
      %mul3A_2390 = arith.mulf %gather3A_2370, %get3A_2389 : vector<16xf32>
      %add3A_2391 = arith.addf %add3A_2358, %mul3A_2390 : vector<16xf32>
      %get3A_2392 = arith.constant 58 : i32
      %get3A_2393 = arith.index_cast %rem3A_212 : i32 to index
      %get3A_2394 = arith.index_cast %get3A_2392 : i32 to index
      %get3A_2395 = arith.constant 48 : index
      %get3A_2396 = tpu.vector_load %arg12[%get3A_2393, %get3A_2394, %get3A_2395] {strides = array<i32>} : memref<8x100x64xf32, #tpu.memory_space<vmem>>, vector<16xf32>,
      %mul3A_2397 = arith.mulf %gather3A_2370, %get3A_2396 : vector<16xf32>
      %add3A_2398 = arith.addf %add3A_2365, %mul3A_2397 : vector<16xf32>
      %broadcast_in_dim3A_2399 = arith.constant 9 : i32
      %broadcast_in_dim3A_2400 = vector.broadcast %broadcast_in_dim3A_2399 : i32 to vector<16xi32>
      %broadcast_in_dim3A_2401 = vector.shape_cast %broadcast_in_dim3A_2400 : vector<16xi32> to vector<16x1xi32>
      %gather3A_2402 = vector.shape_cast %broadcast_in_dim3A_2401 : vector<16x1xi32> to vector<16xi32>
      %gather3A_2403 = tpu.dynamic_gather %mul3A_2020[%gather3A_2402] in [0] : vector<16xf32>, vector<16xi32> -> vector<16xf32>
      %get3A_2404 = arith.constant 59 : i32
      %get3A_2405 = arith.index_cast %rem3A_212 : i32 to index
      %get3A_2406 = arith.index_cast %get3A_2404 : i32 to index
      %get3A_2407 = arith.constant 0 : index
      %get3A_2408 = tpu.vector_load %arg12[%get3A_2405, %get3A_2406, %get3A_2407] {strides = array<i32>} : memref<8x100x64xf32, #tpu.memory_space<vmem>>, vector<16xf32>,
      %mul3A_2409 = arith.mulf %gather3A_2403, %get3A_2408 : vector<16xf32>
      %add3A_2410 = arith.addf %add3A_2377, %mul3A_2409 : vector<16xf32>
      %get3A_2411 = arith.constant 59 : i32
      %get3A_2412 = arith.index_cast %rem3A_212 : i32 to index
      %get3A_2413 = arith.index_cast %get3A_2411 : i32 to index
      %get3A_2414 = arith.constant 16 : index
      %get3A_2415 = tpu.vector_load %arg12[%get3A_2412, %get3A_2413, %get3A_2414] {strides = array<i32>} : memref<8x100x64xf32, #tpu.memory_space<vmem>>, vector<16xf32>,
      %mul3A_2416 = arith.mulf %gather3A_2403, %get3A_2415 : vector<16xf32>
      %add3A_2417 = arith.addf %add3A_2384, %mul3A_2416 : vector<16xf32>
      %get3A_2418 = arith.constant 59 : i32
      %get3A_2419 = arith.index_cast %rem3A_212 : i32 to index
      %get3A_2420 = arith.index_cast %get3A_2418 : i32 to index
      %get3A_2421 = arith.constant 32 : index
      %get3A_2422 = tpu.vector_load %arg12[%get3A_2419, %get3A_2420, %get3A_2421] {strides = array<i32>} : memref<8x100x64xf32, #tpu.memory_space<vmem>>, vector<16xf32>,
      %mul3A_2423 = arith.mulf %gather3A_2403, %get3A_2422 : vector<16xf32>
      %add3A_2424 = arith.addf %add3A_2391, %mul3A_2423 : vector<16xf32>
      %get3A_2425 = arith.constant 59 : i32
      %get3A_2426 = arith.index_cast %rem3A_212 : i32 to index
      %get3A_2427 = arith.index_cast %get3A_2425 : i32 to index
      %get3A_2428 = arith.constant 48 : index
      %get3A_2429 = tpu.vector_load %arg12[%get3A_2426, %get3A_2427, %get3A_2428] {strides = array<i32>} : memref<8x100x64xf32, #tpu.memory_space<vmem>>, vector<16xf32>,
      %mul3A_2430 = arith.mulf %gather3A_2403, %get3A_2429 : vector<16xf32>
      %add3A_2431 = arith.addf %add3A_2398, %mul3A_2430 : vector<16xf32>
      %broadcast_in_dim3A_2432 = arith.constant 10 : i32
      %broadcast_in_dim3A_2433 = vector.broadcast %broadcast_in_dim3A_2432 : i32 to vector<16xi32>
      %broadcast_in_dim3A_2434 = vector.shape_cast %broadcast_in_dim3A_2433 : vector<16xi32> to vector<16x1xi32>
      %gather3A_2435 = vector.shape_cast %broadcast_in_dim3A_2434 : vector<16x1xi32> to vector<16xi32>
      %gather3A_2436 = tpu.dynamic_gather %mul3A_2020[%gather3A_2435] in [0] : vector<16xf32>, vector<16xi32> -> vector<16xf32>
      %get3A_2437 = arith.constant 60 : i32
      %get3A_2438 = arith.index_cast %rem3A_212 : i32 to index
      %get3A_2439 = arith.index_cast %get3A_2437 : i32 to index
      %get3A_2440 = arith.constant 0 : index
      %get3A_2441 = tpu.vector_load %arg12[%get3A_2438, %get3A_2439, %get3A_2440] {strides = array<i32>} : memref<8x100x64xf32, #tpu.memory_space<vmem>>, vector<16xf32>,
      %mul3A_2442 = arith.mulf %gather3A_2436, %get3A_2441 : vector<16xf32>
      %add3A_2443 = arith.addf %add3A_2410, %mul3A_2442 : vector<16xf32>
      %get3A_2444 = arith.constant 60 : i32
      %get3A_2445 = arith.index_cast %rem3A_212 : i32 to index
      %get3A_2446 = arith.index_cast %get3A_2444 : i32 to index
      %get3A_2447 = arith.constant 16 : index
      %get3A_2448 = tpu.vector_load %arg12[%get3A_2445, %get3A_2446, %get3A_2447] {strides = array<i32>} : memref<8x100x64xf32, #tpu.memory_space<vmem>>, vector<16xf32>,
      %mul3A_2449 = arith.mulf %gather3A_2436, %get3A_2448 : vector<16xf32>
      %add3A_2450 = arith.addf %add3A_2417, %mul3A_2449 : vector<16xf32>
      %get3A_2451 = arith.constant 60 : i32
      %get3A_2452 = arith.index_cast %rem3A_212 : i32 to index
      %get3A_2453 = arith.index_cast %get3A_2451 : i32 to index
      %get3A_2454 = arith.constant 32 : index
      %get3A_2455 = tpu.vector_load %arg12[%get3A_2452, %get3A_2453, %get3A_2454] {strides = array<i32>} : memref<8x100x64xf32, #tpu.memory_space<vmem>>, vector<16xf32>,
      %mul3A_2456 = arith.mulf %gather3A_2436, %get3A_2455 : vector<16xf32>
      %add3A_2457 = arith.addf %add3A_2424, %mul3A_2456 : vector<16xf32>
      %get3A_2458 = arith.constant 60 : i32
      %get3A_2459 = arith.index_cast %rem3A_212 : i32 to index
      %get3A_2460 = arith.index_cast %get3A_2458 : i32 to index
      %get3A_2461 = arith.constant 48 : index
      %get3A_2462 = tpu.vector_load %arg12[%get3A_2459, %get3A_2460, %get3A_2461] {strides = array<i32>} : memref<8x100x64xf32, #tpu.memory_space<vmem>>, vector<16xf32>,
      %mul3A_2463 = arith.mulf %gather3A_2436, %get3A_2462 : vector<16xf32>
      %add3A_2464 = arith.addf %add3A_2431, %mul3A_2463 : vector<16xf32>
      %broadcast_in_dim3A_2465 = arith.constant 11 : i32
      %broadcast_in_dim3A_2466 = vector.broadcast %broadcast_in_dim3A_2465 : i32 to vector<16xi32>
      %broadcast_in_dim3A_2467 = vector.shape_cast %broadcast_in_dim3A_2466 : vector<16xi32> to vector<16x1xi32>
      %gather3A_2468 = vector.shape_cast %broadcast_in_dim3A_2467 : vector<16x1xi32> to vector<16xi32>
      %gather3A_2469 = tpu.dynamic_gather %mul3A_2020[%gather3A_2468] in [0] : vector<16xf32>, vector<16xi32> -> vector<16xf32>
      %get3A_2470 = arith.constant 61 : i32
      %get3A_2471 = arith.index_cast %rem3A_212 : i32 to index
      %get3A_2472 = arith.index_cast %get3A_2470 : i32 to index
      %get3A_2473 = arith.constant 0 : index
      %get3A_2474 = tpu.vector_load %arg12[%get3A_2471, %get3A_2472, %get3A_2473] {strides = array<i32>} : memref<8x100x64xf32, #tpu.memory_space<vmem>>, vector<16xf32>,
      %mul3A_2475 = arith.mulf %gather3A_2469, %get3A_2474 : vector<16xf32>
      %add3A_2476 = arith.addf %add3A_2443, %mul3A_2475 : vector<16xf32>
      %get3A_2477 = arith.constant 61 : i32
      %get3A_2478 = arith.index_cast %rem3A_212 : i32 to index
      %get3A_2479 = arith.index_cast %get3A_2477 : i32 to index
      %get3A_2480 = arith.constant 16 : index
      %get3A_2481 = tpu.vector_load %arg12[%get3A_2478, %get3A_2479, %get3A_2480] {strides = array<i32>} : memref<8x100x64xf32, #tpu.memory_space<vmem>>, vector<16xf32>,
      %mul3A_2482 = arith.mulf %gather3A_2469, %get3A_2481 : vector<16xf32>
      %add3A_2483 = arith.addf %add3A_2450, %mul3A_2482 : vector<16xf32>
      %get3A_2484 = arith.constant 61 : i32
      %get3A_2485 = arith.index_cast %rem3A_212 : i32 to index
      %get3A_2486 = arith.index_cast %get3A_2484 : i32 to index
      %get3A_2487 = arith.constant 32 : index
      %get3A_2488 = tpu.vector_load %arg12[%get3A_2485, %get3A_2486, %get3A_2487] {strides = array<i32>} : memref<8x100x64xf32, #tpu.memory_space<vmem>>, vector<16xf32>,
      %mul3A_2489 = arith.mulf %gather3A_2469, %get3A_2488 : vector<16xf32>
      %add3A_2490 = arith.addf %add3A_2457, %mul3A_2489 : vector<16xf32>
      %get3A_2491 = arith.constant 61 : i32
      %get3A_2492 = arith.index_cast %rem3A_212 : i32 to index
      %get3A_2493 = arith.index_cast %get3A_2491 : i32 to index
      %get3A_2494 = arith.constant 48 : index
      %get3A_2495 = tpu.vector_load %arg12[%get3A_2492, %get3A_2493, %get3A_2494] {strides = array<i32>} : memref<8x100x64xf32, #tpu.memory_space<vmem>>, vector<16xf32>,
      %mul3A_2496 = arith.mulf %gather3A_2469, %get3A_2495 : vector<16xf32>
      %add3A_2497 = arith.addf %add3A_2464, %mul3A_2496 : vector<16xf32>
      %broadcast_in_dim3A_2498 = arith.constant 12 : i32
      %broadcast_in_dim3A_2499 = vector.broadcast %broadcast_in_dim3A_2498 : i32 to vector<16xi32>
      %broadcast_in_dim3A_2500 = vector.shape_cast %broadcast_in_dim3A_2499 : vector<16xi32> to vector<16x1xi32>
      %gather3A_2501 = vector.shape_cast %broadcast_in_dim3A_2500 : vector<16x1xi32> to vector<16xi32>
      %gather3A_2502 = tpu.dynamic_gather %mul3A_2020[%gather3A_2501] in [0] : vector<16xf32>, vector<16xi32> -> vector<16xf32>
      %get3A_2503 = arith.constant 62 : i32
      %get3A_2504 = arith.index_cast %rem3A_212 : i32 to index
      %get3A_2505 = arith.index_cast %get3A_2503 : i32 to index
      %get3A_2506 = arith.constant 0 : index
      %get3A_2507 = tpu.vector_load %arg12[%get3A_2504, %get3A_2505, %get3A_2506] {strides = array<i32>} : memref<8x100x64xf32, #tpu.memory_space<vmem>>, vector<16xf32>,
      %mul3A_2508 = arith.mulf %gather3A_2502, %get3A_2507 : vector<16xf32>
      %add3A_2509 = arith.addf %add3A_2476, %mul3A_2508 : vector<16xf32>
      %get3A_2510 = arith.constant 62 : i32
      %get3A_2511 = arith.index_cast %rem3A_212 : i32 to index
      %get3A_2512 = arith.index_cast %get3A_2510 : i32 to index
      %get3A_2513 = arith.constant 16 : index
      %get3A_2514 = tpu.vector_load %arg12[%get3A_2511, %get3A_2512, %get3A_2513] {strides = array<i32>} : memref<8x100x64xf32, #tpu.memory_space<vmem>>, vector<16xf32>,
      %mul3A_2515 = arith.mulf %gather3A_2502, %get3A_2514 : vector<16xf32>
      %add3A_2516 = arith.addf %add3A_2483, %mul3A_2515 : vector<16xf32>
      %get3A_2517 = arith.constant 62 : i32
      %get3A_2518 = arith.index_cast %rem3A_212 : i32 to index
      %get3A_2519 = arith.index_cast %get3A_2517 : i32 to index
      %get3A_2520 = arith.constant 32 : index
      %get3A_2521 = tpu.vector_load %arg12[%get3A_2518, %get3A_2519, %get3A_2520] {strides = array<i32>} : memref<8x100x64xf32, #tpu.memory_space<vmem>>, vector<16xf32>,
      %mul3A_2522 = arith.mulf %gather3A_2502, %get3A_2521 : vector<16xf32>
      %add3A_2523 = arith.addf %add3A_2490, %mul3A_2522 : vector<16xf32>
      %get3A_2524 = arith.constant 62 : i32
      %get3A_2525 = arith.index_cast %rem3A_212 : i32 to index
      %get3A_2526 = arith.index_cast %get3A_2524 : i32 to index
      %get3A_2527 = arith.constant 48 : index
      %get3A_2528 = tpu.vector_load %arg12[%get3A_2525, %get3A_2526, %get3A_2527] {strides = array<i32>} : memref<8x100x64xf32, #tpu.memory_space<vmem>>, vector<16xf32>,
      %mul3A_2529 = arith.mulf %gather3A_2502, %get3A_2528 : vector<16xf32>
      %add3A_2530 = arith.addf %add3A_2497, %mul3A_2529 : vector<16xf32>
      %broadcast_in_dim3A_2531 = arith.constant 13 : i32
      %broadcast_in_dim3A_2532 = vector.broadcast %broadcast_in_dim3A_2531 : i32 to vector<16xi32>
      %broadcast_in_dim3A_2533 = vector.shape_cast %broadcast_in_dim3A_2532 : vector<16xi32> to vector<16x1xi32>
      %gather3A_2534 = vector.shape_cast %broadcast_in_dim3A_2533 : vector<16x1xi32> to vector<16xi32>
      %gather3A_2535 = tpu.dynamic_gather %mul3A_2020[%gather3A_2534] in [0] : vector<16xf32>, vector<16xi32> -> vector<16xf32>
      %get3A_2536 = arith.constant 63 : i32
      %get3A_2537 = arith.index_cast %rem3A_212 : i32 to index
      %get3A_2538 = arith.index_cast %get3A_2536 : i32 to index
      %get3A_2539 = arith.constant 0 : index
      %get3A_2540 = tpu.vector_load %arg12[%get3A_2537, %get3A_2538, %get3A_2539] {strides = array<i32>} : memref<8x100x64xf32, #tpu.memory_space<vmem>>, vector<16xf32>,
      %mul3A_2541 = arith.mulf %gather3A_2535, %get3A_2540 : vector<16xf32>
      %add3A_2542 = arith.addf %add3A_2509, %mul3A_2541 : vector<16xf32>
      %get3A_2543 = arith.constant 63 : i32
      %get3A_2544 = arith.index_cast %rem3A_212 : i32 to index
      %get3A_2545 = arith.index_cast %get3A_2543 : i32 to index
      %get3A_2546 = arith.constant 16 : index
      %get3A_2547 = tpu.vector_load %arg12[%get3A_2544, %get3A_2545, %get3A_2546] {strides = array<i32>} : memref<8x100x64xf32, #tpu.memory_space<vmem>>, vector<16xf32>,
      %mul3A_2548 = arith.mulf %gather3A_2535, %get3A_2547 : vector<16xf32>
      %add3A_2549 = arith.addf %add3A_2516, %mul3A_2548 : vector<16xf32>
      %get3A_2550 = arith.constant 63 : i32
      %get3A_2551 = arith.index_cast %rem3A_212 : i32 to index
      %get3A_2552 = arith.index_cast %get3A_2550 : i32 to index
      %get3A_2553 = arith.constant 32 : index
      %get3A_2554 = tpu.vector_load %arg12[%get3A_2551, %get3A_2552, %get3A_2553] {strides = array<i32>} : memref<8x100x64xf32, #tpu.memory_space<vmem>>, vector<16xf32>,
      %mul3A_2555 = arith.mulf %gather3A_2535, %get3A_2554 : vector<16xf32>
      %add3A_2556 = arith.addf %add3A_2523, %mul3A_2555 : vector<16xf32>
      %get3A_2557 = arith.constant 63 : i32
      %get3A_2558 = arith.index_cast %rem3A_212 : i32 to index
      %get3A_2559 = arith.index_cast %get3A_2557 : i32 to index
      %get3A_2560 = arith.constant 48 : index
      %get3A_2561 = tpu.vector_load %arg12[%get3A_2558, %get3A_2559, %get3A_2560] {strides = array<i32>} : memref<8x100x64xf32, #tpu.memory_space<vmem>>, vector<16xf32>,
      %mul3A_2562 = arith.mulf %gather3A_2535, %get3A_2561 : vector<16xf32>
      %add3A_2563 = arith.addf %add3A_2530, %mul3A_2562 : vector<16xf32>
      %broadcast_in_dim3A_2564 = arith.constant 14 : i32
      %broadcast_in_dim3A_2565 = vector.broadcast %broadcast_in_dim3A_2564 : i32 to vector<16xi32>
      %broadcast_in_dim3A_2566 = vector.shape_cast %broadcast_in_dim3A_2565 : vector<16xi32> to vector<16x1xi32>
      %gather3A_2567 = vector.shape_cast %broadcast_in_dim3A_2566 : vector<16x1xi32> to vector<16xi32>
      %gather3A_2568 = tpu.dynamic_gather %mul3A_2020[%gather3A_2567] in [0] : vector<16xf32>, vector<16xi32> -> vector<16xf32>
      %get3A_2569 = arith.constant 64 : i32
      %get3A_2570 = arith.index_cast %rem3A_212 : i32 to index
      %get3A_2571 = arith.index_cast %get3A_2569 : i32 to index
      %get3A_2572 = arith.constant 0 : index
      %get3A_2573 = tpu.vector_load %arg12[%get3A_2570, %get3A_2571, %get3A_2572] {strides = array<i32>} : memref<8x100x64xf32, #tpu.memory_space<vmem>>, vector<16xf32>,
      %mul3A_2574 = arith.mulf %gather3A_2568, %get3A_2573 : vector<16xf32>
      %add3A_2575 = arith.addf %add3A_2542, %mul3A_2574 : vector<16xf32>
      %get3A_2576 = arith.constant 64 : i32
      %get3A_2577 = arith.index_cast %rem3A_212 : i32 to index
      %get3A_2578 = arith.index_cast %get3A_2576 : i32 to index
      %get3A_2579 = arith.constant 16 : index
      %get3A_2580 = tpu.vector_load %arg12[%get3A_2577, %get3A_2578, %get3A_2579] {strides = array<i32>} : memref<8x100x64xf32, #tpu.memory_space<vmem>>, vector<16xf32>,
      %mul3A_2581 = arith.mulf %gather3A_2568, %get3A_2580 : vector<16xf32>
      %add3A_2582 = arith.addf %add3A_2549, %mul3A_2581 : vector<16xf32>
      %get3A_2583 = arith.constant 64 : i32
      %get3A_2584 = arith.index_cast %rem3A_212 : i32 to index
      %get3A_2585 = arith.index_cast %get3A_2583 : i32 to index
      %get3A_2586 = arith.constant 32 : index
      %get3A_2587 = tpu.vector_load %arg12[%get3A_2584, %get3A_2585, %get3A_2586] {strides = array<i32>} : memref<8x100x64xf32, #tpu.memory_space<vmem>>, vector<16xf32>,
      %mul3A_2588 = arith.mulf %gather3A_2568, %get3A_2587 : vector<16xf32>
      %add3A_2589 = arith.addf %add3A_2556, %mul3A_2588 : vector<16xf32>
      %get3A_2590 = arith.constant 64 : i32
      %get3A_2591 = arith.index_cast %rem3A_212 : i32 to index
      %get3A_2592 = arith.index_cast %get3A_2590 : i32 to index
      %get3A_2593 = arith.constant 48 : index
      %get3A_2594 = tpu.vector_load %arg12[%get3A_2591, %get3A_2592, %get3A_2593] {strides = array<i32>} : memref<8x100x64xf32, #tpu.memory_space<vmem>>, vector<16xf32>,
      %mul3A_2595 = arith.mulf %gather3A_2568, %get3A_2594 : vector<16xf32>
      %add3A_2596 = arith.addf %add3A_2563, %mul3A_2595 : vector<16xf32>
      %broadcast_in_dim3A_2597 = arith.constant 15 : i32
      %broadcast_in_dim3A_2598 = vector.broadcast %broadcast_in_dim3A_2597 : i32 to vector<16xi32>
      %broadcast_in_dim3A_2599 = vector.shape_cast %broadcast_in_dim3A_2598 : vector<16xi32> to vector<16x1xi32>
      %gather3A_2600 = vector.shape_cast %broadcast_in_dim3A_2599 : vector<16x1xi32> to vector<16xi32>
      %gather3A_2601 = tpu.dynamic_gather %mul3A_2020[%gather3A_2600] in [0] : vector<16xf32>, vector<16xi32> -> vector<16xf32>
      %get3A_2602 = arith.constant 65 : i32
      %get3A_2603 = arith.index_cast %rem3A_212 : i32 to index
      %get3A_2604 = arith.index_cast %get3A_2602 : i32 to index
      %get3A_2605 = arith.constant 0 : index
      %get3A_2606 = tpu.vector_load %arg12[%get3A_2603, %get3A_2604, %get3A_2605] {strides = array<i32>} : memref<8x100x64xf32, #tpu.memory_space<vmem>>, vector<16xf32>,
      %mul3A_2607 = arith.mulf %gather3A_2601, %get3A_2606 : vector<16xf32>
      %add3A_2608 = arith.addf %add3A_2575, %mul3A_2607 : vector<16xf32>
      %get3A_2609 = arith.constant 65 : i32
      %get3A_2610 = arith.index_cast %rem3A_212 : i32 to index
      %get3A_2611 = arith.index_cast %get3A_2609 : i32 to index
      %get3A_2612 = arith.constant 16 : index
      %get3A_2613 = tpu.vector_load %arg12[%get3A_2610, %get3A_2611, %get3A_2612] {strides = array<i32>} : memref<8x100x64xf32, #tpu.memory_space<vmem>>, vector<16xf32>,
      %mul3A_2614 = arith.mulf %gather3A_2601, %get3A_2613 : vector<16xf32>
      %add3A_2615 = arith.addf %add3A_2582, %mul3A_2614 : vector<16xf32>
      %get3A_2616 = arith.constant 65 : i32
      %get3A_2617 = arith.index_cast %rem3A_212 : i32 to index
      %get3A_2618 = arith.index_cast %get3A_2616 : i32 to index
      %get3A_2619 = arith.constant 32 : index
      %get3A_2620 = tpu.vector_load %arg12[%get3A_2617, %get3A_2618, %get3A_2619] {strides = array<i32>} : memref<8x100x64xf32, #tpu.memory_space<vmem>>, vector<16xf32>,
      %mul3A_2621 = arith.mulf %gather3A_2601, %get3A_2620 : vector<16xf32>
      %add3A_2622 = arith.addf %add3A_2589, %mul3A_2621 : vector<16xf32>
      %get3A_2623 = arith.constant 65 : i32
      %get3A_2624 = arith.index_cast %rem3A_212 : i32 to index
      %get3A_2625 = arith.index_cast %get3A_2623 : i32 to index
      %get3A_2626 = arith.constant 48 : index
      %get3A_2627 = tpu.vector_load %arg12[%get3A_2624, %get3A_2625, %get3A_2626] {strides = array<i32>} : memref<8x100x64xf32, #tpu.memory_space<vmem>>, vector<16xf32>,
      %mul3A_2628 = arith.mulf %gather3A_2601, %get3A_2627 : vector<16xf32>
      %add3A_2629 = arith.addf %add3A_2596, %mul3A_2628 : vector<16xf32>
      %broadcast_in_dim3A_2630 = arith.constant 0 : i32
      %broadcast_in_dim3A_2631 = vector.broadcast %broadcast_in_dim3A_2630 : i32 to vector<16xi32>
      %broadcast_in_dim3A_2632 = vector.shape_cast %broadcast_in_dim3A_2631 : vector<16xi32> to vector<16x1xi32>
      %gather3A_2633 = vector.shape_cast %broadcast_in_dim3A_2632 : vector<16x1xi32> to vector<16xi32>
      %gather3A_2634 = tpu.dynamic_gather %mul3A_2032[%gather3A_2633] in [0] : vector<16xf32>, vector<16xi32> -> vector<16xf32>
      %get3A_2635 = arith.constant 66 : i32
      %get3A_2636 = arith.index_cast %rem3A_212 : i32 to index
      %get3A_2637 = arith.index_cast %get3A_2635 : i32 to index
      %get3A_2638 = arith.constant 0 : index
      %get3A_2639 = tpu.vector_load %arg12[%get3A_2636, %get3A_2637, %get3A_2638] {strides = array<i32>} : memref<8x100x64xf32, #tpu.memory_space<vmem>>, vector<16xf32>,
      %mul3A_2640 = arith.mulf %gather3A_2634, %get3A_2639 : vector<16xf32>
      %add3A_2641 = arith.addf %add3A_2608, %mul3A_2640 : vector<16xf32>
      %get3A_2642 = arith.constant 66 : i32
      %get3A_2643 = arith.index_cast %rem3A_212 : i32 to index
      %get3A_2644 = arith.index_cast %get3A_2642 : i32 to index
      %get3A_2645 = arith.constant 16 : index
      %get3A_2646 = tpu.vector_load %arg12[%get3A_2643, %get3A_2644, %get3A_2645] {strides = array<i32>} : memref<8x100x64xf32, #tpu.memory_space<vmem>>, vector<16xf32>,
      %mul3A_2647 = arith.mulf %gather3A_2634, %get3A_2646 : vector<16xf32>
      %add3A_2648 = arith.addf %add3A_2615, %mul3A_2647 : vector<16xf32>
      %get3A_2649 = arith.constant 66 : i32
      %get3A_2650 = arith.index_cast %rem3A_212 : i32 to index
      %get3A_2651 = arith.index_cast %get3A_2649 : i32 to index
      %get3A_2652 = arith.constant 32 : index
      %get3A_2653 = tpu.vector_load %arg12[%get3A_2650, %get3A_2651, %get3A_2652] {strides = array<i32>} : memref<8x100x64xf32, #tpu.memory_space<vmem>>, vector<16xf32>,
      %mul3A_2654 = arith.mulf %gather3A_2634, %get3A_2653 : vector<16xf32>
      %add3A_2655 = arith.addf %add3A_2622, %mul3A_2654 : vector<16xf32>
      %get3A_2656 = arith.constant 66 : i32
      %get3A_2657 = arith.index_cast %rem3A_212 : i32 to index
      %get3A_2658 = arith.index_cast %get3A_2656 : i32 to index
      %get3A_2659 = arith.constant 48 : index
      %get3A_2660 = tpu.vector_load %arg12[%get3A_2657, %get3A_2658, %get3A_2659] {strides = array<i32>} : memref<8x100x64xf32, #tpu.memory_space<vmem>>, vector<16xf32>,
      %mul3A_2661 = arith.mulf %gather3A_2634, %get3A_2660 : vector<16xf32>
      %add3A_2662 = arith.addf %add3A_2629, %mul3A_2661 : vector<16xf32>
      %broadcast_in_dim3A_2663 = arith.constant 1 : i32
      %broadcast_in_dim3A_2664 = vector.broadcast %broadcast_in_dim3A_2663 : i32 to vector<16xi32>
      %broadcast_in_dim3A_2665 = vector.shape_cast %broadcast_in_dim3A_2664 : vector<16xi32> to vector<16x1xi32>
      %gather3A_2666 = vector.shape_cast %broadcast_in_dim3A_2665 : vector<16x1xi32> to vector<16xi32>
      %gather3A_2667 = tpu.dynamic_gather %mul3A_2032[%gather3A_2666] in [0] : vector<16xf32>, vector<16xi32> -> vector<16xf32>
      %get3A_2668 = arith.constant 67 : i32
      %get3A_2669 = arith.index_cast %rem3A_212 : i32 to index
      %get3A_2670 = arith.index_cast %get3A_2668 : i32 to index
      %get3A_2671 = arith.constant 0 : index
      %get3A_2672 = tpu.vector_load %arg12[%get3A_2669, %get3A_2670, %get3A_2671] {strides = array<i32>} : memref<8x100x64xf32, #tpu.memory_space<vmem>>, vector<16xf32>,
      %mul3A_2673 = arith.mulf %gather3A_2667, %get3A_2672 : vector<16xf32>
      %add3A_2674 = arith.addf %add3A_2641, %mul3A_2673 : vector<16xf32>
      %get3A_2675 = arith.constant 67 : i32
      %get3A_2676 = arith.index_cast %rem3A_212 : i32 to index
      %get3A_2677 = arith.index_cast %get3A_2675 : i32 to index
      %get3A_2678 = arith.constant 16 : index
      %get3A_2679 = tpu.vector_load %arg12[%get3A_2676, %get3A_2677, %get3A_2678] {strides = array<i32>} : memref<8x100x64xf32, #tpu.memory_space<vmem>>, vector<16xf32>,
      %mul3A_2680 = arith.mulf %gather3A_2667, %get3A_2679 : vector<16xf32>
      %add3A_2681 = arith.addf %add3A_2648, %mul3A_2680 : vector<16xf32>
      %get3A_2682 = arith.constant 67 : i32
      %get3A_2683 = arith.index_cast %rem3A_212 : i32 to index
      %get3A_2684 = arith.index_cast %get3A_2682 : i32 to index
      %get3A_2685 = arith.constant 32 : index
      %get3A_2686 = tpu.vector_load %arg12[%get3A_2683, %get3A_2684, %get3A_2685] {strides = array<i32>} : memref<8x100x64xf32, #tpu.memory_space<vmem>>, vector<16xf32>,
      %mul3A_2687 = arith.mulf %gather3A_2667, %get3A_2686 : vector<16xf32>
      %add3A_2688 = arith.addf %add3A_2655, %mul3A_2687 : vector<16xf32>
      %get3A_2689 = arith.constant 67 : i32
      %get3A_2690 = arith.index_cast %rem3A_212 : i32 to index
      %get3A_2691 = arith.index_cast %get3A_2689 : i32 to index
      %get3A_2692 = arith.constant 48 : index
      %get3A_2693 = tpu.vector_load %arg12[%get3A_2690, %get3A_2691, %get3A_2692] {strides = array<i32>} : memref<8x100x64xf32, #tpu.memory_space<vmem>>, vector<16xf32>,
      %mul3A_2694 = arith.mulf %gather3A_2667, %get3A_2693 : vector<16xf32>
      %add3A_2695 = arith.addf %add3A_2662, %mul3A_2694 : vector<16xf32>
      %broadcast_in_dim3A_2696 = arith.constant 2 : i32
      %broadcast_in_dim3A_2697 = vector.broadcast %broadcast_in_dim3A_2696 : i32 to vector<16xi32>
      %broadcast_in_dim3A_2698 = vector.shape_cast %broadcast_in_dim3A_2697 : vector<16xi32> to vector<16x1xi32>
      %gather3A_2699 = vector.shape_cast %broadcast_in_dim3A_2698 : vector<16x1xi32> to vector<16xi32>
      %gather3A_2700 = tpu.dynamic_gather %mul3A_2032[%gather3A_2699] in [0] : vector<16xf32>, vector<16xi32> -> vector<16xf32>
      %get3A_2701 = arith.constant 68 : i32
      %get3A_2702 = arith.index_cast %rem3A_212 : i32 to index
      %get3A_2703 = arith.index_cast %get3A_2701 : i32 to index
      %get3A_2704 = arith.constant 0 : index
      %get3A_2705 = tpu.vector_load %arg12[%get3A_2702, %get3A_2703, %get3A_2704] {strides = array<i32>} : memref<8x100x64xf32, #tpu.memory_space<vmem>>, vector<16xf32>,
      %mul3A_2706 = arith.mulf %gather3A_2700, %get3A_2705 : vector<16xf32>
      %add3A_2707 = arith.addf %add3A_2674, %mul3A_2706 : vector<16xf32>
      %get3A_2708 = arith.constant 68 : i32
      %get3A_2709 = arith.index_cast %rem3A_212 : i32 to index
      %get3A_2710 = arith.index_cast %get3A_2708 : i32 to index
      %get3A_2711 = arith.constant 16 : index
      %get3A_2712 = tpu.vector_load %arg12[%get3A_2709, %get3A_2710, %get3A_2711] {strides = array<i32>} : memref<8x100x64xf32, #tpu.memory_space<vmem>>, vector<16xf32>,
      %mul3A_2713 = arith.mulf %gather3A_2700, %get3A_2712 : vector<16xf32>
      %add3A_2714 = arith.addf %add3A_2681, %mul3A_2713 : vector<16xf32>
      %get3A_2715 = arith.constant 68 : i32
      %get3A_2716 = arith.index_cast %rem3A_212 : i32 to index
      %get3A_2717 = arith.index_cast %get3A_2715 : i32 to index
      %get3A_2718 = arith.constant 32 : index
      %get3A_2719 = tpu.vector_load %arg12[%get3A_2716, %get3A_2717, %get3A_2718] {strides = array<i32>} : memref<8x100x64xf32, #tpu.memory_space<vmem>>, vector<16xf32>,
      %mul3A_2720 = arith.mulf %gather3A_2700, %get3A_2719 : vector<16xf32>
      %add3A_2721 = arith.addf %add3A_2688, %mul3A_2720 : vector<16xf32>
      %get3A_2722 = arith.constant 68 : i32
      %get3A_2723 = arith.index_cast %rem3A_212 : i32 to index
      %get3A_2724 = arith.index_cast %get3A_2722 : i32 to index
      %get3A_2725 = arith.constant 48 : index
      %get3A_2726 = tpu.vector_load %arg12[%get3A_2723, %get3A_2724, %get3A_2725] {strides = array<i32>} : memref<8x100x64xf32, #tpu.memory_space<vmem>>, vector<16xf32>,
      %mul3A_2727 = arith.mulf %gather3A_2700, %get3A_2726 : vector<16xf32>
      %add3A_2728 = arith.addf %add3A_2695, %mul3A_2727 : vector<16xf32>
      %broadcast_in_dim3A_2729 = arith.constant 3 : i32
      %broadcast_in_dim3A_2730 = vector.broadcast %broadcast_in_dim3A_2729 : i32 to vector<16xi32>
      %broadcast_in_dim3A_2731 = vector.shape_cast %broadcast_in_dim3A_2730 : vector<16xi32> to vector<16x1xi32>
      %gather3A_2732 = vector.shape_cast %broadcast_in_dim3A_2731 : vector<16x1xi32> to vector<16xi32>
      %gather3A_2733 = tpu.dynamic_gather %mul3A_2032[%gather3A_2732] in [0] : vector<16xf32>, vector<16xi32> -> vector<16xf32>
      %get3A_2734 = arith.constant 69 : i32
      %get3A_2735 = arith.index_cast %rem3A_212 : i32 to index
      %get3A_2736 = arith.index_cast %get3A_2734 : i32 to index
      %get3A_2737 = arith.constant 0 : index
      %get3A_2738 = tpu.vector_load %arg12[%get3A_2735, %get3A_2736, %get3A_2737] {strides = array<i32>} : memref<8x100x64xf32, #tpu.memory_space<vmem>>, vector<16xf32>,
      %mul3A_2739 = arith.mulf %gather3A_2733, %get3A_2738 : vector<16xf32>
      %add3A_2740 = arith.addf %add3A_2707, %mul3A_2739 : vector<16xf32>
      %get3A_2741 = arith.constant 69 : i32
      %get3A_2742 = arith.index_cast %rem3A_212 : i32 to index
      %get3A_2743 = arith.index_cast %get3A_2741 : i32 to index
      %get3A_2744 = arith.constant 16 : index
      %get3A_2745 = tpu.vector_load %arg12[%get3A_2742, %get3A_2743, %get3A_2744] {strides = array<i32>} : memref<8x100x64xf32, #tpu.memory_space<vmem>>, vector<16xf32>,
      %mul3A_2746 = arith.mulf %gather3A_2733, %get3A_2745 : vector<16xf32>
      %add3A_2747 = arith.addf %add3A_2714, %mul3A_2746 : vector<16xf32>
      %get3A_2748 = arith.constant 69 : i32
      %get3A_2749 = arith.index_cast %rem3A_212 : i32 to index
      %get3A_2750 = arith.index_cast %get3A_2748 : i32 to index
      %get3A_2751 = arith.constant 32 : index
      %get3A_2752 = tpu.vector_load %arg12[%get3A_2749, %get3A_2750, %get3A_2751] {strides = array<i32>} : memref<8x100x64xf32, #tpu.memory_space<vmem>>, vector<16xf32>,
      %mul3A_2753 = arith.mulf %gather3A_2733, %get3A_2752 : vector<16xf32>
      %add3A_2754 = arith.addf %add3A_2721, %mul3A_2753 : vector<16xf32>
      %get3A_2755 = arith.constant 69 : i32
      %get3A_2756 = arith.index_cast %rem3A_212 : i32 to index
      %get3A_2757 = arith.index_cast %get3A_2755 : i32 to index
      %get3A_2758 = arith.constant 48 : index
      %get3A_2759 = tpu.vector_load %arg12[%get3A_2756, %get3A_2757, %get3A_2758] {strides = array<i32>} : memref<8x100x64xf32, #tpu.memory_space<vmem>>, vector<16xf32>,
      %mul3A_2760 = arith.mulf %gather3A_2733, %get3A_2759 : vector<16xf32>
      %add3A_2761 = arith.addf %add3A_2728, %mul3A_2760 : vector<16xf32>
      %broadcast_in_dim3A_2762 = arith.constant 4 : i32
      %broadcast_in_dim3A_2763 = vector.broadcast %broadcast_in_dim3A_2762 : i32 to vector<16xi32>
      %broadcast_in_dim3A_2764 = vector.shape_cast %broadcast_in_dim3A_2763 : vector<16xi32> to vector<16x1xi32>
      %gather3A_2765 = vector.shape_cast %broadcast_in_dim3A_2764 : vector<16x1xi32> to vector<16xi32>
      %gather3A_2766 = tpu.dynamic_gather %mul3A_2032[%gather3A_2765] in [0] : vector<16xf32>, vector<16xi32> -> vector<16xf32>
      %get3A_2767 = arith.constant 70 : i32
      %get3A_2768 = arith.index_cast %rem3A_212 : i32 to index
      %get3A_2769 = arith.index_cast %get3A_2767 : i32 to index
      %get3A_2770 = arith.constant 0 : index
      %get3A_2771 = tpu.vector_load %arg12[%get3A_2768, %get3A_2769, %get3A_2770] {strides = array<i32>} : memref<8x100x64xf32, #tpu.memory_space<vmem>>, vector<16xf32>,
      %mul3A_2772 = arith.mulf %gather3A_2766, %get3A_2771 : vector<16xf32>
      %add3A_2773 = arith.addf %add3A_2740, %mul3A_2772 : vector<16xf32>
      %get3A_2774 = arith.constant 70 : i32
      %get3A_2775 = arith.index_cast %rem3A_212 : i32 to index
      %get3A_2776 = arith.index_cast %get3A_2774 : i32 to index
      %get3A_2777 = arith.constant 16 : index
      %get3A_2778 = tpu.vector_load %arg12[%get3A_2775, %get3A_2776, %get3A_2777] {strides = array<i32>} : memref<8x100x64xf32, #tpu.memory_space<vmem>>, vector<16xf32>,
      %mul3A_2779 = arith.mulf %gather3A_2766, %get3A_2778 : vector<16xf32>
      %add3A_2780 = arith.addf %add3A_2747, %mul3A_2779 : vector<16xf32>
      %get3A_2781 = arith.constant 70 : i32
      %get3A_2782 = arith.index_cast %rem3A_212 : i32 to index
      %get3A_2783 = arith.index_cast %get3A_2781 : i32 to index
      %get3A_2784 = arith.constant 32 : index
      %get3A_2785 = tpu.vector_load %arg12[%get3A_2782, %get3A_2783, %get3A_2784] {strides = array<i32>} : memref<8x100x64xf32, #tpu.memory_space<vmem>>, vector<16xf32>,
      %mul3A_2786 = arith.mulf %gather3A_2766, %get3A_2785 : vector<16xf32>
      %add3A_2787 = arith.addf %add3A_2754, %mul3A_2786 : vector<16xf32>
      %get3A_2788 = arith.constant 70 : i32
      %get3A_2789 = arith.index_cast %rem3A_212 : i32 to index
      %get3A_2790 = arith.index_cast %get3A_2788 : i32 to index
      %get3A_2791 = arith.constant 48 : index
      %get3A_2792 = tpu.vector_load %arg12[%get3A_2789, %get3A_2790, %get3A_2791] {strides = array<i32>} : memref<8x100x64xf32, #tpu.memory_space<vmem>>, vector<16xf32>,
      %mul3A_2793 = arith.mulf %gather3A_2766, %get3A_2792 : vector<16xf32>
      %add3A_2794 = arith.addf %add3A_2761, %mul3A_2793 : vector<16xf32>
      %broadcast_in_dim3A_2795 = arith.constant 5 : i32
      %broadcast_in_dim3A_2796 = vector.broadcast %broadcast_in_dim3A_2795 : i32 to vector<16xi32>
      %broadcast_in_dim3A_2797 = vector.shape_cast %broadcast_in_dim3A_2796 : vector<16xi32> to vector<16x1xi32>
      %gather3A_2798 = vector.shape_cast %broadcast_in_dim3A_2797 : vector<16x1xi32> to vector<16xi32>
      %gather3A_2799 = tpu.dynamic_gather %mul3A_2032[%gather3A_2798] in [0] : vector<16xf32>, vector<16xi32> -> vector<16xf32>
      %get3A_2800 = arith.constant 71 : i32
      %get3A_2801 = arith.index_cast %rem3A_212 : i32 to index
      %get3A_2802 = arith.index_cast %get3A_2800 : i32 to index
      %get3A_2803 = arith.constant 0 : index
      %get3A_2804 = tpu.vector_load %arg12[%get3A_2801, %get3A_2802, %get3A_2803] {strides = array<i32>} : memref<8x100x64xf32, #tpu.memory_space<vmem>>, vector<16xf32>,
      %mul3A_2805 = arith.mulf %gather3A_2799, %get3A_2804 : vector<16xf32>
      %add3A_2806 = arith.addf %add3A_2773, %mul3A_2805 : vector<16xf32>
      %get3A_2807 = arith.constant 71 : i32
      %get3A_2808 = arith.index_cast %rem3A_212 : i32 to index
      %get3A_2809 = arith.index_cast %get3A_2807 : i32 to index
      %get3A_2810 = arith.constant 16 : index
      %get3A_2811 = tpu.vector_load %arg12[%get3A_2808, %get3A_2809, %get3A_2810] {strides = array<i32>} : memref<8x100x64xf32, #tpu.memory_space<vmem>>, vector<16xf32>,
      %mul3A_2812 = arith.mulf %gather3A_2799, %get3A_2811 : vector<16xf32>
      %add3A_2813 = arith.addf %add3A_2780, %mul3A_2812 : vector<16xf32>
      %get3A_2814 = arith.constant 71 : i32
      %get3A_2815 = arith.index_cast %rem3A_212 : i32 to index
      %get3A_2816 = arith.index_cast %get3A_2814 : i32 to index
      %get3A_2817 = arith.constant 32 : index
      %get3A_2818 = tpu.vector_load %arg12[%get3A_2815, %get3A_2816, %get3A_2817] {strides = array<i32>} : memref<8x100x64xf32, #tpu.memory_space<vmem>>, vector<16xf32>,
      %mul3A_2819 = arith.mulf %gather3A_2799, %get3A_2818 : vector<16xf32>
      %add3A_2820 = arith.addf %add3A_2787, %mul3A_2819 : vector<16xf32>
      %get3A_2821 = arith.constant 71 : i32
      %get3A_2822 = arith.index_cast %rem3A_212 : i32 to index
      %get3A_2823 = arith.index_cast %get3A_2821 : i32 to index
      %get3A_2824 = arith.constant 48 : index
      %get3A_2825 = tpu.vector_load %arg12[%get3A_2822, %get3A_2823, %get3A_2824] {strides = array<i32>} : memref<8x100x64xf32, #tpu.memory_space<vmem>>, vector<16xf32>,
      %mul3A_2826 = arith.mulf %gather3A_2799, %get3A_2825 : vector<16xf32>
      %add3A_2827 = arith.addf %add3A_2794, %mul3A_2826 : vector<16xf32>
      %broadcast_in_dim3A_2828 = arith.constant 6 : i32
      %broadcast_in_dim3A_2829 = vector.broadcast %broadcast_in_dim3A_2828 : i32 to vector<16xi32>
      %broadcast_in_dim3A_2830 = vector.shape_cast %broadcast_in_dim3A_2829 : vector<16xi32> to vector<16x1xi32>
      %gather3A_2831 = vector.shape_cast %broadcast_in_dim3A_2830 : vector<16x1xi32> to vector<16xi32>
      %gather3A_2832 = tpu.dynamic_gather %mul3A_2032[%gather3A_2831] in [0] : vector<16xf32>, vector<16xi32> -> vector<16xf32>
      %get3A_2833 = arith.constant 72 : i32
      %get3A_2834 = arith.index_cast %rem3A_212 : i32 to index
      %get3A_2835 = arith.index_cast %get3A_2833 : i32 to index
      %get3A_2836 = arith.constant 0 : index
      %get3A_2837 = tpu.vector_load %arg12[%get3A_2834, %get3A_2835, %get3A_2836] {strides = array<i32>} : memref<8x100x64xf32, #tpu.memory_space<vmem>>, vector<16xf32>,
      %mul3A_2838 = arith.mulf %gather3A_2832, %get3A_2837 : vector<16xf32>
      %add3A_2839 = arith.addf %add3A_2806, %mul3A_2838 : vector<16xf32>
      %get3A_2840 = arith.constant 72 : i32
      %get3A_2841 = arith.index_cast %rem3A_212 : i32 to index
      %get3A_2842 = arith.index_cast %get3A_2840 : i32 to index
      %get3A_2843 = arith.constant 16 : index
      %get3A_2844 = tpu.vector_load %arg12[%get3A_2841, %get3A_2842, %get3A_2843] {strides = array<i32>} : memref<8x100x64xf32, #tpu.memory_space<vmem>>, vector<16xf32>,
      %mul3A_2845 = arith.mulf %gather3A_2832, %get3A_2844 : vector<16xf32>
      %add3A_2846 = arith.addf %add3A_2813, %mul3A_2845 : vector<16xf32>
      %get3A_2847 = arith.constant 72 : i32
      %get3A_2848 = arith.index_cast %rem3A_212 : i32 to index
      %get3A_2849 = arith.index_cast %get3A_2847 : i32 to index
      %get3A_2850 = arith.constant 32 : index
      %get3A_2851 = tpu.vector_load %arg12[%get3A_2848, %get3A_2849, %get3A_2850] {strides = array<i32>} : memref<8x100x64xf32, #tpu.memory_space<vmem>>, vector<16xf32>,
      %mul3A_2852 = arith.mulf %gather3A_2832, %get3A_2851 : vector<16xf32>
      %add3A_2853 = arith.addf %add3A_2820, %mul3A_2852 : vector<16xf32>
      %get3A_2854 = arith.constant 72 : i32
      %get3A_2855 = arith.index_cast %rem3A_212 : i32 to index
      %get3A_2856 = arith.index_cast %get3A_2854 : i32 to index
      %get3A_2857 = arith.constant 48 : index
      %get3A_2858 = tpu.vector_load %arg12[%get3A_2855, %get3A_2856, %get3A_2857] {strides = array<i32>} : memref<8x100x64xf32, #tpu.memory_space<vmem>>, vector<16xf32>,
      %mul3A_2859 = arith.mulf %gather3A_2832, %get3A_2858 : vector<16xf32>
      %add3A_2860 = arith.addf %add3A_2827, %mul3A_2859 : vector<16xf32>
      %broadcast_in_dim3A_2861 = arith.constant 7 : i32
      %broadcast_in_dim3A_2862 = vector.broadcast %broadcast_in_dim3A_2861 : i32 to vector<16xi32>
      %broadcast_in_dim3A_2863 = vector.shape_cast %broadcast_in_dim3A_2862 : vector<16xi32> to vector<16x1xi32>
      %gather3A_2864 = vector.shape_cast %broadcast_in_dim3A_2863 : vector<16x1xi32> to vector<16xi32>
      %gather3A_2865 = tpu.dynamic_gather %mul3A_2032[%gather3A_2864] in [0] : vector<16xf32>, vector<16xi32> -> vector<16xf32>
      %get3A_2866 = arith.constant 73 : i32
      %get3A_2867 = arith.index_cast %rem3A_212 : i32 to index
      %get3A_2868 = arith.index_cast %get3A_2866 : i32 to index
      %get3A_2869 = arith.constant 0 : index
      %get3A_2870 = tpu.vector_load %arg12[%get3A_2867, %get3A_2868, %get3A_2869] {strides = array<i32>} : memref<8x100x64xf32, #tpu.memory_space<vmem>>, vector<16xf32>,
      %mul3A_2871 = arith.mulf %gather3A_2865, %get3A_2870 : vector<16xf32>
      %add3A_2872 = arith.addf %add3A_2839, %mul3A_2871 : vector<16xf32>
      %get3A_2873 = arith.constant 73 : i32
      %get3A_2874 = arith.index_cast %rem3A_212 : i32 to index
      %get3A_2875 = arith.index_cast %get3A_2873 : i32 to index
      %get3A_2876 = arith.constant 16 : index
      %get3A_2877 = tpu.vector_load %arg12[%get3A_2874, %get3A_2875, %get3A_2876] {strides = array<i32>} : memref<8x100x64xf32, #tpu.memory_space<vmem>>, vector<16xf32>,
      %mul3A_2878 = arith.mulf %gather3A_2865, %get3A_2877 : vector<16xf32>
      %add3A_2879 = arith.addf %add3A_2846, %mul3A_2878 : vector<16xf32>
      %get3A_2880 = arith.constant 73 : i32
      %get3A_2881 = arith.index_cast %rem3A_212 : i32 to index
      %get3A_2882 = arith.index_cast %get3A_2880 : i32 to index
      %get3A_2883 = arith.constant 32 : index
      %get3A_2884 = tpu.vector_load %arg12[%get3A_2881, %get3A_2882, %get3A_2883] {strides = array<i32>} : memref<8x100x64xf32, #tpu.memory_space<vmem>>, vector<16xf32>,
      %mul3A_2885 = arith.mulf %gather3A_2865, %get3A_2884 : vector<16xf32>
      %add3A_2886 = arith.addf %add3A_2853, %mul3A_2885 : vector<16xf32>
      %get3A_2887 = arith.constant 73 : i32
      %get3A_2888 = arith.index_cast %rem3A_212 : i32 to index
      %get3A_2889 = arith.index_cast %get3A_2887 : i32 to index
      %get3A_2890 = arith.constant 48 : index
      %get3A_2891 = tpu.vector_load %arg12[%get3A_2888, %get3A_2889, %get3A_2890] {strides = array<i32>} : memref<8x100x64xf32, #tpu.memory_space<vmem>>, vector<16xf32>,
      %mul3A_2892 = arith.mulf %gather3A_2865, %get3A_2891 : vector<16xf32>
      %add3A_2893 = arith.addf %add3A_2860, %mul3A_2892 : vector<16xf32>
      %broadcast_in_dim3A_2894 = arith.constant 8 : i32
      %broadcast_in_dim3A_2895 = vector.broadcast %broadcast_in_dim3A_2894 : i32 to vector<16xi32>
      %broadcast_in_dim3A_2896 = vector.shape_cast %broadcast_in_dim3A_2895 : vector<16xi32> to vector<16x1xi32>
      %gather3A_2897 = vector.shape_cast %broadcast_in_dim3A_2896 : vector<16x1xi32> to vector<16xi32>
      %gather3A_2898 = tpu.dynamic_gather %mul3A_2032[%gather3A_2897] in [0] : vector<16xf32>, vector<16xi32> -> vector<16xf32>
      %get3A_2899 = arith.constant 74 : i32
      %get3A_2900 = arith.index_cast %rem3A_212 : i32 to index
      %get3A_2901 = arith.index_cast %get3A_2899 : i32 to index
      %get3A_2902 = arith.constant 0 : index
      %get3A_2903 = tpu.vector_load %arg12[%get3A_2900, %get3A_2901, %get3A_2902] {strides = array<i32>} : memref<8x100x64xf32, #tpu.memory_space<vmem>>, vector<16xf32>,
      %mul3A_2904 = arith.mulf %gather3A_2898, %get3A_2903 : vector<16xf32>
      %add3A_2905 = arith.addf %add3A_2872, %mul3A_2904 : vector<16xf32>
      %get3A_2906 = arith.constant 74 : i32
      %get3A_2907 = arith.index_cast %rem3A_212 : i32 to index
      %get3A_2908 = arith.index_cast %get3A_2906 : i32 to index
      %get3A_2909 = arith.constant 16 : index
      %get3A_2910 = tpu.vector_load %arg12[%get3A_2907, %get3A_2908, %get3A_2909] {strides = array<i32>} : memref<8x100x64xf32, #tpu.memory_space<vmem>>, vector<16xf32>,
      %mul3A_2911 = arith.mulf %gather3A_2898, %get3A_2910 : vector<16xf32>
      %add3A_2912 = arith.addf %add3A_2879, %mul3A_2911 : vector<16xf32>
      %get3A_2913 = arith.constant 74 : i32
      %get3A_2914 = arith.index_cast %rem3A_212 : i32 to index
      %get3A_2915 = arith.index_cast %get3A_2913 : i32 to index
      %get3A_2916 = arith.constant 32 : index
      %get3A_2917 = tpu.vector_load %arg12[%get3A_2914, %get3A_2915, %get3A_2916] {strides = array<i32>} : memref<8x100x64xf32, #tpu.memory_space<vmem>>, vector<16xf32>,
      %mul3A_2918 = arith.mulf %gather3A_2898, %get3A_2917 : vector<16xf32>
      %add3A_2919 = arith.addf %add3A_2886, %mul3A_2918 : vector<16xf32>
      %get3A_2920 = arith.constant 74 : i32
      %get3A_2921 = arith.index_cast %rem3A_212 : i32 to index
      %get3A_2922 = arith.index_cast %get3A_2920 : i32 to index
      %get3A_2923 = arith.constant 48 : index
      %get3A_2924 = tpu.vector_load %arg12[%get3A_2921, %get3A_2922, %get3A_2923] {strides = array<i32>} : memref<8x100x64xf32, #tpu.memory_space<vmem>>, vector<16xf32>,
      %mul3A_2925 = arith.mulf %gather3A_2898, %get3A_2924 : vector<16xf32>
      %add3A_2926 = arith.addf %add3A_2893, %mul3A_2925 : vector<16xf32>
      %broadcast_in_dim3A_2927 = arith.constant 9 : i32
      %broadcast_in_dim3A_2928 = vector.broadcast %broadcast_in_dim3A_2927 : i32 to vector<16xi32>
      %broadcast_in_dim3A_2929 = vector.shape_cast %broadcast_in_dim3A_2928 : vector<16xi32> to vector<16x1xi32>
      %gather3A_2930 = vector.shape_cast %broadcast_in_dim3A_2929 : vector<16x1xi32> to vector<16xi32>
      %gather3A_2931 = tpu.dynamic_gather %mul3A_2032[%gather3A_2930] in [0] : vector<16xf32>, vector<16xi32> -> vector<16xf32>
      %get3A_2932 = arith.constant 75 : i32
      %get3A_2933 = arith.index_cast %rem3A_212 : i32 to index
      %get3A_2934 = arith.index_cast %get3A_2932 : i32 to index
      %get3A_2935 = arith.constant 0 : index
      %get3A_2936 = tpu.vector_load %arg12[%get3A_2933, %get3A_2934, %get3A_2935] {strides = array<i32>} : memref<8x100x64xf32, #tpu.memory_space<vmem>>, vector<16xf32>,
      %mul3A_2937 = arith.mulf %gather3A_2931, %get3A_2936 : vector<16xf32>
      %add3A_2938 = arith.addf %add3A_2905, %mul3A_2937 : vector<16xf32>
      %get3A_2939 = arith.constant 75 : i32
      %get3A_2940 = arith.index_cast %rem3A_212 : i32 to index
      %get3A_2941 = arith.index_cast %get3A_2939 : i32 to index
      %get3A_2942 = arith.constant 16 : index
      %get3A_2943 = tpu.vector_load %arg12[%get3A_2940, %get3A_2941, %get3A_2942] {strides = array<i32>} : memref<8x100x64xf32, #tpu.memory_space<vmem>>, vector<16xf32>,
      %mul3A_2944 = arith.mulf %gather3A_2931, %get3A_2943 : vector<16xf32>
      %add3A_2945 = arith.addf %add3A_2912, %mul3A_2944 : vector<16xf32>
      %get3A_2946 = arith.constant 75 : i32
      %get3A_2947 = arith.index_cast %rem3A_212 : i32 to index
      %get3A_2948 = arith.index_cast %get3A_2946 : i32 to index
      %get3A_2949 = arith.constant 32 : index
      %get3A_2950 = tpu.vector_load %arg12[%get3A_2947, %get3A_2948, %get3A_2949] {strides = array<i32>} : memref<8x100x64xf32, #tpu.memory_space<vmem>>, vector<16xf32>,
      %mul3A_2951 = arith.mulf %gather3A_2931, %get3A_2950 : vector<16xf32>
      %add3A_2952 = arith.addf %add3A_2919, %mul3A_2951 : vector<16xf32>
      %get3A_2953 = arith.constant 75 : i32
      %get3A_2954 = arith.index_cast %rem3A_212 : i32 to index
      %get3A_2955 = arith.index_cast %get3A_2953 : i32 to index
      %get3A_2956 = arith.constant 48 : index
      %get3A_2957 = tpu.vector_load %arg12[%get3A_2954, %get3A_2955, %get3A_2956] {strides = array<i32>} : memref<8x100x64xf32, #tpu.memory_space<vmem>>, vector<16xf32>,
      %mul3A_2958 = arith.mulf %gather3A_2931, %get3A_2957 : vector<16xf32>
      %add3A_2959 = arith.addf %add3A_2926, %mul3A_2958 : vector<16xf32>
      %broadcast_in_dim3A_2960 = arith.constant 10 : i32
      %broadcast_in_dim3A_2961 = vector.broadcast %broadcast_in_dim3A_2960 : i32 to vector<16xi32>
      %broadcast_in_dim3A_2962 = vector.shape_cast %broadcast_in_dim3A_2961 : vector<16xi32> to vector<16x1xi32>
      %gather3A_2963 = vector.shape_cast %broadcast_in_dim3A_2962 : vector<16x1xi32> to vector<16xi32>
      %gather3A_2964 = tpu.dynamic_gather %mul3A_2032[%gather3A_2963] in [0] : vector<16xf32>, vector<16xi32> -> vector<16xf32>
      %get3A_2965 = arith.constant 76 : i32
      %get3A_2966 = arith.index_cast %rem3A_212 : i32 to index
      %get3A_2967 = arith.index_cast %get3A_2965 : i32 to index
      %get3A_2968 = arith.constant 0 : index
      %get3A_2969 = tpu.vector_load %arg12[%get3A_2966, %get3A_2967, %get3A_2968] {strides = array<i32>} : memref<8x100x64xf32, #tpu.memory_space<vmem>>, vector<16xf32>,
      %mul3A_2970 = arith.mulf %gather3A_2964, %get3A_2969 : vector<16xf32>
      %add3A_2971 = arith.addf %add3A_2938, %mul3A_2970 : vector<16xf32>
      %get3A_2972 = arith.constant 76 : i32
      %get3A_2973 = arith.index_cast %rem3A_212 : i32 to index
      %get3A_2974 = arith.index_cast %get3A_2972 : i32 to index
      %get3A_2975 = arith.constant 16 : index
      %get3A_2976 = tpu.vector_load %arg12[%get3A_2973, %get3A_2974, %get3A_2975] {strides = array<i32>} : memref<8x100x64xf32, #tpu.memory_space<vmem>>, vector<16xf32>,
      %mul3A_2977 = arith.mulf %gather3A_2964, %get3A_2976 : vector<16xf32>
      %add3A_2978 = arith.addf %add3A_2945, %mul3A_2977 : vector<16xf32>
      %get3A_2979 = arith.constant 76 : i32
      %get3A_2980 = arith.index_cast %rem3A_212 : i32 to index
      %get3A_2981 = arith.index_cast %get3A_2979 : i32 to index
      %get3A_2982 = arith.constant 32 : index
      %get3A_2983 = tpu.vector_load %arg12[%get3A_2980, %get3A_2981, %get3A_2982] {strides = array<i32>} : memref<8x100x64xf32, #tpu.memory_space<vmem>>, vector<16xf32>,
      %mul3A_2984 = arith.mulf %gather3A_2964, %get3A_2983 : vector<16xf32>
      %add3A_2985 = arith.addf %add3A_2952, %mul3A_2984 : vector<16xf32>
      %get3A_2986 = arith.constant 76 : i32
      %get3A_2987 = arith.index_cast %rem3A_212 : i32 to index
      %get3A_2988 = arith.index_cast %get3A_2986 : i32 to index
      %get3A_2989 = arith.constant 48 : index
      %get3A_2990 = tpu.vector_load %arg12[%get3A_2987, %get3A_2988, %get3A_2989] {strides = array<i32>} : memref<8x100x64xf32, #tpu.memory_space<vmem>>, vector<16xf32>,
      %mul3A_2991 = arith.mulf %gather3A_2964, %get3A_2990 : vector<16xf32>
      %add3A_2992 = arith.addf %add3A_2959, %mul3A_2991 : vector<16xf32>
      %broadcast_in_dim3A_2993 = arith.constant 11 : i32
      %broadcast_in_dim3A_2994 = vector.broadcast %broadcast_in_dim3A_2993 : i32 to vector<16xi32>
      %broadcast_in_dim3A_2995 = vector.shape_cast %broadcast_in_dim3A_2994 : vector<16xi32> to vector<16x1xi32>
      %gather3A_2996 = vector.shape_cast %broadcast_in_dim3A_2995 : vector<16x1xi32> to vector<16xi32>
      %gather3A_2997 = tpu.dynamic_gather %mul3A_2032[%gather3A_2996] in [0] : vector<16xf32>, vector<16xi32> -> vector<16xf32>
      %get3A_2998 = arith.constant 77 : i32
      %get3A_2999 = arith.index_cast %rem3A_212 : i32 to index
      %get3A_3000 = arith.index_cast %get3A_2998 : i32 to index
      %get3A_3001 = arith.constant 0 : index
      %get3A_3002 = tpu.vector_load %arg12[%get3A_2999, %get3A_3000, %get3A_3001] {strides = array<i32>} : memref<8x100x64xf32, #tpu.memory_space<vmem>>, vector<16xf32>,
      %mul3A_3003 = arith.mulf %gather3A_2997, %get3A_3002 : vector<16xf32>
      %add3A_3004 = arith.addf %add3A_2971, %mul3A_3003 : vector<16xf32>
      %get3A_3005 = arith.constant 77 : i32
      %get3A_3006 = arith.index_cast %rem3A_212 : i32 to index
      %get3A_3007 = arith.index_cast %get3A_3005 : i32 to index
      %get3A_3008 = arith.constant 16 : index
      %get3A_3009 = tpu.vector_load %arg12[%get3A_3006, %get3A_3007, %get3A_3008] {strides = array<i32>} : memref<8x100x64xf32, #tpu.memory_space<vmem>>, vector<16xf32>,
      %mul3A_3010 = arith.mulf %gather3A_2997, %get3A_3009 : vector<16xf32>
      %add3A_3011 = arith.addf %add3A_2978, %mul3A_3010 : vector<16xf32>
      %get3A_3012 = arith.constant 77 : i32
      %get3A_3013 = arith.index_cast %rem3A_212 : i32 to index
      %get3A_3014 = arith.index_cast %get3A_3012 : i32 to index
      %get3A_3015 = arith.constant 32 : index
      %get3A_3016 = tpu.vector_load %arg12[%get3A_3013, %get3A_3014, %get3A_3015] {strides = array<i32>} : memref<8x100x64xf32, #tpu.memory_space<vmem>>, vector<16xf32>,
      %mul3A_3017 = arith.mulf %gather3A_2997, %get3A_3016 : vector<16xf32>
      %add3A_3018 = arith.addf %add3A_2985, %mul3A_3017 : vector<16xf32>
      %get3A_3019 = arith.constant 77 : i32
      %get3A_3020 = arith.index_cast %rem3A_212 : i32 to index
      %get3A_3021 = arith.index_cast %get3A_3019 : i32 to index
      %get3A_3022 = arith.constant 48 : index
      %get3A_3023 = tpu.vector_load %arg12[%get3A_3020, %get3A_3021, %get3A_3022] {strides = array<i32>} : memref<8x100x64xf32, #tpu.memory_space<vmem>>, vector<16xf32>,
      %mul3A_3024 = arith.mulf %gather3A_2997, %get3A_3023 : vector<16xf32>
      %add3A_3025 = arith.addf %add3A_2992, %mul3A_3024 : vector<16xf32>
      %broadcast_in_dim3A_3026 = arith.constant 12 : i32
      %broadcast_in_dim3A_3027 = vector.broadcast %broadcast_in_dim3A_3026 : i32 to vector<16xi32>
      %broadcast_in_dim3A_3028 = vector.shape_cast %broadcast_in_dim3A_3027 : vector<16xi32> to vector<16x1xi32>
      %gather3A_3029 = vector.shape_cast %broadcast_in_dim3A_3028 : vector<16x1xi32> to vector<16xi32>
      %gather3A_3030 = tpu.dynamic_gather %mul3A_2032[%gather3A_3029] in [0] : vector<16xf32>, vector<16xi32> -> vector<16xf32>
      %get3A_3031 = arith.constant 78 : i32
      %get3A_3032 = arith.index_cast %rem3A_212 : i32 to index
      %get3A_3033 = arith.index_cast %get3A_3031 : i32 to index
      %get3A_3034 = arith.constant 0 : index
      %get3A_3035 = tpu.vector_load %arg12[%get3A_3032, %get3A_3033, %get3A_3034] {strides = array<i32>} : memref<8x100x64xf32, #tpu.memory_space<vmem>>, vector<16xf32>,
      %mul3A_3036 = arith.mulf %gather3A_3030, %get3A_3035 : vector<16xf32>
      %add3A_3037 = arith.addf %add3A_3004, %mul3A_3036 : vector<16xf32>
      %get3A_3038 = arith.constant 78 : i32
      %get3A_3039 = arith.index_cast %rem3A_212 : i32 to index
      %get3A_3040 = arith.index_cast %get3A_3038 : i32 to index
      %get3A_3041 = arith.constant 16 : index
      %get3A_3042 = tpu.vector_load %arg12[%get3A_3039, %get3A_3040, %get3A_3041] {strides = array<i32>} : memref<8x100x64xf32, #tpu.memory_space<vmem>>, vector<16xf32>,
      %mul3A_3043 = arith.mulf %gather3A_3030, %get3A_3042 : vector<16xf32>
      %add3A_3044 = arith.addf %add3A_3011, %mul3A_3043 : vector<16xf32>
      %get3A_3045 = arith.constant 78 : i32
      %get3A_3046 = arith.index_cast %rem3A_212 : i32 to index
      %get3A_3047 = arith.index_cast %get3A_3045 : i32 to index
      %get3A_3048 = arith.constant 32 : index
      %get3A_3049 = tpu.vector_load %arg12[%get3A_3046, %get3A_3047, %get3A_3048] {strides = array<i32>} : memref<8x100x64xf32, #tpu.memory_space<vmem>>, vector<16xf32>,
      %mul3A_3050 = arith.mulf %gather3A_3030, %get3A_3049 : vector<16xf32>
      %add3A_3051 = arith.addf %add3A_3018, %mul3A_3050 : vector<16xf32>
      %get3A_3052 = arith.constant 78 : i32
      %get3A_3053 = arith.index_cast %rem3A_212 : i32 to index
      %get3A_3054 = arith.index_cast %get3A_3052 : i32 to index
      %get3A_3055 = arith.constant 48 : index
      %get3A_3056 = tpu.vector_load %arg12[%get3A_3053, %get3A_3054, %get3A_3055] {strides = array<i32>} : memref<8x100x64xf32, #tpu.memory_space<vmem>>, vector<16xf32>,
      %mul3A_3057 = arith.mulf %gather3A_3030, %get3A_3056 : vector<16xf32>
      %add3A_3058 = arith.addf %add3A_3025, %mul3A_3057 : vector<16xf32>
      %broadcast_in_dim3A_3059 = arith.constant 13 : i32
      %broadcast_in_dim3A_3060 = vector.broadcast %broadcast_in_dim3A_3059 : i32 to vector<16xi32>
      %broadcast_in_dim3A_3061 = vector.shape_cast %broadcast_in_dim3A_3060 : vector<16xi32> to vector<16x1xi32>
      %gather3A_3062 = vector.shape_cast %broadcast_in_dim3A_3061 : vector<16x1xi32> to vector<16xi32>
      %gather3A_3063 = tpu.dynamic_gather %mul3A_2032[%gather3A_3062] in [0] : vector<16xf32>, vector<16xi32> -> vector<16xf32>
      %get3A_3064 = arith.constant 79 : i32
      %get3A_3065 = arith.index_cast %rem3A_212 : i32 to index
      %get3A_3066 = arith.index_cast %get3A_3064 : i32 to index
      %get3A_3067 = arith.constant 0 : index
      %get3A_3068 = tpu.vector_load %arg12[%get3A_3065, %get3A_3066, %get3A_3067] {strides = array<i32>} : memref<8x100x64xf32, #tpu.memory_space<vmem>>, vector<16xf32>,
      %mul3A_3069 = arith.mulf %gather3A_3063, %get3A_3068 : vector<16xf32>
      %add3A_3070 = arith.addf %add3A_3037, %mul3A_3069 : vector<16xf32>
      %get3A_3071 = arith.constant 79 : i32
      %get3A_3072 = arith.index_cast %rem3A_212 : i32 to index
      %get3A_3073 = arith.index_cast %get3A_3071 : i32 to index
      %get3A_3074 = arith.constant 16 : index
      %get3A_3075 = tpu.vector_load %arg12[%get3A_3072, %get3A_3073, %get3A_3074] {strides = array<i32>} : memref<8x100x64xf32, #tpu.memory_space<vmem>>, vector<16xf32>,
      %mul3A_3076 = arith.mulf %gather3A_3063, %get3A_3075 : vector<16xf32>
      %add3A_3077 = arith.addf %add3A_3044, %mul3A_3076 : vector<16xf32>
      %get3A_3078 = arith.constant 79 : i32
      %get3A_3079 = arith.index_cast %rem3A_212 : i32 to index
      %get3A_3080 = arith.index_cast %get3A_3078 : i32 to index
      %get3A_3081 = arith.constant 32 : index
      %get3A_3082 = tpu.vector_load %arg12[%get3A_3079, %get3A_3080, %get3A_3081] {strides = array<i32>} : memref<8x100x64xf32, #tpu.memory_space<vmem>>, vector<16xf32>,
      %mul3A_3083 = arith.mulf %gather3A_3063, %get3A_3082 : vector<16xf32>
      %add3A_3084 = arith.addf %add3A_3051, %mul3A_3083 : vector<16xf32>
      %get3A_3085 = arith.constant 79 : i32
      %get3A_3086 = arith.index_cast %rem3A_212 : i32 to index
      %get3A_3087 = arith.index_cast %get3A_3085 : i32 to index
      %get3A_3088 = arith.constant 48 : index
      %get3A_3089 = tpu.vector_load %arg12[%get3A_3086, %get3A_3087, %get3A_3088] {strides = array<i32>} : memref<8x100x64xf32, #tpu.memory_space<vmem>>, vector<16xf32>,
      %mul3A_3090 = arith.mulf %gather3A_3063, %get3A_3089 : vector<16xf32>
      %add3A_3091 = arith.addf %add3A_3058, %mul3A_3090 : vector<16xf32>
      %broadcast_in_dim3A_3092 = arith.constant 14 : i32
      %broadcast_in_dim3A_3093 = vector.broadcast %broadcast_in_dim3A_3092 : i32 to vector<16xi32>
      %broadcast_in_dim3A_3094 = vector.shape_cast %broadcast_in_dim3A_3093 : vector<16xi32> to vector<16x1xi32>
      %gather3A_3095 = vector.shape_cast %broadcast_in_dim3A_3094 : vector<16x1xi32> to vector<16xi32>
      %gather3A_3096 = tpu.dynamic_gather %mul3A_2032[%gather3A_3095] in [0] : vector<16xf32>, vector<16xi32> -> vector<16xf32>
      %get3A_3097 = arith.constant 80 : i32
      %get3A_3098 = arith.index_cast %rem3A_212 : i32 to index
      %get3A_3099 = arith.index_cast %get3A_3097 : i32 to index
      %get3A_3100 = arith.constant 0 : index
      %get3A_3101 = tpu.vector_load %arg12[%get3A_3098, %get3A_3099, %get3A_3100] {strides = array<i32>} : memref<8x100x64xf32, #tpu.memory_space<vmem>>, vector<16xf32>,
      %mul3A_3102 = arith.mulf %gather3A_3096, %get3A_3101 : vector<16xf32>
      %add3A_3103 = arith.addf %add3A_3070, %mul3A_3102 : vector<16xf32>
      %get3A_3104 = arith.constant 80 : i32
      %get3A_3105 = arith.index_cast %rem3A_212 : i32 to index
      %get3A_3106 = arith.index_cast %get3A_3104 : i32 to index
      %get3A_3107 = arith.constant 16 : index
      %get3A_3108 = tpu.vector_load %arg12[%get3A_3105, %get3A_3106, %get3A_3107] {strides = array<i32>} : memref<8x100x64xf32, #tpu.memory_space<vmem>>, vector<16xf32>,
      %mul3A_3109 = arith.mulf %gather3A_3096, %get3A_3108 : vector<16xf32>
      %add3A_3110 = arith.addf %add3A_3077, %mul3A_3109 : vector<16xf32>
      %get3A_3111 = arith.constant 80 : i32
      %get3A_3112 = arith.index_cast %rem3A_212 : i32 to index
      %get3A_3113 = arith.index_cast %get3A_3111 : i32 to index
      %get3A_3114 = arith.constant 32 : index
      %get3A_3115 = tpu.vector_load %arg12[%get3A_3112, %get3A_3113, %get3A_3114] {strides = array<i32>} : memref<8x100x64xf32, #tpu.memory_space<vmem>>, vector<16xf32>,
      %mul3A_3116 = arith.mulf %gather3A_3096, %get3A_3115 : vector<16xf32>
      %add3A_3117 = arith.addf %add3A_3084, %mul3A_3116 : vector<16xf32>
      %get3A_3118 = arith.constant 80 : i32
      %get3A_3119 = arith.index_cast %rem3A_212 : i32 to index
      %get3A_3120 = arith.index_cast %get3A_3118 : i32 to index
      %get3A_3121 = arith.constant 48 : index
      %get3A_3122 = tpu.vector_load %arg12[%get3A_3119, %get3A_3120, %get3A_3121] {strides = array<i32>} : memref<8x100x64xf32, #tpu.memory_space<vmem>>, vector<16xf32>,
      %mul3A_3123 = arith.mulf %gather3A_3096, %get3A_3122 : vector<16xf32>
      %add3A_3124 = arith.addf %add3A_3091, %mul3A_3123 : vector<16xf32>
      %broadcast_in_dim3A_3125 = arith.constant 15 : i32
      %broadcast_in_dim3A_3126 = vector.broadcast %broadcast_in_dim3A_3125 : i32 to vector<16xi32>
      %broadcast_in_dim3A_3127 = vector.shape_cast %broadcast_in_dim3A_3126 : vector<16xi32> to vector<16x1xi32>
      %gather3A_3128 = vector.shape_cast %broadcast_in_dim3A_3127 : vector<16x1xi32> to vector<16xi32>
      %gather3A_3129 = tpu.dynamic_gather %mul3A_2032[%gather3A_3128] in [0] : vector<16xf32>, vector<16xi32> -> vector<16xf32>
      %get3A_3130 = arith.constant 81 : i32
      %get3A_3131 = arith.index_cast %rem3A_212 : i32 to index
      %get3A_3132 = arith.index_cast %get3A_3130 : i32 to index
      %get3A_3133 = arith.constant 0 : index
      %get3A_3134 = tpu.vector_load %arg12[%get3A_3131, %get3A_3132, %get3A_3133] {strides = array<i32>} : memref<8x100x64xf32, #tpu.memory_space<vmem>>, vector<16xf32>,
      %mul3A_3135 = arith.mulf %gather3A_3129, %get3A_3134 : vector<16xf32>
      %add3A_3136 = arith.addf %add3A_3103, %mul3A_3135 : vector<16xf32>
      %get3A_3137 = arith.constant 81 : i32
      %get3A_3138 = arith.index_cast %rem3A_212 : i32 to index
      %get3A_3139 = arith.index_cast %get3A_3137 : i32 to index
      %get3A_3140 = arith.constant 16 : index
      %get3A_3141 = tpu.vector_load %arg12[%get3A_3138, %get3A_3139, %get3A_3140] {strides = array<i32>} : memref<8x100x64xf32, #tpu.memory_space<vmem>>, vector<16xf32>,
      %mul3A_3142 = arith.mulf %gather3A_3129, %get3A_3141 : vector<16xf32>
      %add3A_3143 = arith.addf %add3A_3110, %mul3A_3142 : vector<16xf32>
      %get3A_3144 = arith.constant 81 : i32
      %get3A_3145 = arith.index_cast %rem3A_212 : i32 to index
      %get3A_3146 = arith.index_cast %get3A_3144 : i32 to index
      %get3A_3147 = arith.constant 32 : index
      %get3A_3148 = tpu.vector_load %arg12[%get3A_3145, %get3A_3146, %get3A_3147] {strides = array<i32>} : memref<8x100x64xf32, #tpu.memory_space<vmem>>, vector<16xf32>,
      %mul3A_3149 = arith.mulf %gather3A_3129, %get3A_3148 : vector<16xf32>
      %add3A_3150 = arith.addf %add3A_3117, %mul3A_3149 : vector<16xf32>
      %get3A_3151 = arith.constant 81 : i32
      %get3A_3152 = arith.index_cast %rem3A_212 : i32 to index
      %get3A_3153 = arith.index_cast %get3A_3151 : i32 to index
      %get3A_3154 = arith.constant 48 : index
      %get3A_3155 = tpu.vector_load %arg12[%get3A_3152, %get3A_3153, %get3A_3154] {strides = array<i32>} : memref<8x100x64xf32, #tpu.memory_space<vmem>>, vector<16xf32>,
      %mul3A_3156 = arith.mulf %gather3A_3129, %get3A_3155 : vector<16xf32>
      %add3A_3157 = arith.addf %add3A_3124, %mul3A_3156 : vector<16xf32>
      %broadcast_in_dim3A_3158 = arith.constant 0 : i32
      %broadcast_in_dim3A_3159 = vector.broadcast %broadcast_in_dim3A_3158 : i32 to vector<16xi32>
      %broadcast_in_dim3A_3160 = vector.shape_cast %broadcast_in_dim3A_3159 : vector<16xi32> to vector<16x1xi32>
      %gather3A_3161 = vector.shape_cast %broadcast_in_dim3A_3160 : vector<16x1xi32> to vector<16xi32>
      %gather3A_3162 = tpu.dynamic_gather %mul3A_2044[%gather3A_3161] in [0] : vector<16xf32>, vector<16xi32> -> vector<16xf32>
      %get3A_3163 = arith.constant 82 : i32
      %get3A_3164 = arith.index_cast %rem3A_212 : i32 to index
      %get3A_3165 = arith.index_cast %get3A_3163 : i32 to index
      %get3A_3166 = arith.constant 0 : index
      %get3A_3167 = tpu.vector_load %arg12[%get3A_3164, %get3A_3165, %get3A_3166] {strides = array<i32>} : memref<8x100x64xf32, #tpu.memory_space<vmem>>, vector<16xf32>,
      %mul3A_3168 = arith.mulf %gather3A_3162, %get3A_3167 : vector<16xf32>
      %add3A_3169 = arith.addf %add3A_3136, %mul3A_3168 : vector<16xf32>
      %get3A_3170 = arith.constant 82 : i32
      %get3A_3171 = arith.index_cast %rem3A_212 : i32 to index
      %get3A_3172 = arith.index_cast %get3A_3170 : i32 to index
      %get3A_3173 = arith.constant 16 : index
      %get3A_3174 = tpu.vector_load %arg12[%get3A_3171, %get3A_3172, %get3A_3173] {strides = array<i32>} : memref<8x100x64xf32, #tpu.memory_space<vmem>>, vector<16xf32>,
      %mul3A_3175 = arith.mulf %gather3A_3162, %get3A_3174 : vector<16xf32>
      %add3A_3176 = arith.addf %add3A_3143, %mul3A_3175 : vector<16xf32>
      %get3A_3177 = arith.constant 82 : i32
      %get3A_3178 = arith.index_cast %rem3A_212 : i32 to index
      %get3A_3179 = arith.index_cast %get3A_3177 : i32 to index
      %get3A_3180 = arith.constant 32 : index
      %get3A_3181 = tpu.vector_load %arg12[%get3A_3178, %get3A_3179, %get3A_3180] {strides = array<i32>} : memref<8x100x64xf32, #tpu.memory_space<vmem>>, vector<16xf32>,
      %mul3A_3182 = arith.mulf %gather3A_3162, %get3A_3181 : vector<16xf32>
      %add3A_3183 = arith.addf %add3A_3150, %mul3A_3182 : vector<16xf32>
      %get3A_3184 = arith.constant 82 : i32
      %get3A_3185 = arith.index_cast %rem3A_212 : i32 to index
      %get3A_3186 = arith.index_cast %get3A_3184 : i32 to index
      %get3A_3187 = arith.constant 48 : index
      %get3A_3188 = tpu.vector_load %arg12[%get3A_3185, %get3A_3186, %get3A_3187] {strides = array<i32>} : memref<8x100x64xf32, #tpu.memory_space<vmem>>, vector<16xf32>,
      %mul3A_3189 = arith.mulf %gather3A_3162, %get3A_3188 : vector<16xf32>
      %add3A_3190 = arith.addf %add3A_3157, %mul3A_3189 : vector<16xf32>
      %broadcast_in_dim3A_3191 = arith.constant 1 : i32
      %broadcast_in_dim3A_3192 = vector.broadcast %broadcast_in_dim3A_3191 : i32 to vector<16xi32>
      %broadcast_in_dim3A_3193 = vector.shape_cast %broadcast_in_dim3A_3192 : vector<16xi32> to vector<16x1xi32>
      %gather3A_3194 = vector.shape_cast %broadcast_in_dim3A_3193 : vector<16x1xi32> to vector<16xi32>
      %gather3A_3195 = tpu.dynamic_gather %mul3A_2044[%gather3A_3194] in [0] : vector<16xf32>, vector<16xi32> -> vector<16xf32>
      %get3A_3196 = arith.constant 83 : i32
      %get3A_3197 = arith.index_cast %rem3A_212 : i32 to index
      %get3A_3198 = arith.index_cast %get3A_3196 : i32 to index
      %get3A_3199 = arith.constant 0 : index
      %get3A_3200 = tpu.vector_load %arg12[%get3A_3197, %get3A_3198, %get3A_3199] {strides = array<i32>} : memref<8x100x64xf32, #tpu.memory_space<vmem>>, vector<16xf32>,
      %mul3A_3201 = arith.mulf %gather3A_3195, %get3A_3200 : vector<16xf32>
      %add3A_3202 = arith.addf %add3A_3169, %mul3A_3201 : vector<16xf32>
      %get3A_3203 = arith.constant 83 : i32
      %get3A_3204 = arith.index_cast %rem3A_212 : i32 to index
      %get3A_3205 = arith.index_cast %get3A_3203 : i32 to index
      %get3A_3206 = arith.constant 16 : index
      %get3A_3207 = tpu.vector_load %arg12[%get3A_3204, %get3A_3205, %get3A_3206] {strides = array<i32>} : memref<8x100x64xf32, #tpu.memory_space<vmem>>, vector<16xf32>,
      %mul3A_3208 = arith.mulf %gather3A_3195, %get3A_3207 : vector<16xf32>
      %add3A_3209 = arith.addf %add3A_3176, %mul3A_3208 : vector<16xf32>
      %get3A_3210 = arith.constant 83 : i32
      %get3A_3211 = arith.index_cast %rem3A_212 : i32 to index
      %get3A_3212 = arith.index_cast %get3A_3210 : i32 to index
      %get3A_3213 = arith.constant 32 : index
      %get3A_3214 = tpu.vector_load %arg12[%get3A_3211, %get3A_3212, %get3A_3213] {strides = array<i32>} : memref<8x100x64xf32, #tpu.memory_space<vmem>>, vector<16xf32>,
      %mul3A_3215 = arith.mulf %gather3A_3195, %get3A_3214 : vector<16xf32>
      %add3A_3216 = arith.addf %add3A_3183, %mul3A_3215 : vector<16xf32>
      %get3A_3217 = arith.constant 83 : i32
      %get3A_3218 = arith.index_cast %rem3A_212 : i32 to index
      %get3A_3219 = arith.index_cast %get3A_3217 : i32 to index
      %get3A_3220 = arith.constant 48 : index
      %get3A_3221 = tpu.vector_load %arg12[%get3A_3218, %get3A_3219, %get3A_3220] {strides = array<i32>} : memref<8x100x64xf32, #tpu.memory_space<vmem>>, vector<16xf32>,
      %mul3A_3222 = arith.mulf %gather3A_3195, %get3A_3221 : vector<16xf32>
      %add3A_3223 = arith.addf %add3A_3190, %mul3A_3222 : vector<16xf32>
      %broadcast_in_dim3A_3224 = arith.constant 2 : i32
      %broadcast_in_dim3A_3225 = vector.broadcast %broadcast_in_dim3A_3224 : i32 to vector<16xi32>
      %broadcast_in_dim3A_3226 = vector.shape_cast %broadcast_in_dim3A_3225 : vector<16xi32> to vector<16x1xi32>
      %gather3A_3227 = vector.shape_cast %broadcast_in_dim3A_3226 : vector<16x1xi32> to vector<16xi32>
      %gather3A_3228 = tpu.dynamic_gather %mul3A_2044[%gather3A_3227] in [0] : vector<16xf32>, vector<16xi32> -> vector<16xf32>
      %get3A_3229 = arith.constant 84 : i32
      %get3A_3230 = arith.index_cast %rem3A_212 : i32 to index
      %get3A_3231 = arith.index_cast %get3A_3229 : i32 to index
      %get3A_3232 = arith.constant 0 : index
      %get3A_3233 = tpu.vector_load %arg12[%get3A_3230, %get3A_3231, %get3A_3232] {strides = array<i32>} : memref<8x100x64xf32, #tpu.memory_space<vmem>>, vector<16xf32>,
      %mul3A_3234 = arith.mulf %gather3A_3228, %get3A_3233 : vector<16xf32>
      %add3A_3235 = arith.addf %add3A_3202, %mul3A_3234 : vector<16xf32>
      %get3A_3236 = arith.constant 84 : i32
      %get3A_3237 = arith.index_cast %rem3A_212 : i32 to index
      %get3A_3238 = arith.index_cast %get3A_3236 : i32 to index
      %get3A_3239 = arith.constant 16 : index
      %get3A_3240 = tpu.vector_load %arg12[%get3A_3237, %get3A_3238, %get3A_3239] {strides = array<i32>} : memref<8x100x64xf32, #tpu.memory_space<vmem>>, vector<16xf32>,
      %mul3A_3241 = arith.mulf %gather3A_3228, %get3A_3240 : vector<16xf32>
      %add3A_3242 = arith.addf %add3A_3209, %mul3A_3241 : vector<16xf32>
      %get3A_3243 = arith.constant 84 : i32
      %get3A_3244 = arith.index_cast %rem3A_212 : i32 to index
      %get3A_3245 = arith.index_cast %get3A_3243 : i32 to index
      %get3A_3246 = arith.constant 32 : index
      %get3A_3247 = tpu.vector_load %arg12[%get3A_3244, %get3A_3245, %get3A_3246] {strides = array<i32>} : memref<8x100x64xf32, #tpu.memory_space<vmem>>, vector<16xf32>,
      %mul3A_3248 = arith.mulf %gather3A_3228, %get3A_3247 : vector<16xf32>
      %add3A_3249 = arith.addf %add3A_3216, %mul3A_3248 : vector<16xf32>
      %get3A_3250 = arith.constant 84 : i32
      %get3A_3251 = arith.index_cast %rem3A_212 : i32 to index
      %get3A_3252 = arith.index_cast %get3A_3250 : i32 to index
      %get3A_3253 = arith.constant 48 : index
      %get3A_3254 = tpu.vector_load %arg12[%get3A_3251, %get3A_3252, %get3A_3253] {strides = array<i32>} : memref<8x100x64xf32, #tpu.memory_space<vmem>>, vector<16xf32>,
      %mul3A_3255 = arith.mulf %gather3A_3228, %get3A_3254 : vector<16xf32>
      %add3A_3256 = arith.addf %add3A_3223, %mul3A_3255 : vector<16xf32>
      %broadcast_in_dim3A_3257 = arith.constant 3 : i32
      %broadcast_in_dim3A_3258 = vector.broadcast %broadcast_in_dim3A_3257 : i32 to vector<16xi32>
      %broadcast_in_dim3A_3259 = vector.shape_cast %broadcast_in_dim3A_3258 : vector<16xi32> to vector<16x1xi32>
      %gather3A_3260 = vector.shape_cast %broadcast_in_dim3A_3259 : vector<16x1xi32> to vector<16xi32>
      %gather3A_3261 = tpu.dynamic_gather %mul3A_2044[%gather3A_3260] in [0] : vector<16xf32>, vector<16xi32> -> vector<16xf32>
      %get3A_3262 = arith.constant 85 : i32
      %get3A_3263 = arith.index_cast %rem3A_212 : i32 to index
      %get3A_3264 = arith.index_cast %get3A_3262 : i32 to index
      %get3A_3265 = arith.constant 0 : index
      %get3A_3266 = tpu.vector_load %arg12[%get3A_3263, %get3A_3264, %get3A_3265] {strides = array<i32>} : memref<8x100x64xf32, #tpu.memory_space<vmem>>, vector<16xf32>,
      %mul3A_3267 = arith.mulf %gather3A_3261, %get3A_3266 : vector<16xf32>
      %add3A_3268 = arith.addf %add3A_3235, %mul3A_3267 : vector<16xf32>
      %get3A_3269 = arith.constant 85 : i32
      %get3A_3270 = arith.index_cast %rem3A_212 : i32 to index
      %get3A_3271 = arith.index_cast %get3A_3269 : i32 to index
      %get3A_3272 = arith.constant 16 : index
      %get3A_3273 = tpu.vector_load %arg12[%get3A_3270, %get3A_3271, %get3A_3272] {strides = array<i32>} : memref<8x100x64xf32, #tpu.memory_space<vmem>>, vector<16xf32>,
      %mul3A_3274 = arith.mulf %gather3A_3261, %get3A_3273 : vector<16xf32>
      %add3A_3275 = arith.addf %add3A_3242, %mul3A_3274 : vector<16xf32>
      %get3A_3276 = arith.constant 85 : i32
      %get3A_3277 = arith.index_cast %rem3A_212 : i32 to index
      %get3A_3278 = arith.index_cast %get3A_3276 : i32 to index
      %get3A_3279 = arith.constant 32 : index
      %get3A_3280 = tpu.vector_load %arg12[%get3A_3277, %get3A_3278, %get3A_3279] {strides = array<i32>} : memref<8x100x64xf32, #tpu.memory_space<vmem>>, vector<16xf32>,
      %mul3A_3281 = arith.mulf %gather3A_3261, %get3A_3280 : vector<16xf32>
      %add3A_3282 = arith.addf %add3A_3249, %mul3A_3281 : vector<16xf32>
      %get3A_3283 = arith.constant 85 : i32
      %get3A_3284 = arith.index_cast %rem3A_212 : i32 to index
      %get3A_3285 = arith.index_cast %get3A_3283 : i32 to index
      %get3A_3286 = arith.constant 48 : index
      %get3A_3287 = tpu.vector_load %arg12[%get3A_3284, %get3A_3285, %get3A_3286] {strides = array<i32>} : memref<8x100x64xf32, #tpu.memory_space<vmem>>, vector<16xf32>,
      %mul3A_3288 = arith.mulf %gather3A_3261, %get3A_3287 : vector<16xf32>
      %add3A_3289 = arith.addf %add3A_3256, %mul3A_3288 : vector<16xf32>
      %broadcast_in_dim3A_3290 = arith.constant 4 : i32
      %broadcast_in_dim3A_3291 = vector.broadcast %broadcast_in_dim3A_3290 : i32 to vector<16xi32>
      %broadcast_in_dim3A_3292 = vector.shape_cast %broadcast_in_dim3A_3291 : vector<16xi32> to vector<16x1xi32>
      %gather3A_3293 = vector.shape_cast %broadcast_in_dim3A_3292 : vector<16x1xi32> to vector<16xi32>
      %gather3A_3294 = tpu.dynamic_gather %mul3A_2044[%gather3A_3293] in [0] : vector<16xf32>, vector<16xi32> -> vector<16xf32>
      %get3A_3295 = arith.constant 86 : i32
      %get3A_3296 = arith.index_cast %rem3A_212 : i32 to index
      %get3A_3297 = arith.index_cast %get3A_3295 : i32 to index
      %get3A_3298 = arith.constant 0 : index
      %get3A_3299 = tpu.vector_load %arg12[%get3A_3296, %get3A_3297, %get3A_3298] {strides = array<i32>} : memref<8x100x64xf32, #tpu.memory_space<vmem>>, vector<16xf32>,
      %mul3A_3300 = arith.mulf %gather3A_3294, %get3A_3299 : vector<16xf32>
      %add3A_3301 = arith.addf %add3A_3268, %mul3A_3300 : vector<16xf32>
      %get3A_3302 = arith.constant 86 : i32
      %get3A_3303 = arith.index_cast %rem3A_212 : i32 to index
      %get3A_3304 = arith.index_cast %get3A_3302 : i32 to index
      %get3A_3305 = arith.constant 16 : index
      %get3A_3306 = tpu.vector_load %arg12[%get3A_3303, %get3A_3304, %get3A_3305] {strides = array<i32>} : memref<8x100x64xf32, #tpu.memory_space<vmem>>, vector<16xf32>,
      %mul3A_3307 = arith.mulf %gather3A_3294, %get3A_3306 : vector<16xf32>
      %add3A_3308 = arith.addf %add3A_3275, %mul3A_3307 : vector<16xf32>
      %get3A_3309 = arith.constant 86 : i32
      %get3A_3310 = arith.index_cast %rem3A_212 : i32 to index
      %get3A_3311 = arith.index_cast %get3A_3309 : i32 to index
      %get3A_3312 = arith.constant 32 : index
      %get3A_3313 = tpu.vector_load %arg12[%get3A_3310, %get3A_3311, %get3A_3312] {strides = array<i32>} : memref<8x100x64xf32, #tpu.memory_space<vmem>>, vector<16xf32>,
      %mul3A_3314 = arith.mulf %gather3A_3294, %get3A_3313 : vector<16xf32>
      %add3A_3315 = arith.addf %add3A_3282, %mul3A_3314 : vector<16xf32>
      %get3A_3316 = arith.constant 86 : i32
      %get3A_3317 = arith.index_cast %rem3A_212 : i32 to index
      %get3A_3318 = arith.index_cast %get3A_3316 : i32 to index
      %get3A_3319 = arith.constant 48 : index
      %get3A_3320 = tpu.vector_load %arg12[%get3A_3317, %get3A_3318, %get3A_3319] {strides = array<i32>} : memref<8x100x64xf32, #tpu.memory_space<vmem>>, vector<16xf32>,
      %mul3A_3321 = arith.mulf %gather3A_3294, %get3A_3320 : vector<16xf32>
      %add3A_3322 = arith.addf %add3A_3289, %mul3A_3321 : vector<16xf32>
      %broadcast_in_dim3A_3323 = arith.constant 5 : i32
      %broadcast_in_dim3A_3324 = vector.broadcast %broadcast_in_dim3A_3323 : i32 to vector<16xi32>
      %broadcast_in_dim3A_3325 = vector.shape_cast %broadcast_in_dim3A_3324 : vector<16xi32> to vector<16x1xi32>
      %gather3A_3326 = vector.shape_cast %broadcast_in_dim3A_3325 : vector<16x1xi32> to vector<16xi32>
      %gather3A_3327 = tpu.dynamic_gather %mul3A_2044[%gather3A_3326] in [0] : vector<16xf32>, vector<16xi32> -> vector<16xf32>
      %get3A_3328 = arith.constant 87 : i32
      %get3A_3329 = arith.index_cast %rem3A_212 : i32 to index
      %get3A_3330 = arith.index_cast %get3A_3328 : i32 to index
      %get3A_3331 = arith.constant 0 : index
      %get3A_3332 = tpu.vector_load %arg12[%get3A_3329, %get3A_3330, %get3A_3331] {strides = array<i32>} : memref<8x100x64xf32, #tpu.memory_space<vmem>>, vector<16xf32>,
      %mul3A_3333 = arith.mulf %gather3A_3327, %get3A_3332 : vector<16xf32>
      %add3A_3334 = arith.addf %add3A_3301, %mul3A_3333 : vector<16xf32>
      %get3A_3335 = arith.constant 87 : i32
      %get3A_3336 = arith.index_cast %rem3A_212 : i32 to index
      %get3A_3337 = arith.index_cast %get3A_3335 : i32 to index
      %get3A_3338 = arith.constant 16 : index
      %get3A_3339 = tpu.vector_load %arg12[%get3A_3336, %get3A_3337, %get3A_3338] {strides = array<i32>} : memref<8x100x64xf32, #tpu.memory_space<vmem>>, vector<16xf32>,
      %mul3A_3340 = arith.mulf %gather3A_3327, %get3A_3339 : vector<16xf32>
      %add3A_3341 = arith.addf %add3A_3308, %mul3A_3340 : vector<16xf32>
      %get3A_3342 = arith.constant 87 : i32
      %get3A_3343 = arith.index_cast %rem3A_212 : i32 to index
      %get3A_3344 = arith.index_cast %get3A_3342 : i32 to index
      %get3A_3345 = arith.constant 32 : index
      %get3A_3346 = tpu.vector_load %arg12[%get3A_3343, %get3A_3344, %get3A_3345] {strides = array<i32>} : memref<8x100x64xf32, #tpu.memory_space<vmem>>, vector<16xf32>,
      %mul3A_3347 = arith.mulf %gather3A_3327, %get3A_3346 : vector<16xf32>
      %add3A_3348 = arith.addf %add3A_3315, %mul3A_3347 : vector<16xf32>
      %get3A_3349 = arith.constant 87 : i32
      %get3A_3350 = arith.index_cast %rem3A_212 : i32 to index
      %get3A_3351 = arith.index_cast %get3A_3349 : i32 to index
      %get3A_3352 = arith.constant 48 : index
      %get3A_3353 = tpu.vector_load %arg12[%get3A_3350, %get3A_3351, %get3A_3352] {strides = array<i32>} : memref<8x100x64xf32, #tpu.memory_space<vmem>>, vector<16xf32>,
      %mul3A_3354 = arith.mulf %gather3A_3327, %get3A_3353 : vector<16xf32>
      %add3A_3355 = arith.addf %add3A_3322, %mul3A_3354 : vector<16xf32>
      %broadcast_in_dim3A_3356 = arith.constant 6 : i32
      %broadcast_in_dim3A_3357 = vector.broadcast %broadcast_in_dim3A_3356 : i32 to vector<16xi32>
      %broadcast_in_dim3A_3358 = vector.shape_cast %broadcast_in_dim3A_3357 : vector<16xi32> to vector<16x1xi32>
      %gather3A_3359 = vector.shape_cast %broadcast_in_dim3A_3358 : vector<16x1xi32> to vector<16xi32>
      %gather3A_3360 = tpu.dynamic_gather %mul3A_2044[%gather3A_3359] in [0] : vector<16xf32>, vector<16xi32> -> vector<16xf32>
      %get3A_3361 = arith.constant 88 : i32
      %get3A_3362 = arith.index_cast %rem3A_212 : i32 to index
      %get3A_3363 = arith.index_cast %get3A_3361 : i32 to index
      %get3A_3364 = arith.constant 0 : index
      %get3A_3365 = tpu.vector_load %arg12[%get3A_3362, %get3A_3363, %get3A_3364] {strides = array<i32>} : memref<8x100x64xf32, #tpu.memory_space<vmem>>, vector<16xf32>,
      %mul3A_3366 = arith.mulf %gather3A_3360, %get3A_3365 : vector<16xf32>
      %add3A_3367 = arith.addf %add3A_3334, %mul3A_3366 : vector<16xf32>
      %get3A_3368 = arith.constant 88 : i32
      %get3A_3369 = arith.index_cast %rem3A_212 : i32 to index
      %get3A_3370 = arith.index_cast %get3A_3368 : i32 to index
      %get3A_3371 = arith.constant 16 : index
      %get3A_3372 = tpu.vector_load %arg12[%get3A_3369, %get3A_3370, %get3A_3371] {strides = array<i32>} : memref<8x100x64xf32, #tpu.memory_space<vmem>>, vector<16xf32>,
      %mul3A_3373 = arith.mulf %gather3A_3360, %get3A_3372 : vector<16xf32>
      %add3A_3374 = arith.addf %add3A_3341, %mul3A_3373 : vector<16xf32>
      %get3A_3375 = arith.constant 88 : i32
      %get3A_3376 = arith.index_cast %rem3A_212 : i32 to index
      %get3A_3377 = arith.index_cast %get3A_3375 : i32 to index
      %get3A_3378 = arith.constant 32 : index
      %get3A_3379 = tpu.vector_load %arg12[%get3A_3376, %get3A_3377, %get3A_3378] {strides = array<i32>} : memref<8x100x64xf32, #tpu.memory_space<vmem>>, vector<16xf32>,
      %mul3A_3380 = arith.mulf %gather3A_3360, %get3A_3379 : vector<16xf32>
      %add3A_3381 = arith.addf %add3A_3348, %mul3A_3380 : vector<16xf32>
      %get3A_3382 = arith.constant 88 : i32
      %get3A_3383 = arith.index_cast %rem3A_212 : i32 to index
      %get3A_3384 = arith.index_cast %get3A_3382 : i32 to index
      %get3A_3385 = arith.constant 48 : index
      %get3A_3386 = tpu.vector_load %arg12[%get3A_3383, %get3A_3384, %get3A_3385] {strides = array<i32>} : memref<8x100x64xf32, #tpu.memory_space<vmem>>, vector<16xf32>,
      %mul3A_3387 = arith.mulf %gather3A_3360, %get3A_3386 : vector<16xf32>
      %add3A_3388 = arith.addf %add3A_3355, %mul3A_3387 : vector<16xf32>
      %broadcast_in_dim3A_3389 = arith.constant 7 : i32
      %broadcast_in_dim3A_3390 = vector.broadcast %broadcast_in_dim3A_3389 : i32 to vector<16xi32>
      %broadcast_in_dim3A_3391 = vector.shape_cast %broadcast_in_dim3A_3390 : vector<16xi32> to vector<16x1xi32>
      %gather3A_3392 = vector.shape_cast %broadcast_in_dim3A_3391 : vector<16x1xi32> to vector<16xi32>
      %gather3A_3393 = tpu.dynamic_gather %mul3A_2044[%gather3A_3392] in [0] : vector<16xf32>, vector<16xi32> -> vector<16xf32>
      %get3A_3394 = arith.constant 89 : i32
      %get3A_3395 = arith.index_cast %rem3A_212 : i32 to index
      %get3A_3396 = arith.index_cast %get3A_3394 : i32 to index
      %get3A_3397 = arith.constant 0 : index
      %get3A_3398 = tpu.vector_load %arg12[%get3A_3395, %get3A_3396, %get3A_3397] {strides = array<i32>} : memref<8x100x64xf32, #tpu.memory_space<vmem>>, vector<16xf32>,
      %mul3A_3399 = arith.mulf %gather3A_3393, %get3A_3398 : vector<16xf32>
      %add3A_3400 = arith.addf %add3A_3367, %mul3A_3399 : vector<16xf32>
      %get3A_3401 = arith.constant 89 : i32
      %get3A_3402 = arith.index_cast %rem3A_212 : i32 to index
      %get3A_3403 = arith.index_cast %get3A_3401 : i32 to index
      %get3A_3404 = arith.constant 16 : index
      %get3A_3405 = tpu.vector_load %arg12[%get3A_3402, %get3A_3403, %get3A_3404] {strides = array<i32>} : memref<8x100x64xf32, #tpu.memory_space<vmem>>, vector<16xf32>,
      %mul3A_3406 = arith.mulf %gather3A_3393, %get3A_3405 : vector<16xf32>
      %add3A_3407 = arith.addf %add3A_3374, %mul3A_3406 : vector<16xf32>
      %get3A_3408 = arith.constant 89 : i32
      %get3A_3409 = arith.index_cast %rem3A_212 : i32 to index
      %get3A_3410 = arith.index_cast %get3A_3408 : i32 to index
      %get3A_3411 = arith.constant 32 : index
      %get3A_3412 = tpu.vector_load %arg12[%get3A_3409, %get3A_3410, %get3A_3411] {strides = array<i32>} : memref<8x100x64xf32, #tpu.memory_space<vmem>>, vector<16xf32>,
      %mul3A_3413 = arith.mulf %gather3A_3393, %get3A_3412 : vector<16xf32>
      %add3A_3414 = arith.addf %add3A_3381, %mul3A_3413 : vector<16xf32>
      %get3A_3415 = arith.constant 89 : i32
      %get3A_3416 = arith.index_cast %rem3A_212 : i32 to index
      %get3A_3417 = arith.index_cast %get3A_3415 : i32 to index
      %get3A_3418 = arith.constant 48 : index
      %get3A_3419 = tpu.vector_load %arg12[%get3A_3416, %get3A_3417, %get3A_3418] {strides = array<i32>} : memref<8x100x64xf32, #tpu.memory_space<vmem>>, vector<16xf32>,
      %mul3A_3420 = arith.mulf %gather3A_3393, %get3A_3419 : vector<16xf32>
      %add3A_3421 = arith.addf %add3A_3388, %mul3A_3420 : vector<16xf32>
      %broadcast_in_dim3A_3422 = arith.constant 8 : i32
      %broadcast_in_dim3A_3423 = vector.broadcast %broadcast_in_dim3A_3422 : i32 to vector<16xi32>
      %broadcast_in_dim3A_3424 = vector.shape_cast %broadcast_in_dim3A_3423 : vector<16xi32> to vector<16x1xi32>
      %gather3A_3425 = vector.shape_cast %broadcast_in_dim3A_3424 : vector<16x1xi32> to vector<16xi32>
      %gather3A_3426 = tpu.dynamic_gather %mul3A_2044[%gather3A_3425] in [0] : vector<16xf32>, vector<16xi32> -> vector<16xf32>
      %get3A_3427 = arith.constant 90 : i32
      %get3A_3428 = arith.index_cast %rem3A_212 : i32 to index
      %get3A_3429 = arith.index_cast %get3A_3427 : i32 to index
      %get3A_3430 = arith.constant 0 : index
      %get3A_3431 = tpu.vector_load %arg12[%get3A_3428, %get3A_3429, %get3A_3430] {strides = array<i32>} : memref<8x100x64xf32, #tpu.memory_space<vmem>>, vector<16xf32>,
      %mul3A_3432 = arith.mulf %gather3A_3426, %get3A_3431 : vector<16xf32>
      %add3A_3433 = arith.addf %add3A_3400, %mul3A_3432 : vector<16xf32>
      %get3A_3434 = arith.constant 90 : i32
      %get3A_3435 = arith.index_cast %rem3A_212 : i32 to index
      %get3A_3436 = arith.index_cast %get3A_3434 : i32 to index
      %get3A_3437 = arith.constant 16 : index
      %get3A_3438 = tpu.vector_load %arg12[%get3A_3435, %get3A_3436, %get3A_3437] {strides = array<i32>} : memref<8x100x64xf32, #tpu.memory_space<vmem>>, vector<16xf32>,
      %mul3A_3439 = arith.mulf %gather3A_3426, %get3A_3438 : vector<16xf32>
      %add3A_3440 = arith.addf %add3A_3407, %mul3A_3439 : vector<16xf32>
      %get3A_3441 = arith.constant 90 : i32
      %get3A_3442 = arith.index_cast %rem3A_212 : i32 to index
      %get3A_3443 = arith.index_cast %get3A_3441 : i32 to index
      %get3A_3444 = arith.constant 32 : index
      %get3A_3445 = tpu.vector_load %arg12[%get3A_3442, %get3A_3443, %get3A_3444] {strides = array<i32>} : memref<8x100x64xf32, #tpu.memory_space<vmem>>, vector<16xf32>,
      %mul3A_3446 = arith.mulf %gather3A_3426, %get3A_3445 : vector<16xf32>
      %add3A_3447 = arith.addf %add3A_3414, %mul3A_3446 : vector<16xf32>
      %get3A_3448 = arith.constant 90 : i32
      %get3A_3449 = arith.index_cast %rem3A_212 : i32 to index
      %get3A_3450 = arith.index_cast %get3A_3448 : i32 to index
      %get3A_3451 = arith.constant 48 : index
      %get3A_3452 = tpu.vector_load %arg12[%get3A_3449, %get3A_3450, %get3A_3451] {strides = array<i32>} : memref<8x100x64xf32, #tpu.memory_space<vmem>>, vector<16xf32>,
      %mul3A_3453 = arith.mulf %gather3A_3426, %get3A_3452 : vector<16xf32>
      %add3A_3454 = arith.addf %add3A_3421, %mul3A_3453 : vector<16xf32>
      %broadcast_in_dim3A_3455 = arith.constant 9 : i32
      %broadcast_in_dim3A_3456 = vector.broadcast %broadcast_in_dim3A_3455 : i32 to vector<16xi32>
      %broadcast_in_dim3A_3457 = vector.shape_cast %broadcast_in_dim3A_3456 : vector<16xi32> to vector<16x1xi32>
      %gather3A_3458 = vector.shape_cast %broadcast_in_dim3A_3457 : vector<16x1xi32> to vector<16xi32>
      %gather3A_3459 = tpu.dynamic_gather %mul3A_2044[%gather3A_3458] in [0] : vector<16xf32>, vector<16xi32> -> vector<16xf32>
      %get3A_3460 = arith.constant 91 : i32
      %get3A_3461 = arith.index_cast %rem3A_212 : i32 to index
      %get3A_3462 = arith.index_cast %get3A_3460 : i32 to index
      %get3A_3463 = arith.constant 0 : index
      %get3A_3464 = tpu.vector_load %arg12[%get3A_3461, %get3A_3462, %get3A_3463] {strides = array<i32>} : memref<8x100x64xf32, #tpu.memory_space<vmem>>, vector<16xf32>,
      %mul3A_3465 = arith.mulf %gather3A_3459, %get3A_3464 : vector<16xf32>
      %add3A_3466 = arith.addf %add3A_3433, %mul3A_3465 : vector<16xf32>
      %get3A_3467 = arith.constant 91 : i32
      %get3A_3468 = arith.index_cast %rem3A_212 : i32 to index
      %get3A_3469 = arith.index_cast %get3A_3467 : i32 to index
      %get3A_3470 = arith.constant 16 : index
      %get3A_3471 = tpu.vector_load %arg12[%get3A_3468, %get3A_3469, %get3A_3470] {strides = array<i32>} : memref<8x100x64xf32, #tpu.memory_space<vmem>>, vector<16xf32>,
      %mul3A_3472 = arith.mulf %gather3A_3459, %get3A_3471 : vector<16xf32>
      %add3A_3473 = arith.addf %add3A_3440, %mul3A_3472 : vector<16xf32>
      %get3A_3474 = arith.constant 91 : i32
      %get3A_3475 = arith.index_cast %rem3A_212 : i32 to index
      %get3A_3476 = arith.index_cast %get3A_3474 : i32 to index
      %get3A_3477 = arith.constant 32 : index
      %get3A_3478 = tpu.vector_load %arg12[%get3A_3475, %get3A_3476, %get3A_3477] {strides = array<i32>} : memref<8x100x64xf32, #tpu.memory_space<vmem>>, vector<16xf32>,
      %mul3A_3479 = arith.mulf %gather3A_3459, %get3A_3478 : vector<16xf32>
      %add3A_3480 = arith.addf %add3A_3447, %mul3A_3479 : vector<16xf32>
      %get3A_3481 = arith.constant 91 : i32
      %get3A_3482 = arith.index_cast %rem3A_212 : i32 to index
      %get3A_3483 = arith.index_cast %get3A_3481 : i32 to index
      %get3A_3484 = arith.constant 48 : index
      %get3A_3485 = tpu.vector_load %arg12[%get3A_3482, %get3A_3483, %get3A_3484] {strides = array<i32>} : memref<8x100x64xf32, #tpu.memory_space<vmem>>, vector<16xf32>,
      %mul3A_3486 = arith.mulf %gather3A_3459, %get3A_3485 : vector<16xf32>
      %add3A_3487 = arith.addf %add3A_3454, %mul3A_3486 : vector<16xf32>
      %broadcast_in_dim3A_3488 = arith.constant 10 : i32
      %broadcast_in_dim3A_3489 = vector.broadcast %broadcast_in_dim3A_3488 : i32 to vector<16xi32>
      %broadcast_in_dim3A_3490 = vector.shape_cast %broadcast_in_dim3A_3489 : vector<16xi32> to vector<16x1xi32>
      %gather3A_3491 = vector.shape_cast %broadcast_in_dim3A_3490 : vector<16x1xi32> to vector<16xi32>
      %gather3A_3492 = tpu.dynamic_gather %mul3A_2044[%gather3A_3491] in [0] : vector<16xf32>, vector<16xi32> -> vector<16xf32>
      %get3A_3493 = arith.constant 92 : i32
      %get3A_3494 = arith.index_cast %rem3A_212 : i32 to index
      %get3A_3495 = arith.index_cast %get3A_3493 : i32 to index
      %get3A_3496 = arith.constant 0 : index
      %get3A_3497 = tpu.vector_load %arg12[%get3A_3494, %get3A_3495, %get3A_3496] {strides = array<i32>} : memref<8x100x64xf32, #tpu.memory_space<vmem>>, vector<16xf32>,
      %mul3A_3498 = arith.mulf %gather3A_3492, %get3A_3497 : vector<16xf32>
      %add3A_3499 = arith.addf %add3A_3466, %mul3A_3498 : vector<16xf32>
      %get3A_3500 = arith.constant 92 : i32
      %get3A_3501 = arith.index_cast %rem3A_212 : i32 to index
      %get3A_3502 = arith.index_cast %get3A_3500 : i32 to index
      %get3A_3503 = arith.constant 16 : index
      %get3A_3504 = tpu.vector_load %arg12[%get3A_3501, %get3A_3502, %get3A_3503] {strides = array<i32>} : memref<8x100x64xf32, #tpu.memory_space<vmem>>, vector<16xf32>,
      %mul3A_3505 = arith.mulf %gather3A_3492, %get3A_3504 : vector<16xf32>
      %add3A_3506 = arith.addf %add3A_3473, %mul3A_3505 : vector<16xf32>
      %get3A_3507 = arith.constant 92 : i32
      %get3A_3508 = arith.index_cast %rem3A_212 : i32 to index
      %get3A_3509 = arith.index_cast %get3A_3507 : i32 to index
      %get3A_3510 = arith.constant 32 : index
      %get3A_3511 = tpu.vector_load %arg12[%get3A_3508, %get3A_3509, %get3A_3510] {strides = array<i32>} : memref<8x100x64xf32, #tpu.memory_space<vmem>>, vector<16xf32>,
      %mul3A_3512 = arith.mulf %gather3A_3492, %get3A_3511 : vector<16xf32>
      %add3A_3513 = arith.addf %add3A_3480, %mul3A_3512 : vector<16xf32>
      %get3A_3514 = arith.constant 92 : i32
      %get3A_3515 = arith.index_cast %rem3A_212 : i32 to index
      %get3A_3516 = arith.index_cast %get3A_3514 : i32 to index
      %get3A_3517 = arith.constant 48 : index
      %get3A_3518 = tpu.vector_load %arg12[%get3A_3515, %get3A_3516, %get3A_3517] {strides = array<i32>} : memref<8x100x64xf32, #tpu.memory_space<vmem>>, vector<16xf32>,
      %mul3A_3519 = arith.mulf %gather3A_3492, %get3A_3518 : vector<16xf32>
      %add3A_3520 = arith.addf %add3A_3487, %mul3A_3519 : vector<16xf32>
      %broadcast_in_dim3A_3521 = arith.constant 11 : i32
      %broadcast_in_dim3A_3522 = vector.broadcast %broadcast_in_dim3A_3521 : i32 to vector<16xi32>
      %broadcast_in_dim3A_3523 = vector.shape_cast %broadcast_in_dim3A_3522 : vector<16xi32> to vector<16x1xi32>
      %gather3A_3524 = vector.shape_cast %broadcast_in_dim3A_3523 : vector<16x1xi32> to vector<16xi32>
      %gather3A_3525 = tpu.dynamic_gather %mul3A_2044[%gather3A_3524] in [0] : vector<16xf32>, vector<16xi32> -> vector<16xf32>
      %get3A_3526 = arith.constant 93 : i32
      %get3A_3527 = arith.index_cast %rem3A_212 : i32 to index
      %get3A_3528 = arith.index_cast %get3A_3526 : i32 to index
      %get3A_3529 = arith.constant 0 : index
      %get3A_3530 = tpu.vector_load %arg12[%get3A_3527, %get3A_3528, %get3A_3529] {strides = array<i32>} : memref<8x100x64xf32, #tpu.memory_space<vmem>>, vector<16xf32>,
      %mul3A_3531 = arith.mulf %gather3A_3525, %get3A_3530 : vector<16xf32>
      %add3A_3532 = arith.addf %add3A_3499, %mul3A_3531 : vector<16xf32>
      %get3A_3533 = arith.constant 93 : i32
      %get3A_3534 = arith.index_cast %rem3A_212 : i32 to index
      %get3A_3535 = arith.index_cast %get3A_3533 : i32 to index
      %get3A_3536 = arith.constant 16 : index
      %get3A_3537 = tpu.vector_load %arg12[%get3A_3534, %get3A_3535, %get3A_3536] {strides = array<i32>} : memref<8x100x64xf32, #tpu.memory_space<vmem>>, vector<16xf32>,
      %mul3A_3538 = arith.mulf %gather3A_3525, %get3A_3537 : vector<16xf32>
      %add3A_3539 = arith.addf %add3A_3506, %mul3A_3538 : vector<16xf32>
      %get3A_3540 = arith.constant 93 : i32
      %get3A_3541 = arith.index_cast %rem3A_212 : i32 to index
      %get3A_3542 = arith.index_cast %get3A_3540 : i32 to index
      %get3A_3543 = arith.constant 32 : index
      %get3A_3544 = tpu.vector_load %arg12[%get3A_3541, %get3A_3542, %get3A_3543] {strides = array<i32>} : memref<8x100x64xf32, #tpu.memory_space<vmem>>, vector<16xf32>,
      %mul3A_3545 = arith.mulf %gather3A_3525, %get3A_3544 : vector<16xf32>
      %add3A_3546 = arith.addf %add3A_3513, %mul3A_3545 : vector<16xf32>
      %get3A_3547 = arith.constant 93 : i32
      %get3A_3548 = arith.index_cast %rem3A_212 : i32 to index
      %get3A_3549 = arith.index_cast %get3A_3547 : i32 to index
      %get3A_3550 = arith.constant 48 : index
      %get3A_3551 = tpu.vector_load %arg12[%get3A_3548, %get3A_3549, %get3A_3550] {strides = array<i32>} : memref<8x100x64xf32, #tpu.memory_space<vmem>>, vector<16xf32>,
      %mul3A_3552 = arith.mulf %gather3A_3525, %get3A_3551 : vector<16xf32>
      %add3A_3553 = arith.addf %add3A_3520, %mul3A_3552 : vector<16xf32>
      %broadcast_in_dim3A_3554 = arith.constant 12 : i32
      %broadcast_in_dim3A_3555 = vector.broadcast %broadcast_in_dim3A_3554 : i32 to vector<16xi32>
      %broadcast_in_dim3A_3556 = vector.shape_cast %broadcast_in_dim3A_3555 : vector<16xi32> to vector<16x1xi32>
      %gather3A_3557 = vector.shape_cast %broadcast_in_dim3A_3556 : vector<16x1xi32> to vector<16xi32>
      %gather3A_3558 = tpu.dynamic_gather %mul3A_2044[%gather3A_3557] in [0] : vector<16xf32>, vector<16xi32> -> vector<16xf32>
      %get3A_3559 = arith.constant 94 : i32
      %get3A_3560 = arith.index_cast %rem3A_212 : i32 to index
      %get3A_3561 = arith.index_cast %get3A_3559 : i32 to index
      %get3A_3562 = arith.constant 0 : index
      %get3A_3563 = tpu.vector_load %arg12[%get3A_3560, %get3A_3561, %get3A_3562] {strides = array<i32>} : memref<8x100x64xf32, #tpu.memory_space<vmem>>, vector<16xf32>,
      %mul3A_3564 = arith.mulf %gather3A_3558, %get3A_3563 : vector<16xf32>
      %add3A_3565 = arith.addf %add3A_3532, %mul3A_3564 : vector<16xf32>
      %get3A_3566 = arith.constant 94 : i32
      %get3A_3567 = arith.index_cast %rem3A_212 : i32 to index
      %get3A_3568 = arith.index_cast %get3A_3566 : i32 to index
      %get3A_3569 = arith.constant 16 : index
      %get3A_3570 = tpu.vector_load %arg12[%get3A_3567, %get3A_3568, %get3A_3569] {strides = array<i32>} : memref<8x100x64xf32, #tpu.memory_space<vmem>>, vector<16xf32>,
      %mul3A_3571 = arith.mulf %gather3A_3558, %get3A_3570 : vector<16xf32>
      %add3A_3572 = arith.addf %add3A_3539, %mul3A_3571 : vector<16xf32>
      %get3A_3573 = arith.constant 94 : i32
      %get3A_3574 = arith.index_cast %rem3A_212 : i32 to index
      %get3A_3575 = arith.index_cast %get3A_3573 : i32 to index
      %get3A_3576 = arith.constant 32 : index
      %get3A_3577 = tpu.vector_load %arg12[%get3A_3574, %get3A_3575, %get3A_3576] {strides = array<i32>} : memref<8x100x64xf32, #tpu.memory_space<vmem>>, vector<16xf32>,
      %mul3A_3578 = arith.mulf %gather3A_3558, %get3A_3577 : vector<16xf32>
      %add3A_3579 = arith.addf %add3A_3546, %mul3A_3578 : vector<16xf32>
      %get3A_3580 = arith.constant 94 : i32
      %get3A_3581 = arith.index_cast %rem3A_212 : i32 to index
      %get3A_3582 = arith.index_cast %get3A_3580 : i32 to index
      %get3A_3583 = arith.constant 48 : index
      %get3A_3584 = tpu.vector_load %arg12[%get3A_3581, %get3A_3582, %get3A_3583] {strides = array<i32>} : memref<8x100x64xf32, #tpu.memory_space<vmem>>, vector<16xf32>,
      %mul3A_3585 = arith.mulf %gather3A_3558, %get3A_3584 : vector<16xf32>
      %add3A_3586 = arith.addf %add3A_3553, %mul3A_3585 : vector<16xf32>
      %broadcast_in_dim3A_3587 = arith.constant 13 : i32
      %broadcast_in_dim3A_3588 = vector.broadcast %broadcast_in_dim3A_3587 : i32 to vector<16xi32>
      %broadcast_in_dim3A_3589 = vector.shape_cast %broadcast_in_dim3A_3588 : vector<16xi32> to vector<16x1xi32>
      %gather3A_3590 = vector.shape_cast %broadcast_in_dim3A_3589 : vector<16x1xi32> to vector<16xi32>
      %gather3A_3591 = tpu.dynamic_gather %mul3A_2044[%gather3A_3590] in [0] : vector<16xf32>, vector<16xi32> -> vector<16xf32>
      %get3A_3592 = arith.constant 95 : i32
      %get3A_3593 = arith.index_cast %rem3A_212 : i32 to index
      %get3A_3594 = arith.index_cast %get3A_3592 : i32 to index
      %get3A_3595 = arith.constant 0 : index
      %get3A_3596 = tpu.vector_load %arg12[%get3A_3593, %get3A_3594, %get3A_3595] {strides = array<i32>} : memref<8x100x64xf32, #tpu.memory_space<vmem>>, vector<16xf32>,
      %mul3A_3597 = arith.mulf %gather3A_3591, %get3A_3596 : vector<16xf32>
      %add3A_3598 = arith.addf %add3A_3565, %mul3A_3597 : vector<16xf32>
      %get3A_3599 = arith.constant 95 : i32
      %get3A_3600 = arith.index_cast %rem3A_212 : i32 to index
      %get3A_3601 = arith.index_cast %get3A_3599 : i32 to index
      %get3A_3602 = arith.constant 16 : index
      %get3A_3603 = tpu.vector_load %arg12[%get3A_3600, %get3A_3601, %get3A_3602] {strides = array<i32>} : memref<8x100x64xf32, #tpu.memory_space<vmem>>, vector<16xf32>,
      %mul3A_3604 = arith.mulf %gather3A_3591, %get3A_3603 : vector<16xf32>
      %add3A_3605 = arith.addf %add3A_3572, %mul3A_3604 : vector<16xf32>
      %get3A_3606 = arith.constant 95 : i32
      %get3A_3607 = arith.index_cast %rem3A_212 : i32 to index
      %get3A_3608 = arith.index_cast %get3A_3606 : i32 to index
      %get3A_3609 = arith.constant 32 : index
      %get3A_3610 = tpu.vector_load %arg12[%get3A_3607, %get3A_3608, %get3A_3609] {strides = array<i32>} : memref<8x100x64xf32, #tpu.memory_space<vmem>>, vector<16xf32>,
      %mul3A_3611 = arith.mulf %gather3A_3591, %get3A_3610 : vector<16xf32>
      %add3A_3612 = arith.addf %add3A_3579, %mul3A_3611 : vector<16xf32>
      %get3A_3613 = arith.constant 95 : i32
      %get3A_3614 = arith.index_cast %rem3A_212 : i32 to index
      %get3A_3615 = arith.index_cast %get3A_3613 : i32 to index
      %get3A_3616 = arith.constant 48 : index
      %get3A_3617 = tpu.vector_load %arg12[%get3A_3614, %get3A_3615, %get3A_3616] {strides = array<i32>} : memref<8x100x64xf32, #tpu.memory_space<vmem>>, vector<16xf32>,
      %mul3A_3618 = arith.mulf %gather3A_3591, %get3A_3617 : vector<16xf32>
      %add3A_3619 = arith.addf %add3A_3586, %mul3A_3618 : vector<16xf32>
      %broadcast_in_dim3A_3620 = arith.constant 14 : i32
      %broadcast_in_dim3A_3621 = vector.broadcast %broadcast_in_dim3A_3620 : i32 to vector<16xi32>
      %broadcast_in_dim3A_3622 = vector.shape_cast %broadcast_in_dim3A_3621 : vector<16xi32> to vector<16x1xi32>
      %gather3A_3623 = vector.shape_cast %broadcast_in_dim3A_3622 : vector<16x1xi32> to vector<16xi32>
      %gather3A_3624 = tpu.dynamic_gather %mul3A_2044[%gather3A_3623] in [0] : vector<16xf32>, vector<16xi32> -> vector<16xf32>
      %get3A_3625 = arith.constant 96 : i32
      %get3A_3626 = arith.index_cast %rem3A_212 : i32 to index
      %get3A_3627 = arith.index_cast %get3A_3625 : i32 to index
      %get3A_3628 = arith.constant 0 : index
      %get3A_3629 = tpu.vector_load %arg12[%get3A_3626, %get3A_3627, %get3A_3628] {strides = array<i32>} : memref<8x100x64xf32, #tpu.memory_space<vmem>>, vector<16xf32>,
      %mul3A_3630 = arith.mulf %gather3A_3624, %get3A_3629 : vector<16xf32>
      %add3A_3631 = arith.addf %add3A_3598, %mul3A_3630 : vector<16xf32>
      %get3A_3632 = arith.constant 96 : i32
      %get3A_3633 = arith.index_cast %rem3A_212 : i32 to index
      %get3A_3634 = arith.index_cast %get3A_3632 : i32 to index
      %get3A_3635 = arith.constant 16 : index
      %get3A_3636 = tpu.vector_load %arg12[%get3A_3633, %get3A_3634, %get3A_3635] {strides = array<i32>} : memref<8x100x64xf32, #tpu.memory_space<vmem>>, vector<16xf32>,
      %mul3A_3637 = arith.mulf %gather3A_3624, %get3A_3636 : vector<16xf32>
      %add3A_3638 = arith.addf %add3A_3605, %mul3A_3637 : vector<16xf32>
      %get3A_3639 = arith.constant 96 : i32
      %get3A_3640 = arith.index_cast %rem3A_212 : i32 to index
      %get3A_3641 = arith.index_cast %get3A_3639 : i32 to index
      %get3A_3642 = arith.constant 32 : index
      %get3A_3643 = tpu.vector_load %arg12[%get3A_3640, %get3A_3641, %get3A_3642] {strides = array<i32>} : memref<8x100x64xf32, #tpu.memory_space<vmem>>, vector<16xf32>,
      %mul3A_3644 = arith.mulf %gather3A_3624, %get3A_3643 : vector<16xf32>
      %add3A_3645 = arith.addf %add3A_3612, %mul3A_3644 : vector<16xf32>
      %get3A_3646 = arith.constant 96 : i32
      %get3A_3647 = arith.index_cast %rem3A_212 : i32 to index
      %get3A_3648 = arith.index_cast %get3A_3646 : i32 to index
      %get3A_3649 = arith.constant 48 : index
      %get3A_3650 = tpu.vector_load %arg12[%get3A_3647, %get3A_3648, %get3A_3649] {strides = array<i32>} : memref<8x100x64xf32, #tpu.memory_space<vmem>>, vector<16xf32>,
      %mul3A_3651 = arith.mulf %gather3A_3624, %get3A_3650 : vector<16xf32>
      %add3A_3652 = arith.addf %add3A_3619, %mul3A_3651 : vector<16xf32>
      %broadcast_in_dim3A_3653 = arith.constant 15 : i32
      %broadcast_in_dim3A_3654 = vector.broadcast %broadcast_in_dim3A_3653 : i32 to vector<16xi32>
      %broadcast_in_dim3A_3655 = vector.shape_cast %broadcast_in_dim3A_3654 : vector<16xi32> to vector<16x1xi32>
      %gather3A_3656 = vector.shape_cast %broadcast_in_dim3A_3655 : vector<16x1xi32> to vector<16xi32>
      %gather3A_3657 = tpu.dynamic_gather %mul3A_2044[%gather3A_3656] in [0] : vector<16xf32>, vector<16xi32> -> vector<16xf32>
      %get3A_3658 = arith.constant 97 : i32
      %get3A_3659 = arith.index_cast %rem3A_212 : i32 to index
      %get3A_3660 = arith.index_cast %get3A_3658 : i32 to index
      %get3A_3661 = arith.constant 0 : index
      %get3A_3662 = tpu.vector_load %arg12[%get3A_3659, %get3A_3660, %get3A_3661] {strides = array<i32>} : memref<8x100x64xf32, #tpu.memory_space<vmem>>, vector<16xf32>,
      %mul3A_3663 = arith.mulf %gather3A_3657, %get3A_3662 : vector<16xf32>
      %add3A_3664 = arith.addf %add3A_3631, %mul3A_3663 : vector<16xf32>
      %get3A_3665 = arith.constant 97 : i32
      %get3A_3666 = arith.index_cast %rem3A_212 : i32 to index
      %get3A_3667 = arith.index_cast %get3A_3665 : i32 to index
      %get3A_3668 = arith.constant 16 : index
      %get3A_3669 = tpu.vector_load %arg12[%get3A_3666, %get3A_3667, %get3A_3668] {strides = array<i32>} : memref<8x100x64xf32, #tpu.memory_space<vmem>>, vector<16xf32>,
      %mul3A_3670 = arith.mulf %gather3A_3657, %get3A_3669 : vector<16xf32>
      %add3A_3671 = arith.addf %add3A_3638, %mul3A_3670 : vector<16xf32>
      %get3A_3672 = arith.constant 97 : i32
      %get3A_3673 = arith.index_cast %rem3A_212 : i32 to index
      %get3A_3674 = arith.index_cast %get3A_3672 : i32 to index
      %get3A_3675 = arith.constant 32 : index
      %get3A_3676 = tpu.vector_load %arg12[%get3A_3673, %get3A_3674, %get3A_3675] {strides = array<i32>} : memref<8x100x64xf32, #tpu.memory_space<vmem>>, vector<16xf32>,
      %mul3A_3677 = arith.mulf %gather3A_3657, %get3A_3676 : vector<16xf32>
      %add3A_3678 = arith.addf %add3A_3645, %mul3A_3677 : vector<16xf32>
      %get3A_3679 = arith.constant 97 : i32
      %get3A_3680 = arith.index_cast %rem3A_212 : i32 to index
      %get3A_3681 = arith.index_cast %get3A_3679 : i32 to index
      %get3A_3682 = arith.constant 48 : index
      %get3A_3683 = tpu.vector_load %arg12[%get3A_3680, %get3A_3681, %get3A_3682] {strides = array<i32>} : memref<8x100x64xf32, #tpu.memory_space<vmem>>, vector<16xf32>,
      %mul3A_3684 = arith.mulf %gather3A_3657, %get3A_3683 : vector<16xf32>
      %add3A_3685 = arith.addf %add3A_3652, %mul3A_3684 : vector<16xf32>
      %broadcast_in_dim3A_3686 = arith.constant 14 : i32
      %broadcast_in_dim3A_3687 = vector.broadcast %broadcast_in_dim3A_3686 : i32 to vector<16xi32>
      %broadcast_in_dim3A_3688 = vector.shape_cast %broadcast_in_dim3A_3687 : vector<16xi32> to vector<16x1xi32>
      %gather3A_3689 = vector.shape_cast %broadcast_in_dim3A_3688 : vector<16x1xi32> to vector<16xi32>
      %gather3A_3690 = tpu.dynamic_gather %mul3A_2056[%gather3A_3689] in [0] : vector<16xf32>, vector<16xi32> -> vector<16xf32>
      %get3A_3691 = arith.constant 98 : i32
      %get3A_3692 = arith.index_cast %rem3A_212 : i32 to index
      %get3A_3693 = arith.index_cast %get3A_3691 : i32 to index
      %get3A_3694 = arith.constant 0 : index
      %get3A_3695 = tpu.vector_load %arg12[%get3A_3692, %get3A_3693, %get3A_3694] {strides = array<i32>} : memref<8x100x64xf32, #tpu.memory_space<vmem>>, vector<16xf32>,
      %mul3A_3696 = arith.mulf %gather3A_3690, %get3A_3695 : vector<16xf32>
      %add3A_3697 = arith.addf %add3A_3664, %mul3A_3696 : vector<16xf32>
      %get3A_3698 = arith.constant 98 : i32
      %get3A_3699 = arith.index_cast %rem3A_212 : i32 to index
      %get3A_3700 = arith.index_cast %get3A_3698 : i32 to index
      %get3A_3701 = arith.constant 16 : index
      %get3A_3702 = tpu.vector_load %arg12[%get3A_3699, %get3A_3700, %get3A_3701] {strides = array<i32>} : memref<8x100x64xf32, #tpu.memory_space<vmem>>, vector<16xf32>,
      %mul3A_3703 = arith.mulf %gather3A_3690, %get3A_3702 : vector<16xf32>
      %add3A_3704 = arith.addf %add3A_3671, %mul3A_3703 : vector<16xf32>
      %get3A_3705 = arith.constant 98 : i32
      %get3A_3706 = arith.index_cast %rem3A_212 : i32 to index
      %get3A_3707 = arith.index_cast %get3A_3705 : i32 to index
      %get3A_3708 = arith.constant 32 : index
      %get3A_3709 = tpu.vector_load %arg12[%get3A_3706, %get3A_3707, %get3A_3708] {strides = array<i32>} : memref<8x100x64xf32, #tpu.memory_space<vmem>>, vector<16xf32>,
      %mul3A_3710 = arith.mulf %gather3A_3690, %get3A_3709 : vector<16xf32>
      %add3A_3711 = arith.addf %add3A_3678, %mul3A_3710 : vector<16xf32>
      %get3A_3712 = arith.constant 98 : i32
      %get3A_3713 = arith.index_cast %rem3A_212 : i32 to index
      %get3A_3714 = arith.index_cast %get3A_3712 : i32 to index
      %get3A_3715 = arith.constant 48 : index
      %get3A_3716 = tpu.vector_load %arg12[%get3A_3713, %get3A_3714, %get3A_3715] {strides = array<i32>} : memref<8x100x64xf32, #tpu.memory_space<vmem>>, vector<16xf32>,
      %mul3A_3717 = arith.mulf %gather3A_3690, %get3A_3716 : vector<16xf32>
      %add3A_3718 = arith.addf %add3A_3685, %mul3A_3717 : vector<16xf32>
      %broadcast_in_dim3A_3719 = arith.constant 15 : i32
      %broadcast_in_dim3A_3720 = vector.broadcast %broadcast_in_dim3A_3719 : i32 to vector<16xi32>
      %broadcast_in_dim3A_3721 = vector.shape_cast %broadcast_in_dim3A_3720 : vector<16xi32> to vector<16x1xi32>
      %gather3A_3722 = vector.shape_cast %broadcast_in_dim3A_3721 : vector<16x1xi32> to vector<16xi32>
      %gather3A_3723 = tpu.dynamic_gather %mul3A_2056[%gather3A_3722] in [0] : vector<16xf32>, vector<16xi32> -> vector<16xf32>
      %get3A_3724 = arith.constant 99 : i32
      %get3A_3725 = arith.index_cast %rem3A_212 : i32 to index
      %get3A_3726 = arith.index_cast %get3A_3724 : i32 to index
      %get3A_3727 = arith.constant 0 : index
      %get3A_3728 = tpu.vector_load %arg12[%get3A_3725, %get3A_3726, %get3A_3727] {strides = array<i32>} : memref<8x100x64xf32, #tpu.memory_space<vmem>>, vector<16xf32>,
      %mul3A_3729 = arith.mulf %gather3A_3723, %get3A_3728 : vector<16xf32>
      %add3A_3730 = arith.addf %add3A_3697, %mul3A_3729 : vector<16xf32>
      %get3A_3731 = arith.constant 99 : i32
      %get3A_3732 = arith.index_cast %rem3A_212 : i32 to index
      %get3A_3733 = arith.index_cast %get3A_3731 : i32 to index
      %get3A_3734 = arith.constant 16 : index
      %get3A_3735 = tpu.vector_load %arg12[%get3A_3732, %get3A_3733, %get3A_3734] {strides = array<i32>} : memref<8x100x64xf32, #tpu.memory_space<vmem>>, vector<16xf32>,
      %mul3A_3736 = arith.mulf %gather3A_3723, %get3A_3735 : vector<16xf32>
      %add3A_3737 = arith.addf %add3A_3704, %mul3A_3736 : vector<16xf32>
      %get3A_3738 = arith.constant 99 : i32
      %get3A_3739 = arith.index_cast %rem3A_212 : i32 to index
      %get3A_3740 = arith.index_cast %get3A_3738 : i32 to index
      %get3A_3741 = arith.constant 32 : index
      %get3A_3742 = tpu.vector_load %arg12[%get3A_3739, %get3A_3740, %get3A_3741] {strides = array<i32>} : memref<8x100x64xf32, #tpu.memory_space<vmem>>, vector<16xf32>,
      %mul3A_3743 = arith.mulf %gather3A_3723, %get3A_3742 : vector<16xf32>
      %add3A_3744 = arith.addf %add3A_3711, %mul3A_3743 : vector<16xf32>
      %get3A_3745 = arith.constant 99 : i32
      %get3A_3746 = arith.index_cast %rem3A_212 : i32 to index
      %get3A_3747 = arith.index_cast %get3A_3745 : i32 to index
      %get3A_3748 = arith.constant 48 : index
      %get3A_3749 = tpu.vector_load %arg12[%get3A_3746, %get3A_3747, %get3A_3748] {strides = array<i32>} : memref<8x100x64xf32, #tpu.memory_space<vmem>>, vector<16xf32>,
      %mul3A_3750 = arith.mulf %gather3A_3723, %get3A_3749 : vector<16xf32>
      %add3A_3751 = arith.addf %add3A_3718, %mul3A_3750 : vector<16xf32>
      %max3A_3752 = arith.constant 1.000000e-15 : f32
      %max3A_3753 = vector.broadcast %max3A_3752 : f32 to vector<16xf32>
      %max3A_3754 = arith.maximumf %max3A_3753, %add3A_2093 : vector<16xf32>
      %div3A_3755 = arith.constant 1.000000e+00 : f32
      %div3A_3756 = vector.broadcast %div3A_3755 : f32 to vector<16xf32>
      %div3A_3757 = arith.divf %div3A_3756, %max3A_3754 : vector<16xf32>
      %mul3A_3758 = arith.mulf %add3A_3730, %div3A_3757 : vector<16xf32>
      %mul3A_3759 = arith.constant 2 : i32
      %mul3A_3760 = arith.muli %scan3A_211, %mul3A_3759 : i32
      %add3A_3761 = arith.constant 1 : i32
      %add3A_3762 = arith.addi %mul3A_3760, %add3A_3761 : i32
      %swap3A_3763 = arith.index_cast %add3A_3762 : i32 to index
      %swap3A_3764 = arith.constant 0 : index
      %swap3A_3765 = tpu.vector_load %arg13[%swap3A_3763, %swap3A_3764] {strides = array<i32>} : memref<128x64xf32, #tpu.memory_space<vmem>>, vector<16xf32>,
      tpu.vector_store %arg13[%swap3A_3763, %swap3A_3764], %mul3A_3758 {strides = array<i32>} : memref<128x64xf32, #tpu.memory_space<vmem>>, vector<16xf32>,
      %mul3A_3766 = arith.mulf %add3A_3737, %div3A_3757 : vector<16xf32>
      %mul3A_3767 = arith.constant 2 : i32
      %mul3A_3768 = arith.muli %scan3A_211, %mul3A_3767 : i32
      %add3A_3769 = arith.constant 1 : i32
      %add3A_3770 = arith.addi %mul3A_3768, %add3A_3769 : i32
      %swap3A_3771 = arith.index_cast %add3A_3770 : i32 to index
      %swap3A_3772 = arith.constant 16 : index
      %swap3A_3773 = tpu.vector_load %arg13[%swap3A_3771, %swap3A_3772] {strides = array<i32>} : memref<128x64xf32, #tpu.memory_space<vmem>>, vector<16xf32>,
      tpu.vector_store %arg13[%swap3A_3771, %swap3A_3772], %mul3A_3766 {strides = array<i32>} : memref<128x64xf32, #tpu.memory_space<vmem>>, vector<16xf32>,
      %mul3A_3774 = arith.mulf %add3A_3744, %div3A_3757 : vector<16xf32>
      %mul3A_3775 = arith.constant 2 : i32
      %mul3A_3776 = arith.muli %scan3A_211, %mul3A_3775 : i32
      %add3A_3777 = arith.constant 1 : i32
      %add3A_3778 = arith.addi %mul3A_3776, %add3A_3777 : i32
      %swap3A_3779 = arith.index_cast %add3A_3778 : i32 to index
      %swap3A_3780 = arith.constant 32 : index
      %swap3A_3781 = tpu.vector_load %arg13[%swap3A_3779, %swap3A_3780] {strides = array<i32>} : memref<128x64xf32, #tpu.memory_space<vmem>>, vector<16xf32>,
      tpu.vector_store %arg13[%swap3A_3779, %swap3A_3780], %mul3A_3774 {strides = array<i32>} : memref<128x64xf32, #tpu.memory_space<vmem>>, vector<16xf32>,
      %mul3A_3782 = arith.mulf %add3A_3751, %div3A_3757 : vector<16xf32>
      %mul3A_3783 = arith.constant 2 : i32
      %mul3A_3784 = arith.muli %scan3A_211, %mul3A_3783 : i32
      %add3A_3785 = arith.constant 1 : i32
      %add3A_3786 = arith.addi %mul3A_3784, %add3A_3785 : i32
      %swap3A_3787 = arith.index_cast %add3A_3786 : i32 to index
      %swap3A_3788 = arith.constant 48 : index
      %swap3A_3789 = tpu.vector_load %arg13[%swap3A_3787, %swap3A_3788] {strides = array<i32>} : memref<128x64xf32, #tpu.memory_space<vmem>>, vector<16xf32>,
      tpu.vector_store %arg13[%swap3A_3787, %swap3A_3788], %mul3A_3782 {strides = array<i32>} : memref<128x64xf32, #tpu.memory_space<vmem>>, vector<16xf32>,
    }
    %scan3A_208 = arith.constant 64 : i32
    %mul3A_209 = arith.constant 128 : i32
    %mul3A_210 = arith.muli %add3A, %mul3A_209 : i32
    "tpu.region"() ({
      %run_scoped3A = tpu.sem_alloc : memref<!tpu.dma_semaphore, #tpu.memory_space<semaphore_mem>>
      %dma_start3A_211 = arith.constant 0 : i32
      %dma_start3A_212 = tpu.memref_slice %arg6[%mul3A_210, %dma_start3A_211] : memref<4096x64xf32, #tpu.memory_space<hbm>> -> memref<128x64xf32, #tpu.memory_space<hbm>>
      %dma_start3A_213 = arith.constant 0 : i32
      %dma_start3A_214 = tpu.memref_slice %arg6[%mul3A_210, %dma_start3A_213] : memref<4096x64xf32, #tpu.memory_space<hbm>> -> memref<128x64xf32, #tpu.memory_space<hbm>>
      tpu.enqueue_dma source(%arg13 : memref<128x64xf32, #tpu.memory_space<vmem>>) target(%dma_start3A_214 : memref<128x64xf32, #tpu.memory_space<hbm>>) target_semaphore(%run_scoped3A : memref<!tpu.dma_semaphore, #tpu.memory_space<semaphore_mem>>)
      %dma_wait3A = arith.constant 0 : i32
      %dma_wait3A_215 = tpu.memref_slice %arg6[%mul3A_210, %dma_wait3A] : memref<4096x64xf32, #tpu.memory_space<hbm>> -> memref<128x64xf32, #tpu.memory_space<hbm>>
      %dma_wait3A_216 = arith.constant 0 : i32
      %dma_wait3A_217 = tpu.memref_slice %arg6[%mul3A_210, %dma_wait3A_216] : memref<4096x64xf32, #tpu.memory_space<hbm>> -> memref<128x64xf32, #tpu.memory_space<hbm>>
      tpu.wait_dma2 semaphore(%run_scoped3A : memref<!tpu.dma_semaphore, #tpu.memory_space<semaphore_mem>>) src(%arg13 : memref<128x64xf32, #tpu.memory_space<vmem>>) dst(%dma_wait3A_217 : memref<128x64xf32, #tpu.memory_space<hbm>>)
      tpu.yield
    }) : () -> ()
    return
  }
}

</mosaic_0001>

<sc_bundles>
// kernel: kernel.3.cloned.1.call-start
scs
__scs_entry_jumppad:
0x0: {  	(pc) =	sbr.rel $0x88, $3  }
0x1: {  	(tag) =	ssettag $0x0;
	lr =	simm.s32 $0x1  }
0x2: {  	[smem:$0x3F9D] =	sst lr;
	_ =	strace $0xD0000000  }
0x3: {  	_ = 	snop  }
0x4: {  	_ = 	snop  }
0x5: {  	_ = 	snop  }
0x6: {  	_ = 	snop  }
0x7: {  	_ = 	snop  }
__scs_overlays_trampoline_lowered:
0x8: {  	[smem:$0x3FAC] =	sst s0  }
0x9: {  	[smem:$0x3FAD] =	sst s1  }
0xa: {  	[smem:$0x3FAE] =	sst s2  }
0xb: {  	[smem:$0x3FAF] =	sst s3  }
0xc: {  	[smem:$0x3FB0] =	sst s4  }
0xd: {  	[smem:$0x3FB1] =	sst s5  }
0xe: {  	[smem:$0x3FB2] =	sst s6  }
0xf: {  	[smem:$0x3FB3] =	sst s7  }
0x10: {  	[smem:$0x3FB4] =	sst s8  }
0x11: {  	[smem:$0x3FB5] =	sst s9;
	s0 =	simm.s32 @!p0 $0x0  }
0x12: {  	s1 =	sld [smem:$0x3F9B];
	s0 =	simm.s32 @p0 $0x1  }
0x13: {  	[smem:$0x3FB6] =	sst s0;
	s0 =	simm.s32 @!p1 $0x0  }
0x14: {  	s2 =	sld [smem:$0x3F9A];
	s0 =	simm.s32 @p1 $0x1  }
0x15: {  	[smem:$0x3FB7] =	sst s0;
	s0 =	simm.s32 @!p2 $0x0  }
0x16: {  	s3 =	sld [smem:$0x3FDB];
	s0 =	simm.s32 @p2 $0x1  }
0x17: {  	s4 =	simm.s32 $0x1BF5;
	[smem:$0x3FB9] =	sst s0  }
0x18: {  	s0 =	sld [smem:$0x3F9C];
	_ =	swait.ge [sflag:s4], $0x0  }
0x19: {  	s7 =	sld [smem:$0x3F9D]  }
0x1a: {  	s8 =	sadd.s32 $0xFFFFE003, lr  }
0x1b: {  	s9 =	sadd.s32 $0xFFFFFEF7, lr;
	s5 =	simm.s32 $0xFFFFFFFF;
	p2 =	slt.u32 s8, $0xFFFFF086  }
0x1c: {  	p1 =	slt.u32 s9, $0xF7A;
	s5 =	simm.s32 @!p2 $0x0  }
0x1d: {  	s5 =	simm.s32 @p1 $0x1;
	p0 =	seq.s32 s7, s2  }
0x1e: {  	s7 =	smul.u32 @!p0 $0xF7A, s2;
	p2 =	seq.s32 @!p0 s5, $0x0  }
0x1f: {  	s9 =	smul.u32 $0xF7A, s1;
	s8 =	simm.s32 @!p0 $0x1BF5;
	p2 =	por !p2, p0  }
0x20: {  	[sflag:s8] =	ssyncset.s32 @!p0 $0xFFFFF086;
	s6 =	sadd.s32 @!p0 s3, s7;
	s7 =	simm.s32 @!p0 $0x108  }
0x21: {  	s3 =	sadd.s32 s3, s9;
	s6 =	sadd.s32 @!p0 $0x88, s6;
	s7 =	simm.s32 @p2 $0x1082  }
0x22: {  	[simem:s7], [sflag:s8] =	dma.local @!p0 [hbm:s6], $0xF7A  }
0x23: {  	s9 =	sor.u32 $0xD0000000, s2;
	s6 =	simm.s32 $0x108;
	_ =	swait.ge @!p0 [sflag:s8], $0x0  }
0x24: {  	s3 =	sadd.s32 $0x88, s3;
	s6 =	simm.s32 @!p1 $0x1082;
	[sflag:s4] =	ssyncset.s32 $0xFFFFF086  }
0x25: {  	[simem:s6], [sflag:s4] =	dma.local [hbm:s3], $0xF7A  }
0x26: {  	[smem:$0x3F9D] =	sst s1;
	(tag) =	ssettag s2;
	_ =	strace s9  }
0x27: {  	s1 =	sld [smem:$0x3FAD]  }
0x28: {  	s2 =	sld [smem:$0x3FAE]  }
0x29: {  	s4 =	sld [smem:$0x3FB0]  }
0x2a: {  	p0 =	seq.s32 s5, $0x0;
	s5 =	sld [smem:$0x3FB1]  }
0x2b: {  	s6 =	sld [smem:$0x3FB2]  }
0x2c: {  	s7 =	sld [smem:$0x3FB3]  }
0x2d: {  	s3 =	simm.s32 $0x108;
	s8 =	sld [smem:$0x3FB4]  }
0x2e: {  	s3 =	simm.s32 @!p0 $0x1082;
	s9 =	sld [smem:$0x3FB5]  }
0x2f: {  	lr =	sadd.s32 s0, s3;
	s0 =	sld [smem:$0x3FAC]  }
0x30: {  	s3 =	sld [smem:$0x3FAF]  }
0x31: {  	[smem:$0x3FB8] =	sst s10  }
0x32: {  	s10 =	sld [smem:$0x3FB6];
	_ =	sdelay $0x3  }
0x33: {  	p0 =	seq.s32 s10, $0x1;
	s10 =	sld [smem:$0x3FB8];
	_ =	sdelay $0x3  }
0x34: {  	[smem:$0x3FB8] =	sst s10  }
0x35: {  	s10 =	sld [smem:$0x3FB7];
	_ =	sdelay $0x3  }
0x36: {  	p1 =	seq.s32 s10, $0x1;
	s10 =	sld [smem:$0x3FB8];
	_ =	sdelay $0x3  }
0x37: {  	[smem:$0x3FB8] =	sst s10  }
0x38: {  	s10 =	sld [smem:$0x3FB9]  }
0x39: {  	_ = 	snop;
	(pc) =	sbr.ind lr, $3  }
0x3a: {  	_ = 	snop  }
0x3b: {  	_ = 	snop  }
0x3c: {  	p2 =	seq.s32 s10, $0x1;
	s10 =	sld [smem:$0x3FB8]  }
0x3d: {  	_ =	shalt  }
0x3e: {  	_ =	shalt  }
0x3f: {  	_ =	shalt  }
0x40: {  	_ =	shalt  }
0x41: {  	_ =	shalt  }
0x42: {  	_ =	shalt  }
0x43: {  	_ =	shalt  }
0x44: {  	_ =	shalt  }
0x45: {  	_ =	shalt  }
0x46: {  	_ =	shalt  }
0x47: {  	_ =	shalt  }
0x48: {  	_ =	shalt  }
0x49: {  	_ =	shalt  }
0x4a: {  	_ =	shalt  }
0x4b: {  	_ =	shalt  }
0x4c: {  	_ =	shalt  }
0x4d: {  	_ =	shalt  }
0x4e: {  	_ =	shalt  }
0x4f: {  	_ =	shalt  }
0x50: {  	_ =	shalt  }
0x51: {  	_ =	shalt  }
0x52: {  	_ =	shalt  }
0x53: {  	_ =	shalt  }
0x54: {  	_ =	shalt  }
0x55: {  	_ =	shalt  }
0x56: {  	_ =	shalt  }
0x57: {  	_ =	shalt  }
0x58: {  	_ =	shalt  }
0x59: {  	_ =	shalt  }
0x5a: {  	_ =	shalt  }
0x5b: {  	_ =	shalt  }
0x5c: {  	_ =	shalt  }
0x5d: {  	_ =	shalt  }
0x5e: {  	_ =	shalt  }
0x5f: {  	_ =	shalt  }
0x60: {  	_ =	shalt  }
0x61: {  	_ =	shalt  }
0x62: {  	_ =	shalt  }
0x63: {  	_ =	shalt  }
0x64: {  	_ =	shalt  }
0x65: {  	_ =	shalt  }
0x66: {  	_ =	shalt  }
0x67: {  	_ =	shalt  }
0x68: {  	_ =	shalt  }
0x69: {  	_ =	shalt  }
0x6a: {  	_ =	shalt  }
0x6b: {  	_ =	shalt  }
0x6c: {  	_ =	shalt  }
0x6d: {  	_ =	shalt  }
0x6e: {  	_ =	shalt  }
0x6f: {  	_ =	shalt  }
0x70: {  	_ =	shalt  }
0x71: {  	_ =	shalt  }
0x72: {  	_ =	shalt  }
0x73: {  	_ =	shalt  }
0x74: {  	_ =	shalt  }
0x75: {  	_ =	shalt  }
0x76: {  	_ =	shalt  }
0x77: {  	_ =	shalt  }
0x78: {  	_ =	shalt  }
0x79: {  	_ =	shalt  }
0x7a: {  	_ =	shalt  }
0x7b: {  	_ =	shalt  }
0x7c: {  	_ =	shalt  }
0x7d: {  	_ =	shalt  }
0x7e: {  	_ =	shalt  }
0x7f: {  	_ =	shalt  }
0x80: {  	_ =	shalt  }
0x81: {  	_ =	shalt  }
0x82: {  	_ =	shalt  }
0x83: {  	_ =	shalt  }
0x84: {  	_ =	shalt  }
0x85: {  	_ =	shalt  }
0x86: {  	_ =	shalt  }
0x87: {  	_ =	shalt  }
.Lfunc_end0:
.L_simem_size_0:
called_computation_lowered:
.L_overlay_start_0:
0x88: {  	s2 =	sld [smem:$0x3FD9]  }
0x89: {  	s3 =	sld [smem:$0x3FFE];
	_ =	sdelay $0x1  }
0x8a: {  	s1 =	srdreg.scid  }
0x8b: {  	s0 =	sand.u32 $0x1, s1  }
0x8c: {  	s17 =	sshll.u32 s0, $0xA;
	s2 =	sadd.s32 s3, s2  }
0x8d: {  	s2 =	sadd.s32 s2, s17  }
0x8e: {  	[smem:$0x3FC4] =	sst s2  }
0x8f: {  	_ = 	snop  }
0x90: {  	s2 =	sld [smem:$0x3FC9]  }
0x91: {  	s18 =	sld [smem:$0x3FC8]  }
0x92: {  	s4 =	sld [smem:$0x3FC7]  }
0x93: {  	s5 =	sld [smem:$0x3FD0];
	(tm) =	ssettm $0x1  }
0x94: {  	s6 =	sld [smem:$0x3FFB];
	_ =	sdelay $0x3  }
0x95: {  	_ =	strace s6  }
0x96: {  	s6 =	sld [smem:$0x3FFC];
	_ =	sdelay $0x3  }
0x97: {  	_ =	strace s6  }
0x98: {  	s6 =	sld [smem:$0x3FFD];
	_ =	sdelay $0x3  }
0x99: {  	_ =	strace s6  }
0x9a: {  	_ =	strace $0x8FFFFFFF  }
0x9b: {  	s19 =	sld [smem:$0x3FDB];
	_ =	sdelay $0x1  }
0x9c: {  	s7 =	simm.s32 $_scs_section_size  }
0x9d: {  	s8 =	simm.s32 $_size__tile_overlayer_lowered;
	s9 =	simm.s32 $_tile_overlayer_lowered  }
0x9e: {  	s22 =	simm.s32 $0x1BFF;
	s21 =	sshll.u32 s9, $0x1;
	s6 =	sadd.s32 s7, s19  }
0x9f: {  	s10 =	simm.s32 $0x0;
	s20 =	sshll.u32 s8, $0x1;
	s8 =	sadd.s32 s21, s6  }
0xa0: {  	[timem:s10], [sflag:s22] =	dma.local [hbm:s8], s20  }
0xa1: {  	_ =	swait.ge [sflag:s22], s20  }
0xa2: {  	s7 =	ssub.s32 $0x0, s20;
	[sflag:s22] =	ssyncset.done $0x0  }
0xa3: {  	[sflag:s22] =	ssyncadd.s32 s7;
	_ =	sdelay $0x1  }
0xa4: {  	s23 =	simm.s32 $0x1B8B  }
0xa5: {  	_ =	swait.ge [sflag:s23], $0x1  }
0xa6: {  	[sflag:s23] =	ssyncset.done $0x0  }
0xa7: {  	s25 =	simm.s32 $0x1B8E;
	s24 =	sld [smem:$0x3FFE];
	[sflag:s23] =	ssyncadd.s32 $0xFFFFFFFF  }
0xa8: {  	s26 =	simm.s32 $execute0_lowered;
	[smem:$0x3FD2] =	sst s25  }
0xa9: {  	s8 =	sshll.u32 s26, $0x1;
	_ =	strace $0x80000046;
	[dreg:$0x1] =	wrdreg $0xFFFFFFFF  }
0xaa: {  	s28 =	simm.s32 $_size_execute0_lowered;
	s6 =	sadd.s32 s6, s8;
	[dreg:$0x0] =	wrdreg $0x0  }
0xab: {  	s8 =	sshll.u32 s28, $0x1;
	[dreg:$0x2] =	wrdreg s6  }
0xac: {  	[dreg:$0x3] =	wrdreg s8  }
0xad: {  	[dreg:$0x4] =	wrdreg $0xC0  }
0xae: {  	_ =	task [dreg:s10], $0x5FFFF  }
0xaf: {  	[dreg:$0x1] =	wrdreg $0xFFFFFFFF  }
0xb0: {  	[dreg:$0x0] =	wrdreg $0x60  }
0xb1: {  	[dreg:$0x2] =	wrdreg s2  }
0xb2: {  	[dreg:$0x3] =	wrdreg s18  }
0xb3: {  	[dreg:$0x4] =	wrdreg s4  }
0xb4: {  	[dreg:$0x5] =	wrdreg s24  }
0xb5: {  	[dreg:$0x6] =	wrdreg s5  }
0xb6: {  	[dreg:$0x7] =	wrdreg $0x9  }
0xb7: {  	_ =	task.clear_ibuf [dreg:s10], $0x8FFFF;
	_ =	strace $0x90000046  }
0xb8: {  	s29 =	simm.s32 $0x9;
	_ =	strace $0x80000048  }
0xb9: {  	_ =	swait.ge [sflag:s29], $0x1  }
0xba: {  	[sflag:s29] =	ssyncadd.s32 $0xFFFFFFFF  }
0xbb: {  	_ =	strace $0x90000048  }
0xbc: {  	_ =	sfence  }
0xbd: {  	s30 =	sld [smem:$0x0];
	_ =	sdelay $0x2  }
0xbe: {  	s31 =	sshll.u32 s1, $0xD;
	s1 =	sshrl.u32 s1, $0x2  }
0xbf: {  	s3 =	sand.u32 $0x4000, s31;
	s1 =	sadd.s32 s1, s30  }
0xc0: {  	s0 =	sor.u32 s3, s0;
	s1 =	sshll.u32 s1, $0x11  }
0xc1: {  	s0 =	sor.u32 s1, s0  }
0xc2: {  	s0 =	sadd.s32 $0x8F2B, s0  }
0xc3: {  	[sflag:s0] =	ssyncadd.remote.s32 $0x1  }
0xc4: {  	_ =	sfence.sel $0xFFFF  }
0xc5: {  	[dreg:$0x0] =	wrdreg $0xFFFFFFFF;
	(pc) =	sbr.abs _section_cstart, $3  }
0xc6: {  	[dreg:$0x1] =	wrdreg $0xFFFFFFFF  }
0xc7: {  	_ =	task.clear_ibuf [dreg:s10], $0x2FFFF;
	_ =	strace $0x9FFFFFFF  }
0xc8: {  	(tm) =	ssettm $0x7FFFFFFF  }
0xc9: {  	_ =	shalt  }
tec
execute0_lowered:
.L_overlay_start_1:
0x0: {  	(tag) =	ssettag $0x1  }
0x1: {  	s0 =	rddreg [dreg:$0x0]  }
0x2: {  	s2 =	rddreg [dreg:$0x1];
	v0 =	vimm.s32 $0xFEDCBA98;
	v1 =	vimm.s32 $0x76543210;
	v2 =	vimm.s32 $0xBA98FEDC  }
0x3: {  	s1 =	rddreg [dreg:$0x2];
	v3 =	vimm.s32 $0x32107654;
	v4 =	vimm.s32 $0xDCFE98BA;
	v5 =	vimm.s32 $0x54761032  }
0x4: {  	s4 =	rddreg [dreg:$0x3];
	v6 =	vimm.s32 $0xEFCDAB89;
	v7 =	vimm.s32 $0x67452301;
	v0 =	vunpack.c.l.s4.s8 v0  }
0x5: {  	s7 =	rddreg [dreg:$0x4];
	s5 =	srdreg.scid;
	v1 =	vunpack.c.l.s4.s8 v1;
	v2 =	vunpack.c.l.s4.s8 v2;
	v3 =	vunpack.c.l.s4.s8 v3  }
0x6: {  	s6 =	stileid.u32;
	s3 =	simm.s32 $0x0;
	s11 =	simm.s32 $0x64;
	v4 =	vunpack.c.l.s4.s8 v4;
	v5 =	vunpack.c.l.s4.s8 v5;
	v6 =	vunpack.c.l.s4.s8 v6  }
0x7: {  	s12 =	simm.s32 $0x3408;
	s13 =	simm.s32 $0x6808;
	s14 =	simm.s32 $0x4E70;
	v7 =	vunpack.c.l.s4.s8 v7;
	v0 =	vunpack.c.0.s8.s32 v0;
	v2 =	vunpack.c.0.s8.s32 v2  }
0x8: {  	s15 =	simm.s32 $0xFF40;
	s16 =	simm.s32 $0x3470;
	s17 =	simm.s32 $0x6870;
	v3 =	vunpack.c.0.s8.s32 v3;
	v4 =	vunpack.c.0.s8.s32 v4;
	v1 =	vunpack.c.0.s8.s32 v1  }
0x9: {  	s18 =	simm.s32 $0x13140;
	s19 =	simm.s32 $0x0;
	s5 =	sand.u32 $0x1, s5;
	v5 =	vunpack.c.0.s8.s32 v5;
	v6 =	vunpack.c.0.s8.s32 v6;
	v0 =	vand.u32 $0xF, v0  }
0xa: {  	s6 =	sshll.u32 s6, $0x1;
	[smem:$0x7FF] =	sst s3;
	s4 =	sadd.s32 $0x186E00, s4;
	v7 =	vunpack.c.0.s8.s32 v7;
	v2 =	vcombine.low v3, v2;
	v18 =	vcombine.low v0, v1  }
0xb: {  	s6 =	sor.u32 s5, s6;
	_ =	strace $0x80000047;
	s5 =	ssub.s32 $0x2, s5;
	v3 =	vcombine.low v5, v4  }
0xc: {  	s8 =	smul.u32 $0x320, s6;
	s9 =	sshrl.u32 s5, $0x1;
	s10 =	sshll.u32 s6, $0xA;
	v4 =	vcombine.low v7, v6;
	v2 =	vand.u32 $0xF, v2;
	[tilespmem:$0x1FFC0] =	vst v18  }
0xd: {  	s9 =	ssub.s32 s5, s9;
	s7 =	sadd.s32 s7, s10;
	s10 =	simm.s32 $0xE640;
	v3 =	vand.u32 $0xF, v3;
	[tilespmem:$0x1FFD0] =	vst v2  }
0xe: {  	s5 =	sadd.s32 s0, s8;
	s6 =	sadd.s32 s2, s8;
	s8 =	smax.u32 s9, $0x1;
	v19 =	vand.u32 $0xF, v4;
	[tilespmem:$0x1FFE0] =	vst v3  }
0xf: {  	vm0 =	vmmov $0x3fff;
	s9 =	simm.s32 $0x11;
	s0 =	simm.s32 $0x67A0;
	s2 =	simm.s32 $0x4E08;
	[tilespmem:$0x1FFF0] =	vst v19  }
.LBB2_1:
0x10: {  	[tilespmem:s3], [sflag:$0x11] =	stream.linear.gather [hbm4b:s5+s3], $0x1900, $0x38;
	[tilespmem:$0x15140] =	vst v63  }
0x11: {  	_ =	swait.ge [sflag:s9], $0x1900  }
0x12: {  	[sflag:s9] =	ssyncset.done $0x0  }
0x13: {  	s20 =	simm.s32 $0x1900;
	[sflag:s9] =	ssyncadd.s32 $0xFFFFE700  }
0x14: {  	[tilespmem:s20], [sflag:$0x11] =	stream.linear.gather [hbm4b:s6+s3], $0x1900, $0x38;
	[tilespmem:$0x15140] =	vst v63  }
0x15: {  	_ =	swait.ge [sflag:s9], $0x1900  }
0x16: {  	[sflag:s9] =	ssyncset.done $0x0  }
0x17: {  	s20 =	simm.s32 $0x54;
	[sflag:s9] =	ssyncadd.s32 $0xFFFFE700  }
0x18: {  	v0 =	vld [tilespmem:s20+$0xFFFFFFAC];
	_ =	sdelay $0x3  }
0x19: {  	s22 =	simm.s32 $0x3230  }
0x1a: {  	s21 =	simm.s32 $0x4C30;
	[tilespmem:s22+$0xFFFFFFD0] =	vst v0;
	v0 =	vshll.u32 v0, $0x1  }
0x1b: {  	s23 =	sand.u32 $0x1FFC, s3;
	[tilespmem:s21+$0xFFFFFFD0] =	vst v0  }
0x1c: {  	v0 =	vld [tilespmem:s23+$0x10];
	_ =	sdelay $0x4  }
0x1d: {  	[tilespmem:s22+$0xFFFFFFE0] =	vst v0;
	v0 =	vshll.u32 v0, $0x1  }
0x1e: {  	[tilespmem:s21+$0xFFFFFFE0] =	vst v0  }
0x1f: {  	v0 =	vld [tilespmem:s23+$0x20];
	_ =	sdelay $0x4  }
0x20: {  	[tilespmem:s22+$0xFFFFFFF0] =	vst v0;
	v0 =	vshll.u32 v0, $0x1  }
0x21: {  	[tilespmem:s21+$0xFFFFFFF0] =	vst v0  }
0x22: {  	v0 =	vld [tilespmem:s23+$0x30];
	_ =	sdelay $0x4  }
0x23: {  	[tilespmem:s22+$0x0] =	vst v0;
	v0 =	vshll.u32 v0, $0x1  }
0x24: {  	[tilespmem:s21+$0x0] =	vst v0  }
0x25: {  	v0 =	vld [tilespmem:s23+$0x40];
	_ =	sdelay $0x4  }
0x26: {  	[tilespmem:s22+$0x10] =	vst v0;
	v0 =	vshll.u32 v0, $0x1  }
0x27: {  	[tilespmem:s21+$0x10] =	vst v0  }
0x28: {  	v0 =	vld [tilespmem:s23+$0x50];
	_ =	sdelay $0x4  }
0x29: {  	[tilespmem:s22+$0x20] =	vst v0;
	v0 =	vshll.u32 v0, $0x1  }
0x2a: {  	[tilespmem:s21+$0x20] =	vst v0  }
0x2b: {  	v0 =	vld [tilespmem:s20+$0x0];
	_ =	sdelay $0x4  }
0x2c: {  	s23 =	simm.s32 $0x64;
	[tilespmem:s22+$0x24] =	vst v0;
	v0 =	vshll.u32 v0, $0x1  }
.LBB2_2:
0x2d: {  	[tilespmem:s21+$0x24] =	vst v0;
	s20 =	sadd.s32 $0x64, s20;
	s22 =	sadd.s32 $0x68, s22;
	s21 =	sadd.s32 $0x68, s21  }
0x2e: {  	p0 =	sne.s32 s23, $0x189C;
	s24 =	smov.u32 s23;
	s23 =	sadd.s32 $0x64, s23;
	v0 =	vld [tilespmem:s20+$0xFFFFFFAC]  }
0x2f: {  	_ =	sdelay $0x3  }
0x30: {  	[tilespmem:s22+$0xFFFFFFD0] =	vst v0;
	v0 =	vshll.u32 v0, $0x1  }
0x31: {  	s24 =	sand.u32 $0x1FFC, s24;
	[tilespmem:s21+$0xFFFFFFD0] =	vst v0  }
0x32: {  	v0 =	vld [tilespmem:s24+$0x10];
	_ =	sdelay $0x4  }
0x33: {  	[tilespmem:s22+$0xFFFFFFE0] =	vst v0;
	v0 =	vshll.u32 v0, $0x1  }
0x34: {  	[tilespmem:s21+$0xFFFFFFE0] =	vst v0  }
0x35: {  	v0 =	vld [tilespmem:s24+$0x20];
	_ =	sdelay $0x4  }
0x36: {  	[tilespmem:s22+$0xFFFFFFF0] =	vst v0;
	v0 =	vshll.u32 v0, $0x1  }
0x37: {  	[tilespmem:s21+$0xFFFFFFF0] =	vst v0  }
0x38: {  	v0 =	vld [tilespmem:s24+$0x30];
	_ =	sdelay $0x4  }
0x39: {  	[tilespmem:s22+$0x0] =	vst v0;
	v0 =	vshll.u32 v0, $0x1  }
0x3a: {  	[tilespmem:s21+$0x0] =	vst v0  }
0x3b: {  	v0 =	vld [tilespmem:s24+$0x40];
	_ =	sdelay $0x4  }
0x3c: {  	[tilespmem:s22+$0x10] =	vst v0;
	v0 =	vshll.u32 v0, $0x1  }
0x3d: {  	[tilespmem:s21+$0x10] =	vst v0  }
0x3e: {  	v0 =	vld [tilespmem:s24+$0x50];
	_ =	sdelay $0x4  }
0x3f: {  	[tilespmem:s22+$0x20] =	vst v0;
	v0 =	vshll.u32 v0, $0x1  }
0x40: {  	[tilespmem:s21+$0x20] =	vst v0  }
0x41: {  	v0 =	vld [tilespmem:s20+$0x0]  }
.Ltmp0:
0x42: {  	(pc) =	sbr.rel @p0 .LBB2_2-.Ltmp0, $2  }
0x43: {  	_ =	sdelay $0x2  }
0x44: {  	[tilespmem:s22+$0x24] =	vst v0;
	v0 =	vshll.u32 v0, $0x1  }
0x45: {  	[tilespmem:s21+$0x24] =	vst v0;
	s20 =	simm.s32 $0x4C00;
	s22 =	simm.s32 $0x6940  }
0x46: {  	[tilespmem:s22], [sflag:$0x1] =	stream.indirect.gather [hbm4b:s4+s11], $0x40, s20, s11, $0xb8;
	[tilespmem:$0x15140] =	vst v63  }
0x47: {  	s23 =	simm.s32 $0x3200;
	s24 =	simm.s32 $0x6600  }
0x48: {  	[tilespmem:s24], [sflag:$0x9] =	stream.indirect.gather [hbm4b:s1+s11], $0x1, s23, s11, $0xb8;
	[tilespmem:$0x15140] =	vst v63  }
0x49: {  	s25 =	simm.s32 $0x4C68;
	s26 =	simm.s32 $0x8240  }
0x4a: {  	[tilespmem:s26], [sflag:$0x2] =	stream.indirect.gather [hbm4b:s4+s11], $0x40, s25, s11, $0xb8;
	[tilespmem:$0x15140] =	vst v63  }
0x4b: {  	s28 =	simm.s32 $0x3268;
	s29 =	simm.s32 $0x6668  }
0x4c: {  	[tilespmem:s29], [sflag:$0xA] =	stream.indirect.gather [hbm4b:s1+s11], $0x1, s28, s11, $0xb8;
	[tilespmem:$0x15140] =	vst v63  }
0x4d: {  	s30 =	simm.s32 $0x4CD0;
	s31 =	simm.s32 $0x9B40  }
0x4e: {  	[tilespmem:s31], [sflag:$0x3] =	stream.indirect.gather [hbm4b:s4+s11], $0x40, s30, s11, $0xb8;
	[tilespmem:$0x15140] =	vst v63  }
0x4f: {  	s22 =	simm.s32 $0x32D0;
	s23 =	simm.s32 $0x66D0  }
0x50: {  	[tilespmem:s23], [sflag:$0xB] =	stream.indirect.gather [hbm4b:s1+s11], $0x1, s22, s11, $0xb8;
	[tilespmem:$0x15140] =	vst v63  }
0x51: {  	s24 =	simm.s32 $0x4D38;
	s25 =	simm.s32 $0xB440  }
0x52: {  	[tilespmem:s25], [sflag:$0x4] =	stream.indirect.gather [hbm4b:s4+s11], $0x40, s24, s11, $0xb8;
	[tilespmem:$0x15140] =	vst v63  }
0x53: {  	s26 =	simm.s32 $0x3338;
	s28 =	simm.s32 $0x6738  }
0x54: {  	[tilespmem:s28], [sflag:$0xC] =	stream.indirect.gather [hbm4b:s1+s11], $0x1, s26, s11, $0xb8;
	[tilespmem:$0x15140] =	vst v63  }
0x55: {  	s29 =	simm.s32 $0x4DA0;
	s30 =	simm.s32 $0xCD40  }
0x56: {  	[tilespmem:s30], [sflag:$0x5] =	stream.indirect.gather [hbm4b:s4+s11], $0x40, s29, s11, $0xb8;
	[tilespmem:$0x15140] =	vst v63  }
0x57: {  	s31 =	simm.s32 $0x33A0  }
0x58: {  	[tilespmem:s0], [sflag:$0xD] =	stream.indirect.gather [hbm4b:s1+s11], $0x1, s31, s11, $0xb8;
	[tilespmem:$0x15140] =	vst v63  }
0x59: {  	_ = 	snop  }
0x5a: {  	[tilespmem:s10], [sflag:$0x6] =	stream.indirect.gather [hbm4b:s4+s11], $0x40, s2, s11, $0xb8;
	[tilespmem:$0x15140] =	vst v63  }
0x5b: {  	_ = 	snop  }
0x5c: {  	[tilespmem:s13], [sflag:$0xE] =	stream.indirect.gather [hbm4b:s1+s11], $0x1, s12, s11, $0xb8;
	[tilespmem:$0x15140] =	vst v63  }
0x5d: {  	s21 =	simm.s32 $0x4ED8;
	s20 =	simm.s32 $0x34D8;
	s22 =	simm.s32 $0x0  }
0x5e: {  	[tilespmem:s15], [sflag:$0x7] =	stream.indirect.gather [hbm4b:s4+s11], $0x40, s14, s11, $0xb8;
	[tilespmem:$0x15140] =	vst v63  }
0x5f: {  	s23 =	simm.s32 $0x13180;
	s24 =	simm.s32 $0x1954;
	s25 =	simm.s32 $0x0  }
0x60: {  	[tilespmem:s17], [sflag:$0xF] =	stream.indirect.gather [hbm4b:s1+s11], $0x1, s16, s11, $0xb8;
	[tilespmem:$0x15140] =	vst v63  }
.LBB2_4:
0x61: {  	p0 =	sgt.u32 s25, $0x38  }
0x62: {  	s26 =	sadd.s32 @!p0 $0xFFFFFFFF, s25  }
0x63: {  	s26 =	sand.u32 @!p0 $0x7, s26  }
0x64: {  	s28 =	smul.u32 @!p0 $0x6400, s26;
	_ =	sdelay $0x1  }
0x65: {  	s30 =	simm.s32 @!p0 $0x64;
	s28 =	sshrl.u32 @!p0 s28, $0x2  }
0x66: {  	s29 =	sadd.s32 @!p0 $0x1, s26;
	s31 =	smul.u32 @!p0 $0x1A0, s26;
	s28 =	sadd.s32 @!p0 $0x6940, s28  }
0x67: {  	[tilespmem:s28], [sflag:s29] =	stream.indirect.gather @!p0 [hbm4b:s4+s30], $0x40, s21, s30, $0xb8;
	[tilespmem:$0x15140] =	vst v63  }
0x68: {  	s28 =	sshrl.u32 @!p0 s31, $0x2  }
0x69: {  	s26 =	sadd.s32 @!p0 $0x9, s26;
	s29 =	sand.u32 $0x7, s25;
	s28 =	sadd.s32 @!p0 $0x6600, s28  }
0x6a: {  	[tilespmem:s28], [sflag:s26] =	stream.indirect.gather @!p0 [hbm4b:s1+s30], $0x1, s20, s30, $0xb8;
	[tilespmem:$0x15140] =	vst v63  }
0x6b: {  	s28 =	sadd.s32 $0x1, s29  }
0x6c: {  	_ =	swait.ge [sflag:s28], $0x1900  }
0x6d: {  	[sflag:s28] =	ssyncset.done $0x0  }
0x6e: {  	s30 =	sadd.s32 $0x9, s29;
	[sflag:s28] =	ssyncadd.s32 $0xFFFFE700  }
0x6f: {  	_ =	swait.ge [sflag:s30], $0x64  }
0x70: {  	s31 =	smul.u32 $0x1A0, s29;
	[sflag:s30] =	ssyncset.done $0x0  }
0x71: {  	[sflag:s30] =	ssyncadd.s32 $0xFFFFFF9C  }
0x72: {  	s28 =	sshrl.u32 s31, $0x2;
	v0 =	vld [tilespmem:s24+$0xFFFFFFAC]  }
0x73: {  	s30 =	sand.u32 $0x1FFC, s22;
	v1 =	vld [tilespmem:s28+$0x6600]  }
0x74: {  	v4 =	vld [tilespmem:s30+$0x1910]  }
0x75: {  	v20 =	vld [tilespmem:s28+$0x6610]  }
0x76: {  	v21 =	vld [tilespmem:s30+$0x1920]  }
0x77: {  	s31 =	smul.u32 $0x6400, s29;
	v22 =	vld [tilespmem:s28+$0x6620]  }
0x78: {  	v25 =	vld [tilespmem:s24+$0xFFFFFFCE]  }
0x79: {  	s26 =	sshrl.u32 s31, $0x2;
	v26 =	vld [tilespmem:s28+$0x6622]  }
0x7a: {  	v27 =	vld [tilespmem:s26+$0x6940]  }
0x7b: {  	v28 =	vld [tilespmem:s26+$0x6950]  }
0x7c: {  	v32 =	vld [tilespmem:s26+$0x6960]  }
0x7d: {  	v33 =	vld [tilespmem:s26+$0x6970]  }
0x7e: {  	v29 =	vld [tilespmem:s26+$0x6980]  }
0x7f: {  	v34 =	vld [tilespmem:s26+$0x6990]  }
0x80: {  	v37 =	vld [tilespmem:s26+$0x69A0]  }
0x81: {  	v38 =	vld [tilespmem:s26+$0x69B0]  }
0x82: {  	v42 =	vld [tilespmem:s26+$0x69C0]  }
0x83: {  	v44 =	vld [tilespmem:s26+$0x69D0]  }
0x84: {  	v46 =	vld [tilespmem:s26+$0x69E0]  }
0x85: {  	v47 =	vld [tilespmem:s26+$0x69F0]  }
0x86: {  	v48 =	vld [tilespmem:s26+$0x6A00]  }
0x87: {  	v50 =	vld [tilespmem:s26+$0x6A10]  }
0x88: {  	v51 =	vld [tilespmem:s26+$0x6A20]  }
0x89: {  	v52 =	vld [tilespmem:s26+$0x6A30]  }
0x8a: {  	v54 =	vld [tilespmem:s26+$0x6A40]  }
0x8b: {  	v57 =	vld [tilespmem:s26+$0x6A50];
	v24 =	vmul.f32 v1, v0;
	v23 =	vmul.f32 v20, v4  }
0x8c: {  	v62 =	vld [tilespmem:s26+$0x6A60]  }
0x8d: {  	v63 =	vld [tilespmem:s26+$0x6A70];
	v21 =	vmul.f32 v22, v21;
	v0 =	vadd.f32 v23, v24  }
0x8e: {  	v8 =	vld [tilespmem:s26+$0x6A80];
	v1 =	vmul.f32 v26, v25  }
0x8f: {  	v9 =	vld [tilespmem:s26+$0x6A90];
	v0 =	vadd.f32 v21, v0  }
0x90: {  	v10 =	vld [tilespmem:s26+$0x6AA0];
	[tilespmem:$0x1FF90] =	vst v1;
	v1 =	vsel vm0, $0x0, v1  }
0x91: {  	v11 =	vld [tilespmem:s26+$0x6AB0];
	v0 =	vadd.f32 v1, v0  }
0x92: {  	v12 =	vld [tilespmem:s26+$0x6AC0]  }
0x93: {  	v13 =	vld [tilespmem:s26+$0x6AD0];
	v1 =	vperm.xlane v0, v18  }
0x94: {  	v14 =	vld [tilespmem:s26+$0x6AE0]  }
0x95: {  	v15 =	vld [tilespmem:s26+$0x6AF0];
	v0 =	vadd.f32 v0, v1  }
0x96: {  	v16 =	vld [tilespmem:s26+$0x6B00]  }
0x97: {  	v17 =	vld [tilespmem:s26+$0x6B10];
	v1 =	vperm.xlane v0, v2;
	v2 =	vimm.s32 $0x0  }
0x98: {  	v5 =	vld [tilespmem:s26+$0x6B20];
	v36 =	vperm.xlane v24, v2;
	v2 =	vimm.s32 $0x1  }
0x99: {  	v18 =	vperm.xlane v24, v2;
	v2 =	vld [tilespmem:s26+$0x6CA0]  }
0x9a: {  	v7 =	vld [tilespmem:s26+$0x6B30]  }
0x9b: {  	v30 =	vld [tilespmem:s26+$0x6B40]  }
0x9c: {  	v6 =	vld [tilespmem:s26+$0x6B50]  }
0x9d: {  	v31 =	vld [tilespmem:s26+$0x6B60];
	v0 =	vadd.f32 v0, v1  }
0x9e: {  	[tilespmem:$0x1FF80] =	vst v2;
	v2 =	vld [tilespmem:$0x1FFF0]  }
0x9f: {  	v60 =	vld [tilespmem:s26+$0x6B80];
	v1 =	vperm.xlane v0, v3  }
0xa0: {  	v61 =	vld [tilespmem:s26+$0x6B90];
	v22 =	vmul.f32 v28, v36  }
0xa1: {  	v55 =	vld [tilespmem:s26+$0x6BA0];
	v0 =	vadd.f32 v0, v1;
	v1 =	vmul.f32 v27, v36  }
0xa2: {  	v58 =	vld [tilespmem:s26+$0x6BB0];
	v34 =	vmul.f32 v34, v18;
	v22 =	vadd.f32 $0.0e+00, v22  }
0xa3: {  	v56 =	vld [tilespmem:s26+$0x6BC0];
	v19 =	vperm.xlane v0, v2;
	v2 =	vadd.f32 $0.0e+00, v1;
	v1 =	vmul.f32 v29, v18  }
0xa4: {  	v59 =	vld [tilespmem:s26+$0x6BD0];
	v33 =	vmul.f32 v33, v36  }
0xa5: {  	v53 =	vld [tilespmem:s26+$0x6BE0];
	v3 =	vadd.f32 v34, v22;
	v2 =	vadd.f32 v1, v2;
	v1 =	vimm.s32 $0x2  }
0xa6: {  	v49 =	vld [tilespmem:s26+$0x6BF0];
	v19 =	vadd.f32 v0, v19;
	v0 =	vmul.f32 v32, v36;
	v22 =	vperm.xlane v24, v1  }
0xa7: {  	v45 =	vld [tilespmem:s26+$0x6C00];
	v38 =	vmul.f32 v38, v18;
	v33 =	vadd.f32 $0.0e+00, v33  }
0xa8: {  	v43 =	vld [tilespmem:s26+$0x6C10];
	v37 =	vmul.f32 v37, v18;
	v0 =	vadd.f32 $0.0e+00, v0;
	v42 =	vmul.f32 v42, v22  }
0xa9: {  	v39 =	vld [tilespmem:s26+$0x6C20];
	v33 =	vadd.f32 v38, v33;
	v44 =	vmul.f32 v44, v22;
	v46 =	vmul.f32 v46, v22  }
0xaa: {  	v41 =	vld [tilespmem:s26+$0x6C30];
	v22 =	vmul.f32 v47, v22;
	v1 =	vadd.f32 v37, v0;
	v0 =	vimm.s32 $0x3  }
0xab: {  	v35 =	vld [tilespmem:s26+$0x6C40];
	v0 =	vperm.xlane v24, v0;
	v2 =	vadd.f32 v42, v2;
	v3 =	vadd.f32 v44, v3  }
0xac: {  	v40 =	vld [tilespmem:s26+$0x6C50];
	v22 =	vadd.f32 v22, v33;
	v1 =	vadd.f32 v46, v1  }
0xad: {  	v4 =	vld [tilespmem:s26+$0x6B70];
	v46 =	vmul.f32 v48, v0;
	v33 =	vmul.f32 v50, v0;
	v50 =	vimm.s32 $0x4  }
0xae: {  	v20 =	vld [tilespmem:s26+$0x6C60];
	v47 =	vmul.f32 v51, v0;
	v48 =	vperm.xlane v24, v50  }
0xaf: {  	v25 =	vld [tilespmem:s26+$0x6C70];
	v0 =	vmul.f32 v52, v0;
	v2 =	vadd.f32 v46, v2;
	v3 =	vadd.f32 v33, v3  }
0xb0: {  	v26 =	vld [tilespmem:s26+$0x6C80];
	v1 =	vadd.f32 v47, v1;
	v33 =	vmul.f32 v54, v48;
	v54 =	vimm.s32 $0x5  }
0xb1: {  	v28 =	vld [tilespmem:s26+$0x6CB0];
	v0 =	vadd.f32 v0, v22;
	v62 =	vmul.f32 v62, v48;
	v54 =	vperm.xlane v24, v54  }
0xb2: {  	v27 =	vld [tilespmem:s26+$0x6C90];
	v51 =	vmul.f32 v57, v48;
	v57 =	vmul.f32 v63, v48;
	v2 =	vadd.f32 v33, v2  }
0xb3: {  	v34 =	vld [tilespmem:s26+$0x6D00];
	v1 =	vadd.f32 v62, v1;
	v62 =	vimm.s32 $0x6;
	v8 =	vmul.f32 v8, v54  }
0xb4: {  	v38 =	vld [tilespmem:s26+$0x6D20];
	v3 =	vadd.f32 v51, v3;
	v9 =	vmul.f32 v9, v54;
	v22 =	vperm.xlane v24, v62  }
0xb5: {  	v29 =	vld [tilespmem:s26+$0x6CC0];
	v0 =	vadd.f32 v57, v0;
	v63 =	vmul.f32 v10, v54;
	v10 =	vmul.f32 v11, v54  }
0xb6: {  	v18 =	vld [tilespmem:s26+$0x6CF0];
	v2 =	vadd.f32 v8, v2;
	v3 =	vadd.f32 v9, v3;
	v9 =	vmul.f32 v12, v22  }
0xb7: {  	v32 =	vld [tilespmem:s26+$0x6CD0];
	v11 =	vmul.f32 v13, v22;
	v8 =	vadd.f32 v63, v1;
	v33 =	vmul.f32 v14, v22  }
0xb8: {  	v36 =	vld [tilespmem:s26+$0x6CE0];
	v1 =	vimm.s32 $0x7;
	v0 =	vadd.f32 v10, v0;
	v22 =	vmul.f32 v15, v22  }
0xb9: {  	v37 =	vld [tilespmem:s26+$0x6D10];
	v13 =	vperm.xlane v24, v1;
	v2 =	vadd.f32 v9, v2;
	v3 =	vadd.f32 v11, v3  }
0xba: {  	v42 =	vld [tilespmem:s26+$0x6D30];
	v8 =	vadd.f32 v33, v8;
	v9 =	vadd.f32 v22, v0  }
0xbb: {  	v44 =	vld [tilespmem:s26+$0x6D40];
	v0 =	vimm.s32 $0x8;
	v10 =	vmul.f32 v16, v13;
	v33 =	vmul.f32 v17, v13  }
0xbc: {  	v52 =	vld [tilespmem:s26+$0x6DA0];
	v22 =	vperm.xlane v24, v0;
	v5 =	vmul.f32 v5, v13;
	v17 =	vimm.s32 $0xB  }
0xbd: {  	v50 =	vld [tilespmem:s26+$0x6D60];
	v7 =	vmul.f32 v7, v13;
	v17 =	vperm.xlane v24, v17;
	v10 =	vadd.f32 v10, v2  }
0xbe: {  	v46 =	vld [tilespmem:s26+$0x6D50];
	v11 =	vadd.f32 v33, v3;
	v30 =	vmul.f32 v30, v22;
	v6 =	vmul.f32 v6, v22  }
0xbf: {  	v47 =	vld [tilespmem:s26+$0x6D70];
	v8 =	vadd.f32 v5, v8;
	v31 =	vmul.f32 v31, v22;
	v5 =	vimm.s32 $0x9  }
0xc0: {  	v48 =	vld [tilespmem:s26+$0x6D80];
	v7 =	vadd.f32 v7, v9;
	v33 =	vmul.f32 v4, v22;
	v15 =	vperm.xlane v24, v5  }
0xc1: {  	v51 =	vld [tilespmem:s26+$0x6D90];
	v43 =	vmul.f32 v43, v17;
	v9 =	vadd.f32 v30, v10;
	v11 =	vadd.f32 v6, v11  }
0xc2: {  	v57 =	vld [tilespmem:s26+$0x6DC0];
	v8 =	vadd.f32 v31, v8;
	v31 =	vimm.s32 $0xA;
	v22 =	vmul.f32 v60, v15  }
0xc3: {  	v54 =	vld [tilespmem:s26+$0x6DB0];
	v10 =	vadd.f32 v33, v7;
	v30 =	vmul.f32 v61, v15;
	v33 =	vperm.xlane v24, v31  }
0xc4: {  	v62 =	vld [tilespmem:s26+$0x6DD0];
	v61 =	vmul.f32 v55, v15;
	v15 =	vmul.f32 v58, v15;
	v9 =	vadd.f32 v22, v9  }
0xc5: {  	v63 =	vld [tilespmem:s26+$0x6DF0];
	v11 =	vadd.f32 v30, v11;
	v22 =	vmul.f32 v56, v33;
	v16 =	vmul.f32 v59, v33  }
0xc6: {  	v14 =	vld [tilespmem:s26+$0x6EB0];
	v8 =	vadd.f32 v61, v8;
	v30 =	vmul.f32 v53, v33;
	v10 =	vadd.f32 v15, v10  }
0xc7: {  	v1 =	vld [tilespmem:s26+$0x6DE0];
	v31 =	vmul.f32 v49, v33;
	v33 =	vmul.f32 v45, v17;
	v45 =	vimm.s32 $0xC  }
0xc8: {  	v0 =	vld [tilespmem:s26+$0x6E00];
	v56 =	vmul.f32 v39, v17;
	v15 =	vperm.xlane v24, v45;
	v9 =	vadd.f32 v22, v9  }
0xc9: {  	v2 =	vld [tilespmem:s26+$0x6E10];
	v17 =	vmul.f32 v41, v17;
	v11 =	vadd.f32 v16, v11;
	v8 =	vadd.f32 v30, v8  }
0xca: {  	v3 =	vld [tilespmem:s26+$0x6E20];
	v10 =	vadd.f32 v31, v10;
	v58 =	vmul.f32 v35, v15;
	v59 =	vmul.f32 v40, v15  }
0xcb: {  	v45 =	vld [tilespmem:$0x1FF80];
	v61 =	vmul.f32 v20, v15;
	v20 =	vimm.s32 $0xD;
	v9 =	vadd.f32 v33, v9  }
0xcc: {  	v4 =	vld [tilespmem:s26+$0x6E40];
	v39 =	vmul.f32 v25, v15;
	v11 =	vadd.f32 v43, v11;
	v8 =	vadd.f32 v56, v8  }
0xcd: {  	v5 =	vld [tilespmem:s26+$0x6E30];
	v20 =	vperm.xlane v24, v20;
	v10 =	vadd.f32 v17, v10;
	v43 =	vimm.s32 $0xE  }
0xce: {  	v6 =	vld [tilespmem:s26+$0x6E50];
	v25 =	vperm.xlane v24, v43;
	v9 =	vadd.f32 v58, v9;
	v11 =	vadd.f32 v59, v11  }
0xcf: {  	v7 =	vld [tilespmem:s26+$0x6E70];
	v8 =	vadd.f32 v61, v8;
	v40 =	vmul.f32 v26, v20;
	v41 =	vmul.f32 v27, v20  }
0xd0: {  	v60 =	vld [tilespmem:s26+$0x6E60];
	v10 =	vadd.f32 v39, v10;
	v12 =	vmul.f32 v45, v20;
	v20 =	vmul.f32 v28, v20  }
0xd1: {  	v55 =	vld [tilespmem:s26+$0x6E80];
	v61 =	vimm.s32 $0xF;
	v56 =	vmul.f32 v29, v25;
	v58 =	vmul.f32 v32, v25  }
0xd2: {  	v53 =	vld [tilespmem:s26+$0x6E90];
	v59 =	vmul.f32 v36, v25;
	v24 =	vperm.xlane v24, v61;
	v9 =	vadd.f32 v40, v9  }
0xd3: {  	v49 =	vld [tilespmem:s26+$0x6EA0];
	v35 =	vmul.f32 v18, v25;
	v11 =	vadd.f32 v41, v11;
	v8 =	vadd.f32 v12, v8  }
0xd4: {  	v16 =	vld [tilespmem:s26+$0x6EC0];
	v40 =	vimm.s32 $0x0;
	v36 =	vmul.f32 v34, v24;
	v39 =	vmul.f32 v37, v24  }
0xd5: {  	v22 =	vld [tilespmem:s26+$0x6ED0];
	v10 =	vadd.f32 v20, v10;
	v25 =	vperm.xlane v23, v40;
	v41 =	vmul.f32 v38, v24  }
0xd6: {  	v31 =	vld [tilespmem:s26+$0x6EE0];
	v24 =	vmul.f32 v42, v24;
	v9 =	vadd.f32 v56, v9;
	v11 =	vadd.f32 v58, v11  }
0xd7: {  	v30 =	vld [tilespmem:s26+$0x6F50];
	v8 =	vadd.f32 v59, v8;
	v10 =	vadd.f32 v35, v10;
	v43 =	vmul.f32 v44, v25  }
0xd8: {  	v15 =	vld [tilespmem:s26+$0x6F00];
	v56 =	vimm.s32 $0x2;
	v44 =	vmul.f32 v46, v25;
	v45 =	vmul.f32 v50, v25  }
0xd9: {  	v33 =	vld [tilespmem:s26+$0x6EF0];
	v46 =	vimm.s32 $0x1;
	v34 =	vperm.xlane v23, v56;
	v9 =	vadd.f32 v36, v9  }
0xda: {  	v17 =	vld [tilespmem:s26+$0x6F10];
	v47 =	vmul.f32 v47, v25;
	v11 =	vadd.f32 v39, v11;
	v8 =	vadd.f32 v41, v8  }
0xdb: {  	v26 =	vld [tilespmem:s26+$0x6F20];
	v36 =	vperm.xlane v23, v46;
	v10 =	vadd.f32 v24, v10;
	v59 =	vmul.f32 v57, v34  }
0xdc: {  	v27 =	vld [tilespmem:s26+$0x6F30];
	v61 =	vmul.f32 v62, v34;
	v1 =	vmul.f32 v1, v34;
	v62 =	vimm.s32 $0x3  }
0xdd: {  	v28 =	vld [tilespmem:s26+$0x6F80];
	v9 =	vadd.f32 v43, v9;
	v11 =	vadd.f32 v44, v11;
	v50 =	vmul.f32 v48, v36  }
0xde: {  	v29 =	vld [tilespmem:s26+$0x6F40];
	v8 =	vadd.f32 v45, v8;
	v51 =	vmul.f32 v51, v36;
	v58 =	vmul.f32 v52, v36  }
0xdf: {  	v18 =	vld [tilespmem:s26+$0x6F60];
	v10 =	vadd.f32 v47, v10;
	v36 =	vmul.f32 v54, v36;
	v12 =	vperm.xlane v23, v62  }
0xe0: {  	v32 =	vld [tilespmem:s26+$0x6F90];
	v43 =	vimm.s32 $0x4;
	v44 =	vimm.s32 $0x5;
	v47 =	vimm.s32 $0x6  }
0xe1: {  	v20 =	vld [tilespmem:s26+$0x6F70];
	v54 =	vimm.s32 $0x8;
	v62 =	vimm.s32 $0xB;
	v13 =	vperm.xlane v23, v43  }
0xe2: {  	v37 =	vld [tilespmem:s26+$0x6FB0];
	v9 =	vadd.f32 v50, v9;
	v10 =	vadd.f32 v36, v10;
	v36 =	vmul.f32 v63, v34  }
0xe3: {  	v38 =	vld [tilespmem:s26+$0x6FE0];
	v11 =	vadd.f32 v51, v11;
	v0 =	vmul.f32 v0, v12;
	v2 =	vmul.f32 v2, v12  }
0xe4: {  	v42 =	vld [tilespmem:s26+$0x7010];
	v8 =	vadd.f32 v58, v8;
	v3 =	vmul.f32 v3, v12;
	v5 =	vmul.f32 v5, v12  }
0xe5: {  	v40 =	vld [tilespmem:s26+$0x7070];
	v12 =	vperm.xlane v23, v44;
	v50 =	vimm.s32 $0x7;
	v9 =	vadd.f32 v59, v9  }
0xe6: {  	v35 =	vld [tilespmem:s26+$0x6FA0];
	v4 =	vmul.f32 v4, v13;
	v11 =	vadd.f32 v61, v11;
	v1 =	vadd.f32 v1, v8  }
0xe7: {  	v25 =	vld [tilespmem:s26+$0x6FD0];
	v6 =	vmul.f32 v6, v13;
	v10 =	vadd.f32 v36, v10;
	v0 =	vadd.f32 v0, v9  }
0xe8: {  	v24 =	vld [tilespmem:s26+$0x6FC0];
	v2 =	vadd.f32 v2, v11;
	v1 =	vadd.f32 v3, v1;
	v3 =	vmul.f32 v60, v13  }
0xe9: {  	v39 =	vld [tilespmem:s26+$0x6FF0];
	v5 =	vadd.f32 v5, v10;
	v0 =	vadd.f32 v4, v0;
	v4 =	vmul.f32 v7, v13  }
0xea: {  	v41 =	vld [tilespmem:s26+$0x7000];
	v10 =	vperm.xlane v23, v47;
	v1 =	vadd.f32 v3, v1;
	v3 =	vmul.f32 v55, v12  }
0xeb: {  	v46 =	vld [tilespmem:s26+$0x7090];
	v2 =	vadd.f32 v6, v2;
	v4 =	vadd.f32 v4, v5;
	v5 =	vmul.f32 v53, v12  }
0xec: {  	v57 =	vld [tilespmem:s26+$0x7130];
	v0 =	vadd.f32 v3, v0;
	v3 =	vmul.f32 v49, v12;
	v12 =	vmul.f32 v14, v12  }
0xed: {  	v45 =	vld [tilespmem:s26+$0x7080];
	v2 =	vadd.f32 v5, v2;
	v5 =	vmul.f32 v16, v10;
	v16 =	vmul.f32 v22, v10  }
0xee: {  	v48 =	vld [tilespmem:s26+$0x70B0];
	v1 =	vadd.f32 v3, v1;
	v3 =	vmul.f32 v31, v10;
	v31 =	vperm.xlane v23, v50  }
0xef: {  	v52 =	vld [tilespmem:s26+$0x70E0];
	v4 =	vadd.f32 v12, v4;
	v0 =	vadd.f32 v5, v0;
	v5 =	vmul.f32 v33, v10  }
0xf0: {  	v43 =	vld [tilespmem:s26+$0x7360];
	v2 =	vadd.f32 v16, v2;
	v1 =	vadd.f32 v3, v1;
	v3 =	vmul.f32 v15, v31  }
0xf1: {  	v8 =	vld [tilespmem:s26+$0x7030];
	v15 =	vperm.xlane v23, v54;
	v4 =	vadd.f32 v5, v4;
	v5 =	vmul.f32 v17, v31  }
0xf2: {  	v34 =	vld [tilespmem:s26+$0x7020];
	v0 =	vadd.f32 v3, v0;
	v3 =	vmul.f32 v26, v31;
	v17 =	vmul.f32 v27, v31  }
0xf3: {  	v51 =	vld [tilespmem:s26+$0x70D0];
	v56 =	vmul.f32 v30, v15;
	v31 =	vperm.xlane v23, v62  }
0xf4: {  	v58 =	vld [tilespmem:s26+$0x7140];
	v62 =	vimm.s32 $0x2;
	v2 =	vadd.f32 v5, v2;
	v5 =	vmul.f32 v29, v15  }
0xf5: {  	v63 =	vld [tilespmem:s26+$0x7190];
	v1 =	vadd.f32 v3, v1;
	v3 =	vmul.f32 v18, v15;
	v18 =	vimm.s32 $0x9  }
0xf6: {  	v44 =	vld [tilespmem:s26+$0x7200];
	v4 =	vadd.f32 v17, v4;
	v8 =	vmul.f32 v8, v31;
	v18 =	vperm.xlane v23, v18  }
0xf7: {  	v36 =	vld [tilespmem:s26+$0x7040];
	v0 =	vadd.f32 v5, v0;
	v5 =	vmul.f32 v20, v15;
	v2 =	vadd.f32 v56, v2  }
0xf8: {  	v59 =	vld [tilespmem:s26+$0x7160];
	v1 =	vadd.f32 v3, v1;
	v20 =	vimm.s32 $0xA;
	v3 =	vmul.f32 v28, v18  }
0xf9: {  	v61 =	vld [tilespmem:s26+$0x7180];
	v15 =	vperm.xlane v21, v62;
	v20 =	vperm.xlane v23, v20;
	v4 =	vadd.f32 v5, v4  }
0xfa: {  	v9 =	vld [tilespmem:s26+$0x7050];
	v5 =	vmul.f32 v32, v18;
	v0 =	vadd.f32 v3, v0;
	v3 =	vmul.f32 v35, v18  }
0xfb: {  	v11 =	vld [tilespmem:s26+$0x7060];
	v27 =	vimm.s32 $0xC;
	v18 =	vmul.f32 v37, v18;
	v60 =	vmul.f32 v25, v20  }
0xfc: {  	v47 =	vld [tilespmem:s26+$0x7220];
	v35 =	vimm.s32 $0xC;
	v2 =	vadd.f32 v5, v2;
	v5 =	vmul.f32 v24, v20  }
0xfd: {  	v13 =	vld [tilespmem:s26+$0x70A0];
	v24 =	vperm.xlane v23, v35;
	v1 =	vadd.f32 v3, v1;
	v3 =	vmul.f32 v38, v20  }
0xfe: {  	v55 =	vld [tilespmem:s26+$0x7110];
	v4 =	vadd.f32 v18, v4;
	v0 =	vadd.f32 v5, v0;
	v5 =	vmul.f32 v39, v20  }
0xff: {  	v49 =	vld [tilespmem:s26+$0x70C0];
	v35 =	vimm.s32 $0xE;
	v1 =	vadd.f32 v3, v1;
	v3 =	vmul.f32 v41, v31  }
0x100: {  	v53 =	vld [tilespmem:s26+$0x70F0];
	v2 =	vadd.f32 v60, v2;
	v4 =	vadd.f32 v5, v4;
	v5 =	vmul.f32 v42, v31  }
0x101: {  	v50 =	vld [tilespmem:s26+$0x7240];
	v9 =	vmul.f32 v9, v24;
	v0 =	vadd.f32 v3, v0;
	v3 =	vmul.f32 v34, v31  }
0x102: {  	v16 =	vld [tilespmem:s26+$0x7100];
	v41 =	vimm.s32 $0xD;
	v2 =	vadd.f32 v5, v2;
	v5 =	vmul.f32 v36, v24  }
0x103: {  	v54 =	vld [tilespmem:s26+$0x7270];
	v1 =	vadd.f32 v3, v1;
	v3 =	vmul.f32 v11, v24;
	v11 =	vperm.xlane v23, v41  }
0x104: {  	v33 =	vld [tilespmem:s26+$0x7300];
	v4 =	vadd.f32 v8, v4;
	v0 =	vadd.f32 v5, v0;
	v5 =	vmul.f32 v40, v24  }
0x105: {  	v26 =	vld [tilespmem:s26+$0x74B0];
	v2 =	vadd.f32 v9, v2;
	v1 =	vadd.f32 v3, v1;
	v3 =	vmul.f32 v45, v11  }
0x106: {  	v30 =	vld [tilespmem:s26+$0x74E0];
	v4 =	vadd.f32 v5, v4;
	v5 =	vmul.f32 v46, v11;
	v46 =	vimm.s32 $0xE  }
0x107: {  	v29 =	vld [tilespmem:s26+$0x7120];
	v34 =	vimm.s32 $0x3;
	v6 =	vperm.xlane v23, v46;
	v0 =	vadd.f32 v3, v0  }
0x108: {  	v17 =	vld [tilespmem:s26+$0x7150];
	v3 =	vmul.f32 v13, v11;
	v11 =	vmul.f32 v48, v11;
	v2 =	vadd.f32 v5, v2  }
0x109: {  	v56 =	vld [tilespmem:s26+$0x7280];
	v5 =	vmul.f32 v49, v6;
	v49 =	vmul.f32 v51, v6;
	v51 =	vimm.s32 $0xF  }
0x10a: {  	v38 =	vld [tilespmem:s26+$0x71D0];
	v1 =	vadd.f32 v3, v1;
	v3 =	vmul.f32 v52, v6;
	v10 =	vperm.xlane v23, v51  }
0x10b: {  	v28 =	vld [tilespmem:s26+$0x7170];
	v4 =	vadd.f32 v11, v4;
	v0 =	vadd.f32 v5, v0;
	v5 =	vmul.f32 v53, v6  }
0x10c: {  	v37 =	vld [tilespmem:s26+$0x71C0];
	v2 =	vadd.f32 v49, v2;
	v1 =	vadd.f32 v3, v1;
	v3 =	vmul.f32 v16, v10  }
0x10d: {  	v25 =	vld [tilespmem:s26+$0x74A0];
	v4 =	vadd.f32 v5, v4;
	v5 =	vmul.f32 v55, v10;
	v55 =	vimm.s32 $0x0  }
0x10e: {  	v18 =	vld [tilespmem:s26+$0x71A0];
	v12 =	vperm.xlane v21, v55;
	v0 =	vadd.f32 v3, v0;
	v3 =	vmul.f32 v29, v10  }
0x10f: {  	v20 =	vld [tilespmem:s26+$0x71B0];
	v32 =	vmul.f32 v38, v15;
	v10 =	vmul.f32 v57, v10;
	v2 =	vadd.f32 v5, v2  }
0x110: {  	v48 =	vld [tilespmem:s26+$0x7230];
	v5 =	vmul.f32 v58, v12;
	v57 =	vmul.f32 v17, v12;
	v1 =	vadd.f32 v3, v1  }
0x111: {  	v39 =	vld [tilespmem:s26+$0x71E0];
	v3 =	vmul.f32 v59, v12;
	v58 =	vimm.s32 $0x1;
	v4 =	vadd.f32 v10, v4  }
0x112: {  	v60 =	vld [tilespmem:s26+$0x72C0];
	v24 =	vperm.xlane v21, v58;
	v0 =	vadd.f32 v5, v0;
	v5 =	vmul.f32 v28, v12  }
0x113: {  	v42 =	vld [tilespmem:s26+$0x71F0];
	v55 =	vimm.s32 $0x8;
	v2 =	vadd.f32 v57, v2;
	v28 =	vperm.xlane v21, v34  }
0x114: {  	v36 =	vld [tilespmem:s26+$0x7310];
	v1 =	vadd.f32 v3, v1;
	v3 =	vmul.f32 v61, v24;
	v4 =	vadd.f32 v5, v4  }
0x115: {  	v38 =	vld [tilespmem:s26+$0x7330];
	v5 =	vmul.f32 v63, v24;
	v40 =	vmul.f32 v48, v28;
	v48 =	vimm.s32 $0x6  }
0x116: {  	v45 =	vld [tilespmem:s26+$0x7210];
	v0 =	vadd.f32 v3, v0;
	v3 =	vmul.f32 v18, v24;
	v18 =	vmul.f32 v20, v24  }
0x117: {  	v41 =	vld [tilespmem:s26+$0x7350];
	v11 =	vperm.xlane v21, v48;
	v2 =	vadd.f32 v5, v2;
	v5 =	vmul.f32 v37, v15  }
0x118: {  	v52 =	vld [tilespmem:s26+$0x7250];
	v1 =	vadd.f32 v3, v1;
	v3 =	vmul.f32 v39, v15;
	v4 =	vadd.f32 v18, v4  }
0x119: {  	v53 =	vld [tilespmem:s26+$0x7260];
	v39 =	vimm.s32 $0x4;
	v0 =	vadd.f32 v5, v0;
	v5 =	vmul.f32 v42, v15  }
0x11a: {  	v46 =	vld [tilespmem:s26+$0x7380];
	v2 =	vadd.f32 v32, v2;
	v1 =	vadd.f32 v3, v1;
	v3 =	vmul.f32 v44, v28  }
0x11b: {  	v16 =	vld [tilespmem:s26+$0x7290];
	v7 =	vperm.xlane v21, v39;
	v4 =	vadd.f32 v5, v4;
	v5 =	vmul.f32 v45, v28  }
0x11c: {  	v17 =	vld [tilespmem:s26+$0x72A0];
	v44 =	vimm.s32 $0x5;
	v0 =	vadd.f32 v3, v0;
	v3 =	vmul.f32 v47, v28  }
0x11d: {  	v61 =	vld [tilespmem:s26+$0x72D0];
	v42 =	vmul.f32 v52, v7;
	v2 =	vadd.f32 v5, v2;
	v5 =	vmul.f32 v50, v7  }
0x11e: {  	v59 =	vld [tilespmem:s26+$0x72B0];
	v6 =	vperm.xlane v21, v44;
	v1 =	vadd.f32 v3, v1;
	v3 =	vmul.f32 v53, v7  }
0x11f: {  	v51 =	vld [tilespmem:s26+$0x73C0];
	v4 =	vadd.f32 v40, v4;
	v0 =	vadd.f32 v5, v0;
	v5 =	vmul.f32 v54, v7  }
0x120: {  	v63 =	vld [tilespmem:s26+$0x72E0];
	v24 =	vimm.s32 $0xB;
	v1 =	vadd.f32 v3, v1;
	v3 =	vmul.f32 v56, v6  }
0x121: {  	v20 =	vld [tilespmem:s26+$0x72F0];
	v2 =	vadd.f32 v42, v2;
	v4 =	vadd.f32 v5, v4;
	v5 =	vmul.f32 v16, v6  }
0x122: {  	v49 =	vld [tilespmem:s26+$0x73A0];
	v50 =	vmul.f32 v61, v11;
	v0 =	vadd.f32 v3, v0;
	v3 =	vmul.f32 v17, v6  }
0x123: {  	v29 =	vld [tilespmem:s26+$0x74D0];
	v6 =	vmul.f32 v59, v6;
	v17 =	vimm.s32 $0x7;
	v2 =	vadd.f32 v5, v2  }
0x124: {  	v37 =	vld [tilespmem:s26+$0x7320];
	v5 =	vmul.f32 v60, v11;
	v17 =	vperm.xlane v21, v17;
	v60 =	vimm.s32 $0xA  }
0x125: {  	v18 =	vld [tilespmem:s26+$0x7340];
	v1 =	vadd.f32 v3, v1;
	v3 =	vmul.f32 v63, v11;
	v4 =	vadd.f32 v6, v4  }
0x126: {  	v58 =	vld [tilespmem:s26+$0x7440];
	v0 =	vadd.f32 v5, v0;
	v5 =	vmul.f32 v20, v11;
	v2 =	vadd.f32 v50, v2  }
0x127: {  	v45 =	vld [tilespmem:s26+$0x7370];
	v11 =	vperm.xlane v21, v55;
	v1 =	vadd.f32 v3, v1;
	v3 =	vmul.f32 v33, v17  }
0x128: {  	v57 =	vld [tilespmem:s26+$0x7430];
	v8 =	vmul.f32 v38, v17;
	v4 =	vadd.f32 v5, v4;
	v5 =	vmul.f32 v36, v17  }
0x129: {  	v47 =	vld [tilespmem:s26+$0x7390];
	v13 =	vmul.f32 v41, v11;
	v0 =	vadd.f32 v3, v0;
	v3 =	vmul.f32 v37, v17  }
0x12a: {  	v52 =	vld [tilespmem:s26+$0x73D0];
	v2 =	vadd.f32 v5, v2;
	v5 =	vmul.f32 v18, v11;
	v18 =	vimm.s32 $0x9  }
0x12b: {  	v16 =	vld [tilespmem:s26+$0x73B0];
	v1 =	vadd.f32 v3, v1;
	v3 =	vmul.f32 v43, v11;
	v18 =	vperm.xlane v21, v18  }
0x12c: {  	v53 =	vld [tilespmem:s26+$0x73E0];
	v4 =	vadd.f32 v8, v4;
	v0 =	vadd.f32 v5, v0;
	v5 =	vmul.f32 v45, v11  }
0x12d: {  	v54 =	vld [tilespmem:s26+$0x73F0];
	v9 =	vperm.xlane v21, v60;
	v1 =	vadd.f32 v3, v1;
	v3 =	vmul.f32 v46, v18  }
0x12e: {  	v20 =	vld [tilespmem:s26+$0x7400];
	v2 =	vadd.f32 v13, v2;
	v4 =	vadd.f32 v5, v4;
	v5 =	vmul.f32 v47, v18  }
0x12f: {  	v56 =	vld [tilespmem:s26+$0x7410];
	v6 =	vperm.xlane v21, v24;
	v0 =	vadd.f32 v3, v0;
	v3 =	vmul.f32 v49, v18  }
0x130: {  	v17 =	vld [tilespmem:s26+$0x7420];
	v62 =	vmul.f32 v16, v18;
	v2 =	vadd.f32 v5, v2;
	v5 =	vmul.f32 v51, v9  }
0x131: {  	v34 =	vld [tilespmem:s26+$0x7520];
	v22 =	vmul.f32 v52, v9;
	v1 =	vadd.f32 v3, v1;
	v3 =	vmul.f32 v53, v9  }
0x132: {  	v61 =	vld [tilespmem:s26+$0x7460];
	v4 =	vadd.f32 v62, v4;
	v0 =	vadd.f32 v5, v0;
	v5 =	vmul.f32 v54, v9  }
0x133: {  	v12 =	vperm.xlane v21, v27;
	v63 =	vld [tilespmem:s26+$0x7470];
	v1 =	vadd.f32 v3, v1;
	v3 =	vmul.f32 v20, v6  }
0x134: {  	v16 =	vld [tilespmem:s26+$0x7480];
	v2 =	vadd.f32 v22, v2;
	v4 =	vadd.f32 v5, v4;
	v5 =	vmul.f32 v56, v6  }
0x135: {  	v31 =	vimm.s32 $0xD;
	v59 =	vld [tilespmem:s26+$0x7450];
	v0 =	vadd.f32 v3, v0;
	v3 =	vmul.f32 v17, v6  }
0x136: {  	v32 =	vld [tilespmem:s26+$0x7500];
	v6 =	vmul.f32 v57, v6;
	v2 =	vadd.f32 v5, v2;
	v5 =	vmul.f32 v58, v12  }
0x137: {  	v11 =	vperm.xlane v21, v31;
	v18 =	vld [tilespmem:s26+$0x7490];
	v1 =	vadd.f32 v3, v1;
	v3 =	vmul.f32 v61, v12  }
0x138: {  	v10 =	vperm.xlane v21, v35;
	v28 =	vld [tilespmem:s26+$0x74C0];
	v4 =	vadd.f32 v6, v4;
	v0 =	vadd.f32 v5, v0  }
0x139: {  	v40 =	vld [tilespmem:s26+$0x7560];
	v5 =	vmul.f32 v63, v12;
	v1 =	vadd.f32 v3, v1;
	v3 =	vmul.f32 v16, v11  }
0x13a: {  	v39 =	vimm.s32 $0xF;
	v7 =	vmul.f32 v59, v12;
	v17 =	vld [tilespmem:s26+$0x74F0];
	v16 =	vmax.f32 v19, $1.000000000e-15  }
0x13b: {  	v33 =	vld [tilespmem:s26+$0x7510];
	v4 =	vadd.f32 v5, v4;
	v0 =	vadd.f32 v3, v0;
	v3 =	vmul.f32 v26, v11  }
0x13c: {  	v2 =	vadd.f32 v7, v2;
	v5 =	vmul.f32 v18, v11;
	(erf) = vrcp.f32 v16;
	v16 =	vld [tilespmem:$0x1FF90]  }
0x13d: {  	v14 =	vperm.xlane v21, v39;
	v38 =	vld [tilespmem:s26+$0x7550];
	v3 =	vadd.f32 v3, v4;
	v4 =	vmul.f32 v28, v10  }
0x13e: {  	v37 =	vmul.f32 v29, v10;
	v9 =	vmul.f32 v25, v11;
	v2 =	vadd.f32 v5, v2;
	v5 =	vld [tilespmem:s26+$0x7540]  }
0x13f: {  	v36 =	vld [tilespmem:s26+$0x7530];
	v8 =	vmul.f32 v30, v10;
	v0 =	vadd.f32 v4, v0;
	v4 =	vmul.f32 v17, v10  }
0x140: {  	v41 =	vld [tilespmem:s26+$0x7570];
	v43 =	vimm.s32 $0xE;
	v1 =	vadd.f32 v9, v1;
	v2 =	vadd.f32 v37, v2  }
0x141: {  	v42 =	vld [tilespmem:s26+$0x7580];
	v7 =	vperm.xlane v16, v43;
	v3 =	vadd.f32 v4, v3;
	v4 =	vmul.f32 v33, v14  }
0x142: {  	v44 =	vld [tilespmem:s26+$0x7590];
	v45 =	vmul.f32 v34, v14;
	v6 =	vmul.f32 v32, v14;
	v1 =	vadd.f32 v8, v1  }
0x143: {  	v46 =	vld [tilespmem:s26+$0x75A0];
	v2 =	vadd.f32 v4, v2;
	v4 =	vmul.f32 v5, v7;
	v5 =	vimm.s32 $0xF  }
0x144: {  	v47 =	vld [tilespmem:s26+$0x75B0];
	v11 =	vmul.f32 v36, v14;
	v0 =	vadd.f32 v6, v0;
	v5 =	vperm.xlane v16, v5  }
0x145: {  	v1 =	vadd.f32 v45, v1;
	v48 =	vmul.f32 v38, v7;
	v49 =	vmul.f32 v41, v7  }
0x146: {  	v0 =	vadd.f32 v4, v0;
	v4 =	vmul.f32 v40, v7;
	v8 =	vmul.f32 v42, v5  }
0x147: {  	v3 =	vadd.f32 v11, v3;
	v2 =	vadd.f32 v48, v2;
	v50 =	vmul.f32 v44, v5  }
0x148: {  	v1 =	vadd.f32 v4, v1;
	v4 =	vmul.f32 v46, v5;
	v0 =	vadd.f32 v8, v0  }
0x149: {  	v51 =	vpop (erf);
	v3 =	vadd.f32 v49, v3;
	v5 =	vmul.f32 v47, v5;
	v2 =	vadd.f32 v50, v2  }
0x14a: {  	v1 =	vadd.f32 v4, v1;
	v0 =	vmul.f32 v0, v51  }
0x14b: {  	v3 =	vadd.f32 v5, v3;
	v2 =	vmul.f32 v2, v51  }
0x14c: {  	[tilespmem:s23+$0xFFFFFFC0] =	vst v0;
	v0 =	vmul.f32 v1, v51  }
0x14d: {  	[tilespmem:s23+$0xFFFFFFD0] =	vst v2;
	v1 =	vmul.f32 v3, v51  }
0x14e: {  	[tilespmem:s23+$0xFFFFFFE0] =	vst v0  }
0x14f: {  	[tilespmem:s23+$0xFFFFFFF0] =	vst v1  }
0x150: {  	v0 =	vld [tilespmem:s24+$0xFFFFFFDE]  }
0x151: {  	v1 =	vld [tilespmem:s28+$0x6632]  }
0x152: {  	v4 =	vld [tilespmem:s24+$0xFFFFFFEE]  }
0x153: {  	v8 =	vld [tilespmem:s28+$0x6642]  }
0x154: {  	v9 =	vld [tilespmem:s24+$0xFFFFFFFE]  }
0x155: {  	v10 =	vld [tilespmem:s28+$0x6652]  }
0x156: {  	v11 =	vld [tilespmem:s24+$0x0]  }
0x157: {  	v12 =	vld [tilespmem:s28+$0x6654]  }
0x158: {  	v13 =	vld [tilespmem:s26+$0x75C0]  }
0x159: {  	v14 =	vld [tilespmem:s26+$0x75D0]  }
0x15a: {  	v15 =	vld [tilespmem:s26+$0x75E0]  }
0x15b: {  	v16 =	vld [tilespmem:s26+$0x75F0]  }
0x15c: {  	v17 =	vld [tilespmem:s26+$0x7600]  }
0x15d: {  	v18 =	vld [tilespmem:s26+$0x7610]  }
0x15e: {  	v19 =	vld [tilespmem:s26+$0x7620]  }
0x15f: {  	v33 =	vld [tilespmem:s26+$0x7630]  }
0x160: {  	v34 =	vld [tilespmem:s26+$0x7640]  }
0x161: {  	v37 =	vld [tilespmem:s26+$0x7650]  }
0x162: {  	v38 =	vld [tilespmem:s26+$0x7660]  }
0x163: {  	v42 =	vld [tilespmem:s26+$0x7670]  }
0x164: {  	v44 =	vld [tilespmem:s26+$0x7680]  }
0x165: {  	v46 =	vld [tilespmem:s26+$0x7690]  }
0x166: {  	v47 =	vld [tilespmem:s26+$0x76A0];
	v24 =	vmul.f32 v1, v0;
	v23 =	vmul.f32 v8, v4  }
0x167: {  	v48 =	vld [tilespmem:s26+$0x76B0]  }
0x168: {  	v50 =	vld [tilespmem:s26+$0x76C0];
	v21 =	vmul.f32 v10, v9;
	v0 =	vadd.f32 v23, v24  }
0x169: {  	v51 =	vld [tilespmem:s26+$0x76D0];
	v1 =	vmul.f32 v12, v11  }
0x16a: {  	v52 =	vld [tilespmem:s26+$0x76E0];
	v0 =	vadd.f32 v21, v0  }
0x16b: {  	v54 =	vld [tilespmem:s26+$0x76F0];
	[tilespmem:$0x1FFB0] =	vst v1;
	v1 =	vsel vm0, $0x0, v1  }
0x16c: {  	v0 =	vadd.f32 v1, v0;
	v1 =	vld [tilespmem:$0x1FFC0]  }
0x16d: {  	v57 =	vld [tilespmem:s26+$0x7700]  }
0x16e: {  	v62 =	vld [tilespmem:s26+$0x7710]  }
0x16f: {  	v63 =	vld [tilespmem:s26+$0x7720]  }
0x170: {  	v22 =	vld [tilespmem:s26+$0x7730]  }
0x171: {  	v20 =	vld [tilespmem:s26+$0x7740];
	v1 =	vperm.xlane v0, v1  }
0x172: {  	v25 =	vld [tilespmem:s26+$0x7750]  }
0x173: {  	v0 =	vadd.f32 v0, v1;
	v1 =	vld [tilespmem:$0x1FFD0]  }
0x174: {  	v26 =	vld [tilespmem:s26+$0x7760]  }
0x175: {  	v27 =	vld [tilespmem:s26+$0x7770]  }
0x176: {  	v2 =	vimm.s32 $0x0;
	v28 =	vld [tilespmem:s26+$0x7780]  }
0x177: {  	v29 =	vld [tilespmem:s26+$0x7790];
	v32 =	vperm.xlane v24, v2  }
0x178: {  	v5 =	vld [tilespmem:s26+$0x77A0];
	v2 =	vimm.s32 $0x1;
	v1 =	vperm.xlane v0, v1  }
0x179: {  	v8 =	vmul.f32 v14, v32;
	v14 =	vperm.xlane v24, v2;
	v2 =	vld [tilespmem:s26+$0x7920]  }
0x17a: {  	v0 =	vadd.f32 v0, v1;
	v1 =	vld [tilespmem:$0x1FFE0]  }
0x17b: {  	v7 =	vld [tilespmem:s26+$0x77B0]  }
0x17c: {  	v30 =	vld [tilespmem:s26+$0x77C0]  }
0x17d: {  	v6 =	vld [tilespmem:s26+$0x77D0]  }
0x17e: {  	[tilespmem:$0x1FFA0] =	vst v2;
	v2 =	vld [tilespmem:$0x1FFF0]  }
0x17f: {  	v31 =	vld [tilespmem:s26+$0x77E0];
	v1 =	vperm.xlane v0, v1  }
0x180: {  	v60 =	vld [tilespmem:s26+$0x7800]  }
0x181: {  	v61 =	vld [tilespmem:s26+$0x7810];
	v0 =	vadd.f32 v0, v1  }
0x182: {  	v55 =	vld [tilespmem:s26+$0x7820];
	v1 =	vmul.f32 v13, v32  }
0x183: {  	v58 =	vld [tilespmem:s26+$0x7830];
	v36 =	vperm.xlane v0, v2  }
0x184: {  	v56 =	vld [tilespmem:s26+$0x7840];
	v8 =	vadd.f32 $0.0e+00, v8;
	v3 =	vadd.f32 $0.0e+00, v1;
	v1 =	vmul.f32 v17, v14  }
0x185: {  	v59 =	vld [tilespmem:s26+$0x7850];
	v2 =	vmul.f32 v18, v14;
	v18 =	vadd.f32 v0, v36;
	v0 =	vmul.f32 v15, v32  }
0x186: {  	v53 =	vld [tilespmem:s26+$0x7860];
	v15 =	vmul.f32 v16, v32;
	v1 =	vadd.f32 v1, v3;
	v3 =	vimm.s32 $0x2  }
0x187: {  	v49 =	vld [tilespmem:s26+$0x7870];
	v2 =	vadd.f32 v2, v8;
	v8 =	vmul.f32 v19, v14;
	v3 =	vperm.xlane v24, v3  }
0x188: {  	v45 =	vld [tilespmem:s26+$0x7880];
	v14 =	vmul.f32 v33, v14;
	v0 =	vadd.f32 $0.0e+00, v0;
	v15 =	vadd.f32 $0.0e+00, v15  }
0x189: {  	v43 =	vld [tilespmem:s26+$0x7890];
	v16 =	vmul.f32 v34, v3;
	v19 =	vmul.f32 v37, v3;
	v37 =	vimm.s32 $0x3  }
0x18a: {  	v39 =	vld [tilespmem:s26+$0x78A0];
	v0 =	vadd.f32 v8, v0;
	v8 =	vmul.f32 v38, v3;
	v38 =	vperm.xlane v24, v37  }
0x18b: {  	v41 =	vld [tilespmem:s26+$0x78B0];
	v15 =	vadd.f32 v14, v15;
	v3 =	vmul.f32 v42, v3;
	v1 =	vadd.f32 v16, v1  }
0x18c: {  	v35 =	vld [tilespmem:s26+$0x78C0];
	v2 =	vadd.f32 v19, v2;
	v16 =	vimm.s32 $0x4;
	v0 =	vadd.f32 v8, v0  }
0x18d: {  	v40 =	vld [tilespmem:s26+$0x78D0];
	v8 =	vmul.f32 v44, v38;
	v3 =	vadd.f32 v3, v15;
	v15 =	vmul.f32 v46, v38  }
0x18e: {  	v4 =	vld [tilespmem:s26+$0x77F0];
	v16 =	vperm.xlane v24, v16;
	v19 =	vmul.f32 v48, v38  }
0x18f: {  	v9 =	vld [tilespmem:s26+$0x78E0];
	v1 =	vadd.f32 v8, v1;
	v8 =	vmul.f32 v47, v38;
	v2 =	vadd.f32 v15, v2  }
0x190: {  	v10 =	vld [tilespmem:s26+$0x78F0];
	v15 =	vmul.f32 v50, v16;
	v3 =	vadd.f32 v19, v3;
	v19 =	vimm.s32 $0x6  }
0x191: {  	v11 =	vld [tilespmem:s26+$0x7900];
	v38 =	vmul.f32 v51, v16;
	v19 =	vperm.xlane v24, v19  }
0x192: {  	v12 =	vld [tilespmem:s26+$0x7910];
	v0 =	vadd.f32 v8, v0;
	v8 =	vmul.f32 v52, v16;
	v52 =	vimm.s32 $0x5  }
0x193: {  	v13 =	vld [tilespmem:s26+$0x7930];
	v16 =	vmul.f32 v54, v16;
	v48 =	vperm.xlane v24, v52  }
0x194: {  	v17 =	vld [tilespmem:s26+$0x7940];
	v1 =	vadd.f32 v15, v1;
	v2 =	vadd.f32 v38, v2;
	v38 =	vmul.f32 v26, v19  }
0x195: {  	v32 =	vld [tilespmem:s26+$0x7950];
	v3 =	vadd.f32 v16, v3;
	v57 =	vmul.f32 v57, v48;
	v16 =	vmul.f32 v62, v48  }
0x196: {  	v36 =	vld [tilespmem:s26+$0x7960];
	v0 =	vadd.f32 v8, v0;
	v63 =	vmul.f32 v63, v48;
	v22 =	vmul.f32 v22, v48  }
0x197: {  	v33 =	vld [tilespmem:s26+$0x7970];
	v1 =	vadd.f32 v57, v1;
	v2 =	vadd.f32 v16, v2;
	v16 =	vmul.f32 v20, v19  }
0x198: {  	v34 =	vld [tilespmem:s26+$0x7980];
	v20 =	vmul.f32 v25, v19;
	v8 =	vadd.f32 v63, v0;
	v0 =	vimm.s32 $0x7  }
0x199: {  	v37 =	vld [tilespmem:s26+$0x7990];
	v3 =	vadd.f32 v22, v3;
	v19 =	vmul.f32 v27, v19;
	v48 =	vperm.xlane v24, v0  }
0x19a: {  	v14 =	vld [tilespmem:s26+$0x79A0];
	v16 =	vadd.f32 v16, v1;
	v20 =	vadd.f32 v20, v2  }
0x19b: {  	v42 =	vld [tilespmem:s26+$0x79B0];
	v8 =	vadd.f32 v38, v8;
	v19 =	vadd.f32 v19, v3;
	v2 =	vmul.f32 v28, v48  }
0x19c: {  	v44 =	vld [tilespmem:s26+$0x79C0];
	v3 =	vmul.f32 v29, v48;
	v29 =	vimm.s32 $0x8;
	v5 =	vmul.f32 v5, v48  }
0x19d: {  	v46 =	vld [tilespmem:s26+$0x79D0];
	v22 =	vperm.xlane v24, v29;
	v16 =	vadd.f32 v2, v16  }
0x19e: {  	v50 =	vld [tilespmem:s26+$0x79E0];
	v7 =	vmul.f32 v7, v48;
	v20 =	vadd.f32 v3, v20;
	v8 =	vadd.f32 v5, v8  }
0x19f: {  	v47 =	vld [tilespmem:s26+$0x79F0];
	v5 =	vimm.s32 $0x9;
	v30 =	vmul.f32 v30, v22;
	v6 =	vmul.f32 v6, v22  }
0x1a0: {  	v51 =	vld [tilespmem:s26+$0x7A10];
	v38 =	vmul.f32 v31, v22;
	v48 =	vperm.xlane v24, v5;
	v31 =	vimm.s32 $0xA  }
0x1a1: {  	v15 =	vld [tilespmem:s26+$0x7A00];
	v7 =	vadd.f32 v7, v19;
	v19 =	vmul.f32 v4, v22;
	v26 =	vperm.xlane v24, v31  }
0x1a2: {  	v54 =	vld [tilespmem:s26+$0x7A30];
	v16 =	vadd.f32 v30, v16;
	v20 =	vadd.f32 v6, v20;
	v29 =	vmul.f32 v60, v48  }
0x1a3: {  	v52 =	vld [tilespmem:s26+$0x7A20];
	v8 =	vadd.f32 v38, v8;
	v30 =	vmul.f32 v61, v48;
	v38 =	vmul.f32 v55, v48  }
0x1a4: {  	v62 =	vld [tilespmem:s26+$0x7A70];
	v19 =	vadd.f32 v19, v7;
	v27 =	vmul.f32 v58, v48;
	v48 =	vmul.f32 v56, v26  }
0x1a5: {  	v57 =	vld [tilespmem:s26+$0x7A40];
	v61 =	vimm.s32 $0xB;
	v58 =	vmul.f32 v59, v26;
	v59 =	vmul.f32 v53, v26  }
0x1a6: {  	v63 =	vld [tilespmem:s26+$0x7A80];
	v31 =	vmul.f32 v49, v26;
	v16 =	vadd.f32 v29, v16;
	v20 =	vadd.f32 v30, v20  }
0x1a7: {  	v25 =	vld [tilespmem:s26+$0x7B80];
	v8 =	vadd.f32 v38, v8;
	v29 =	vperm.xlane v24, v61;
	v61 =	vimm.s32 $0xD  }
0x1a8: {  	v0 =	vld [tilespmem:s26+$0x7A50];
	v19 =	vadd.f32 v27, v19;
	v22 =	vperm.xlane v24, v61;
	v16 =	vadd.f32 v48, v16  }
0x1a9: {  	v1 =	vld [tilespmem:s26+$0x7A60];
	v20 =	vadd.f32 v58, v20;
	v8 =	vadd.f32 v59, v8;
	v38 =	vmul.f32 v45, v29  }
0x1aa: {  	v28 =	vld [tilespmem:s26+$0x7B40];
	v45 =	vmul.f32 v43, v29;
	v48 =	vimm.s32 $0xC;
	v56 =	vmul.f32 v39, v29  }
0x1ab: {  	v2 =	vld [tilespmem:s26+$0x7A90];
	v19 =	vadd.f32 v31, v19;
	v29 =	vmul.f32 v41, v29;
	v27 =	vperm.xlane v24, v48  }
0x1ac: {  	v3 =	vld [tilespmem:s26+$0x7AA0];
	v31 =	vmul.f32 v11, v22;
	v12 =	vmul.f32 v12, v22;
	v16 =	vadd.f32 v38, v16  }
0x1ad: {  	v5 =	vld [tilespmem:s26+$0x7AB0];
	v20 =	vadd.f32 v45, v20;
	v19 =	vadd.f32 v29, v19;
	v10 =	vmul.f32 v10, v27  }
0x1ae: {  	v4 =	vld [tilespmem:s26+$0x7AC0];
	v8 =	vadd.f32 v56, v8;
	v58 =	vmul.f32 v35, v27;
	v59 =	vmul.f32 v40, v27  }
0x1af: {  	v6 =	vld [tilespmem:s26+$0x7AD0];
	v9 =	vmul.f32 v9, v27;
	v10 =	vadd.f32 v10, v19;
	v19 =	vimm.s32 $0xE  }
0x1b0: {  	v60 =	vld [tilespmem:s26+$0x7AE0];
	v16 =	vadd.f32 v58, v16;
	v20 =	vadd.f32 v59, v20;
	v19 =	vperm.xlane v24, v19  }
0x1b1: {  	v7 =	vld [tilespmem:s26+$0x7AF0];
	v39 =	vimm.s32 $0xF;
	v8 =	vadd.f32 v9, v8  }
0x1b2: {  	v9 =	vadd.f32 v31, v16;
	v16 =	vld [tilespmem:$0x1FFA0];
	v12 =	vadd.f32 v12, v20;
	v20 =	vmul.f32 v32, v19  }
0x1b3: {  	v55 =	vld [tilespmem:s26+$0x7B00];
	v13 =	vmul.f32 v13, v22;
	v58 =	vimm.s32 $0x3;
	v24 =	vperm.xlane v24, v39  }
0x1b4: {  	v53 =	vld [tilespmem:s26+$0x7B10];
	v17 =	vmul.f32 v17, v19;
	v12 =	vadd.f32 v20, v12;
	v20 =	vimm.s32 $0x0  }
0x1b5: {  	v49 =	vld [tilespmem:s26+$0x7B20];
	v10 =	vadd.f32 v13, v10;
	v40 =	vmul.f32 v33, v19;
	v20 =	vperm.xlane v23, v20  }
0x1b6: {  	v26 =	vld [tilespmem:s26+$0x7B30];
	v41 =	vmul.f32 v37, v24;
	v14 =	vmul.f32 v14, v24;
	v9 =	vadd.f32 v17, v9  }
0x1b7: {  	v30 =	vld [tilespmem:s26+$0x7B50];
	v10 =	vadd.f32 v40, v10;
	v16 =	vmul.f32 v16, v22;
	v43 =	vmul.f32 v44, v20  }
0x1b8: {  	v11 =	vld [tilespmem:s26+$0x7B90];
	v12 =	vadd.f32 v41, v12;
	v44 =	vmul.f32 v46, v20;
	v45 =	vmul.f32 v50, v20  }
0x1b9: {  	v38 =	vld [tilespmem:s26+$0x7B70];
	v46 =	vimm.s32 $0x1;
	v8 =	vadd.f32 v16, v8;
	v16 =	vmul.f32 v36, v19  }
0x1ba: {  	v29 =	vld [tilespmem:s26+$0x7BC0];
	v48 =	vmul.f32 v47, v20;
	v20 =	vimm.s32 $0x2;
	v36 =	vperm.xlane v23, v46  }
0x1bb: {  	v35 =	vld [tilespmem:s26+$0x7B60];
	v20 =	vperm.xlane v23, v20;
	v8 =	vadd.f32 v16, v8;
	v16 =	vmul.f32 v34, v24  }
0x1bc: {  	v27 =	vld [tilespmem:s26+$0x7BA0];
	v47 =	vimm.s32 $0x7;
	v50 =	vmul.f32 v15, v36;
	v51 =	vmul.f32 v51, v36  }
0x1bd: {  	v39 =	vld [tilespmem:s26+$0x7C70];
	v12 =	vadd.f32 v44, v12;
	v56 =	vmul.f32 v52, v36;
	v36 =	vmul.f32 v54, v36  }
0x1be: {  	v31 =	vld [tilespmem:s26+$0x7BD0];
	v44 =	vimm.s32 $0x6;
	v57 =	vmul.f32 v57, v20;
	v0 =	vmul.f32 v0, v20  }
0x1bf: {  	v32 =	vld [tilespmem:s26+$0x7C00];
	v1 =	vmul.f32 v1, v20;
	v59 =	vmul.f32 v62, v20;
	v62 =	vimm.s32 $0x4  }
0x1c0: {  	v37 =	vld [tilespmem:s26+$0x7C30];
	v13 =	vperm.xlane v23, v62;
	v9 =	vadd.f32 v16, v9;
	v16 =	vmul.f32 v42, v24  }
0x1c1: {  	v33 =	vld [tilespmem:s26+$0x7C60];
	v8 =	vadd.f32 v14, v8;
	v12 =	vadd.f32 v51, v12;
	v14 =	vperm.xlane v23, v58  }
0x1c2: {  	v17 =	vld [tilespmem:s26+$0x7BE0];
	v42 =	vimm.s32 $0x5;
	v51 =	vimm.s32 $0x8;
	v10 =	vadd.f32 v16, v10  }
0x1c3: {  	v40 =	vld [tilespmem:s26+$0x7C80];
	v58 =	vimm.s32 $0xB;
	v9 =	vadd.f32 v43, v9;
	v8 =	vadd.f32 v45, v8  }
0x1c4: {  	v22 =	vld [tilespmem:s26+$0x7BB0];
	v0 =	vadd.f32 v0, v12;
	v61 =	vmul.f32 v63, v14;
	v2 =	vmul.f32 v2, v14  }
0x1c5: {  	v41 =	vld [tilespmem:s26+$0x7C90];
	v3 =	vmul.f32 v3, v14;
	v5 =	vmul.f32 v5, v14;
	v10 =	vadd.f32 v48, v10  }
0x1c6: {  	v19 =	vld [tilespmem:s26+$0x7BF0];
	v14 =	vperm.xlane v23, v42;
	v9 =	vadd.f32 v50, v9;
	v8 =	vadd.f32 v56, v8  }
0x1c7: {  	v34 =	vld [tilespmem:s26+$0x7C20];
	v0 =	vadd.f32 v2, v0;
	v2 =	vmul.f32 v4, v13;
	v4 =	vmul.f32 v6, v13  }
0x1c8: {  	v15 =	vld [tilespmem:s26+$0x7C50];
	v7 =	vmul.f32 v7, v13;
	v9 =	vadd.f32 v57, v9;
	v1 =	vadd.f32 v1, v8  }
0x1c9: {  	v20 =	vld [tilespmem:s26+$0x7CA0];
	v43 =	vmul.f32 v53, v14;
	v10 =	vadd.f32 v36, v10;
	v0 =	vadd.f32 v4, v0  }
0x1ca: {  	v24 =	vld [tilespmem:s26+$0x7C10];
	v8 =	vadd.f32 v61, v9;
	v1 =	vadd.f32 v3, v1;
	v3 =	vmul.f32 v60, v13  }
0x1cb: {  	v16 =	vld [tilespmem:s26+$0x7C40];
	v56 =	vimm.s32 $0xA;
	v10 =	vadd.f32 v59, v10;
	v0 =	vadd.f32 v43, v0  }
0x1cc: {  	v12 =	vld [tilespmem:s26+$0x7CB0];
	v2 =	vadd.f32 v2, v8;
	v1 =	vadd.f32 v3, v1;
	v3 =	vmul.f32 v55, v14  }
0x1cd: {  	v63 =	vld [tilespmem:s26+$0x7CC0];
	v61 =	vimm.s32 $0xC;
	v5 =	vadd.f32 v5, v10;
	v10 =	vperm.xlane v23, v44  }
0x1ce: {  	v48 =	vld [tilespmem:s26+$0x7D50];
	v44 =	vimm.s32 $0xE;
	v2 =	vadd.f32 v3, v2;
	v3 =	vmul.f32 v49, v14  }
0x1cf: {  	v42 =	vld [tilespmem:s26+$0x7CF0];
	v5 =	vadd.f32 v7, v5;
	v14 =	vmul.f32 v26, v14;
	v45 =	vmul.f32 v28, v10  }
0x1d0: {  	v6 =	vld [tilespmem:s26+$0x7CE0];
	v46 =	vmul.f32 v30, v10;
	v7 =	vperm.xlane v23, v44;
	v1 =	vadd.f32 v3, v1  }
0x1d1: {  	v4 =	vld [tilespmem:s26+$0x7D10];
	v3 =	vmul.f32 v35, v10;
	v35 =	vperm.xlane v23, v47;
	v5 =	vadd.f32 v14, v5  }
0x1d2: {  	v36 =	vld [tilespmem:s26+$0x7F80];
	v49 =	vmul.f32 v38, v10;
	v2 =	vadd.f32 v45, v2;
	v0 =	vadd.f32 v46, v0  }
0x1d3: {  	v9 =	vld [tilespmem:s26+$0x7CD0];
	v48 =	vmul.f32 v48, v7;
	v1 =	vadd.f32 v3, v1;
	v3 =	vmul.f32 v25, v35  }
0x1d4: {  	v13 =	vld [tilespmem:s26+$0x7D20];
	v47 =	vimm.s32 $0x1;
	v50 =	vmul.f32 v11, v35;
	v11 =	vperm.xlane v23, v51  }
0x1d5: {  	v43 =	vld [tilespmem:s26+$0x7FC0];
	v5 =	vadd.f32 v49, v5;
	v22 =	vmul.f32 v22, v35;
	v2 =	vadd.f32 v3, v2  }
0x1d6: {  	v8 =	vld [tilespmem:s26+$0x7D00];
	v3 =	vmul.f32 v27, v35;
	v0 =	vadd.f32 v50, v0;
	v52 =	vmul.f32 v29, v11  }
0x1d7: {  	v26 =	vld [tilespmem:s26+$0x7D30];
	v53 =	vmul.f32 v31, v11;
	v5 =	vadd.f32 v22, v5;
	v54 =	vmul.f32 v19, v11  }
0x1d8: {  	v30 =	vld [tilespmem:s26+$0x7D40];
	v22 =	vperm.xlane v23, v56;
	v50 =	vimm.s32 $0xF;
	v1 =	vadd.f32 v3, v1  }
0x1d9: {  	v28 =	vld [tilespmem:s26+$0x7DF0];
	v3 =	vmul.f32 v17, v11;
	v17 =	vimm.s32 $0x9;
	v2 =	vadd.f32 v52, v2  }
0x1da: {  	v38 =	vld [tilespmem:s26+$0x7E60];
	v0 =	vadd.f32 v53, v0;
	v57 =	vmul.f32 v16, v22;
	v17 =	vperm.xlane v23, v17  }
0x1db: {  	v10 =	vld [tilespmem:s26+$0x7D60];
	v5 =	vadd.f32 v54, v5;
	v15 =	vmul.f32 v15, v22;
	v59 =	vmul.f32 v39, v22  }
0x1dc: {  	v14 =	vld [tilespmem:s26+$0x7D70];
	v1 =	vadd.f32 v3, v1;
	v3 =	vmul.f32 v32, v17;
	v55 =	vmul.f32 v24, v17  }
0x1dd: {  	v45 =	vld [tilespmem:s26+$0x7EA0];
	v39 =	vimm.s32 $0xD;
	v32 =	vperm.xlane v23, v58;
	v58 =	vperm.xlane v21, v47  }
0x1de: {  	v46 =	vld [tilespmem:s26+$0x7EB0];
	v2 =	vadd.f32 v3, v2;
	v3 =	vmul.f32 v34, v17;
	v17 =	vmul.f32 v37, v17  }
0x1df: {  	v25 =	vld [tilespmem:s26+$0x7D80];
	v0 =	vadd.f32 v55, v0;
	v60 =	vmul.f32 v41, v32;
	v12 =	vmul.f32 v12, v32  }
0x1e0: {  	v49 =	vld [tilespmem:s26+$0x7EC0];
	v1 =	vadd.f32 v3, v1;
	v3 =	vmul.f32 v33, v22;
	v5 =	vadd.f32 v17, v5  }
0x1e1: {  	v51 =	vld [tilespmem:s26+$0x7ED0];
	v2 =	vadd.f32 v57, v2;
	v0 =	vadd.f32 v15, v0;
	v22 =	vperm.xlane v23, v61  }
0x1e2: {  	v27 =	vld [tilespmem:s26+$0x7D90];
	v1 =	vadd.f32 v3, v1;
	v3 =	vmul.f32 v40, v32;
	v5 =	vadd.f32 v59, v5  }
0x1e3: {  	v29 =	vld [tilespmem:s26+$0x7DA0];
	v0 =	vadd.f32 v60, v0;
	v62 =	vmul.f32 v63, v22;
	v63 =	vimm.s32 $0x0  }
0x1e4: {  	v31 =	vld [tilespmem:s26+$0x7DB0];
	v9 =	vmul.f32 v9, v22;
	v2 =	vadd.f32 v3, v2;
	v3 =	vmul.f32 v20, v32  }
0x1e5: {  	v19 =	vld [tilespmem:s26+$0x7DD0];
	v40 =	vmul.f32 v42, v22;
	v59 =	vimm.s32 $0x3;
	v60 =	vimm.s32 $0x2  }
0x1e6: {  	v35 =	vld [tilespmem:s26+$0x7E70];
	v1 =	vadd.f32 v3, v1;
	v3 =	vmul.f32 v6, v22;
	v6 =	vperm.xlane v23, v39  }
0x1e7: {  	v56 =	vld [tilespmem:s26+$0x7F10];
	v54 =	vperm.xlane v21, v63;
	v37 =	vperm.xlane v21, v59;
	v5 =	vadd.f32 v12, v5  }
0x1e8: {  	v11 =	vld [tilespmem:s26+$0x7DC0];
	v2 =	vadd.f32 v62, v2;
	v1 =	vadd.f32 v3, v1;
	v3 =	vmul.f32 v8, v6  }
0x1e9: {  	v16 =	vld [tilespmem:s26+$0x7E00];
	v59 =	vimm.s32 $0x8;
	v0 =	vadd.f32 v9, v0;
	v4 =	vmul.f32 v4, v6  }
0x1ea: {  	v52 =	vld [tilespmem:s26+$0x7EE0];
	v5 =	vadd.f32 v40, v5;
	v2 =	vadd.f32 v3, v2;
	v3 =	vmul.f32 v13, v6  }
0x1eb: {  	v53 =	vld [tilespmem:s26+$0x7EF0];
	v6 =	vmul.f32 v26, v6;
	v0 =	vadd.f32 v4, v0;
	v4 =	vmul.f32 v30, v7  }
0x1ec: {  	v24 =	vld [tilespmem:s26+$0x7DE0];
	v1 =	vadd.f32 v3, v1;
	v3 =	vmul.f32 v10, v7;
	v10 =	vperm.xlane v23, v50  }
0x1ed: {  	v15 =	vld [tilespmem:s26+$0x7E30];
	v5 =	vadd.f32 v6, v5;
	v2 =	vadd.f32 v4, v2;
	v4 =	vmul.f32 v14, v7  }
0x1ee: {  	v47 =	vld [tilespmem:s26+$0x7FE0];
	v57 =	vmul.f32 v19, v54;
	v1 =	vadd.f32 v3, v1;
	v3 =	vmul.f32 v25, v10  }
0x1ef: {  	v34 =	vld [tilespmem:s26+$0x7E40];
	v0 =	vadd.f32 v48, v0;
	v4 =	vadd.f32 v4, v5;
	v5 =	vmul.f32 v27, v10  }
0x1f0: {  	v33 =	vld [tilespmem:s26+$0x7E10];
	v44 =	vmul.f32 v46, v37;
	v2 =	vadd.f32 v3, v2;
	v3 =	vmul.f32 v29, v10  }
0x1f1: {  	v46 =	vld [tilespmem:s26+$0x7FD0];
	v10 =	vmul.f32 v31, v10;
	v0 =	vadd.f32 v5, v0;
	v5 =	vmul.f32 v11, v54  }
0x1f2: {  	v17 =	vld [tilespmem:s26+$0x7E20];
	v15 =	vmul.f32 v15, v58;
	v1 =	vadd.f32 v3, v1;
	v3 =	vmul.f32 v24, v54  }
0x1f3: {  	v20 =	vld [tilespmem:s26+$0x7E50];
	v4 =	vadd.f32 v10, v4;
	v2 =	vadd.f32 v5, v2;
	v5 =	vmul.f32 v28, v54  }
0x1f4: {  	v41 =	vld [tilespmem:s26+$0x7E80];
	v0 =	vadd.f32 v57, v0;
	v10 =	vperm.xlane v21, v59;
	v1 =	vadd.f32 v3, v1  }
0x1f5: {  	v55 =	vld [tilespmem:s26+$0x7F00];
	v3 =	vmul.f32 v16, v58;
	v4 =	vadd.f32 v5, v4;
	v5 =	vmul.f32 v33, v58  }
0x1f6: {  	v61 =	vld [tilespmem:s26+$0x7F30];
	v32 =	vimm.s32 $0xC;
	v33 =	vperm.xlane v21, v60;
	v13 =	vmul.f32 v46, v10  }
0x1f7: {  	v42 =	vld [tilespmem:s26+$0x7E90];
	v2 =	vadd.f32 v3, v2;
	v3 =	vmul.f32 v17, v58;
	v0 =	vadd.f32 v5, v0  }
0x1f8: {  	v63 =	vld [tilespmem:s26+$0x7F50];
	v5 =	vmul.f32 v34, v33;
	v20 =	vmul.f32 v20, v33;
	v4 =	vadd.f32 v15, v4  }
0x1f9: {  	v19 =	vld [tilespmem:s26+$0x7F20];
	v58 =	vimm.s32 $0x9;
	v1 =	vadd.f32 v3, v1;
	v3 =	vmul.f32 v38, v33  }
0x1fa: {  	v62 =	vld [tilespmem:s26+$0x7F40];
	v38 =	vimm.s32 $0x4;
	v2 =	vadd.f32 v5, v2;
	v5 =	vmul.f32 v35, v33  }
0x1fb: {  	v39 =	vld [tilespmem:s26+$0x7F90];
	v0 =	vadd.f32 v20, v0;
	v1 =	vadd.f32 v3, v1;
	v3 =	vmul.f32 v41, v37  }
0x1fc: {  	v40 =	vld [tilespmem:s26+$0x7FA0];
	v4 =	vadd.f32 v5, v4;
	v5 =	vmul.f32 v42, v37;
	v42 =	vperm.xlane v21, v38  }
0x1fd: {  	v26 =	vld [tilespmem:s26+$0x80C0];
	v2 =	vadd.f32 v3, v2;
	v3 =	vmul.f32 v45, v37;
	v45 =	vimm.s32 $0x5  }
0x1fe: {  	v50 =	vld [tilespmem:s26+$0x8000];
	v0 =	vadd.f32 v5, v0;
	v5 =	vmul.f32 v49, v42;
	v20 =	vmul.f32 v51, v42  }
0x1ff: {  	v25 =	vld [tilespmem:s26+$0x80B0];
	v4 =	vadd.f32 v44, v4;
	v48 =	vperm.xlane v21, v45;
	v45 =	vimm.s32 $0xE  }
0x200: {  	v27 =	vld [tilespmem:s26+$0x80D0];
	v1 =	vadd.f32 v3, v1;
	v3 =	vmul.f32 v52, v42;
	v2 =	vadd.f32 v5, v2  }
0x201: {  	v29 =	vld [tilespmem:s26+$0x80E0];
	v5 =	vmul.f32 v53, v42;
	v0 =	vadd.f32 v20, v0;
	v53 =	vimm.s32 $0x6  }
0x202: {  	v16 =	vld [tilespmem:s26+$0x7F60];
	v52 =	vimm.s32 $0x7;
	v9 =	vperm.xlane v21, v53;
	v1 =	vadd.f32 v3, v1  }
0x203: {  	v17 =	vld [tilespmem:s26+$0x7F70];
	v3 =	vmul.f32 v55, v48;
	v4 =	vadd.f32 v5, v4;
	v5 =	vmul.f32 v56, v48  }
0x204: {  	v57 =	vld [tilespmem:s26+$0x8060];
	v6 =	vmul.f32 v61, v48;
	v54 =	vmul.f32 v63, v9;
	v63 =	vimm.s32 $0xA  }
0x205: {  	v60 =	vld [tilespmem:s26+$0x8070];
	v2 =	vadd.f32 v3, v2;
	v3 =	vmul.f32 v19, v48;
	v0 =	vadd.f32 v5, v0  }
0x206: {  	v56 =	vld [tilespmem:s26+$0x8050];
	v5 =	vmul.f32 v62, v9;
	v4 =	vadd.f32 v6, v4;
	v28 =	vperm.xlane v21, v63  }
0x207: {  	v41 =	vld [tilespmem:s26+$0x7FB0];
	v1 =	vadd.f32 v3, v1;
	v3 =	vmul.f32 v16, v9;
	v16 =	vperm.xlane v21, v52  }
0x208: {  	v46 =	vld [tilespmem:s26+$0x81B0];
	v2 =	vadd.f32 v5, v2;
	v5 =	vmul.f32 v17, v9;
	v0 =	vadd.f32 v54, v0  }
0x209: {  	v49 =	vld [tilespmem:s26+$0x7FF0];
	v9 =	vperm.xlane v21, v45;
	v1 =	vadd.f32 v3, v1;
	v3 =	vmul.f32 v36, v16  }
0x20a: {  	v51 =	vld [tilespmem:s26+$0x8010];
	v54 =	vimm.s32 $0xF;
	v4 =	vadd.f32 v5, v4;
	v5 =	vmul.f32 v39, v16  }
0x20b: {  	v20 =	vld [tilespmem:s26+$0x8020];
	v31 =	vmul.f32 v56, v28;
	v2 =	vadd.f32 v3, v2;
	v3 =	vmul.f32 v40, v16  }
0x20c: {  	v19 =	vld [tilespmem:s26+$0x8030];
	v12 =	vmul.f32 v41, v16;
	v0 =	vadd.f32 v5, v0;
	v5 =	vmul.f32 v43, v10  }
0x20d: {  	v55 =	vld [tilespmem:s26+$0x8040];
	v16 =	vperm.xlane v21, v58;
	v1 =	vadd.f32 v3, v1;
	v3 =	vmul.f32 v47, v10  }
0x20e: {  	v34 =	vld [tilespmem:s26+$0x8120];
	v4 =	vadd.f32 v12, v4;
	v2 =	vadd.f32 v5, v2;
	v5 =	vmul.f32 v49, v10  }
0x20f: {  	v35 =	vld [tilespmem:s26+$0x8130];
	v36 =	vperm.xlane v21, v32;
	v1 =	vadd.f32 v3, v1;
	v3 =	vmul.f32 v50, v16  }
0x210: {  	v17 =	vld [tilespmem:s26+$0x8080];
	v0 =	vadd.f32 v13, v0;
	v4 =	vadd.f32 v5, v4;
	v5 =	vmul.f32 v51, v16  }
0x211: {  	v61 =	vld [tilespmem:s26+$0x8090];
	v30 =	vmul.f32 v19, v16;
	v2 =	vadd.f32 v3, v2;
	v3 =	vmul.f32 v20, v16  }
0x212: {  	v62 =	vld [tilespmem:s26+$0x80A0];
	v0 =	vadd.f32 v5, v0;
	v5 =	vmul.f32 v55, v28;
	v20 =	vimm.s32 $0xB  }
0x213: {  	v38 =	vld [tilespmem:s26+$0x8150];
	v33 =	vperm.xlane v21, v20;
	v1 =	vadd.f32 v3, v1;
	v3 =	vmul.f32 v57, v28  }
0x214: {  	v37 =	vld [tilespmem:s26+$0x8140];
	v4 =	vadd.f32 v30, v4;
	v2 =	vadd.f32 v5, v2;
	v5 =	vmul.f32 v60, v28  }
0x215: {  	v7 =	vmul.f32 v27, v36;
	v19 =	vld [tilespmem:s26+$0x8100];
	v1 =	vadd.f32 v3, v1;
	v3 =	vmul.f32 v17, v33  }
0x216: {  	v16 =	vld [tilespmem:s26+$0x80F0];
	v0 =	vadd.f32 v31, v0;
	v4 =	vadd.f32 v5, v4;
	v5 =	vmul.f32 v61, v33  }
0x217: {  	v44 =	vld [tilespmem:s26+$0x81A0];
	v6 =	vmul.f32 v25, v33;
	v2 =	vadd.f32 v3, v2;
	v3 =	vmul.f32 v62, v33  }
0x218: {  	v39 =	vld [tilespmem:s26+$0x8160];
	v17 =	vimm.s32 $0xD;
	v0 =	vadd.f32 v5, v0;
	v5 =	vmul.f32 v26, v36  }
0x219: {  	v20 =	vld [tilespmem:s26+$0x8110];
	v40 =	vperm.xlane v21, v17;
	v1 =	vadd.f32 v3, v1;
	v3 =	vmul.f32 v29, v36  }
0x21a: {  	v42 =	vld [tilespmem:s26+$0x8180];
	v17 =	vmax.f32 v18, $1.000000000e-15;
	v4 =	vadd.f32 v6, v4;
	v2 =	vadd.f32 v5, v2  }
0x21b: {  	v48 =	vld [tilespmem:s26+$0x81D0];
	v5 =	vmul.f32 v16, v36;
	v1 =	vadd.f32 v3, v1;
	v3 =	vmul.f32 v19, v40  }
0x21c: {  	v41 =	vld [tilespmem:s26+$0x8170];
	v47 =	vmul.f32 v38, v9;
	v49 =	vimm.s32 $0xF;
	(erf) = vrcp.f32 v17  }
0x21d: {  	v17 =	vld [tilespmem:$0x1FFB0];
	v4 =	vadd.f32 v5, v4;
	v2 =	vadd.f32 v3, v2;
	v3 =	vmul.f32 v35, v40  }
0x21e: {  	v43 =	vld [tilespmem:s26+$0x8190];
	v10 =	vmul.f32 v39, v9;
	v0 =	vadd.f32 v7, v0;
	v5 =	vmul.f32 v20, v40  }
0x21f: {  	v52 =	vld [tilespmem:s26+$0x8200];
	v14 =	vperm.xlane v21, v49;
	v3 =	vadd.f32 v3, v4;
	v4 =	vmul.f32 v37, v9  }
0x220: {  	v50 =	vimm.s32 $0xE;
	v8 =	vmul.f32 v34, v40;
	v0 =	vadd.f32 v5, v0;
	v5 =	vld [tilespmem:s26+$0x81C0]  }
0x221: {  	v51 =	vld [tilespmem:s26+$0x81F0];
	v56 =	vmul.f32 v44, v14;
	v2 =	vadd.f32 v4, v2;
	v4 =	vmul.f32 v41, v9  }
0x222: {  	v6 =	vmul.f32 v42, v14;
	v16 =	vld [tilespmem:s26+$0x81E0];
	v53 =	vperm.xlane v17, v50;
	v1 =	vadd.f32 v8, v1  }
0x223: {  	v55 =	vld [tilespmem:s26+$0x8210];
	v0 =	vadd.f32 v47, v0;
	v3 =	vadd.f32 v4, v3;
	v4 =	vmul.f32 v43, v14  }
0x224: {  	v58 =	vld [tilespmem:s26+$0x8220];
	v57 =	vmul.f32 v46, v14;
	v1 =	vadd.f32 v10, v1;
	v2 =	vadd.f32 v6, v2  }
0x225: {  	v59 =	vld [tilespmem:s26+$0x8230];
	v0 =	vadd.f32 v4, v0;
	v4 =	vmul.f32 v5, v53;
	v5 =	vperm.xlane v17, v54  }
0x226: {  	v60 =	vmul.f32 v48, v53;
	v61 =	vmul.f32 v51, v53;
	v1 =	vadd.f32 v56, v1  }
0x227: {  	v2 =	vadd.f32 v4, v2;
	v4 =	vmul.f32 v16, v53;
	v8 =	vmul.f32 v52, v5  }
0x228: {  	v3 =	vadd.f32 v57, v3;
	v0 =	vadd.f32 v60, v0;
	v62 =	vmul.f32 v55, v5  }
0x229: {  	v1 =	vadd.f32 v4, v1;
	v2 =	vadd.f32 v8, v2;
	v4 =	vmul.f32 v58, v5  }
0x22a: {  	s25 =	sadd.s32 $0x1, s25;
	v63 =	vpop (erf);
	v3 =	vadd.f32 v61, v3;
	v0 =	vadd.f32 v62, v0;
	v5 =	vmul.f32 v59, v5  }
0x22b: {  	p0 =	sne.s32 s25, $0x40;
	v1 =	vadd.f32 v4, v1;
	v2 =	vmul.f32 v2, v63  }
.Ltmp1:
0x22c: {  	v3 =	vadd.f32 v5, v3;
	v0 =	vmul.f32 v0, v63;
	(pc) =	sbr.rel @p0 .LBB2_4-.Ltmp1, $4  }
0x22d: {  	[tilespmem:s23+$0x0] =	vst v2;
	v1 =	vmul.f32 v1, v63  }
0x22e: {  	v18 =	vld [tilespmem:$0x1FFC0];
	[tilespmem:s23+$0x10] =	vst v0;
	v0 =	vmul.f32 v3, v63  }
0x22f: {  	s21 =	sadd.s32 $0x68, s21;
	s20 =	sadd.s32 $0x68, s20;
	v2 =	vld [tilespmem:$0x1FFD0];
	[tilespmem:s23+$0x20] =	vst v1  }
0x230: {  	s22 =	sadd.s32 $0x64, s22;
	s24 =	sadd.s32 $0x64, s24;
	v3 =	vld [tilespmem:$0x1FFE0];
	[tilespmem:s23+$0x30] =	vst v0;
	s23 =	sadd.s32 $0x80, s23  }
0x231: {  	s19 =	sadd.s32 $0x1, s19  }
0x232: {  	p0 =	sne.s32 s19, s8  }
.Ltmp2:
0x233: {  	_ = 	snop;
	(pc) =	sbr.rel @p0 .LBB2_1-.Ltmp2, $4  }
0x234: {  	[hbm4b:s7+s3] =	stream.linear.scatter [tilespmem:s18], [sflag:$0x11], $0x2000, $0x38;
	[tilespmem:$0x15140] =	vst v63  }
0x235: {  	_ =	swait.ge [sflag:s9], $0x2000  }
0x236: {  	[sflag:s9] =	ssyncset.done $0x0  }
0x237: {  	[sflag:s9] =	ssyncadd.s32 $0xFFFFE000  }
0x238: {  	_ =	sfence.sel $0x180000  }
0x239: {  	[bflag:$0x0] =	sbarrier.arrive $0xFFFF  }
0x23a: {  	_ =	strace $0x90000047  }
0x23b: {  	s0 =	stileid.u32;
	[bflag:$0x2] =	sbarrier.arrive $0xFFFF  }
0x23c: {  	p0 =	sne.s32 s0, $0x0;
	s0 =	rddreg [dreg:$0x5]  }
0x23d: {  	s0 =	sadd.s32 @!p0 $0x100000, s0  }
0x23e: {  	[sflag:s0] =	ssyncadd.tile.s32 @!p0 $0x1;
	_ =	shalt  }
.Lfunc_end2:
_tile_overlayer_lowered:
.L_overlay_start_2:
0x23f: {  	(tag) =	ssettag $0x2  }
0x240: {  	s0 =	rddreg [dreg:$0x0];
	s2 =	stileid.u32  }
0x241: {  	s1 =	rddreg [dreg:$0x1];
	p0 =	sne.s32 s2, $0x0  }
0x242: {  	s3 =	rddreg [dreg:$0x2];
	[bflag:$0x3] =	sbarrier.arrive $0xFFFF;
	s2 =	simm.s32 @!p0 $0x1C11  }
0x243: {  	[timem:s3], [sflag:s2] =	dma.local @!p0 [hbm:s0], s1  }
0x244: {  	s0 =	simm.s32 @!p0 $0x11  }
0x245: {  	_ =	swait.ge @!p0 [sflag:s0], s1  }
0x246: {  	s1 =	ssub.s32 @!p0 $0x0, s1;
	[sflag:s0] =	ssyncset.done @!p0 $0x0  }
0x247: {  	[sflag:s0] =	ssyncadd.s32 @!p0 s1  }
0x248: {  	[bflag:$0x3] =	sbarrier.arrive $0xFFFF  }
0x249: {  	_ =	shalt  }

</sc_bundles>
